<compile_context>
chip_gen: v7x
topology: tpu7x:2x2x1
jax: 0.10.2.dev20260603
libtpu: 0.0.44.dev20260713+nightly
codegen_flags: <defaults>
</compile_context>

<pallas_src>
import functools

import jax
import jax.numpy as jnp
from jax import lax
from jax.experimental import pallas as pl
from jax.experimental.pallas import tpu as pltpu
from jax.experimental.pallas import tpu_sc as plsc

NC, NS, L = 2, 16, 16
NW = NC * NS


def _sc_mesh():
    return plsc.VectorSubcoreMesh(core_axis_name="c", subcore_axis_name="s",
                                  num_cores=NC, num_subcores=NS)


_SC_PARAMS = pltpu.CompilerParams(needs_layout_passes=False)


def _ln(y, g, b):
    m = jnp.mean(y, axis=-1, keepdims=True)
    v = jnp.mean((y - m) ** 2, axis=-1, keepdims=True)
    return (y - m) * lax.rsqrt(v + 1e-5) * g + b




def _make_deg(E, N):
    EPW = E // NW
    NPd = -(-N // (128 * NS)) * (128 * NS)
    R = NPd // 128

    @functools.partial(
        pl.kernel,
        out_type=jax.ShapeDtypeStruct((NC, R, 128), jnp.float32),
        mesh=_sc_mesh(),
        compiler_params=_SC_PARAMS,
        scratch_types=[
            pltpu.VMEM((EPW,), jnp.int32),
            pltpu.VMEM((R, 128), jnp.float32),
            pltpu.VMEM((R,), jnp.int32),
            pltpu.VMEM_SHARED((R, 128), jnp.float32),
        ],
    )
    def k(col_hbm, out_hbm, colv, hist, rid, acc, ):
        c = lax.axis_index("c")
        s = lax.axis_index("s")
        wid = s * NC + c
        zero16 = jnp.zeros((L,), jnp.float32)
        ones16 = jnp.ones((L,), jnp.float32)
        iota16 = lax.iota(jnp.int32, L)

        def zb(i, carry):
            hist[i // 8, pl.ds((i % 8) * L, L)] = zero16
            return carry

        lax.fori_loop(0, R * 8, zb, 0)
        for j in range(R // L):
            rid[pl.ds(j * L, L)] = iota16 + j * L

        @pl.when(s < R // 8)
        def _():
            pltpu.sync_copy(hist.at[pl.ds(s * 8, 8)], acc.at[pl.ds(s * 8, 8)])

        pltpu.sync_copy(col_hbm.at[pl.ds(wid * EPW, EPW)], colv)
        plsc.subcore_barrier()

        def body(j, carry):
            v = colv[pl.ds(j * L, L)]
            plsc.addupdate_scatter(
                hist, [jnp.right_shift(v, 7), jnp.bitwise_and(v, 127)], ones16)
            return carry

        lax.fori_loop(0, EPW // L, body, 0)
        pltpu.sync_copy(hist, acc.at[rid], add=True)
        plsc.subcore_barrier()

        @pl.when(s < R // 8)
        def _():
            pltpu.sync_copy(acc.at[pl.ds(s * 8, 8)],
                            out_hbm.at[c, pl.ds(s * 8, 8)])

    return k


SC_CH = 125
SC_IB = 2


def _make_scatter(E, N, H):
    EPW = E // NW
    CH = SC_CH
    IB = SC_IB
    NCH = EPW // CH
    NBLK = NCH // IB
    NV = NBLK // 2
    NP = -(-N // (128 * NS)) * (128 * NS)
    NPT = NP // NS

    @functools.partial(
        pl.kernel,
        out_type=jax.ShapeDtypeStruct((NC, NP, H), jnp.float32),
        mesh=_sc_mesh(),
        compiler_params=_SC_PARAMS,
        scratch_types=[
            pltpu.VMEM((IB, CH), jnp.int32),
            pltpu.VMEM((IB, CH), jnp.int32),
            pltpu.VMEM((IB, CH), jnp.int32),
            pltpu.VMEM((IB, CH), jnp.int32),
            pltpu.VMEM((CH, H), jnp.float32),
            pltpu.VMEM((CH, H), jnp.float32),
            pltpu.VMEM_SHARED((NP, H), jnp.float32),
            pltpu.SemaphoreType.DMA,
            pltpu.SemaphoreType.DMA,
            pltpu.SemaphoreType.DMA,
        ],
    )
    def k(g_hbm, row_hbm, col_hbm, z_hbm, out_hbm,
          ri0, ci0, ri1, ci1, bufa, bufb, acc, sema, semb, semi):
        c = lax.axis_index("c")
        s = lax.axis_index("s")
        wid = s * NC + c

        def idx_copy(b, rdst, cdst):
            return (pltpu.make_async_copy(row_hbm.at[wid, b], rdst, semi),
                    pltpu.make_async_copy(col_hbm.at[wid, b], cdst, semi))

        def gather(ridx, j, buf, sem):
            return pltpu.make_async_copy(g_hbm.at[ridx.at[j]], buf, sem)

        pltpu.sync_copy(z_hbm, acc.at[pl.ds(s * NPT, NPT)])
        pltpu.sync_copy(row_hbm.at[wid, 0], ri0)
        pltpu.sync_copy(col_hbm.at[wid, 0], ci0)
        for d in idx_copy(1, ri1, ci1):
            d.start()
        gather(ri0, 0, bufa, sema).start()
        plsc.subcore_barrier()

        def body(v, carry):
            gather(ri0, 1, bufb, semb).start()
            gather(ri0, 0, bufa, sema).wait()
            pltpu.sync_copy(bufa, acc.at[ci0.at[0]], add=True)
            for d in idx_copy(2 * v + 1, ri1, ci1):
                d.wait()
            gather(ri1, 0, bufa, sema).start()
            gather(ri0, 1, bufb, semb).wait()
            pltpu.sync_copy(bufb, acc.at[ci0.at[1]], add=True)

            @pl.when(v < NV - 1)
            def _():
                for d in idx_copy(2 * v + 2, ri0, ci0):
                    d.start()

            gather(ri1, 1, bufb, semb).start()
            gather(ri1, 0, bufa, sema).wait()
            pltpu.sync_copy(bufa, acc.at[ci1.at[0]], add=True)

            @pl.when(v < NV - 1)
            def _():
                for d in idx_copy(2 * v + 2, ri0, ci0):
                    d.wait()
                gather(ri0, 0, bufa, sema).start()

            gather(ri1, 1, bufb, semb).wait()
            pltpu.sync_copy(bufb, acc.at[ci1.at[1]], add=True)

            @pl.when(v < NV - 1)
            def _():
                for d in idx_copy(2 * v + 3, ri1, ci1):
                    d.start()

            return carry

        lax.fori_loop(0, NV, body, 0)
        plsc.subcore_barrier()
        pltpu.sync_copy(acc.at[pl.ds(s * NPT, NPT)],
                        out_hbm.at[c, pl.ds(s * NPT, NPT)])

    return k


HE_CH = 80


def _make_gather_he(E, N, H):
    EPW = E // NW
    CH = HE_CH
    NCH = EPW // CH

    @functools.partial(
        pl.kernel,
        out_type=jax.ShapeDtypeStruct((2, E, H), jnp.float32),
        mesh=_sc_mesh(),
        compiler_params=_SC_PARAMS,
        scratch_types=[
            pltpu.VMEM((NCH, CH), jnp.int32),
            pltpu.VMEM((NCH, CH), jnp.int32),
            pltpu.VMEM((CH, H), jnp.float32),
            pltpu.VMEM((CH, H), jnp.float32),
            pltpu.VMEM((CH, H), jnp.float32),
            pltpu.VMEM((CH, H), jnp.float32),
            pltpu.SemaphoreType.DMA,
            pltpu.SemaphoreType.DMA,
            pltpu.SemaphoreType.DMA,
            pltpu.SemaphoreType.DMA,
        ],
    )
    def k(x4_hbm, src_hbm, dst_hbm, out_hbm, srcv, dstv,
          s0, s1, d0, d1, sems0, sems1, semd0, semd1):
        c = lax.axis_index("c")
        s = lax.axis_index("s")
        wid = s * NC + c
        base = wid * EPW

        pltpu.sync_copy(src_hbm.at[wid], srcv)
        pltpu.sync_copy(dst_hbm.at[wid], dstv)

        def gather(t, buf, sem):
            return pltpu.make_async_copy(x4_hbm.at[srcv.at[t]], buf, sem)

        def gatherd(t, buf, sem):
            return pltpu.make_async_copy(x4_hbm.at[dstv.at[t]], buf, sem)

        gather(0, s0, sems0).start()
        gatherd(0, d0, semd0).start()

        def pair(u, carry):
            t0 = 2 * u
            t1 = t0 + 1
            gather(t1, s1, sems1).start()
            gatherd(t1, d1, semd1).start()
            gather(t0, s0, sems0).wait()
            pltpu.sync_copy(s0, out_hbm.at[0, pl.ds(base + t0 * CH, CH)])
            gatherd(t0, d0, semd0).wait()
            pltpu.sync_copy(d0, out_hbm.at[1, pl.ds(base + t0 * CH, CH)])
            gather(t1 + 1, s0, sems0).start()
            gatherd(t1 + 1, d0, semd0).start()
            gather(t1, s1, sems1).wait()
            pltpu.sync_copy(s1, out_hbm.at[0, pl.ds(base + t1 * CH, CH)])
            gatherd(t1, d1, semd1).wait()
            pltpu.sync_copy(d1, out_hbm.at[1, pl.ds(base + t1 * CH, CH)])
            return carry

        lax.fori_loop(0, NCH // 2, pair, 0)
        tl = NCH - 1
        gather(tl, s0, sems0).wait()
        pltpu.sync_copy(s0, out_hbm.at[0, pl.ds(base + tl * CH, CH)])
        gatherd(tl, d0, semd0).wait()
        pltpu.sync_copy(d0, out_hbm.at[1, pl.ds(base + tl * CH, CH)])

    return k



NB = 1000
EB = 2000


def _prologue_call(degT, x, W0):
    N, D = x.shape
    H = W0.shape[1]
    K = degT.shape[1]

    def body(degT_ref, x_ref, w_ref, dinv_ref, g_ref):
        deg = jnp.sum(degT_ref[...], axis=-1, keepdims=True) + 1.0
        dinv = lax.rsqrt(deg)
        h = jnp.dot(x_ref[...], w_ref[...], preferred_element_type=jnp.float32)
        dinv_ref[...] = dinv
        g_ref[...] = h * dinv

    return pl.pallas_call(
        body,
        grid=(N // NB,),
        in_specs=[
            pl.BlockSpec((NB, K), lambda i: (i, 0)),
            pl.BlockSpec((NB, D), lambda i: (i, 0)),
            pl.BlockSpec((D, H), lambda i: (0, 0)),
        ],
        out_specs=[
            pl.BlockSpec((NB, 1), lambda i: (i, 0)),
            pl.BlockSpec((NB, H), lambda i: (i, 0)),
        ],
        out_shape=[
            jax.ShapeDtypeStruct((N, 1), jnp.float32),
            jax.ShapeDtypeStruct((N, H), jnp.float32),
        ],
    )(degT, x, W0)


def _layer_call(acc, g, dinv, res, b, lng, lnb, Wn):
    N, H = g.shape
    with_res = res is not None
    with_next = Wn is not None

    def body(*refs):
        it = iter(refs)
        acc_ref = next(it)
        g_ref = next(it)
        dinv_ref = next(it)
        res_ref = next(it) if with_res else None
        b_ref = next(it)
        lng_ref = next(it)
        lnb_ref = next(it)
        w_ref = next(it) if with_next else None
        xn_ref = next(it)
        gn_ref = next(it) if with_next else None

        dinv = dinv_ref[...]
        y = (acc_ref[0] + acc_ref[1] + g_ref[...]) * dinv + b_ref[...]
        y = jnp.maximum(y, 0.0)
        y = _ln(y, lng_ref[...], lnb_ref[...])
        if with_res:
            y = y + res_ref[...]
        xn_ref[...] = y
        if with_next:
            gn_ref[...] = jnp.dot(
                y, w_ref[...], preferred_element_type=jnp.float32) * dinv

    in_specs = [pl.BlockSpec((2, NB, H), lambda i: (0, i, 0)),
                pl.BlockSpec((NB, H), lambda i: (i, 0)),
                pl.BlockSpec((NB, 1), lambda i: (i, 0))]
    ins = [acc, g, dinv]
    if with_res:
        in_specs.append(pl.BlockSpec((NB, H), lambda i: (i, 0)))
        ins.append(res)
    in_specs += [pl.BlockSpec((1, H), lambda i: (0, 0))] * 3
    ins += [b.reshape(1, H), lng.reshape(1, H), lnb.reshape(1, H)]
    if with_next:
        in_specs.append(pl.BlockSpec((H, H), lambda i: (0, 0)))
        ins.append(Wn)

    out_specs = [pl.BlockSpec((NB, H), lambda i: (i, 0))]
    out_shape = [jax.ShapeDtypeStruct((N, H), jnp.float32)]
    if with_next:
        out_specs.append(pl.BlockSpec((NB, H), lambda i: (i, 0)))
        out_shape.append(jax.ShapeDtypeStruct((N, H), jnp.float32))

    out = pl.pallas_call(
        body,
        grid=(N // NB,),
        in_specs=in_specs,
        out_specs=out_specs,
        out_shape=out_shape,
    )(*ins)
    return out if with_next else out[0]


def _ln_mxu(z, g, b):
    F = z.shape[-1]
    on = jnp.ones((F, 1), jnp.float32)
    m = jnp.dot(z, on, preferred_element_type=jnp.float32) * (1.0 / F)
    s2 = jnp.dot(z * z, on, preferred_element_type=jnp.float32) * (1.0 / F)
    v = s2 - m * m
    return (z - m) * lax.rsqrt(v + 1e-5) * g + b


def _mlp_call(he, mW0a, mW0b, mb0, mg0, mlb0, mW1, mb1, mg1, mlb1, mW2, mb2):
    _, E, H = he.shape
    F0 = mW0a.shape[1]
    F1 = mW1.shape[1]

    bf = jnp.bfloat16

    def body(he_ref, w0a_ref, w0b_ref, b0_ref, g0_ref, lb0_ref,
             w1_ref, b1_ref, g1_ref, lb1_ref, w2_ref, b2_ref, o_ref):
        z = (jnp.dot(he_ref[0].astype(bf), w0a_ref[...].astype(bf),
                     preferred_element_type=jnp.float32)
             + jnp.dot(he_ref[1].astype(bf), w0b_ref[...].astype(bf),
                       preferred_element_type=jnp.float32)
             + b0_ref[...])
        z = jnp.maximum(_ln(z, g0_ref[...], lb0_ref[...]), 0.0)
        t = jnp.dot(z.astype(bf), w1_ref[...].astype(bf),
                    preferred_element_type=jnp.float32) + b1_ref[...]
        t = jnp.maximum(_ln(t, g1_ref[...], lb1_ref[...]), 0.0)
        o_ref[...] = (jnp.dot(t, w2_ref[...],
                              preferred_element_type=jnp.float32)
                      + b2_ref[...])

    return pl.pallas_call(
        body,
        grid=(E // EB,),
        in_specs=[
            pl.BlockSpec((2, EB, H), lambda i: (0, i, 0)),
            pl.BlockSpec((H, F0), lambda i: (0, 0)),
            pl.BlockSpec((H, F0), lambda i: (0, 0)),
            pl.BlockSpec((1, F0), lambda i: (0, 0)),
            pl.BlockSpec((1, F0), lambda i: (0, 0)),
            pl.BlockSpec((1, F0), lambda i: (0, 0)),
            pl.BlockSpec((F0, F1), lambda i: (0, 0)),
            pl.BlockSpec((1, F1), lambda i: (0, 0)),
            pl.BlockSpec((1, F1), lambda i: (0, 0)),
            pl.BlockSpec((1, F1), lambda i: (0, 0)),
            pl.BlockSpec((F1, 1), lambda i: (0, 0)),
            pl.BlockSpec((1, 1), lambda i: (0, 0)),
        ],
        out_specs=[pl.BlockSpec((EB, 1), lambda i: (i, 0))],
        out_shape=[jax.ShapeDtypeStruct((E, 1), jnp.float32)],
    )(he, mW0a, mW0b, mb0.reshape(1, F0), mg0.reshape(1, F0),
      mlb0.reshape(1, F0), mW1, mb1.reshape(1, F1), mg1.reshape(1, F1),
      mlb1.reshape(1, F1), mW2, mb2.reshape(1, 1))[0]




def kernel(x, edge_index, W0, b0, lng0, lnb0, W1, b1, lng1, lnb1,
           W2, b2, lng2, lnb2, W3, b3, lng3, lnb3,
           mW0, mb0, mW1, mb1, mW2, mb2, mg0, mlb0, mg1, mlb1):
    N, D = x.shape
    H = W0.shape[1]
    E = edge_index.shape[1]

    ei = edge_index.astype(jnp.int32).reshape(2 * E)
    row, col = ei[:E], ei[E:]
    EPW = E // NW
    NBLK = EPW // (SC_CH * SC_IB)
    row_s = row.reshape(NW, NBLK, SC_IB, SC_CH)
    col_s = col.reshape(NW, NBLK, SC_IB, SC_CH)
    row_h = row.reshape(NW, EPW // HE_CH, HE_CH)
    col_h = col.reshape(NW, EPW // HE_CH, HE_CH)
    NP = -(-N // (128 * NS)) * (128 * NS)
    zrows = jnp.zeros((NP // NS, W0.shape[1]), jnp.float32)

    deg_k = _make_deg(E, N)
    scat_k = _make_scatter(E, N, H)
    he_k = _make_gather_he(E, N, H)

    degs = deg_k(col).reshape(NC, -1)[:, :N]
    dinv, g0 = _prologue_call(degs.T, x, W0)

    acc0 = scat_k(g0, row_s, col_s, zrows)
    x1, g1 = _layer_call(acc0, g0, dinv, None, b0, lng0, lnb0, W1)
    acc1 = scat_k(g1, row_s, col_s, zrows)
    x2, g2 = _layer_call(acc1, g1, dinv, x, b1, lng1, lnb1, W2)
    acc2 = scat_k(g2, row_s, col_s, zrows)
    x3, g3 = _layer_call(acc2, g2, dinv, None, b2, lng2, lnb2, W3)
    acc3 = scat_k(g3, row_s, col_s, zrows)
    x4 = _layer_call(acc3, g3, dinv, x2, b3, lng3, lnb3, None)

    he = he_k(x4, row_h, col_h)
    out = _mlp_call(he, mW0[:H], mW0[H:], mb0, mg0, mlb0,
                    mW1, mb1, mg1, mlb1, mW2, mb2)
    return out.reshape(E)

# --- scband reference (transcript-rebuilt; emitter-appended) ---
"""Pipeline reference for scband-gcn-edge-classifier-38027640439084 (READ-ONLY COPY).

The authoritative reference and input builder live on the scoring server;
editing this copy changes nothing except your own understanding.
"""

import jax, jax.numpy as jnp
import numpy as np


def _ln(x, g, b):
    m = jnp.mean(x, axis=-1, keepdims=True)
    v = jnp.var(x, axis=-1, keepdims=True)
    return (x - m) / jnp.sqrt(v + 1e-5) * g + b


def _gcn_conv(x, edge_index, W, b):
    n = x.shape[0]
    sl = jnp.arange(n, dtype=edge_index.dtype)
    row = jnp.concatenate([edge_index[0], sl])
    col = jnp.concatenate([edge_index[1], sl])
    deg = jax.ops.segment_sum(jnp.ones(row.shape[0], x.dtype), col, num_segments=n)
    dinv = jnp.where(deg > 0, 1.0 / jnp.sqrt(deg), 0.0)
    norm = dinv[row] * dinv[col]
    h = x @ W
    msg = h[row] * norm[:, None]
    out = jax.ops.segment_sum(msg, col, num_segments=n)
    return out + b


def _forward(x, edge_index, Ws, bs, gs, lbs, mWs, mbs, mgs, mlbs):
    x0 = x
    for i in range(len(Ws)):
        x = _gcn_conv(x, edge_index, Ws[i], bs[i])
        x = jax.nn.relu(x)
        x = _ln(x, gs[i], lbs[i])
        if i % 2 == 1 and x.shape == x0.shape:
            x = x + x0
            x0 = x
    h = jnp.concatenate([x[edge_index[0]], x[edge_index[1]]], axis=1)
    h = jax.nn.relu(_ln(h @ mWs[0] + mbs[0], mgs[0], mlbs[0]))
    h = jax.nn.relu(_ln(h @ mWs[1] + mbs[1], mgs[1], mlbs[1]))
    h = h @ mWs[2] + mbs[2]
    return jnp.squeeze(h, axis=-1)


def setup_inputs(seed: int = 0):
    key = jax.random.key(seed)
    ks = jax.random.split(key, 16)
    N, E, D, H = 10000, 320000, 128, 128
    inp = {}
    inp["x"] = jax.random.normal(ks[0], (N, D), dtype=jnp.float32)
    inp["edge_index"] = jax.random.randint(ks[1], (2, E), 0, N)
    for i in range(4):
        fan = D if i == 0 else H
        inp["W%d" % i] = jax.random.normal(ks[2 + i], (fan, H), dtype=jnp.float32) / np.sqrt(fan)
        inp["b%d" % i] = jnp.zeros((H,), jnp.float32)
        inp["lng%d" % i] = jnp.ones((H,), jnp.float32)
        inp["lnb%d" % i] = jnp.zeros((H,), jnp.float32)
    dims = [(2 * H, 256), (256, 128), (128, 1)]
    for j, (fi, fo) in enumerate(dims):
        inp["mW%d" % j] = jax.random.normal(ks[6 + j], (fi, fo), dtype=jnp.float32) / np.sqrt(fi)
        inp["mb%d" % j] = jnp.zeros((fo,), jnp.float32)
    for j, fo in enumerate([256, 128]):
        inp["mg%d" % j] = jnp.ones((fo,), jnp.float32)
        inp["mlb%d" % j] = jnp.zeros((fo,), jnp.float32)
    return inp


def reference(x, edge_index, W0, b0, lng0, lnb0, W1, b1, lng1, lnb1, W2, b2, lng2, lnb2, W3, b3, lng3, lnb3, mW0, mb0, mW1, mb1, mW2, mb2, mg0, mlb0, mg1, mlb1):
    return _forward(x, edge_index,
                    [W0, W1, W2, W3], [b0, b1, b2, b3],
                    [lng0, lng1, lng2, lng3], [lnb0, lnb1, lnb2, lnb3],
                    [mW0, mW1, mW2], [mb0, mb1, mb2],
                    [mg0, mg1], [mlb0, mlb1])

if __name__ == "__main__":
    import jax
    _d = setup_inputs()
    print(jax.jit(kernel)(*tuple(_d.values())))

</pallas_src>

<mosaic_0001>
#map = affine_map<(d0, d1) -> (0, 0)>
#map1 = affine_map<(d0, d1) -> (0, 0, 0, 0)>
#map2 = affine_map<(d0, d1) -> (0, 0, 0)>
module attributes {stable_mosaic.version = 14 : i64} {
  func.func @k(%arg0: i32, %arg1: i32, %arg2: memref<10000x128xf32, #tpu.memory_space<hbm>>, %arg3: memref<32x40x2x125xi32, #tpu.memory_space<hbm>>, %arg4: memref<32x40x2x125xi32, #tpu.memory_space<hbm>>, %arg5: memref<640x128xf32, #tpu.memory_space<hbm>>, %arg6: memref<2x10240x128xf32, #tpu.memory_space<hbm>>, %arg7: memref<2x125xi32, #tpu.memory_space<vmem>>, %arg8: memref<2x125xi32, #tpu.memory_space<vmem>>, %arg9: memref<2x125xi32, #tpu.memory_space<vmem>>, %arg10: memref<2x125xi32, #tpu.memory_space<vmem>>, %arg11: memref<125x128xf32, #tpu.memory_space<vmem>>, %arg12: memref<125x128xf32, #tpu.memory_space<vmem>>, %arg13: memref<10240x128xf32, #tpu.memory_space<vmem_shared>>, %arg14: memref<!tpu.dma_semaphore, #tpu.memory_space<semaphore_mem>>, %arg15: memref<!tpu.dma_semaphore, #tpu.memory_space<semaphore_mem>>, %arg16: memref<!tpu.dma_semaphore, #tpu.memory_space<semaphore_mem>>) attributes {dimension_semantics = [#tpu.dimension_semantics<core_parallel>, #tpu.dimension_semantics<subcore_parallel>], iteration_bounds = array<i64: 2, 16>, scalar_prefetch = 0 : i64, scratch_operands = 10 : i64, tpu.core_type = #tpu.core_type<sc_vector_subcore>, window_params = [{transform_indices = #map}, {transform_indices = #map1}, {transform_indices = #map1}, {transform_indices = #map}, {transform_indices = #map2}]} {
    %mul3A = arith.constant 2 : i32
    %mul3A_0 = arith.muli %arg1, %mul3A : i32
    %add3A = arith.addi %mul3A_0, %arg0 : i32
    %mul3A_1 = arith.constant 640 : i32
    %mul3A_2 = arith.muli %arg1, %mul3A_1 : i32
    "tpu.region"() ({
      %run_scoped3A_38 = tpu.sem_alloc : memref<!tpu.dma_semaphore, #tpu.memory_space<semaphore_mem>>
      %dma_start3A_39 = arith.constant 0 : i32
      %dma_start3A_40 = tpu.memref_slice %arg13[%mul3A_2, %dma_start3A_39] : memref<10240x128xf32, #tpu.memory_space<vmem_shared>> -> memref<640x128xf32, #tpu.memory_space<vmem_shared>>
      tpu.enqueue_dma source(%arg5 : memref<640x128xf32, #tpu.memory_space<hbm>>) target(%dma_start3A_40 : memref<640x128xf32, #tpu.memory_space<vmem_shared>>) target_semaphore(%run_scoped3A_38 : memref<!tpu.dma_semaphore, #tpu.memory_space<semaphore_mem>>)
      %dma_wait3A = arith.constant 0 : i32
      %dma_wait3A_41 = tpu.memref_slice %arg13[%mul3A_2, %dma_wait3A] : memref<10240x128xf32, #tpu.memory_space<vmem_shared>> -> memref<640x128xf32, #tpu.memory_space<vmem_shared>>
      tpu.wait_dma2 semaphore(%run_scoped3A_38 : memref<!tpu.dma_semaphore, #tpu.memory_space<semaphore_mem>>) src(%arg5 : memref<640x128xf32, #tpu.memory_space<hbm>>) dst(%dma_wait3A_41 : memref<640x128xf32, #tpu.memory_space<vmem_shared>>)
      tpu.yield
    }) : () -> ()
    %run_scoped3A = arith.constant 0 : i32
    "tpu.region"() ({
      %run_scoped3A_38 = tpu.sem_alloc : memref<!tpu.dma_semaphore, #tpu.memory_space<semaphore_mem>>
      %dma_start3A_39 = arith.constant 0 : i32
      %dma_start3A_40 = arith.constant 0 : i32
      %dma_start3A_41 = tpu.memref_slice %arg3[%add3A, %run_scoped3A, %dma_start3A_39, %dma_start3A_40] : memref<32x40x2x125xi32, #tpu.memory_space<hbm>> -> memref<1x1x2x125xi32, #tpu.memory_space<hbm>>
      %dma_start3A_42 = tpu.memref_squeeze %dma_start3A_41 : memref<1x1x2x125xi32, #tpu.memory_space<hbm>> -> memref<2x125xi32, #tpu.memory_space<hbm>>
      %dma_start3A_43 = arith.constant 0 : i32
      %dma_start3A_44 = arith.constant 0 : i32
      %dma_start3A_45 = tpu.memref_slice %arg3[%add3A, %run_scoped3A, %dma_start3A_43, %dma_start3A_44] : memref<32x40x2x125xi32, #tpu.memory_space<hbm>> -> memref<1x1x2x125xi32, #tpu.memory_space<hbm>>
      %dma_start3A_46 = tpu.memref_squeeze %dma_start3A_45 : memref<1x1x2x125xi32, #tpu.memory_space<hbm>> -> memref<2x125xi32, #tpu.memory_space<hbm>>
      tpu.enqueue_dma source(%dma_start3A_46 : memref<2x125xi32, #tpu.memory_space<hbm>>) target(%arg7 : memref<2x125xi32, #tpu.memory_space<vmem>>) target_semaphore(%run_scoped3A_38 : memref<!tpu.dma_semaphore, #tpu.memory_space<semaphore_mem>>)
      %dma_wait3A = arith.constant 0 : i32
      %dma_wait3A_47 = arith.constant 0 : i32
      %dma_wait3A_48 = tpu.memref_slice %arg3[%add3A, %run_scoped3A, %dma_wait3A, %dma_wait3A_47] : memref<32x40x2x125xi32, #tpu.memory_space<hbm>> -> memref<1x1x2x125xi32, #tpu.memory_space<hbm>>
      %dma_wait3A_49 = tpu.memref_squeeze %dma_wait3A_48 : memref<1x1x2x125xi32, #tpu.memory_space<hbm>> -> memref<2x125xi32, #tpu.memory_space<hbm>>
      %dma_wait3A_50 = arith.constant 0 : i32
      %dma_wait3A_51 = arith.constant 0 : i32
      %dma_wait3A_52 = tpu.memref_slice %arg3[%add3A, %run_scoped3A, %dma_wait3A_50, %dma_wait3A_51] : memref<32x40x2x125xi32, #tpu.memory_space<hbm>> -> memref<1x1x2x125xi32, #tpu.memory_space<hbm>>
      %dma_wait3A_53 = tpu.memref_squeeze %dma_wait3A_52 : memref<1x1x2x125xi32, #tpu.memory_space<hbm>> -> memref<2x125xi32, #tpu.memory_space<hbm>>
      tpu.wait_dma2 semaphore(%run_scoped3A_38 : memref<!tpu.dma_semaphore, #tpu.memory_space<semaphore_mem>>) src(%dma_wait3A_53 : memref<2x125xi32, #tpu.memory_space<hbm>>) dst(%arg7 : memref<2x125xi32, #tpu.memory_space<vmem>>)
      tpu.yield
    }) : () -> ()
    %run_scoped3A_3 = arith.constant 0 : i32
    "tpu.region"() ({
      %run_scoped3A_38 = tpu.sem_alloc : memref<!tpu.dma_semaphore, #tpu.memory_space<semaphore_mem>>
      %dma_start3A_39 = arith.constant 0 : i32
      %dma_start3A_40 = arith.constant 0 : i32
      %dma_start3A_41 = tpu.memref_slice %arg4[%add3A, %run_scoped3A_3, %dma_start3A_39, %dma_start3A_40] : memref<32x40x2x125xi32, #tpu.memory_space<hbm>> -> memref<1x1x2x125xi32, #tpu.memory_space<hbm>>
      %dma_start3A_42 = tpu.memref_squeeze %dma_start3A_41 : memref<1x1x2x125xi32, #tpu.memory_space<hbm>> -> memref<2x125xi32, #tpu.memory_space<hbm>>
      %dma_start3A_43 = arith.constant 0 : i32
      %dma_start3A_44 = arith.constant 0 : i32
      %dma_start3A_45 = tpu.memref_slice %arg4[%add3A, %run_scoped3A_3, %dma_start3A_43, %dma_start3A_44] : memref<32x40x2x125xi32, #tpu.memory_space<hbm>> -> memref<1x1x2x125xi32, #tpu.memory_space<hbm>>
      %dma_start3A_46 = tpu.memref_squeeze %dma_start3A_45 : memref<1x1x2x125xi32, #tpu.memory_space<hbm>> -> memref<2x125xi32, #tpu.memory_space<hbm>>
      tpu.enqueue_dma source(%dma_start3A_46 : memref<2x125xi32, #tpu.memory_space<hbm>>) target(%arg8 : memref<2x125xi32, #tpu.memory_space<vmem>>) target_semaphore(%run_scoped3A_38 : memref<!tpu.dma_semaphore, #tpu.memory_space<semaphore_mem>>)
      %dma_wait3A = arith.constant 0 : i32
      %dma_wait3A_47 = arith.constant 0 : i32
      %dma_wait3A_48 = tpu.memref_slice %arg4[%add3A, %run_scoped3A_3, %dma_wait3A, %dma_wait3A_47] : memref<32x40x2x125xi32, #tpu.memory_space<hbm>> -> memref<1x1x2x125xi32, #tpu.memory_space<hbm>>
      %dma_wait3A_49 = tpu.memref_squeeze %dma_wait3A_48 : memref<1x1x2x125xi32, #tpu.memory_space<hbm>> -> memref<2x125xi32, #tpu.memory_space<hbm>>
      %dma_wait3A_50 = arith.constant 0 : i32
      %dma_wait3A_51 = arith.constant 0 : i32
      %dma_wait3A_52 = tpu.memref_slice %arg4[%add3A, %run_scoped3A_3, %dma_wait3A_50, %dma_wait3A_51] : memref<32x40x2x125xi32, #tpu.memory_space<hbm>> -> memref<1x1x2x125xi32, #tpu.memory_space<hbm>>
      %dma_wait3A_53 = tpu.memref_squeeze %dma_wait3A_52 : memref<1x1x2x125xi32, #tpu.memory_space<hbm>> -> memref<2x125xi32, #tpu.memory_space<hbm>>
      tpu.wait_dma2 semaphore(%run_scoped3A_38 : memref<!tpu.dma_semaphore, #tpu.memory_space<semaphore_mem>>) src(%dma_wait3A_53 : memref<2x125xi32, #tpu.memory_space<hbm>>) dst(%arg8 : memref<2x125xi32, #tpu.memory_space<vmem>>)
      tpu.yield
    }) : () -> ()
    %dma_start3A = arith.constant 1 : i32
    %dma_start3A_4 = arith.constant 0 : i32
    %dma_start3A_5 = arith.constant 0 : i32
    %dma_start3A_6 = tpu.memref_slice %arg3[%add3A, %dma_start3A, %dma_start3A_4, %dma_start3A_5] : memref<32x40x2x125xi32, #tpu.memory_space<hbm>> -> memref<1x1x2x125xi32, #tpu.memory_space<hbm>>
    %dma_start3A_7 = tpu.memref_squeeze %dma_start3A_6 : memref<1x1x2x125xi32, #tpu.memory_space<hbm>> -> memref<2x125xi32, #tpu.memory_space<hbm>>
    %dma_start3A_8 = arith.constant 0 : i32
    %dma_start3A_9 = arith.constant 0 : i32
    %dma_start3A_10 = tpu.memref_slice %arg3[%add3A, %dma_start3A, %dma_start3A_8, %dma_start3A_9] : memref<32x40x2x125xi32, #tpu.memory_space<hbm>> -> memref<1x1x2x125xi32, #tpu.memory_space<hbm>>
    %dma_start3A_11 = tpu.memref_squeeze %dma_start3A_10 : memref<1x1x2x125xi32, #tpu.memory_space<hbm>> -> memref<2x125xi32, #tpu.memory_space<hbm>>
    tpu.enqueue_dma source(%dma_start3A_11 : memref<2x125xi32, #tpu.memory_space<hbm>>) target(%arg9 : memref<2x125xi32, #tpu.memory_space<vmem>>) target_semaphore(%arg16 : memref<!tpu.dma_semaphore, #tpu.memory_space<semaphore_mem>>)
    %dma_start3A_12 = arith.constant 1 : i32
    %dma_start3A_13 = arith.constant 0 : i32
    %dma_start3A_14 = arith.constant 0 : i32
    %dma_start3A_15 = tpu.memref_slice %arg4[%add3A, %dma_start3A_12, %dma_start3A_13, %dma_start3A_14] : memref<32x40x2x125xi32, #tpu.memory_space<hbm>> -> memref<1x1x2x125xi32, #tpu.memory_space<hbm>>
    %dma_start3A_16 = tpu.memref_squeeze %dma_start3A_15 : memref<1x1x2x125xi32, #tpu.memory_space<hbm>> -> memref<2x125xi32, #tpu.memory_space<hbm>>
    %dma_start3A_17 = arith.constant 0 : i32
    %dma_start3A_18 = arith.constant 0 : i32
    %dma_start3A_19 = tpu.memref_slice %arg4[%add3A, %dma_start3A_12, %dma_start3A_17, %dma_start3A_18] : memref<32x40x2x125xi32, #tpu.memory_space<hbm>> -> memref<1x1x2x125xi32, #tpu.memory_space<hbm>>
    %dma_start3A_20 = tpu.memref_squeeze %dma_start3A_19 : memref<1x1x2x125xi32, #tpu.memory_space<hbm>> -> memref<2x125xi32, #tpu.memory_space<hbm>>
    tpu.enqueue_dma source(%dma_start3A_20 : memref<2x125xi32, #tpu.memory_space<hbm>>) target(%arg10 : memref<2x125xi32, #tpu.memory_space<vmem>>) target_semaphore(%arg16 : memref<!tpu.dma_semaphore, #tpu.memory_space<semaphore_mem>>)
    %dma_start3A_21 = arith.constant 0 : i32
    %dma_start3A_22 = arith.constant 0 : i32
    %dma_start3A_23 = tpu.memref_slice %arg7[%dma_start3A_21, %dma_start3A_22] : memref<2x125xi32, #tpu.memory_space<vmem>> -> memref<1x125xi32, #tpu.memory_space<vmem>>
    %dma_start3A_24 = tpu.memref_squeeze %dma_start3A_23 : memref<1x125xi32, #tpu.memory_space<vmem>> -> memref<125xi32, #tpu.memory_space<vmem>>
    %dma_start3A_25 = arith.constant 0 : i32
    %dma_start3A_26 = arith.constant 0 : i32
    %dma_start3A_27 = tpu.memref_slice %arg2[%dma_start3A_25, %dma_start3A_26] : memref<10000x128xf32, #tpu.memory_space<hbm>> -> memref<10000x128xf32, #tpu.memory_space<hbm>>
    tpu.enqueue_indirect_dma source(%dma_start3A_27 : memref<10000x128xf32, #tpu.memory_space<hbm>>) target(%arg11 : memref<125x128xf32, #tpu.memory_space<vmem>>) offsets(%dma_start3A_24 : memref<125xi32, #tpu.memory_space<vmem>>) semaphore(%arg14 : memref<!tpu.dma_semaphore, #tpu.memory_space<semaphore_mem>>)
    %barrier3A = arith.constant 0 : index
    tpu.barrier barrier_id(%barrier3A)
    %scan3A = arith.constant 0 : i32
    %scan3A_28 = arith.constant 0 : i32
    %scan3A_29 = arith.constant 20 : i32
    %scan3A_30 = arith.addi %scan3A_28, %scan3A_29 : i32
    %scan3A_31 = arith.constant 1 : i32
    scf.for %scan3A_38 = %scan3A_28 to %scan3A_30 step %scan3A_31  : i32 {
      %dma_start3A_39 = arith.constant 1 : i32
      %dma_start3A_40 = arith.constant 0 : i32
      %dma_start3A_41 = tpu.memref_slice %arg7[%dma_start3A_39, %dma_start3A_40] : memref<2x125xi32, #tpu.memory_space<vmem>> -> memref<1x125xi32, #tpu.memory_space<vmem>>
      %dma_start3A_42 = tpu.memref_squeeze %dma_start3A_41 : memref<1x125xi32, #tpu.memory_space<vmem>> -> memref<125xi32, #tpu.memory_space<vmem>>
      %dma_start3A_43 = arith.constant 0 : i32
      %dma_start3A_44 = arith.constant 0 : i32
      %dma_start3A_45 = tpu.memref_slice %arg2[%dma_start3A_43, %dma_start3A_44] : memref<10000x128xf32, #tpu.memory_space<hbm>> -> memref<10000x128xf32, #tpu.memory_space<hbm>>
      tpu.enqueue_indirect_dma source(%dma_start3A_45 : memref<10000x128xf32, #tpu.memory_space<hbm>>) target(%arg12 : memref<125x128xf32, #tpu.memory_space<vmem>>) offsets(%dma_start3A_42 : memref<125xi32, #tpu.memory_space<vmem>>) semaphore(%arg15 : memref<!tpu.dma_semaphore, #tpu.memory_space<semaphore_mem>>)
      %dma_wait3A = arith.constant 0 : i32
      %dma_wait3A_46 = arith.constant 0 : i32
      %dma_wait3A_47 = tpu.memref_slice %arg7[%dma_wait3A, %dma_wait3A_46] : memref<2x125xi32, #tpu.memory_space<vmem>> -> memref<1x125xi32, #tpu.memory_space<vmem>>
      %dma_wait3A_48 = tpu.memref_squeeze %dma_wait3A_47 : memref<1x125xi32, #tpu.memory_space<vmem>> -> memref<125xi32, #tpu.memory_space<vmem>>
      %dma_wait3A_49 = arith.constant 0 : i32
      %dma_wait3A_50 = arith.constant 0 : i32
      %dma_wait3A_51 = tpu.memref_slice %arg2[%dma_wait3A_49, %dma_wait3A_50] : memref<10000x128xf32, #tpu.memory_space<hbm>> -> memref<10000x128xf32, #tpu.memory_space<hbm>>
      tpu.wait_indirect_dma semaphore(%arg14 : memref<!tpu.dma_semaphore, #tpu.memory_space<semaphore_mem>>) src(%dma_wait3A_51 : memref<10000x128xf32, #tpu.memory_space<hbm>>) dst(%arg11 : memref<125x128xf32, #tpu.memory_space<vmem>>)
      %run_scoped3A_52 = arith.constant 0 : i32
      "tpu.region"() ({
        %run_scoped3A_123 = tpu.sem_alloc : memref<!tpu.dma_semaphore, #tpu.memory_space<semaphore_mem>>
        %dma_start3A_124 = arith.constant 0 : i32
        %dma_start3A_125 = tpu.memref_slice %arg8[%run_scoped3A_52, %dma_start3A_124] : memref<2x125xi32, #tpu.memory_space<vmem>> -> memref<1x125xi32, #tpu.memory_space<vmem>>
        %dma_start3A_126 = tpu.memref_squeeze %dma_start3A_125 : memref<1x125xi32, #tpu.memory_space<vmem>> -> memref<125xi32, #tpu.memory_space<vmem>>
        %dma_start3A_127 = arith.constant 0 : i32
        %dma_start3A_128 = arith.constant 0 : i32
        %dma_start3A_129 = tpu.memref_slice %arg13[%dma_start3A_127, %dma_start3A_128] : memref<10240x128xf32, #tpu.memory_space<vmem_shared>> -> memref<10240x128xf32, #tpu.memory_space<vmem_shared>>
        tpu.enqueue_indirect_dma source(%arg11 : memref<125x128xf32, #tpu.memory_space<vmem>>) target(%dma_start3A_129 : memref<10240x128xf32, #tpu.memory_space<vmem_shared>>) offsets(%dma_start3A_126 : memref<125xi32, #tpu.memory_space<vmem>>) semaphore(%run_scoped3A_123 : memref<!tpu.dma_semaphore, #tpu.memory_space<semaphore_mem>>) {add = true}
        %dma_wait3A_130 = arith.constant 0 : i32
        %dma_wait3A_131 = tpu.memref_slice %arg8[%run_scoped3A_52, %dma_wait3A_130] : memref<2x125xi32, #tpu.memory_space<vmem>> -> memref<1x125xi32, #tpu.memory_space<vmem>>
        %dma_wait3A_132 = tpu.memref_squeeze %dma_wait3A_131 : memref<1x125xi32, #tpu.memory_space<vmem>> -> memref<125xi32, #tpu.memory_space<vmem>>
        %dma_wait3A_133 = arith.constant 0 : i32
        %dma_wait3A_134 = arith.constant 0 : i32
        %dma_wait3A_135 = tpu.memref_slice %arg13[%dma_wait3A_133, %dma_wait3A_134] : memref<10240x128xf32, #tpu.memory_space<vmem_shared>> -> memref<10240x128xf32, #tpu.memory_space<vmem_shared>>
        tpu.wait_indirect_dma semaphore(%run_scoped3A_123 : memref<!tpu.dma_semaphore, #tpu.memory_space<semaphore_mem>>) src(%arg11 : memref<125x128xf32, #tpu.memory_space<vmem>>) dst(%dma_wait3A_135 : memref<10240x128xf32, #tpu.memory_space<vmem_shared>>)
        tpu.yield
      }) : () -> ()
      %mul3A_53 = arith.constant 2 : i32
      %mul3A_54 = arith.muli %mul3A_53, %scan3A_38 : i32
      %add3A_55 = arith.constant 1 : i32
      %add3A_56 = arith.addi %mul3A_54, %add3A_55 : i32
      %dma_wait3A_57 = arith.constant 0 : i32
      %dma_wait3A_58 = arith.constant 0 : i32
      %dma_wait3A_59 = tpu.memref_slice %arg3[%add3A, %add3A_56, %dma_wait3A_57, %dma_wait3A_58] : memref<32x40x2x125xi32, #tpu.memory_space<hbm>> -> memref<1x1x2x125xi32, #tpu.memory_space<hbm>>
      %dma_wait3A_60 = tpu.memref_squeeze %dma_wait3A_59 : memref<1x1x2x125xi32, #tpu.memory_space<hbm>> -> memref<2x125xi32, #tpu.memory_space<hbm>>
      %dma_wait3A_61 = arith.constant 0 : i32
      %dma_wait3A_62 = arith.constant 0 : i32
      %dma_wait3A_63 = tpu.memref_slice %arg3[%add3A, %add3A_56, %dma_wait3A_61, %dma_wait3A_62] : memref<32x40x2x125xi32, #tpu.memory_space<hbm>> -> memref<1x1x2x125xi32, #tpu.memory_space<hbm>>
      %dma_wait3A_64 = tpu.memref_squeeze %dma_wait3A_63 : memref<1x1x2x125xi32, #tpu.memory_space<hbm>> -> memref<2x125xi32, #tpu.memory_space<hbm>>
      tpu.wait_dma2 semaphore(%arg16 : memref<!tpu.dma_semaphore, #tpu.memory_space<semaphore_mem>>) src(%dma_wait3A_64 : memref<2x125xi32, #tpu.memory_space<hbm>>) dst(%arg9 : memref<2x125xi32, #tpu.memory_space<vmem>>)
      %dma_wait3A_65 = arith.constant 0 : i32
      %dma_wait3A_66 = arith.constant 0 : i32
      %dma_wait3A_67 = tpu.memref_slice %arg4[%add3A, %add3A_56, %dma_wait3A_65, %dma_wait3A_66] : memref<32x40x2x125xi32, #tpu.memory_space<hbm>> -> memref<1x1x2x125xi32, #tpu.memory_space<hbm>>
      %dma_wait3A_68 = tpu.memref_squeeze %dma_wait3A_67 : memref<1x1x2x125xi32, #tpu.memory_space<hbm>> -> memref<2x125xi32, #tpu.memory_space<hbm>>
      %dma_wait3A_69 = arith.constant 0 : i32
      %dma_wait3A_70 = arith.constant 0 : i32
      %dma_wait3A_71 = tpu.memref_slice %arg4[%add3A, %add3A_56, %dma_wait3A_69, %dma_wait3A_70] : memref<32x40x2x125xi32, #tpu.memory_space<hbm>> -> memref<1x1x2x125xi32, #tpu.memory_space<hbm>>
      %dma_wait3A_72 = tpu.memref_squeeze %dma_wait3A_71 : memref<1x1x2x125xi32, #tpu.memory_space<hbm>> -> memref<2x125xi32, #tpu.memory_space<hbm>>
      tpu.wait_dma2 semaphore(%arg16 : memref<!tpu.dma_semaphore, #tpu.memory_space<semaphore_mem>>) src(%dma_wait3A_72 : memref<2x125xi32, #tpu.memory_space<hbm>>) dst(%arg10 : memref<2x125xi32, #tpu.memory_space<vmem>>)
      %dma_start3A_73 = arith.constant 0 : i32
      %dma_start3A_74 = arith.constant 0 : i32
      %dma_start3A_75 = tpu.memref_slice %arg9[%dma_start3A_73, %dma_start3A_74] : memref<2x125xi32, #tpu.memory_space<vmem>> -> memref<1x125xi32, #tpu.memory_space<vmem>>
      %dma_start3A_76 = tpu.memref_squeeze %dma_start3A_75 : memref<1x125xi32, #tpu.memory_space<vmem>> -> memref<125xi32, #tpu.memory_space<vmem>>
      %dma_start3A_77 = arith.constant 0 : i32
      %dma_start3A_78 = arith.constant 0 : i32
      %dma_start3A_79 = tpu.memref_slice %arg2[%dma_start3A_77, %dma_start3A_78] : memref<10000x128xf32, #tpu.memory_space<hbm>> -> memref<10000x128xf32, #tpu.memory_space<hbm>>
      tpu.enqueue_indirect_dma source(%dma_start3A_79 : memref<10000x128xf32, #tpu.memory_space<hbm>>) target(%arg11 : memref<125x128xf32, #tpu.memory_space<vmem>>) offsets(%dma_start3A_76 : memref<125xi32, #tpu.memory_space<vmem>>) semaphore(%arg14 : memref<!tpu.dma_semaphore, #tpu.memory_space<semaphore_mem>>)
      %dma_wait3A_80 = arith.constant 1 : i32
      %dma_wait3A_81 = arith.constant 0 : i32
      %dma_wait3A_82 = tpu.memref_slice %arg7[%dma_wait3A_80, %dma_wait3A_81] : memref<2x125xi32, #tpu.memory_space<vmem>> -> memref<1x125xi32, #tpu.memory_space<vmem>>
      %dma_wait3A_83 = tpu.memref_squeeze %dma_wait3A_82 : memref<1x125xi32, #tpu.memory_space<vmem>> -> memref<125xi32, #tpu.memory_space<vmem>>
      %dma_wait3A_84 = arith.constant 0 : i32
      %dma_wait3A_85 = arith.constant 0 : i32
      %dma_wait3A_86 = tpu.memref_slice %arg2[%dma_wait3A_84, %dma_wait3A_85] : memref<10000x128xf32, #tpu.memory_space<hbm>> -> memref<10000x128xf32, #tpu.memory_space<hbm>>
      tpu.wait_indirect_dma semaphore(%arg15 : memref<!tpu.dma_semaphore, #tpu.memory_space<semaphore_mem>>) src(%dma_wait3A_86 : memref<10000x128xf32, #tpu.memory_space<hbm>>) dst(%arg12 : memref<125x128xf32, #tpu.memory_space<vmem>>)
      %run_scoped3A_87 = arith.constant 1 : i32
      "tpu.region"() ({
        %run_scoped3A_123 = tpu.sem_alloc : memref<!tpu.dma_semaphore, #tpu.memory_space<semaphore_mem>>
        %dma_start3A_124 = arith.constant 0 : i32
        %dma_start3A_125 = tpu.memref_slice %arg8[%run_scoped3A_87, %dma_start3A_124] : memref<2x125xi32, #tpu.memory_space<vmem>> -> memref<1x125xi32, #tpu.memory_space<vmem>>
        %dma_start3A_126 = tpu.memref_squeeze %dma_start3A_125 : memref<1x125xi32, #tpu.memory_space<vmem>> -> memref<125xi32, #tpu.memory_space<vmem>>
        %dma_start3A_127 = arith.constant 0 : i32
        %dma_start3A_128 = arith.constant 0 : i32
        %dma_start3A_129 = tpu.memref_slice %arg13[%dma_start3A_127, %dma_start3A_128] : memref<10240x128xf32, #tpu.memory_space<vmem_shared>> -> memref<10240x128xf32, #tpu.memory_space<vmem_shared>>
        tpu.enqueue_indirect_dma source(%arg12 : memref<125x128xf32, #tpu.memory_space<vmem>>) target(%dma_start3A_129 : memref<10240x128xf32, #tpu.memory_space<vmem_shared>>) offsets(%dma_start3A_126 : memref<125xi32, #tpu.memory_space<vmem>>) semaphore(%run_scoped3A_123 : memref<!tpu.dma_semaphore, #tpu.memory_space<semaphore_mem>>) {add = true}
        %dma_wait3A_130 = arith.constant 0 : i32
        %dma_wait3A_131 = tpu.memref_slice %arg8[%run_scoped3A_87, %dma_wait3A_130] : memref<2x125xi32, #tpu.memory_space<vmem>> -> memref<1x125xi32, #tpu.memory_space<vmem>>
        %dma_wait3A_132 = tpu.memref_squeeze %dma_wait3A_131 : memref<1x125xi32, #tpu.memory_space<vmem>> -> memref<125xi32, #tpu.memory_space<vmem>>
        %dma_wait3A_133 = arith.constant 0 : i32
        %dma_wait3A_134 = arith.constant 0 : i32
        %dma_wait3A_135 = tpu.memref_slice %arg13[%dma_wait3A_133, %dma_wait3A_134] : memref<10240x128xf32, #tpu.memory_space<vmem_shared>> -> memref<10240x128xf32, #tpu.memory_space<vmem_shared>>
        tpu.wait_indirect_dma semaphore(%run_scoped3A_123 : memref<!tpu.dma_semaphore, #tpu.memory_space<semaphore_mem>>) src(%arg12 : memref<125x128xf32, #tpu.memory_space<vmem>>) dst(%dma_wait3A_135 : memref<10240x128xf32, #tpu.memory_space<vmem_shared>>)
        tpu.yield
      }) : () -> ()
      %lt3A = arith.constant 19 : i32
      %lt3A_88 = arith.cmpi slt, %scan3A_38, %lt3A : i32
      %convert_element_type3A = arith.extui %lt3A_88 : i1 to i32
      %cond3A = arith.constant 0 : i32
      %cond3A_89 = arith.cmpi ne, %convert_element_type3A, %cond3A : i32
      scf.if %cond3A_89 {
        %mul3A_123 = arith.constant 2 : i32
        %mul3A_124 = arith.muli %mul3A_123, %scan3A_38 : i32
        %add3A_125 = arith.constant 2 : i32
        %add3A_126 = arith.addi %mul3A_124, %add3A_125 : i32
        %dma_start3A_127 = arith.constant 0 : i32
        %dma_start3A_128 = arith.constant 0 : i32
        %dma_start3A_129 = tpu.memref_slice %arg3[%add3A, %add3A_126, %dma_start3A_127, %dma_start3A_128] : memref<32x40x2x125xi32, #tpu.memory_space<hbm>> -> memref<1x1x2x125xi32, #tpu.memory_space<hbm>>
        %dma_start3A_130 = tpu.memref_squeeze %dma_start3A_129 : memref<1x1x2x125xi32, #tpu.memory_space<hbm>> -> memref<2x125xi32, #tpu.memory_space<hbm>>
        %dma_start3A_131 = arith.constant 0 : i32
        %dma_start3A_132 = arith.constant 0 : i32
        %dma_start3A_133 = tpu.memref_slice %arg3[%add3A, %add3A_126, %dma_start3A_131, %dma_start3A_132] : memref<32x40x2x125xi32, #tpu.memory_space<hbm>> -> memref<1x1x2x125xi32, #tpu.memory_space<hbm>>
        %dma_start3A_134 = tpu.memref_squeeze %dma_start3A_133 : memref<1x1x2x125xi32, #tpu.memory_space<hbm>> -> memref<2x125xi32, #tpu.memory_space<hbm>>
        tpu.enqueue_dma source(%dma_start3A_134 : memref<2x125xi32, #tpu.memory_space<hbm>>) target(%arg7 : memref<2x125xi32, #tpu.memory_space<vmem>>) target_semaphore(%arg16 : memref<!tpu.dma_semaphore, #tpu.memory_space<semaphore_mem>>)
        %dma_start3A_135 = arith.constant 0 : i32
        %dma_start3A_136 = arith.constant 0 : i32
        %dma_start3A_137 = tpu.memref_slice %arg4[%add3A, %add3A_126, %dma_start3A_135, %dma_start3A_136] : memref<32x40x2x125xi32, #tpu.memory_space<hbm>> -> memref<1x1x2x125xi32, #tpu.memory_space<hbm>>
        %dma_start3A_138 = tpu.memref_squeeze %dma_start3A_137 : memref<1x1x2x125xi32, #tpu.memory_space<hbm>> -> memref<2x125xi32, #tpu.memory_space<hbm>>
        %dma_start3A_139 = arith.constant 0 : i32
        %dma_start3A_140 = arith.constant 0 : i32
        %dma_start3A_141 = tpu.memref_slice %arg4[%add3A, %add3A_126, %dma_start3A_139, %dma_start3A_140] : memref<32x40x2x125xi32, #tpu.memory_space<hbm>> -> memref<1x1x2x125xi32, #tpu.memory_space<hbm>>
        %dma_start3A_142 = tpu.memref_squeeze %dma_start3A_141 : memref<1x1x2x125xi32, #tpu.memory_space<hbm>> -> memref<2x125xi32, #tpu.memory_space<hbm>>
        tpu.enqueue_dma source(%dma_start3A_142 : memref<2x125xi32, #tpu.memory_space<hbm>>) target(%arg8 : memref<2x125xi32, #tpu.memory_space<vmem>>) target_semaphore(%arg16 : memref<!tpu.dma_semaphore, #tpu.memory_space<semaphore_mem>>)
      } else {
      }
      %dma_start3A_90 = arith.constant 1 : i32
      %dma_start3A_91 = arith.constant 0 : i32
      %dma_start3A_92 = tpu.memref_slice %arg9[%dma_start3A_90, %dma_start3A_91] : memref<2x125xi32, #tpu.memory_space<vmem>> -> memref<1x125xi32, #tpu.memory_space<vmem>>
      %dma_start3A_93 = tpu.memref_squeeze %dma_start3A_92 : memref<1x125xi32, #tpu.memory_space<vmem>> -> memref<125xi32, #tpu.memory_space<vmem>>
      %dma_start3A_94 = arith.constant 0 : i32
      %dma_start3A_95 = arith.constant 0 : i32
      %dma_start3A_96 = tpu.memref_slice %arg2[%dma_start3A_94, %dma_start3A_95] : memref<10000x128xf32, #tpu.memory_space<hbm>> -> memref<10000x128xf32, #tpu.memory_space<hbm>>
      tpu.enqueue_indirect_dma source(%dma_start3A_96 : memref<10000x128xf32, #tpu.memory_space<hbm>>) target(%arg12 : memref<125x128xf32, #tpu.memory_space<vmem>>) offsets(%dma_start3A_93 : memref<125xi32, #tpu.memory_space<vmem>>) semaphore(%arg15 : memref<!tpu.dma_semaphore, #tpu.memory_space<semaphore_mem>>)
      %dma_wait3A_97 = arith.constant 0 : i32
      %dma_wait3A_98 = arith.constant 0 : i32
      %dma_wait3A_99 = tpu.memref_slice %arg9[%dma_wait3A_97, %dma_wait3A_98] : memref<2x125xi32, #tpu.memory_space<vmem>> -> memref<1x125xi32, #tpu.memory_space<vmem>>
      %dma_wait3A_100 = tpu.memref_squeeze %dma_wait3A_99 : memref<1x125xi32, #tpu.memory_space<vmem>> -> memref<125xi32, #tpu.memory_space<vmem>>
      %dma_wait3A_101 = arith.constant 0 : i32
      %dma_wait3A_102 = arith.constant 0 : i32
      %dma_wait3A_103 = tpu.memref_slice %arg2[%dma_wait3A_101, %dma_wait3A_102] : memref<10000x128xf32, #tpu.memory_space<hbm>> -> memref<10000x128xf32, #tpu.memory_space<hbm>>
      tpu.wait_indirect_dma semaphore(%arg14 : memref<!tpu.dma_semaphore, #tpu.memory_space<semaphore_mem>>) src(%dma_wait3A_103 : memref<10000x128xf32, #tpu.memory_space<hbm>>) dst(%arg11 : memref<125x128xf32, #tpu.memory_space<vmem>>)
      %run_scoped3A_104 = arith.constant 0 : i32
      "tpu.region"() ({
        %run_scoped3A_123 = tpu.sem_alloc : memref<!tpu.dma_semaphore, #tpu.memory_space<semaphore_mem>>
        %dma_start3A_124 = arith.constant 0 : i32
        %dma_start3A_125 = tpu.memref_slice %arg10[%run_scoped3A_104, %dma_start3A_124] : memref<2x125xi32, #tpu.memory_space<vmem>> -> memref<1x125xi32, #tpu.memory_space<vmem>>
        %dma_start3A_126 = tpu.memref_squeeze %dma_start3A_125 : memref<1x125xi32, #tpu.memory_space<vmem>> -> memref<125xi32, #tpu.memory_space<vmem>>
        %dma_start3A_127 = arith.constant 0 : i32
        %dma_start3A_128 = arith.constant 0 : i32
        %dma_start3A_129 = tpu.memref_slice %arg13[%dma_start3A_127, %dma_start3A_128] : memref<10240x128xf32, #tpu.memory_space<vmem_shared>> -> memref<10240x128xf32, #tpu.memory_space<vmem_shared>>
        tpu.enqueue_indirect_dma source(%arg11 : memref<125x128xf32, #tpu.memory_space<vmem>>) target(%dma_start3A_129 : memref<10240x128xf32, #tpu.memory_space<vmem_shared>>) offsets(%dma_start3A_126 : memref<125xi32, #tpu.memory_space<vmem>>) semaphore(%run_scoped3A_123 : memref<!tpu.dma_semaphore, #tpu.memory_space<semaphore_mem>>) {add = true}
        %dma_wait3A_130 = arith.constant 0 : i32
        %dma_wait3A_131 = tpu.memref_slice %arg10[%run_scoped3A_104, %dma_wait3A_130] : memref<2x125xi32, #tpu.memory_space<vmem>> -> memref<1x125xi32, #tpu.memory_space<vmem>>
        %dma_wait3A_132 = tpu.memref_squeeze %dma_wait3A_131 : memref<1x125xi32, #tpu.memory_space<vmem>> -> memref<125xi32, #tpu.memory_space<vmem>>
        %dma_wait3A_133 = arith.constant 0 : i32
        %dma_wait3A_134 = arith.constant 0 : i32
        %dma_wait3A_135 = tpu.memref_slice %arg13[%dma_wait3A_133, %dma_wait3A_134] : memref<10240x128xf32, #tpu.memory_space<vmem_shared>> -> memref<10240x128xf32, #tpu.memory_space<vmem_shared>>
        tpu.wait_indirect_dma semaphore(%run_scoped3A_123 : memref<!tpu.dma_semaphore, #tpu.memory_space<semaphore_mem>>) src(%arg11 : memref<125x128xf32, #tpu.memory_space<vmem>>) dst(%dma_wait3A_135 : memref<10240x128xf32, #tpu.memory_space<vmem_shared>>)
        tpu.yield
      }) : () -> ()
      %lt3A_105 = arith.constant 19 : i32
      %lt3A_106 = arith.cmpi slt, %scan3A_38, %lt3A_105 : i32
      %convert_element_type3A_107 = arith.extui %lt3A_106 : i1 to i32
      %cond3A_108 = arith.constant 0 : i32
      %cond3A_109 = arith.cmpi ne, %convert_element_type3A_107, %cond3A_108 : i32
      scf.if %cond3A_109 {
        %mul3A_123 = arith.constant 2 : i32
        %mul3A_124 = arith.muli %mul3A_123, %scan3A_38 : i32
        %add3A_125 = arith.constant 2 : i32
        %add3A_126 = arith.addi %mul3A_124, %add3A_125 : i32
        %dma_wait3A_127 = arith.constant 0 : i32
        %dma_wait3A_128 = arith.constant 0 : i32
        %dma_wait3A_129 = tpu.memref_slice %arg3[%add3A, %add3A_126, %dma_wait3A_127, %dma_wait3A_128] : memref<32x40x2x125xi32, #tpu.memory_space<hbm>> -> memref<1x1x2x125xi32, #tpu.memory_space<hbm>>
        %dma_wait3A_130 = tpu.memref_squeeze %dma_wait3A_129 : memref<1x1x2x125xi32, #tpu.memory_space<hbm>> -> memref<2x125xi32, #tpu.memory_space<hbm>>
        %dma_wait3A_131 = arith.constant 0 : i32
        %dma_wait3A_132 = arith.constant 0 : i32
        %dma_wait3A_133 = tpu.memref_slice %arg3[%add3A, %add3A_126, %dma_wait3A_131, %dma_wait3A_132] : memref<32x40x2x125xi32, #tpu.memory_space<hbm>> -> memref<1x1x2x125xi32, #tpu.memory_space<hbm>>
        %dma_wait3A_134 = tpu.memref_squeeze %dma_wait3A_133 : memref<1x1x2x125xi32, #tpu.memory_space<hbm>> -> memref<2x125xi32, #tpu.memory_space<hbm>>
        tpu.wait_dma2 semaphore(%arg16 : memref<!tpu.dma_semaphore, #tpu.memory_space<semaphore_mem>>) src(%dma_wait3A_134 : memref<2x125xi32, #tpu.memory_space<hbm>>) dst(%arg7 : memref<2x125xi32, #tpu.memory_space<vmem>>)
        %dma_wait3A_135 = arith.constant 0 : i32
        %dma_wait3A_136 = arith.constant 0 : i32
        %dma_wait3A_137 = tpu.memref_slice %arg4[%add3A, %add3A_126, %dma_wait3A_135, %dma_wait3A_136] : memref<32x40x2x125xi32, #tpu.memory_space<hbm>> -> memref<1x1x2x125xi32, #tpu.memory_space<hbm>>
        %dma_wait3A_138 = tpu.memref_squeeze %dma_wait3A_137 : memref<1x1x2x125xi32, #tpu.memory_space<hbm>> -> memref<2x125xi32, #tpu.memory_space<hbm>>
        %dma_wait3A_139 = arith.constant 0 : i32
        %dma_wait3A_140 = arith.constant 0 : i32
        %dma_wait3A_141 = tpu.memref_slice %arg4[%add3A, %add3A_126, %dma_wait3A_139, %dma_wait3A_140] : memref<32x40x2x125xi32, #tpu.memory_space<hbm>> -> memref<1x1x2x125xi32, #tpu.memory_space<hbm>>
        %dma_wait3A_142 = tpu.memref_squeeze %dma_wait3A_141 : memref<1x1x2x125xi32, #tpu.memory_space<hbm>> -> memref<2x125xi32, #tpu.memory_space<hbm>>
        tpu.wait_dma2 semaphore(%arg16 : memref<!tpu.dma_semaphore, #tpu.memory_space<semaphore_mem>>) src(%dma_wait3A_142 : memref<2x125xi32, #tpu.memory_space<hbm>>) dst(%arg8 : memref<2x125xi32, #tpu.memory_space<vmem>>)
        %dma_start3A_143 = arith.constant 0 : i32
        %dma_start3A_144 = arith.constant 0 : i32
        %dma_start3A_145 = tpu.memref_slice %arg7[%dma_start3A_143, %dma_start3A_144] : memref<2x125xi32, #tpu.memory_space<vmem>> -> memref<1x125xi32, #tpu.memory_space<vmem>>
        %dma_start3A_146 = tpu.memref_squeeze %dma_start3A_145 : memref<1x125xi32, #tpu.memory_space<vmem>> -> memref<125xi32, #tpu.memory_space<vmem>>
        %dma_start3A_147 = arith.constant 0 : i32
        %dma_start3A_148 = arith.constant 0 : i32
        %dma_start3A_149 = tpu.memref_slice %arg2[%dma_start3A_147, %dma_start3A_148] : memref<10000x128xf32, #tpu.memory_space<hbm>> -> memref<10000x128xf32, #tpu.memory_space<hbm>>
        tpu.enqueue_indirect_dma source(%dma_start3A_149 : memref<10000x128xf32, #tpu.memory_space<hbm>>) target(%arg11 : memref<125x128xf32, #tpu.memory_space<vmem>>) offsets(%dma_start3A_146 : memref<125xi32, #tpu.memory_space<vmem>>) semaphore(%arg14 : memref<!tpu.dma_semaphore, #tpu.memory_space<semaphore_mem>>)
      } else {
      }
      %dma_wait3A_110 = arith.constant 1 : i32
      %dma_wait3A_111 = arith.constant 0 : i32
      %dma_wait3A_112 = tpu.memref_slice %arg9[%dma_wait3A_110, %dma_wait3A_111] : memref<2x125xi32, #tpu.memory_space<vmem>> -> memref<1x125xi32, #tpu.memory_space<vmem>>
      %dma_wait3A_113 = tpu.memref_squeeze %dma_wait3A_112 : memref<1x125xi32, #tpu.memory_space<vmem>> -> memref<125xi32, #tpu.memory_space<vmem>>
      %dma_wait3A_114 = arith.constant 0 : i32
      %dma_wait3A_115 = arith.constant 0 : i32
      %dma_wait3A_116 = tpu.memref_slice %arg2[%dma_wait3A_114, %dma_wait3A_115] : memref<10000x128xf32, #tpu.memory_space<hbm>> -> memref<10000x128xf32, #tpu.memory_space<hbm>>
      tpu.wait_indirect_dma semaphore(%arg15 : memref<!tpu.dma_semaphore, #tpu.memory_space<semaphore_mem>>) src(%dma_wait3A_116 : memref<10000x128xf32, #tpu.memory_space<hbm>>) dst(%arg12 : memref<125x128xf32, #tpu.memory_space<vmem>>)
      %run_scoped3A_117 = arith.constant 1 : i32
      "tpu.region"() ({
        %run_scoped3A_123 = tpu.sem_alloc : memref<!tpu.dma_semaphore, #tpu.memory_space<semaphore_mem>>
        %dma_start3A_124 = arith.constant 0 : i32
        %dma_start3A_125 = tpu.memref_slice %arg10[%run_scoped3A_117, %dma_start3A_124] : memref<2x125xi32, #tpu.memory_space<vmem>> -> memref<1x125xi32, #tpu.memory_space<vmem>>
        %dma_start3A_126 = tpu.memref_squeeze %dma_start3A_125 : memref<1x125xi32, #tpu.memory_space<vmem>> -> memref<125xi32, #tpu.memory_space<vmem>>
        %dma_start3A_127 = arith.constant 0 : i32
        %dma_start3A_128 = arith.constant 0 : i32
        %dma_start3A_129 = tpu.memref_slice %arg13[%dma_start3A_127, %dma_start3A_128] : memref<10240x128xf32, #tpu.memory_space<vmem_shared>> -> memref<10240x128xf32, #tpu.memory_space<vmem_shared>>
        tpu.enqueue_indirect_dma source(%arg12 : memref<125x128xf32, #tpu.memory_space<vmem>>) target(%dma_start3A_129 : memref<10240x128xf32, #tpu.memory_space<vmem_shared>>) offsets(%dma_start3A_126 : memref<125xi32, #tpu.memory_space<vmem>>) semaphore(%run_scoped3A_123 : memref<!tpu.dma_semaphore, #tpu.memory_space<semaphore_mem>>) {add = true}
        %dma_wait3A_130 = arith.constant 0 : i32
        %dma_wait3A_131 = tpu.memref_slice %arg10[%run_scoped3A_117, %dma_wait3A_130] : memref<2x125xi32, #tpu.memory_space<vmem>> -> memref<1x125xi32, #tpu.memory_space<vmem>>
        %dma_wait3A_132 = tpu.memref_squeeze %dma_wait3A_131 : memref<1x125xi32, #tpu.memory_space<vmem>> -> memref<125xi32, #tpu.memory_space<vmem>>
        %dma_wait3A_133 = arith.constant 0 : i32
        %dma_wait3A_134 = arith.constant 0 : i32
        %dma_wait3A_135 = tpu.memref_slice %arg13[%dma_wait3A_133, %dma_wait3A_134] : memref<10240x128xf32, #tpu.memory_space<vmem_shared>> -> memref<10240x128xf32, #tpu.memory_space<vmem_shared>>
        tpu.wait_indirect_dma semaphore(%run_scoped3A_123 : memref<!tpu.dma_semaphore, #tpu.memory_space<semaphore_mem>>) src(%arg12 : memref<125x128xf32, #tpu.memory_space<vmem>>) dst(%dma_wait3A_135 : memref<10240x128xf32, #tpu.memory_space<vmem_shared>>)
        tpu.yield
      }) : () -> ()
      %lt3A_118 = arith.constant 19 : i32
      %lt3A_119 = arith.cmpi slt, %scan3A_38, %lt3A_118 : i32
      %convert_element_type3A_120 = arith.extui %lt3A_119 : i1 to i32
      %cond3A_121 = arith.constant 0 : i32
      %cond3A_122 = arith.cmpi ne, %convert_element_type3A_120, %cond3A_121 : i32
      scf.if %cond3A_122 {
        %mul3A_123 = arith.constant 2 : i32
        %mul3A_124 = arith.muli %mul3A_123, %scan3A_38 : i32
        %add3A_125 = arith.constant 3 : i32
        %add3A_126 = arith.addi %mul3A_124, %add3A_125 : i32
        %dma_start3A_127 = arith.constant 0 : i32
        %dma_start3A_128 = arith.constant 0 : i32
        %dma_start3A_129 = tpu.memref_slice %arg3[%add3A, %add3A_126, %dma_start3A_127, %dma_start3A_128] : memref<32x40x2x125xi32, #tpu.memory_space<hbm>> -> memref<1x1x2x125xi32, #tpu.memory_space<hbm>>
        %dma_start3A_130 = tpu.memref_squeeze %dma_start3A_129 : memref<1x1x2x125xi32, #tpu.memory_space<hbm>> -> memref<2x125xi32, #tpu.memory_space<hbm>>
        %dma_start3A_131 = arith.constant 0 : i32
        %dma_start3A_132 = arith.constant 0 : i32
        %dma_start3A_133 = tpu.memref_slice %arg3[%add3A, %add3A_126, %dma_start3A_131, %dma_start3A_132] : memref<32x40x2x125xi32, #tpu.memory_space<hbm>> -> memref<1x1x2x125xi32, #tpu.memory_space<hbm>>
        %dma_start3A_134 = tpu.memref_squeeze %dma_start3A_133 : memref<1x1x2x125xi32, #tpu.memory_space<hbm>> -> memref<2x125xi32, #tpu.memory_space<hbm>>
        tpu.enqueue_dma source(%dma_start3A_134 : memref<2x125xi32, #tpu.memory_space<hbm>>) target(%arg9 : memref<2x125xi32, #tpu.memory_space<vmem>>) target_semaphore(%arg16 : memref<!tpu.dma_semaphore, #tpu.memory_space<semaphore_mem>>)
        %dma_start3A_135 = arith.constant 0 : i32
        %dma_start3A_136 = arith.constant 0 : i32
        %dma_start3A_137 = tpu.memref_slice %arg4[%add3A, %add3A_126, %dma_start3A_135, %dma_start3A_136] : memref<32x40x2x125xi32, #tpu.memory_space<hbm>> -> memref<1x1x2x125xi32, #tpu.memory_space<hbm>>
        %dma_start3A_138 = tpu.memref_squeeze %dma_start3A_137 : memref<1x1x2x125xi32, #tpu.memory_space<hbm>> -> memref<2x125xi32, #tpu.memory_space<hbm>>
        %dma_start3A_139 = arith.constant 0 : i32
        %dma_start3A_140 = arith.constant 0 : i32
        %dma_start3A_141 = tpu.memref_slice %arg4[%add3A, %add3A_126, %dma_start3A_139, %dma_start3A_140] : memref<32x40x2x125xi32, #tpu.memory_space<hbm>> -> memref<1x1x2x125xi32, #tpu.memory_space<hbm>>
        %dma_start3A_142 = tpu.memref_squeeze %dma_start3A_141 : memref<1x1x2x125xi32, #tpu.memory_space<hbm>> -> memref<2x125xi32, #tpu.memory_space<hbm>>
        tpu.enqueue_dma source(%dma_start3A_142 : memref<2x125xi32, #tpu.memory_space<hbm>>) target(%arg10 : memref<2x125xi32, #tpu.memory_space<vmem>>) target_semaphore(%arg16 : memref<!tpu.dma_semaphore, #tpu.memory_space<semaphore_mem>>)
      } else {
      }
    }
    %scan3A_32 = arith.constant 20 : i32
    %barrier3A_33 = arith.constant 0 : index
    tpu.barrier barrier_id(%barrier3A_33)
    %mul3A_34 = arith.constant 640 : i32
    %mul3A_35 = arith.muli %arg1, %mul3A_34 : i32
    %mul3A_36 = arith.constant 640 : i32
    %mul3A_37 = arith.muli %arg1, %mul3A_36 : i32
    "tpu.region"() ({
      %run_scoped3A_38 = tpu.sem_alloc : memref<!tpu.dma_semaphore, #tpu.memory_space<semaphore_mem>>
      %dma_start3A_39 = arith.constant 0 : i32
      %dma_start3A_40 = tpu.memref_slice %arg6[%arg0, %mul3A_37, %dma_start3A_39] : memref<2x10240x128xf32, #tpu.memory_space<hbm>> -> memref<1x640x128xf32, #tpu.memory_space<hbm>>
      %dma_start3A_41 = tpu.memref_squeeze %dma_start3A_40 : memref<1x640x128xf32, #tpu.memory_space<hbm>> -> memref<640x128xf32, #tpu.memory_space<hbm>>
      %dma_start3A_42 = arith.constant 0 : i32
      %dma_start3A_43 = tpu.memref_slice %arg13[%mul3A_35, %dma_start3A_42] : memref<10240x128xf32, #tpu.memory_space<vmem_shared>> -> memref<640x128xf32, #tpu.memory_space<vmem_shared>>
      tpu.enqueue_dma source(%dma_start3A_43 : memref<640x128xf32, #tpu.memory_space<vmem_shared>>) target(%dma_start3A_41 : memref<640x128xf32, #tpu.memory_space<hbm>>) target_semaphore(%run_scoped3A_38 : memref<!tpu.dma_semaphore, #tpu.memory_space<semaphore_mem>>)
      %dma_wait3A = arith.constant 0 : i32
      %dma_wait3A_44 = tpu.memref_slice %arg6[%arg0, %mul3A_37, %dma_wait3A] : memref<2x10240x128xf32, #tpu.memory_space<hbm>> -> memref<1x640x128xf32, #tpu.memory_space<hbm>>
      %dma_wait3A_45 = tpu.memref_squeeze %dma_wait3A_44 : memref<1x640x128xf32, #tpu.memory_space<hbm>> -> memref<640x128xf32, #tpu.memory_space<hbm>>
      %dma_wait3A_46 = arith.constant 0 : i32
      %dma_wait3A_47 = tpu.memref_slice %arg13[%mul3A_35, %dma_wait3A_46] : memref<10240x128xf32, #tpu.memory_space<vmem_shared>> -> memref<640x128xf32, #tpu.memory_space<vmem_shared>>
      tpu.wait_dma2 semaphore(%run_scoped3A_38 : memref<!tpu.dma_semaphore, #tpu.memory_space<semaphore_mem>>) src(%dma_wait3A_47 : memref<640x128xf32, #tpu.memory_space<vmem_shared>>) dst(%dma_wait3A_45 : memref<640x128xf32, #tpu.memory_space<hbm>>)
      tpu.yield
    }) : () -> ()
    return
  }
}

#map = affine_map<(d0, d1) -> (0)>
#map1 = affine_map<(d0, d1) -> (0, 0, 0)>
module attributes {stable_mosaic.version = 14 : i64} {
  func.func @k(%arg0: i32, %arg1: i32, %arg2: memref<320000xi32, #tpu.memory_space<hbm>>, %arg3: memref<2x80x128xf32, #tpu.memory_space<hbm>>, %arg4: memref<10000xi32, #tpu.memory_space<vmem>>, %arg5: memref<80x128xf32, #tpu.memory_space<vmem>>, %arg6: memref<80xi32, #tpu.memory_space<vmem>>, %arg7: memref<80x128xf32, #tpu.memory_space<vmem_shared>>) attributes {dimension_semantics = [#tpu.dimension_semantics<core_parallel>, #tpu.dimension_semantics<subcore_parallel>], iteration_bounds = array<i64: 2, 16>, scalar_prefetch = 0 : i64, scratch_operands = 4 : i64, tpu.core_type = #tpu.core_type<sc_vector_subcore>, window_params = [{transform_indices = #map}, {transform_indices = #map1}]} {
    %mul3A = arith.constant 2 : i32
    %mul3A_0 = arith.muli %arg1, %mul3A : i32
    %add3A = arith.addi %mul3A_0, %arg0 : i32
    %broadcast_in_dim3A = arith.constant 0.000000e+00 : f32
    %broadcast_in_dim3A_1 = vector.broadcast %broadcast_in_dim3A : f32 to vector<16xf32>
    %broadcast_in_dim3A_2 = arith.constant 1.000000e+00 : f32
    %broadcast_in_dim3A_3 = vector.broadcast %broadcast_in_dim3A_2 : f32 to vector<16xf32>
    %iota3A = tpu.iota {dimensions = array<i32: 0>} : vector<16xi32>
    %scan3A = arith.constant 0 : i32
    %scan3A_4 = arith.constant 0 : i32
    %scan3A_5 = arith.constant 640 : i32
    %scan3A_6 = arith.addi %scan3A_4, %scan3A_5 : i32
    %scan3A_7 = arith.constant 1 : i32
    scf.for %scan3A_49 = %scan3A_4 to %scan3A_6 step %scan3A_7  : i32 {
      %jit3A = arith.constant 8 : i32
      %div3A = arith.divsi %scan3A_49, %jit3A : i32
      %sign3A = arith.constant 0 : i32
      %sign3A_50 = arith.cmpi sgt, %scan3A_49, %sign3A : i32
      %sign3A_51 = arith.extui %sign3A_50 : i1 to i32
      %sign3A_52 = arith.constant 0 : i32
      %sign3A_53 = arith.cmpi slt, %scan3A_49, %sign3A_52 : i32
      %sign3A_54 = arith.extui %sign3A_53 : i1 to i32
      %sign3A_55 = arith.subi %sign3A_51, %sign3A_54 : i32
      %sign3A_56 = arith.constant 0 : i32
      %sign3A_57 = arith.cmpi sgt, %jit3A, %sign3A_56 : i32
      %sign3A_58 = arith.extui %sign3A_57 : i1 to i32
      %sign3A_59 = arith.constant 0 : i32
      %sign3A_60 = arith.cmpi slt, %jit3A, %sign3A_59 : i32
      %sign3A_61 = arith.extui %sign3A_60 : i1 to i32
      %sign3A_62 = arith.subi %sign3A_58, %sign3A_61 : i32
      %ne3A = arith.cmpi ne, %sign3A_55, %sign3A_62 : i32
      %rem3A = arith.remsi %scan3A_49, %jit3A : i32
      %ne3A_63 = arith.constant 0 : i32
      %ne3A_64 = arith.cmpi ne, %rem3A, %ne3A_63 : i32
      %and3A = arith.andi %ne3A, %ne3A_64 : i1
      %sub3A = arith.constant 1 : i32
      %sub3A_65 = arith.subi %div3A, %sub3A : i32
      %select_n3A = arith.select %and3A, %sub3A_65, %div3A : i32
      %jit3A_66 = arith.constant 8 : i32
      %eq3A = arith.constant 0 : i32
      %eq3A_67 = arith.cmpi eq, %jit3A_66, %eq3A : i32
      %jit3A_68 = arith.constant 1 : i32
      %select_n3A_69 = arith.select %eq3A_67, %jit3A_68, %jit3A_66 : i32
      %rem3A_70 = arith.remsi %scan3A_49, %select_n3A_69 : i32
      %ne3A_71 = arith.constant 0 : i32
      %ne3A_72 = arith.cmpi ne, %rem3A_70, %ne3A_71 : i32
      %lt3A_73 = arith.constant 0 : i32
      %lt3A_74 = arith.cmpi slt, %rem3A_70, %lt3A_73 : i32
      %lt3A_75 = arith.constant 0 : i32
      %lt3A_76 = arith.cmpi slt, %select_n3A_69, %lt3A_75 : i32
      %ne3A_77 = arith.xori %lt3A_74, %lt3A_76 : i1
      %and3A_78 = arith.andi %ne3A_77, %ne3A_72 : i1
      %add3A_79 = arith.addi %rem3A_70, %select_n3A_69 : i32
      %select_n3A_80 = arith.select %and3A_78, %add3A_79, %rem3A_70 : i32
      %mul3A_81 = arith.constant 16 : i32
      %mul3A_82 = arith.muli %select_n3A_80, %mul3A_81 : i32
      %swap3A_83 = arith.index_cast %select_n3A : i32 to index
      %swap3A_84 = arith.index_cast %mul3A_82 : i32 to index
      %swap3A_85 = tpu.vector_load %arg5[%swap3A_83, %swap3A_84] {strides = array<i32>} : memref<80x128xf32, #tpu.memory_space<vmem>>, vector<16xf32>,
      tpu.vector_store %arg5[%swap3A_83, %swap3A_84], %broadcast_in_dim3A_1 {strides = array<i32>} : memref<80x128xf32, #tpu.memory_space<vmem>>, vector<16xf32>,
    }
    %scan3A_8 = arith.constant 640 : i32
    %add3A_9 = arith.constant 0 : i32
    %add3A_10 = vector.broadcast %add3A_9 : i32 to vector<16xi32>
    %add3A_11 = arith.addi %iota3A, %add3A_10 : vector<16xi32>
    %swap3A = arith.constant 0 : index
    %swap3A_12 = tpu.vector_load %arg6[%swap3A] {strides = array<i32>} : memref<80xi32, #tpu.memory_space<vmem>>, vector<16xi32>,
    tpu.vector_store %arg6[%swap3A], %add3A_11 {strides = array<i32>} : memref<80xi32, #tpu.memory_space<vmem>>, vector<16xi32>,
    %add3A_13 = arith.constant 16 : i32
    %add3A_14 = vector.broadcast %add3A_13 : i32 to vector<16xi32>
    %add3A_15 = arith.addi %iota3A, %add3A_14 : vector<16xi32>
    %swap3A_16 = arith.constant 16 : index
    %swap3A_17 = tpu.vector_load %arg6[%swap3A_16] {strides = array<i32>} : memref<80xi32, #tpu.memory_space<vmem>>, vector<16xi32>,
    tpu.vector_store %arg6[%swap3A_16], %add3A_15 {strides = array<i32>} : memref<80xi32, #tpu.memory_space<vmem>>, vector<16xi32>,
    %add3A_18 = arith.constant 32 : i32
    %add3A_19 = vector.broadcast %add3A_18 : i32 to vector<16xi32>
    %add3A_20 = arith.addi %iota3A, %add3A_19 : vector<16xi32>
    %swap3A_21 = arith.constant 32 : index
    %swap3A_22 = tpu.vector_load %arg6[%swap3A_21] {strides = array<i32>} : memref<80xi32, #tpu.memory_space<vmem>>, vector<16xi32>,
    tpu.vector_store %arg6[%swap3A_21], %add3A_20 {strides = array<i32>} : memref<80xi32, #tpu.memory_space<vmem>>, vector<16xi32>,
    %add3A_23 = arith.constant 48 : i32
    %add3A_24 = vector.broadcast %add3A_23 : i32 to vector<16xi32>
    %add3A_25 = arith.addi %iota3A, %add3A_24 : vector<16xi32>
    %swap3A_26 = arith.constant 48 : index
    %swap3A_27 = tpu.vector_load %arg6[%swap3A_26] {strides = array<i32>} : memref<80xi32, #tpu.memory_space<vmem>>, vector<16xi32>,
    tpu.vector_store %arg6[%swap3A_26], %add3A_25 {strides = array<i32>} : memref<80xi32, #tpu.memory_space<vmem>>, vector<16xi32>,
    %add3A_28 = arith.constant 64 : i32
    %add3A_29 = vector.broadcast %add3A_28 : i32 to vector<16xi32>
    %add3A_30 = arith.addi %iota3A, %add3A_29 : vector<16xi32>
    %swap3A_31 = arith.constant 64 : index
    %swap3A_32 = tpu.vector_load %arg6[%swap3A_31] {strides = array<i32>} : memref<80xi32, #tpu.memory_space<vmem>>, vector<16xi32>,
    tpu.vector_store %arg6[%swap3A_31], %add3A_30 {strides = array<i32>} : memref<80xi32, #tpu.memory_space<vmem>>, vector<16xi32>,
    %lt3A = arith.constant 10 : i32
    %lt3A_33 = arith.cmpi slt, %arg1, %lt3A : i32
    %convert_element_type3A = arith.extui %lt3A_33 : i1 to i32
    %cond3A = arith.constant 0 : i32
    %cond3A_34 = arith.cmpi ne, %convert_element_type3A, %cond3A : i32
    scf.if %cond3A_34 {
      %mul3A_49 = arith.constant 8 : i32
      %mul3A_50 = arith.muli %arg1, %mul3A_49 : i32
      %mul3A_51 = arith.constant 8 : i32
      %mul3A_52 = arith.muli %arg1, %mul3A_51 : i32
      "tpu.region"() ({
        %run_scoped3A = tpu.sem_alloc : memref<!tpu.dma_semaphore, #tpu.memory_space<semaphore_mem>>
        %dma_start3A = arith.constant 0 : i32
        %dma_start3A_53 = tpu.memref_slice %arg5[%mul3A_50, %dma_start3A] : memref<80x128xf32, #tpu.memory_space<vmem>> -> memref<8x128xf32, #tpu.memory_space<vmem>>
        %dma_start3A_54 = arith.constant 0 : i32
        %dma_start3A_55 = tpu.memref_slice %arg7[%mul3A_52, %dma_start3A_54] : memref<80x128xf32, #tpu.memory_space<vmem_shared>> -> memref<8x128xf32, #tpu.memory_space<vmem_shared>>
        %dma_start3A_56 = arith.constant 0 : i32
        %dma_start3A_57 = tpu.memref_slice %arg7[%mul3A_52, %dma_start3A_56] : memref<80x128xf32, #tpu.memory_space<vmem_shared>> -> memref<8x128xf32, #tpu.memory_space<vmem_shared>>
        %dma_start3A_58 = arith.constant 0 : i32
        %dma_start3A_59 = tpu.memref_slice %arg5[%mul3A_50, %dma_start3A_58] : memref<80x128xf32, #tpu.memory_space<vmem>> -> memref<8x128xf32, #tpu.memory_space<vmem>>
        tpu.enqueue_dma source(%dma_start3A_59 : memref<8x128xf32, #tpu.memory_space<vmem>>) target(%dma_start3A_57 : memref<8x128xf32, #tpu.memory_space<vmem_shared>>) target_semaphore(%run_scoped3A : memref<!tpu.dma_semaphore, #tpu.memory_space<semaphore_mem>>)
        %dma_wait3A = arith.constant 0 : i32
        %dma_wait3A_60 = tpu.memref_slice %arg5[%mul3A_50, %dma_wait3A] : memref<80x128xf32, #tpu.memory_space<vmem>> -> memref<8x128xf32, #tpu.memory_space<vmem>>
        %dma_wait3A_61 = arith.constant 0 : i32
        %dma_wait3A_62 = tpu.memref_slice %arg7[%mul3A_52, %dma_wait3A_61] : memref<80x128xf32, #tpu.memory_space<vmem_shared>> -> memref<8x128xf32, #tpu.memory_space<vmem_shared>>
        %dma_wait3A_63 = arith.constant 0 : i32
        %dma_wait3A_64 = tpu.memref_slice %arg7[%mul3A_52, %dma_wait3A_63] : memref<80x128xf32, #tpu.memory_space<vmem_shared>> -> memref<8x128xf32, #tpu.memory_space<vmem_shared>>
        %dma_wait3A_65 = arith.constant 0 : i32
        %dma_wait3A_66 = tpu.memref_slice %arg5[%mul3A_50, %dma_wait3A_65] : memref<80x128xf32, #tpu.memory_space<vmem>> -> memref<8x128xf32, #tpu.memory_space<vmem>>
        tpu.wait_dma2 semaphore(%run_scoped3A : memref<!tpu.dma_semaphore, #tpu.memory_space<semaphore_mem>>) src(%dma_wait3A_66 : memref<8x128xf32, #tpu.memory_space<vmem>>) dst(%dma_wait3A_64 : memref<8x128xf32, #tpu.memory_space<vmem_shared>>)
        tpu.yield
      }) : () -> ()
    } else {
    }
    %mul3A_35 = arith.constant 10000 : i32
    %mul3A_36 = arith.muli %add3A, %mul3A_35 : i32
    "tpu.region"() ({
      %run_scoped3A = tpu.sem_alloc : memref<!tpu.dma_semaphore, #tpu.memory_space<semaphore_mem>>
      %dma_start3A = tpu.memref_slice %arg2[%mul3A_36] : memref<320000xi32, #tpu.memory_space<hbm>> -> memref<10000xi32, #tpu.memory_space<hbm>>
      %dma_start3A_49 = tpu.memref_slice %arg2[%mul3A_36] : memref<320000xi32, #tpu.memory_space<hbm>> -> memref<10000xi32, #tpu.memory_space<hbm>>
      tpu.enqueue_dma source(%dma_start3A_49 : memref<10000xi32, #tpu.memory_space<hbm>>) target(%arg4 : memref<10000xi32, #tpu.memory_space<vmem>>) target_semaphore(%run_scoped3A : memref<!tpu.dma_semaphore, #tpu.memory_space<semaphore_mem>>)
      %dma_wait3A = tpu.memref_slice %arg2[%mul3A_36] : memref<320000xi32, #tpu.memory_space<hbm>> -> memref<10000xi32, #tpu.memory_space<hbm>>
      %dma_wait3A_50 = tpu.memref_slice %arg2[%mul3A_36] : memref<320000xi32, #tpu.memory_space<hbm>> -> memref<10000xi32, #tpu.memory_space<hbm>>
      tpu.wait_dma2 semaphore(%run_scoped3A : memref<!tpu.dma_semaphore, #tpu.memory_space<semaphore_mem>>) src(%dma_wait3A_50 : memref<10000xi32, #tpu.memory_space<hbm>>) dst(%arg4 : memref<10000xi32, #tpu.memory_space<vmem>>)
      tpu.yield
    }) : () -> ()
    %barrier3A = arith.constant 0 : index
    tpu.barrier barrier_id(%barrier3A)
    %scan3A_37 = arith.constant 0 : i32
    %scan3A_38 = arith.constant 0 : i32
    %scan3A_39 = arith.constant 625 : i32
    %scan3A_40 = arith.addi %scan3A_38, %scan3A_39 : i32
    %scan3A_41 = arith.constant 1 : i32
    scf.for %scan3A_49 = %scan3A_38 to %scan3A_40 step %scan3A_41  : i32 {
      %mul3A_50 = arith.constant 16 : i32
      %mul3A_51 = arith.muli %scan3A_49, %mul3A_50 : i32
      %get3A = arith.index_cast %mul3A_51 : i32 to index
      %get3A_52 = tpu.vector_load %arg4[%get3A] {strides = array<i32>} : memref<10000xi32, #tpu.memory_space<vmem>>, vector<16xi32>,
      %shift_right_arithmetic3A = arith.constant 7 : i32
      %shift_right_arithmetic3A_53 = vector.broadcast %shift_right_arithmetic3A : i32 to vector<16xi32>
      %shift_right_arithmetic3A_54 = arith.shrsi %get3A_52, %shift_right_arithmetic3A_53 : vector<16xi32>
      %and3A = arith.constant 127 : i32
      %and3A_55 = vector.broadcast %and3A : i32 to vector<16xi32>
      %and3A_56 = arith.andi %get3A_52, %and3A_55 : vector<16xi32>
      tpu.vector_store_idx %arg5[%shift_right_arithmetic3A_54, %and3A_56], %broadcast_in_dim3A_3 {add = true} : memref<80x128xf32, #tpu.memory_space<vmem>>[vector<16xi32>, vector<16xi32>], vector<16xf32>,
    }
    %scan3A_42 = arith.constant 625 : i32
    "tpu.region"() ({
      %run_scoped3A = tpu.sem_alloc : memref<!tpu.dma_semaphore, #tpu.memory_space<semaphore_mem>>
      %dma_start3A = arith.constant 0 : i32
      %dma_start3A_49 = arith.constant 0 : i32
      %dma_start3A_50 = tpu.memref_slice %arg7[%dma_start3A, %dma_start3A_49] : memref<80x128xf32, #tpu.memory_space<vmem_shared>> -> memref<80x128xf32, #tpu.memory_space<vmem_shared>>
      tpu.enqueue_indirect_dma source(%arg5 : memref<80x128xf32, #tpu.memory_space<vmem>>) target(%dma_start3A_50 : memref<80x128xf32, #tpu.memory_space<vmem_shared>>) offsets(%arg6 : memref<80xi32, #tpu.memory_space<vmem>>) semaphore(%run_scoped3A : memref<!tpu.dma_semaphore, #tpu.memory_space<semaphore_mem>>) {add = true}
      %dma_wait3A = arith.constant 0 : i32
      %dma_wait3A_51 = arith.constant 0 : i32
      %dma_wait3A_52 = tpu.memref_slice %arg7[%dma_wait3A, %dma_wait3A_51] : memref<80x128xf32, #tpu.memory_space<vmem_shared>> -> memref<80x128xf32, #tpu.memory_space<vmem_shared>>
      tpu.wait_indirect_dma semaphore(%run_scoped3A : memref<!tpu.dma_semaphore, #tpu.memory_space<semaphore_mem>>) src(%arg5 : memref<80x128xf32, #tpu.memory_space<vmem>>) dst(%dma_wait3A_52 : memref<80x128xf32, #tpu.memory_space<vmem_shared>>)
      tpu.yield
    }) : () -> ()
    %barrier3A_43 = arith.constant 0 : index
    tpu.barrier barrier_id(%barrier3A_43)
    %lt3A_44 = arith.constant 10 : i32
    %lt3A_45 = arith.cmpi slt, %arg1, %lt3A_44 : i32
    %convert_element_type3A_46 = arith.extui %lt3A_45 : i1 to i32
    %cond3A_47 = arith.constant 0 : i32
    %cond3A_48 = arith.cmpi ne, %convert_element_type3A_46, %cond3A_47 : i32
    scf.if %cond3A_48 {
      %mul3A_49 = arith.constant 8 : i32
      %mul3A_50 = arith.muli %arg1, %mul3A_49 : i32
      %mul3A_51 = arith.constant 8 : i32
      %mul3A_52 = arith.muli %arg1, %mul3A_51 : i32
      "tpu.region"() ({
        %run_scoped3A = tpu.sem_alloc : memref<!tpu.dma_semaphore, #tpu.memory_space<semaphore_mem>>
        %dma_start3A = arith.constant 0 : i32
        %dma_start3A_53 = tpu.memref_slice %arg3[%arg0, %mul3A_52, %dma_start3A] : memref<2x80x128xf32, #tpu.memory_space<hbm>> -> memref<1x8x128xf32, #tpu.memory_space<hbm>>
        %dma_start3A_54 = tpu.memref_squeeze %dma_start3A_53 : memref<1x8x128xf32, #tpu.memory_space<hbm>> -> memref<8x128xf32, #tpu.memory_space<hbm>>
        %dma_start3A_55 = arith.constant 0 : i32
        %dma_start3A_56 = tpu.memref_slice %arg7[%mul3A_50, %dma_start3A_55] : memref<80x128xf32, #tpu.memory_space<vmem_shared>> -> memref<8x128xf32, #tpu.memory_space<vmem_shared>>
        tpu.enqueue_dma source(%dma_start3A_56 : memref<8x128xf32, #tpu.memory_space<vmem_shared>>) target(%dma_start3A_54 : memref<8x128xf32, #tpu.memory_space<hbm>>) target_semaphore(%run_scoped3A : memref<!tpu.dma_semaphore, #tpu.memory_space<semaphore_mem>>)
        %dma_wait3A = arith.constant 0 : i32
        %dma_wait3A_57 = tpu.memref_slice %arg3[%arg0, %mul3A_52, %dma_wait3A] : memref<2x80x128xf32, #tpu.memory_space<hbm>> -> memref<1x8x128xf32, #tpu.memory_space<hbm>>
        %dma_wait3A_58 = tpu.memref_squeeze %dma_wait3A_57 : memref<1x8x128xf32, #tpu.memory_space<hbm>> -> memref<8x128xf32, #tpu.memory_space<hbm>>
        %dma_wait3A_59 = arith.constant 0 : i32
        %dma_wait3A_60 = tpu.memref_slice %arg7[%mul3A_50, %dma_wait3A_59] : memref<80x128xf32, #tpu.memory_space<vmem_shared>> -> memref<8x128xf32, #tpu.memory_space<vmem_shared>>
        tpu.wait_dma2 semaphore(%run_scoped3A : memref<!tpu.dma_semaphore, #tpu.memory_space<semaphore_mem>>) src(%dma_wait3A_60 : memref<8x128xf32, #tpu.memory_space<vmem_shared>>) dst(%dma_wait3A_58 : memref<8x128xf32, #tpu.memory_space<hbm>>)
        tpu.yield
      }) : () -> ()
    } else {
    }
    return
  }
}

#map = affine_map<(d0, d1) -> (0, 0)>
#map1 = affine_map<(d0, d1) -> (0, 0, 0, 0)>
#map2 = affine_map<(d0, d1) -> (0, 0, 0)>
module attributes {stable_mosaic.version = 14 : i64} {
  func.func @k(%arg0: i32, %arg1: i32, %arg2: memref<10000x128xf32, #tpu.memory_space<hbm>>, %arg3: memref<32x40x2x125xi32, #tpu.memory_space<hbm>>, %arg4: memref<32x40x2x125xi32, #tpu.memory_space<hbm>>, %arg5: memref<640x128xf32, #tpu.memory_space<hbm>>, %arg6: memref<2x10240x128xf32, #tpu.memory_space<hbm>>, %arg7: memref<2x125xi32, #tpu.memory_space<vmem>>, %arg8: memref<2x125xi32, #tpu.memory_space<vmem>>, %arg9: memref<2x125xi32, #tpu.memory_space<vmem>>, %arg10: memref<2x125xi32, #tpu.memory_space<vmem>>, %arg11: memref<125x128xf32, #tpu.memory_space<vmem>>, %arg12: memref<125x128xf32, #tpu.memory_space<vmem>>, %arg13: memref<10240x128xf32, #tpu.memory_space<vmem_shared>>, %arg14: memref<!tpu.dma_semaphore, #tpu.memory_space<semaphore_mem>>, %arg15: memref<!tpu.dma_semaphore, #tpu.memory_space<semaphore_mem>>, %arg16: memref<!tpu.dma_semaphore, #tpu.memory_space<semaphore_mem>>) attributes {dimension_semantics = [#tpu.dimension_semantics<core_parallel>, #tpu.dimension_semantics<subcore_parallel>], iteration_bounds = array<i64: 2, 16>, scalar_prefetch = 0 : i64, scratch_operands = 10 : i64, tpu.core_type = #tpu.core_type<sc_vector_subcore>, window_params = [{transform_indices = #map}, {transform_indices = #map1}, {transform_indices = #map1}, {transform_indices = #map}, {transform_indices = #map2}]} {
    %mul3A = arith.constant 2 : i32
    %mul3A_0 = arith.muli %arg1, %mul3A : i32
    %add3A = arith.addi %mul3A_0, %arg0 : i32
    %mul3A_1 = arith.constant 640 : i32
    %mul3A_2 = arith.muli %arg1, %mul3A_1 : i32
    "tpu.region"() ({
      %run_scoped3A_38 = tpu.sem_alloc : memref<!tpu.dma_semaphore, #tpu.memory_space<semaphore_mem>>
      %dma_start3A_39 = arith.constant 0 : i32
      %dma_start3A_40 = tpu.memref_slice %arg13[%mul3A_2, %dma_start3A_39] : memref<10240x128xf32, #tpu.memory_space<vmem_shared>> -> memref<640x128xf32, #tpu.memory_space<vmem_shared>>
      tpu.enqueue_dma source(%arg5 : memref<640x128xf32, #tpu.memory_space<hbm>>) target(%dma_start3A_40 : memref<640x128xf32, #tpu.memory_space<vmem_shared>>) target_semaphore(%run_scoped3A_38 : memref<!tpu.dma_semaphore, #tpu.memory_space<semaphore_mem>>)
      %dma_wait3A = arith.constant 0 : i32
      %dma_wait3A_41 = tpu.memref_slice %arg13[%mul3A_2, %dma_wait3A] : memref<10240x128xf32, #tpu.memory_space<vmem_shared>> -> memref<640x128xf32, #tpu.memory_space<vmem_shared>>
      tpu.wait_dma2 semaphore(%run_scoped3A_38 : memref<!tpu.dma_semaphore, #tpu.memory_space<semaphore_mem>>) src(%arg5 : memref<640x128xf32, #tpu.memory_space<hbm>>) dst(%dma_wait3A_41 : memref<640x128xf32, #tpu.memory_space<vmem_shared>>)
      tpu.yield
    }) : () -> ()
    %run_scoped3A = arith.constant 0 : i32
    "tpu.region"() ({
      %run_scoped3A_38 = tpu.sem_alloc : memref<!tpu.dma_semaphore, #tpu.memory_space<semaphore_mem>>
      %dma_start3A_39 = arith.constant 0 : i32
      %dma_start3A_40 = arith.constant 0 : i32
      %dma_start3A_41 = tpu.memref_slice %arg3[%add3A, %run_scoped3A, %dma_start3A_39, %dma_start3A_40] : memref<32x40x2x125xi32, #tpu.memory_space<hbm>> -> memref<1x1x2x125xi32, #tpu.memory_space<hbm>>
      %dma_start3A_42 = tpu.memref_squeeze %dma_start3A_41 : memref<1x1x2x125xi32, #tpu.memory_space<hbm>> -> memref<2x125xi32, #tpu.memory_space<hbm>>
      %dma_start3A_43 = arith.constant 0 : i32
      %dma_start3A_44 = arith.constant 0 : i32
      %dma_start3A_45 = tpu.memref_slice %arg3[%add3A, %run_scoped3A, %dma_start3A_43, %dma_start3A_44] : memref<32x40x2x125xi32, #tpu.memory_space<hbm>> -> memref<1x1x2x125xi32, #tpu.memory_space<hbm>>
      %dma_start3A_46 = tpu.memref_squeeze %dma_start3A_45 : memref<1x1x2x125xi32, #tpu.memory_space<hbm>> -> memref<2x125xi32, #tpu.memory_space<hbm>>
      tpu.enqueue_dma source(%dma_start3A_46 : memref<2x125xi32, #tpu.memory_space<hbm>>) target(%arg7 : memref<2x125xi32, #tpu.memory_space<vmem>>) target_semaphore(%run_scoped3A_38 : memref<!tpu.dma_semaphore, #tpu.memory_space<semaphore_mem>>)
      %dma_wait3A = arith.constant 0 : i32
      %dma_wait3A_47 = arith.constant 0 : i32
      %dma_wait3A_48 = tpu.memref_slice %arg3[%add3A, %run_scoped3A, %dma_wait3A, %dma_wait3A_47] : memref<32x40x2x125xi32, #tpu.memory_space<hbm>> -> memref<1x1x2x125xi32, #tpu.memory_space<hbm>>
      %dma_wait3A_49 = tpu.memref_squeeze %dma_wait3A_48 : memref<1x1x2x125xi32, #tpu.memory_space<hbm>> -> memref<2x125xi32, #tpu.memory_space<hbm>>
      %dma_wait3A_50 = arith.constant 0 : i32
      %dma_wait3A_51 = arith.constant 0 : i32
      %dma_wait3A_52 = tpu.memref_slice %arg3[%add3A, %run_scoped3A, %dma_wait3A_50, %dma_wait3A_51] : memref<32x40x2x125xi32, #tpu.memory_space<hbm>> -> memref<1x1x2x125xi32, #tpu.memory_space<hbm>>
      %dma_wait3A_53 = tpu.memref_squeeze %dma_wait3A_52 : memref<1x1x2x125xi32, #tpu.memory_space<hbm>> -> memref<2x125xi32, #tpu.memory_space<hbm>>
      tpu.wait_dma2 semaphore(%run_scoped3A_38 : memref<!tpu.dma_semaphore, #tpu.memory_space<semaphore_mem>>) src(%dma_wait3A_53 : memref<2x125xi32, #tpu.memory_space<hbm>>) dst(%arg7 : memref<2x125xi32, #tpu.memory_space<vmem>>)
      tpu.yield
    }) : () -> ()
    %run_scoped3A_3 = arith.constant 0 : i32
    "tpu.region"() ({
      %run_scoped3A_38 = tpu.sem_alloc : memref<!tpu.dma_semaphore, #tpu.memory_space<semaphore_mem>>
      %dma_start3A_39 = arith.constant 0 : i32
      %dma_start3A_40 = arith.constant 0 : i32
      %dma_start3A_41 = tpu.memref_slice %arg4[%add3A, %run_scoped3A_3, %dma_start3A_39, %dma_start3A_40] : memref<32x40x2x125xi32, #tpu.memory_space<hbm>> -> memref<1x1x2x125xi32, #tpu.memory_space<hbm>>
      %dma_start3A_42 = tpu.memref_squeeze %dma_start3A_41 : memref<1x1x2x125xi32, #tpu.memory_space<hbm>> -> memref<2x125xi32, #tpu.memory_space<hbm>>
      %dma_start3A_43 = arith.constant 0 : i32
      %dma_start3A_44 = arith.constant 0 : i32
      %dma_start3A_45 = tpu.memref_slice %arg4[%add3A, %run_scoped3A_3, %dma_start3A_43, %dma_start3A_44] : memref<32x40x2x125xi32, #tpu.memory_space<hbm>> -> memref<1x1x2x125xi32, #tpu.memory_space<hbm>>
      %dma_start3A_46 = tpu.memref_squeeze %dma_start3A_45 : memref<1x1x2x125xi32, #tpu.memory_space<hbm>> -> memref<2x125xi32, #tpu.memory_space<hbm>>
      tpu.enqueue_dma source(%dma_start3A_46 : memref<2x125xi32, #tpu.memory_space<hbm>>) target(%arg8 : memref<2x125xi32, #tpu.memory_space<vmem>>) target_semaphore(%run_scoped3A_38 : memref<!tpu.dma_semaphore, #tpu.memory_space<semaphore_mem>>)
      %dma_wait3A = arith.constant 0 : i32
      %dma_wait3A_47 = arith.constant 0 : i32
      %dma_wait3A_48 = tpu.memref_slice %arg4[%add3A, %run_scoped3A_3, %dma_wait3A, %dma_wait3A_47] : memref<32x40x2x125xi32, #tpu.memory_space<hbm>> -> memref<1x1x2x125xi32, #tpu.memory_space<hbm>>
      %dma_wait3A_49 = tpu.memref_squeeze %dma_wait3A_48 : memref<1x1x2x125xi32, #tpu.memory_space<hbm>> -> memref<2x125xi32, #tpu.memory_space<hbm>>
      %dma_wait3A_50 = arith.constant 0 : i32
      %dma_wait3A_51 = arith.constant 0 : i32
      %dma_wait3A_52 = tpu.memref_slice %arg4[%add3A, %run_scoped3A_3, %dma_wait3A_50, %dma_wait3A_51] : memref<32x40x2x125xi32, #tpu.memory_space<hbm>> -> memref<1x1x2x125xi32, #tpu.memory_space<hbm>>
      %dma_wait3A_53 = tpu.memref_squeeze %dma_wait3A_52 : memref<1x1x2x125xi32, #tpu.memory_space<hbm>> -> memref<2x125xi32, #tpu.memory_space<hbm>>
      tpu.wait_dma2 semaphore(%run_scoped3A_38 : memref<!tpu.dma_semaphore, #tpu.memory_space<semaphore_mem>>) src(%dma_wait3A_53 : memref<2x125xi32, #tpu.memory_space<hbm>>) dst(%arg8 : memref<2x125xi32, #tpu.memory_space<vmem>>)
      tpu.yield
    }) : () -> ()
    %dma_start3A = arith.constant 1 : i32
    %dma_start3A_4 = arith.constant 0 : i32
    %dma_start3A_5 = arith.constant 0 : i32
    %dma_start3A_6 = tpu.memref_slice %arg3[%add3A, %dma_start3A, %dma_start3A_4, %dma_start3A_5] : memref<32x40x2x125xi32, #tpu.memory_space<hbm>> -> memref<1x1x2x125xi32, #tpu.memory_space<hbm>>
    %dma_start3A_7 = tpu.memref_squeeze %dma_start3A_6 : memref<1x1x2x125xi32, #tpu.memory_space<hbm>> -> memref<2x125xi32, #tpu.memory_space<hbm>>
    %dma_start3A_8 = arith.constant 0 : i32
    %dma_start3A_9 = arith.constant 0 : i32
    %dma_start3A_10 = tpu.memref_slice %arg3[%add3A, %dma_start3A, %dma_start3A_8, %dma_start3A_9] : memref<32x40x2x125xi32, #tpu.memory_space<hbm>> -> memref<1x1x2x125xi32, #tpu.memory_space<hbm>>
    %dma_start3A_11 = tpu.memref_squeeze %dma_start3A_10 : memref<1x1x2x125xi32, #tpu.memory_space<hbm>> -> memref<2x125xi32, #tpu.memory_space<hbm>>
    tpu.enqueue_dma source(%dma_start3A_11 : memref<2x125xi32, #tpu.memory_space<hbm>>) target(%arg9 : memref<2x125xi32, #tpu.memory_space<vmem>>) target_semaphore(%arg16 : memref<!tpu.dma_semaphore, #tpu.memory_space<semaphore_mem>>)
    %dma_start3A_12 = arith.constant 1 : i32
    %dma_start3A_13 = arith.constant 0 : i32
    %dma_start3A_14 = arith.constant 0 : i32
    %dma_start3A_15 = tpu.memref_slice %arg4[%add3A, %dma_start3A_12, %dma_start3A_13, %dma_start3A_14] : memref<32x40x2x125xi32, #tpu.memory_space<hbm>> -> memref<1x1x2x125xi32, #tpu.memory_space<hbm>>
    %dma_start3A_16 = tpu.memref_squeeze %dma_start3A_15 : memref<1x1x2x125xi32, #tpu.memory_space<hbm>> -> memref<2x125xi32, #tpu.memory_space<hbm>>
    %dma_start3A_17 = arith.constant 0 : i32
    %dma_start3A_18 = arith.constant 0 : i32
    %dma_start3A_19 = tpu.memref_slice %arg4[%add3A, %dma_start3A_12, %dma_start3A_17, %dma_start3A_18] : memref<32x40x2x125xi32, #tpu.memory_space<hbm>> -> memref<1x1x2x125xi32, #tpu.memory_space<hbm>>
    %dma_start3A_20 = tpu.memref_squeeze %dma_start3A_19 : memref<1x1x2x125xi32, #tpu.memory_space<hbm>> -> memref<2x125xi32, #tpu.memory_space<hbm>>
    tpu.enqueue_dma source(%dma_start3A_20 : memref<2x125xi32, #tpu.memory_space<hbm>>) target(%arg10 : memref<2x125xi32, #tpu.memory_space<vmem>>) target_semaphore(%arg16 : memref<!tpu.dma_semaphore, #tpu.memory_space<semaphore_mem>>)
    %dma_start3A_21 = arith.constant 0 : i32
    %dma_start3A_22 = arith.constant 0 : i32
    %dma_start3A_23 = tpu.memref_slice %arg7[%dma_start3A_21, %dma_start3A_22] : memref<2x125xi32, #tpu.memory_space<vmem>> -> memref<1x125xi32, #tpu.memory_space<vmem>>
    %dma_start3A_24 = tpu.memref_squeeze %dma_start3A_23 : memref<1x125xi32, #tpu.memory_space<vmem>> -> memref<125xi32, #tpu.memory_space<vmem>>
    %dma_start3A_25 = arith.constant 0 : i32
    %dma_start3A_26 = arith.constant 0 : i32
    %dma_start3A_27 = tpu.memref_slice %arg2[%dma_start3A_25, %dma_start3A_26] : memref<10000x128xf32, #tpu.memory_space<hbm>> -> memref<10000x128xf32, #tpu.memory_space<hbm>>
    tpu.enqueue_indirect_dma source(%dma_start3A_27 : memref<10000x128xf32, #tpu.memory_space<hbm>>) target(%arg11 : memref<125x128xf32, #tpu.memory_space<vmem>>) offsets(%dma_start3A_24 : memref<125xi32, #tpu.memory_space<vmem>>) semaphore(%arg14 : memref<!tpu.dma_semaphore, #tpu.memory_space<semaphore_mem>>)
    %barrier3A = arith.constant 0 : index
    tpu.barrier barrier_id(%barrier3A)
    %scan3A = arith.constant 0 : i32
    %scan3A_28 = arith.constant 0 : i32
    %scan3A_29 = arith.constant 20 : i32
    %scan3A_30 = arith.addi %scan3A_28, %scan3A_29 : i32
    %scan3A_31 = arith.constant 1 : i32
    scf.for %scan3A_38 = %scan3A_28 to %scan3A_30 step %scan3A_31  : i32 {
      %dma_start3A_39 = arith.constant 1 : i32
      %dma_start3A_40 = arith.constant 0 : i32
      %dma_start3A_41 = tpu.memref_slice %arg7[%dma_start3A_39, %dma_start3A_40] : memref<2x125xi32, #tpu.memory_space<vmem>> -> memref<1x125xi32, #tpu.memory_space<vmem>>
      %dma_start3A_42 = tpu.memref_squeeze %dma_start3A_41 : memref<1x125xi32, #tpu.memory_space<vmem>> -> memref<125xi32, #tpu.memory_space<vmem>>
      %dma_start3A_43 = arith.constant 0 : i32
      %dma_start3A_44 = arith.constant 0 : i32
      %dma_start3A_45 = tpu.memref_slice %arg2[%dma_start3A_43, %dma_start3A_44] : memref<10000x128xf32, #tpu.memory_space<hbm>> -> memref<10000x128xf32, #tpu.memory_space<hbm>>
      tpu.enqueue_indirect_dma source(%dma_start3A_45 : memref<10000x128xf32, #tpu.memory_space<hbm>>) target(%arg12 : memref<125x128xf32, #tpu.memory_space<vmem>>) offsets(%dma_start3A_42 : memref<125xi32, #tpu.memory_space<vmem>>) semaphore(%arg15 : memref<!tpu.dma_semaphore, #tpu.memory_space<semaphore_mem>>)
      %dma_wait3A = arith.constant 0 : i32
      %dma_wait3A_46 = arith.constant 0 : i32
      %dma_wait3A_47 = tpu.memref_slice %arg7[%dma_wait3A, %dma_wait3A_46] : memref<2x125xi32, #tpu.memory_space<vmem>> -> memref<1x125xi32, #tpu.memory_space<vmem>>
      %dma_wait3A_48 = tpu.memref_squeeze %dma_wait3A_47 : memref<1x125xi32, #tpu.memory_space<vmem>> -> memref<125xi32, #tpu.memory_space<vmem>>
      %dma_wait3A_49 = arith.constant 0 : i32
      %dma_wait3A_50 = arith.constant 0 : i32
      %dma_wait3A_51 = tpu.memref_slice %arg2[%dma_wait3A_49, %dma_wait3A_50] : memref<10000x128xf32, #tpu.memory_space<hbm>> -> memref<10000x128xf32, #tpu.memory_space<hbm>>
      tpu.wait_indirect_dma semaphore(%arg14 : memref<!tpu.dma_semaphore, #tpu.memory_space<semaphore_mem>>) src(%dma_wait3A_51 : memref<10000x128xf32, #tpu.memory_space<hbm>>) dst(%arg11 : memref<125x128xf32, #tpu.memory_space<vmem>>)
      %run_scoped3A_52 = arith.constant 0 : i32
      "tpu.region"() ({
        %run_scoped3A_123 = tpu.sem_alloc : memref<!tpu.dma_semaphore, #tpu.memory_space<semaphore_mem>>
        %dma_start3A_124 = arith.constant 0 : i32
        %dma_start3A_125 = tpu.memref_slice %arg8[%run_scoped3A_52, %dma_start3A_124] : memref<2x125xi32, #tpu.memory_space<vmem>> -> memref<1x125xi32, #tpu.memory_space<vmem>>
        %dma_start3A_126 = tpu.memref_squeeze %dma_start3A_125 : memref<1x125xi32, #tpu.memory_space<vmem>> -> memref<125xi32, #tpu.memory_space<vmem>>
        %dma_start3A_127 = arith.constant 0 : i32
        %dma_start3A_128 = arith.constant 0 : i32
        %dma_start3A_129 = tpu.memref_slice %arg13[%dma_start3A_127, %dma_start3A_128] : memref<10240x128xf32, #tpu.memory_space<vmem_shared>> -> memref<10240x128xf32, #tpu.memory_space<vmem_shared>>
        tpu.enqueue_indirect_dma source(%arg11 : memref<125x128xf32, #tpu.memory_space<vmem>>) target(%dma_start3A_129 : memref<10240x128xf32, #tpu.memory_space<vmem_shared>>) offsets(%dma_start3A_126 : memref<125xi32, #tpu.memory_space<vmem>>) semaphore(%run_scoped3A_123 : memref<!tpu.dma_semaphore, #tpu.memory_space<semaphore_mem>>) {add = true}
        %dma_wait3A_130 = arith.constant 0 : i32
        %dma_wait3A_131 = tpu.memref_slice %arg8[%run_scoped3A_52, %dma_wait3A_130] : memref<2x125xi32, #tpu.memory_space<vmem>> -> memref<1x125xi32, #tpu.memory_space<vmem>>
        %dma_wait3A_132 = tpu.memref_squeeze %dma_wait3A_131 : memref<1x125xi32, #tpu.memory_space<vmem>> -> memref<125xi32, #tpu.memory_space<vmem>>
        %dma_wait3A_133 = arith.constant 0 : i32
        %dma_wait3A_134 = arith.constant 0 : i32
        %dma_wait3A_135 = tpu.memref_slice %arg13[%dma_wait3A_133, %dma_wait3A_134] : memref<10240x128xf32, #tpu.memory_space<vmem_shared>> -> memref<10240x128xf32, #tpu.memory_space<vmem_shared>>
        tpu.wait_indirect_dma semaphore(%run_scoped3A_123 : memref<!tpu.dma_semaphore, #tpu.memory_space<semaphore_mem>>) src(%arg11 : memref<125x128xf32, #tpu.memory_space<vmem>>) dst(%dma_wait3A_135 : memref<10240x128xf32, #tpu.memory_space<vmem_shared>>)
        tpu.yield
      }) : () -> ()
      %mul3A_53 = arith.constant 2 : i32
      %mul3A_54 = arith.muli %mul3A_53, %scan3A_38 : i32
      %add3A_55 = arith.constant 1 : i32
      %add3A_56 = arith.addi %mul3A_54, %add3A_55 : i32
      %dma_wait3A_57 = arith.constant 0 : i32
      %dma_wait3A_58 = arith.constant 0 : i32
      %dma_wait3A_59 = tpu.memref_slice %arg3[%add3A, %add3A_56, %dma_wait3A_57, %dma_wait3A_58] : memref<32x40x2x125xi32, #tpu.memory_space<hbm>> -> memref<1x1x2x125xi32, #tpu.memory_space<hbm>>
      %dma_wait3A_60 = tpu.memref_squeeze %dma_wait3A_59 : memref<1x1x2x125xi32, #tpu.memory_space<hbm>> -> memref<2x125xi32, #tpu.memory_space<hbm>>
      %dma_wait3A_61 = arith.constant 0 : i32
      %dma_wait3A_62 = arith.constant 0 : i32
      %dma_wait3A_63 = tpu.memref_slice %arg3[%add3A, %add3A_56, %dma_wait3A_61, %dma_wait3A_62] : memref<32x40x2x125xi32, #tpu.memory_space<hbm>> -> memref<1x1x2x125xi32, #tpu.memory_space<hbm>>
      %dma_wait3A_64 = tpu.memref_squeeze %dma_wait3A_63 : memref<1x1x2x125xi32, #tpu.memory_space<hbm>> -> memref<2x125xi32, #tpu.memory_space<hbm>>
      tpu.wait_dma2 semaphore(%arg16 : memref<!tpu.dma_semaphore, #tpu.memory_space<semaphore_mem>>) src(%dma_wait3A_64 : memref<2x125xi32, #tpu.memory_space<hbm>>) dst(%arg9 : memref<2x125xi32, #tpu.memory_space<vmem>>)
      %dma_wait3A_65 = arith.constant 0 : i32
      %dma_wait3A_66 = arith.constant 0 : i32
      %dma_wait3A_67 = tpu.memref_slice %arg4[%add3A, %add3A_56, %dma_wait3A_65, %dma_wait3A_66] : memref<32x40x2x125xi32, #tpu.memory_space<hbm>> -> memref<1x1x2x125xi32, #tpu.memory_space<hbm>>
      %dma_wait3A_68 = tpu.memref_squeeze %dma_wait3A_67 : memref<1x1x2x125xi32, #tpu.memory_space<hbm>> -> memref<2x125xi32, #tpu.memory_space<hbm>>
      %dma_wait3A_69 = arith.constant 0 : i32
      %dma_wait3A_70 = arith.constant 0 : i32
      %dma_wait3A_71 = tpu.memref_slice %arg4[%add3A, %add3A_56, %dma_wait3A_69, %dma_wait3A_70] : memref<32x40x2x125xi32, #tpu.memory_space<hbm>> -> memref<1x1x2x125xi32, #tpu.memory_space<hbm>>
      %dma_wait3A_72 = tpu.memref_squeeze %dma_wait3A_71 : memref<1x1x2x125xi32, #tpu.memory_space<hbm>> -> memref<2x125xi32, #tpu.memory_space<hbm>>
      tpu.wait_dma2 semaphore(%arg16 : memref<!tpu.dma_semaphore, #tpu.memory_space<semaphore_mem>>) src(%dma_wait3A_72 : memref<2x125xi32, #tpu.memory_space<hbm>>) dst(%arg10 : memref<2x125xi32, #tpu.memory_space<vmem>>)
      %dma_start3A_73 = arith.constant 0 : i32
      %dma_start3A_74 = arith.constant 0 : i32
      %dma_start3A_75 = tpu.memref_slice %arg9[%dma_start3A_73, %dma_start3A_74] : memref<2x125xi32, #tpu.memory_space<vmem>> -> memref<1x125xi32, #tpu.memory_space<vmem>>
      %dma_start3A_76 = tpu.memref_squeeze %dma_start3A_75 : memref<1x125xi32, #tpu.memory_space<vmem>> -> memref<125xi32, #tpu.memory_space<vmem>>
      %dma_start3A_77 = arith.constant 0 : i32
      %dma_start3A_78 = arith.constant 0 : i32
      %dma_start3A_79 = tpu.memref_slice %arg2[%dma_start3A_77, %dma_start3A_78] : memref<10000x128xf32, #tpu.memory_space<hbm>> -> memref<10000x128xf32, #tpu.memory_space<hbm>>
      tpu.enqueue_indirect_dma source(%dma_start3A_79 : memref<10000x128xf32, #tpu.memory_space<hbm>>) target(%arg11 : memref<125x128xf32, #tpu.memory_space<vmem>>) offsets(%dma_start3A_76 : memref<125xi32, #tpu.memory_space<vmem>>) semaphore(%arg14 : memref<!tpu.dma_semaphore, #tpu.memory_space<semaphore_mem>>)
      %dma_wait3A_80 = arith.constant 1 : i32
      %dma_wait3A_81 = arith.constant 0 : i32
      %dma_wait3A_82 = tpu.memref_slice %arg7[%dma_wait3A_80, %dma_wait3A_81] : memref<2x125xi32, #tpu.memory_space<vmem>> -> memref<1x125xi32, #tpu.memory_space<vmem>>
      %dma_wait3A_83 = tpu.memref_squeeze %dma_wait3A_82 : memref<1x125xi32, #tpu.memory_space<vmem>> -> memref<125xi32, #tpu.memory_space<vmem>>
      %dma_wait3A_84 = arith.constant 0 : i32
      %dma_wait3A_85 = arith.constant 0 : i32
      %dma_wait3A_86 = tpu.memref_slice %arg2[%dma_wait3A_84, %dma_wait3A_85] : memref<10000x128xf32, #tpu.memory_space<hbm>> -> memref<10000x128xf32, #tpu.memory_space<hbm>>
      tpu.wait_indirect_dma semaphore(%arg15 : memref<!tpu.dma_semaphore, #tpu.memory_space<semaphore_mem>>) src(%dma_wait3A_86 : memref<10000x128xf32, #tpu.memory_space<hbm>>) dst(%arg12 : memref<125x128xf32, #tpu.memory_space<vmem>>)
      %run_scoped3A_87 = arith.constant 1 : i32
      "tpu.region"() ({
        %run_scoped3A_123 = tpu.sem_alloc : memref<!tpu.dma_semaphore, #tpu.memory_space<semaphore_mem>>
        %dma_start3A_124 = arith.constant 0 : i32
        %dma_start3A_125 = tpu.memref_slice %arg8[%run_scoped3A_87, %dma_start3A_124] : memref<2x125xi32, #tpu.memory_space<vmem>> -> memref<1x125xi32, #tpu.memory_space<vmem>>
        %dma_start3A_126 = tpu.memref_squeeze %dma_start3A_125 : memref<1x125xi32, #tpu.memory_space<vmem>> -> memref<125xi32, #tpu.memory_space<vmem>>
        %dma_start3A_127 = arith.constant 0 : i32
        %dma_start3A_128 = arith.constant 0 : i32
        %dma_start3A_129 = tpu.memref_slice %arg13[%dma_start3A_127, %dma_start3A_128] : memref<10240x128xf32, #tpu.memory_space<vmem_shared>> -> memref<10240x128xf32, #tpu.memory_space<vmem_shared>>
        tpu.enqueue_indirect_dma source(%arg12 : memref<125x128xf32, #tpu.memory_space<vmem>>) target(%dma_start3A_129 : memref<10240x128xf32, #tpu.memory_space<vmem_shared>>) offsets(%dma_start3A_126 : memref<125xi32, #tpu.memory_space<vmem>>) semaphore(%run_scoped3A_123 : memref<!tpu.dma_semaphore, #tpu.memory_space<semaphore_mem>>) {add = true}
        %dma_wait3A_130 = arith.constant 0 : i32
        %dma_wait3A_131 = tpu.memref_slice %arg8[%run_scoped3A_87, %dma_wait3A_130] : memref<2x125xi32, #tpu.memory_space<vmem>> -> memref<1x125xi32, #tpu.memory_space<vmem>>
        %dma_wait3A_132 = tpu.memref_squeeze %dma_wait3A_131 : memref<1x125xi32, #tpu.memory_space<vmem>> -> memref<125xi32, #tpu.memory_space<vmem>>
        %dma_wait3A_133 = arith.constant 0 : i32
        %dma_wait3A_134 = arith.constant 0 : i32
        %dma_wait3A_135 = tpu.memref_slice %arg13[%dma_wait3A_133, %dma_wait3A_134] : memref<10240x128xf32, #tpu.memory_space<vmem_shared>> -> memref<10240x128xf32, #tpu.memory_space<vmem_shared>>
        tpu.wait_indirect_dma semaphore(%run_scoped3A_123 : memref<!tpu.dma_semaphore, #tpu.memory_space<semaphore_mem>>) src(%arg12 : memref<125x128xf32, #tpu.memory_space<vmem>>) dst(%dma_wait3A_135 : memref<10240x128xf32, #tpu.memory_space<vmem_shared>>)
        tpu.yield
      }) : () -> ()
      %lt3A = arith.constant 19 : i32
      %lt3A_88 = arith.cmpi slt, %scan3A_38, %lt3A : i32
      %convert_element_type3A = arith.extui %lt3A_88 : i1 to i32
      %cond3A = arith.constant 0 : i32
      %cond3A_89 = arith.cmpi ne, %convert_element_type3A, %cond3A : i32
      scf.if %cond3A_89 {
        %mul3A_123 = arith.constant 2 : i32
        %mul3A_124 = arith.muli %mul3A_123, %scan3A_38 : i32
        %add3A_125 = arith.constant 2 : i32
        %add3A_126 = arith.addi %mul3A_124, %add3A_125 : i32
        %dma_start3A_127 = arith.constant 0 : i32
        %dma_start3A_128 = arith.constant 0 : i32
        %dma_start3A_129 = tpu.memref_slice %arg3[%add3A, %add3A_126, %dma_start3A_127, %dma_start3A_128] : memref<32x40x2x125xi32, #tpu.memory_space<hbm>> -> memref<1x1x2x125xi32, #tpu.memory_space<hbm>>
        %dma_start3A_130 = tpu.memref_squeeze %dma_start3A_129 : memref<1x1x2x125xi32, #tpu.memory_space<hbm>> -> memref<2x125xi32, #tpu.memory_space<hbm>>
        %dma_start3A_131 = arith.constant 0 : i32
        %dma_start3A_132 = arith.constant 0 : i32
        %dma_start3A_133 = tpu.memref_slice %arg3[%add3A, %add3A_126, %dma_start3A_131, %dma_start3A_132] : memref<32x40x2x125xi32, #tpu.memory_space<hbm>> -> memref<1x1x2x125xi32, #tpu.memory_space<hbm>>
        %dma_start3A_134 = tpu.memref_squeeze %dma_start3A_133 : memref<1x1x2x125xi32, #tpu.memory_space<hbm>> -> memref<2x125xi32, #tpu.memory_space<hbm>>
        tpu.enqueue_dma source(%dma_start3A_134 : memref<2x125xi32, #tpu.memory_space<hbm>>) target(%arg7 : memref<2x125xi32, #tpu.memory_space<vmem>>) target_semaphore(%arg16 : memref<!tpu.dma_semaphore, #tpu.memory_space<semaphore_mem>>)
        %dma_start3A_135 = arith.constant 0 : i32
        %dma_start3A_136 = arith.constant 0 : i32
        %dma_start3A_137 = tpu.memref_slice %arg4[%add3A, %add3A_126, %dma_start3A_135, %dma_start3A_136] : memref<32x40x2x125xi32, #tpu.memory_space<hbm>> -> memref<1x1x2x125xi32, #tpu.memory_space<hbm>>
        %dma_start3A_138 = tpu.memref_squeeze %dma_start3A_137 : memref<1x1x2x125xi32, #tpu.memory_space<hbm>> -> memref<2x125xi32, #tpu.memory_space<hbm>>
        %dma_start3A_139 = arith.constant 0 : i32
        %dma_start3A_140 = arith.constant 0 : i32
        %dma_start3A_141 = tpu.memref_slice %arg4[%add3A, %add3A_126, %dma_start3A_139, %dma_start3A_140] : memref<32x40x2x125xi32, #tpu.memory_space<hbm>> -> memref<1x1x2x125xi32, #tpu.memory_space<hbm>>
        %dma_start3A_142 = tpu.memref_squeeze %dma_start3A_141 : memref<1x1x2x125xi32, #tpu.memory_space<hbm>> -> memref<2x125xi32, #tpu.memory_space<hbm>>
        tpu.enqueue_dma source(%dma_start3A_142 : memref<2x125xi32, #tpu.memory_space<hbm>>) target(%arg8 : memref<2x125xi32, #tpu.memory_space<vmem>>) target_semaphore(%arg16 : memref<!tpu.dma_semaphore, #tpu.memory_space<semaphore_mem>>)
      } else {
      }
      %dma_start3A_90 = arith.constant 1 : i32
      %dma_start3A_91 = arith.constant 0 : i32
      %dma_start3A_92 = tpu.memref_slice %arg9[%dma_start3A_90, %dma_start3A_91] : memref<2x125xi32, #tpu.memory_space<vmem>> -> memref<1x125xi32, #tpu.memory_space<vmem>>
      %dma_start3A_93 = tpu.memref_squeeze %dma_start3A_92 : memref<1x125xi32, #tpu.memory_space<vmem>> -> memref<125xi32, #tpu.memory_space<vmem>>
      %dma_start3A_94 = arith.constant 0 : i32
      %dma_start3A_95 = arith.constant 0 : i32
      %dma_start3A_96 = tpu.memref_slice %arg2[%dma_start3A_94, %dma_start3A_95] : memref<10000x128xf32, #tpu.memory_space<hbm>> -> memref<10000x128xf32, #tpu.memory_space<hbm>>
      tpu.enqueue_indirect_dma source(%dma_start3A_96 : memref<10000x128xf32, #tpu.memory_space<hbm>>) target(%arg12 : memref<125x128xf32, #tpu.memory_space<vmem>>) offsets(%dma_start3A_93 : memref<125xi32, #tpu.memory_space<vmem>>) semaphore(%arg15 : memref<!tpu.dma_semaphore, #tpu.memory_space<semaphore_mem>>)
      %dma_wait3A_97 = arith.constant 0 : i32
      %dma_wait3A_98 = arith.constant 0 : i32
      %dma_wait3A_99 = tpu.memref_slice %arg9[%dma_wait3A_97, %dma_wait3A_98] : memref<2x125xi32, #tpu.memory_space<vmem>> -> memref<1x125xi32, #tpu.memory_space<vmem>>
      %dma_wait3A_100 = tpu.memref_squeeze %dma_wait3A_99 : memref<1x125xi32, #tpu.memory_space<vmem>> -> memref<125xi32, #tpu.memory_space<vmem>>
      %dma_wait3A_101 = arith.constant 0 : i32
      %dma_wait3A_102 = arith.constant 0 : i32
      %dma_wait3A_103 = tpu.memref_slice %arg2[%dma_wait3A_101, %dma_wait3A_102] : memref<10000x128xf32, #tpu.memory_space<hbm>> -> memref<10000x128xf32, #tpu.memory_space<hbm>>
      tpu.wait_indirect_dma semaphore(%arg14 : memref<!tpu.dma_semaphore, #tpu.memory_space<semaphore_mem>>) src(%dma_wait3A_103 : memref<10000x128xf32, #tpu.memory_space<hbm>>) dst(%arg11 : memref<125x128xf32, #tpu.memory_space<vmem>>)
      %run_scoped3A_104 = arith.constant 0 : i32
      "tpu.region"() ({
        %run_scoped3A_123 = tpu.sem_alloc : memref<!tpu.dma_semaphore, #tpu.memory_space<semaphore_mem>>
        %dma_start3A_124 = arith.constant 0 : i32
        %dma_start3A_125 = tpu.memref_slice %arg10[%run_scoped3A_104, %dma_start3A_124] : memref<2x125xi32, #tpu.memory_space<vmem>> -> memref<1x125xi32, #tpu.memory_space<vmem>>
        %dma_start3A_126 = tpu.memref_squeeze %dma_start3A_125 : memref<1x125xi32, #tpu.memory_space<vmem>> -> memref<125xi32, #tpu.memory_space<vmem>>
        %dma_start3A_127 = arith.constant 0 : i32
        %dma_start3A_128 = arith.constant 0 : i32
        %dma_start3A_129 = tpu.memref_slice %arg13[%dma_start3A_127, %dma_start3A_128] : memref<10240x128xf32, #tpu.memory_space<vmem_shared>> -> memref<10240x128xf32, #tpu.memory_space<vmem_shared>>
        tpu.enqueue_indirect_dma source(%arg11 : memref<125x128xf32, #tpu.memory_space<vmem>>) target(%dma_start3A_129 : memref<10240x128xf32, #tpu.memory_space<vmem_shared>>) offsets(%dma_start3A_126 : memref<125xi32, #tpu.memory_space<vmem>>) semaphore(%run_scoped3A_123 : memref<!tpu.dma_semaphore, #tpu.memory_space<semaphore_mem>>) {add = true}
        %dma_wait3A_130 = arith.constant 0 : i32
        %dma_wait3A_131 = tpu.memref_slice %arg10[%run_scoped3A_104, %dma_wait3A_130] : memref<2x125xi32, #tpu.memory_space<vmem>> -> memref<1x125xi32, #tpu.memory_space<vmem>>
        %dma_wait3A_132 = tpu.memref_squeeze %dma_wait3A_131 : memref<1x125xi32, #tpu.memory_space<vmem>> -> memref<125xi32, #tpu.memory_space<vmem>>
        %dma_wait3A_133 = arith.constant 0 : i32
        %dma_wait3A_134 = arith.constant 0 : i32
        %dma_wait3A_135 = tpu.memref_slice %arg13[%dma_wait3A_133, %dma_wait3A_134] : memref<10240x128xf32, #tpu.memory_space<vmem_shared>> -> memref<10240x128xf32, #tpu.memory_space<vmem_shared>>
        tpu.wait_indirect_dma semaphore(%run_scoped3A_123 : memref<!tpu.dma_semaphore, #tpu.memory_space<semaphore_mem>>) src(%arg11 : memref<125x128xf32, #tpu.memory_space<vmem>>) dst(%dma_wait3A_135 : memref<10240x128xf32, #tpu.memory_space<vmem_shared>>)
        tpu.yield
      }) : () -> ()
      %lt3A_105 = arith.constant 19 : i32
      %lt3A_106 = arith.cmpi slt, %scan3A_38, %lt3A_105 : i32
      %convert_element_type3A_107 = arith.extui %lt3A_106 : i1 to i32
      %cond3A_108 = arith.constant 0 : i32
      %cond3A_109 = arith.cmpi ne, %convert_element_type3A_107, %cond3A_108 : i32
      scf.if %cond3A_109 {
        %mul3A_123 = arith.constant 2 : i32
        %mul3A_124 = arith.muli %mul3A_123, %scan3A_38 : i32
        %add3A_125 = arith.constant 2 : i32
        %add3A_126 = arith.addi %mul3A_124, %add3A_125 : i32
        %dma_wait3A_127 = arith.constant 0 : i32
        %dma_wait3A_128 = arith.constant 0 : i32
        %dma_wait3A_129 = tpu.memref_slice %arg3[%add3A, %add3A_126, %dma_wait3A_127, %dma_wait3A_128] : memref<32x40x2x125xi32, #tpu.memory_space<hbm>> -> memref<1x1x2x125xi32, #tpu.memory_space<hbm>>
        %dma_wait3A_130 = tpu.memref_squeeze %dma_wait3A_129 : memref<1x1x2x125xi32, #tpu.memory_space<hbm>> -> memref<2x125xi32, #tpu.memory_space<hbm>>
        %dma_wait3A_131 = arith.constant 0 : i32
        %dma_wait3A_132 = arith.constant 0 : i32
        %dma_wait3A_133 = tpu.memref_slice %arg3[%add3A, %add3A_126, %dma_wait3A_131, %dma_wait3A_132] : memref<32x40x2x125xi32, #tpu.memory_space<hbm>> -> memref<1x1x2x125xi32, #tpu.memory_space<hbm>>
        %dma_wait3A_134 = tpu.memref_squeeze %dma_wait3A_133 : memref<1x1x2x125xi32, #tpu.memory_space<hbm>> -> memref<2x125xi32, #tpu.memory_space<hbm>>
        tpu.wait_dma2 semaphore(%arg16 : memref<!tpu.dma_semaphore, #tpu.memory_space<semaphore_mem>>) src(%dma_wait3A_134 : memref<2x125xi32, #tpu.memory_space<hbm>>) dst(%arg7 : memref<2x125xi32, #tpu.memory_space<vmem>>)
        %dma_wait3A_135 = arith.constant 0 : i32
        %dma_wait3A_136 = arith.constant 0 : i32
        %dma_wait3A_137 = tpu.memref_slice %arg4[%add3A, %add3A_126, %dma_wait3A_135, %dma_wait3A_136] : memref<32x40x2x125xi32, #tpu.memory_space<hbm>> -> memref<1x1x2x125xi32, #tpu.memory_space<hbm>>
        %dma_wait3A_138 = tpu.memref_squeeze %dma_wait3A_137 : memref<1x1x2x125xi32, #tpu.memory_space<hbm>> -> memref<2x125xi32, #tpu.memory_space<hbm>>
        %dma_wait3A_139 = arith.constant 0 : i32
        %dma_wait3A_140 = arith.constant 0 : i32
        %dma_wait3A_141 = tpu.memref_slice %arg4[%add3A, %add3A_126, %dma_wait3A_139, %dma_wait3A_140] : memref<32x40x2x125xi32, #tpu.memory_space<hbm>> -> memref<1x1x2x125xi32, #tpu.memory_space<hbm>>
        %dma_wait3A_142 = tpu.memref_squeeze %dma_wait3A_141 : memref<1x1x2x125xi32, #tpu.memory_space<hbm>> -> memref<2x125xi32, #tpu.memory_space<hbm>>
        tpu.wait_dma2 semaphore(%arg16 : memref<!tpu.dma_semaphore, #tpu.memory_space<semaphore_mem>>) src(%dma_wait3A_142 : memref<2x125xi32, #tpu.memory_space<hbm>>) dst(%arg8 : memref<2x125xi32, #tpu.memory_space<vmem>>)
        %dma_start3A_143 = arith.constant 0 : i32
        %dma_start3A_144 = arith.constant 0 : i32
        %dma_start3A_145 = tpu.memref_slice %arg7[%dma_start3A_143, %dma_start3A_144] : memref<2x125xi32, #tpu.memory_space<vmem>> -> memref<1x125xi32, #tpu.memory_space<vmem>>
        %dma_start3A_146 = tpu.memref_squeeze %dma_start3A_145 : memref<1x125xi32, #tpu.memory_space<vmem>> -> memref<125xi32, #tpu.memory_space<vmem>>
        %dma_start3A_147 = arith.constant 0 : i32
        %dma_start3A_148 = arith.constant 0 : i32
        %dma_start3A_149 = tpu.memref_slice %arg2[%dma_start3A_147, %dma_start3A_148] : memref<10000x128xf32, #tpu.memory_space<hbm>> -> memref<10000x128xf32, #tpu.memory_space<hbm>>
        tpu.enqueue_indirect_dma source(%dma_start3A_149 : memref<10000x128xf32, #tpu.memory_space<hbm>>) target(%arg11 : memref<125x128xf32, #tpu.memory_space<vmem>>) offsets(%dma_start3A_146 : memref<125xi32, #tpu.memory_space<vmem>>) semaphore(%arg14 : memref<!tpu.dma_semaphore, #tpu.memory_space<semaphore_mem>>)
      } else {
      }
      %dma_wait3A_110 = arith.constant 1 : i32
      %dma_wait3A_111 = arith.constant 0 : i32
      %dma_wait3A_112 = tpu.memref_slice %arg9[%dma_wait3A_110, %dma_wait3A_111] : memref<2x125xi32, #tpu.memory_space<vmem>> -> memref<1x125xi32, #tpu.memory_space<vmem>>
      %dma_wait3A_113 = tpu.memref_squeeze %dma_wait3A_112 : memref<1x125xi32, #tpu.memory_space<vmem>> -> memref<125xi32, #tpu.memory_space<vmem>>
      %dma_wait3A_114 = arith.constant 0 : i32
      %dma_wait3A_115 = arith.constant 0 : i32
      %dma_wait3A_116 = tpu.memref_slice %arg2[%dma_wait3A_114, %dma_wait3A_115] : memref<10000x128xf32, #tpu.memory_space<hbm>> -> memref<10000x128xf32, #tpu.memory_space<hbm>>
      tpu.wait_indirect_dma semaphore(%arg15 : memref<!tpu.dma_semaphore, #tpu.memory_space<semaphore_mem>>) src(%dma_wait3A_116 : memref<10000x128xf32, #tpu.memory_space<hbm>>) dst(%arg12 : memref<125x128xf32, #tpu.memory_space<vmem>>)
      %run_scoped3A_117 = arith.constant 1 : i32
      "tpu.region"() ({
        %run_scoped3A_123 = tpu.sem_alloc : memref<!tpu.dma_semaphore, #tpu.memory_space<semaphore_mem>>
        %dma_start3A_124 = arith.constant 0 : i32
        %dma_start3A_125 = tpu.memref_slice %arg10[%run_scoped3A_117, %dma_start3A_124] : memref<2x125xi32, #tpu.memory_space<vmem>> -> memref<1x125xi32, #tpu.memory_space<vmem>>
        %dma_start3A_126 = tpu.memref_squeeze %dma_start3A_125 : memref<1x125xi32, #tpu.memory_space<vmem>> -> memref<125xi32, #tpu.memory_space<vmem>>
        %dma_start3A_127 = arith.constant 0 : i32
        %dma_start3A_128 = arith.constant 0 : i32
        %dma_start3A_129 = tpu.memref_slice %arg13[%dma_start3A_127, %dma_start3A_128] : memref<10240x128xf32, #tpu.memory_space<vmem_shared>> -> memref<10240x128xf32, #tpu.memory_space<vmem_shared>>
        tpu.enqueue_indirect_dma source(%arg12 : memref<125x128xf32, #tpu.memory_space<vmem>>) target(%dma_start3A_129 : memref<10240x128xf32, #tpu.memory_space<vmem_shared>>) offsets(%dma_start3A_126 : memref<125xi32, #tpu.memory_space<vmem>>) semaphore(%run_scoped3A_123 : memref<!tpu.dma_semaphore, #tpu.memory_space<semaphore_mem>>) {add = true}
        %dma_wait3A_130 = arith.constant 0 : i32
        %dma_wait3A_131 = tpu.memref_slice %arg10[%run_scoped3A_117, %dma_wait3A_130] : memref<2x125xi32, #tpu.memory_space<vmem>> -> memref<1x125xi32, #tpu.memory_space<vmem>>
        %dma_wait3A_132 = tpu.memref_squeeze %dma_wait3A_131 : memref<1x125xi32, #tpu.memory_space<vmem>> -> memref<125xi32, #tpu.memory_space<vmem>>
        %dma_wait3A_133 = arith.constant 0 : i32
        %dma_wait3A_134 = arith.constant 0 : i32
        %dma_wait3A_135 = tpu.memref_slice %arg13[%dma_wait3A_133, %dma_wait3A_134] : memref<10240x128xf32, #tpu.memory_space<vmem_shared>> -> memref<10240x128xf32, #tpu.memory_space<vmem_shared>>
        tpu.wait_indirect_dma semaphore(%run_scoped3A_123 : memref<!tpu.dma_semaphore, #tpu.memory_space<semaphore_mem>>) src(%arg12 : memref<125x128xf32, #tpu.memory_space<vmem>>) dst(%dma_wait3A_135 : memref<10240x128xf32, #tpu.memory_space<vmem_shared>>)
        tpu.yield
      }) : () -> ()
      %lt3A_118 = arith.constant 19 : i32
      %lt3A_119 = arith.cmpi slt, %scan3A_38, %lt3A_118 : i32
      %convert_element_type3A_120 = arith.extui %lt3A_119 : i1 to i32
      %cond3A_121 = arith.constant 0 : i32
      %cond3A_122 = arith.cmpi ne, %convert_element_type3A_120, %cond3A_121 : i32
      scf.if %cond3A_122 {
        %mul3A_123 = arith.constant 2 : i32
        %mul3A_124 = arith.muli %mul3A_123, %scan3A_38 : i32
        %add3A_125 = arith.constant 3 : i32
        %add3A_126 = arith.addi %mul3A_124, %add3A_125 : i32
        %dma_start3A_127 = arith.constant 0 : i32
        %dma_start3A_128 = arith.constant 0 : i32
        %dma_start3A_129 = tpu.memref_slice %arg3[%add3A, %add3A_126, %dma_start3A_127, %dma_start3A_128] : memref<32x40x2x125xi32, #tpu.memory_space<hbm>> -> memref<1x1x2x125xi32, #tpu.memory_space<hbm>>
        %dma_start3A_130 = tpu.memref_squeeze %dma_start3A_129 : memref<1x1x2x125xi32, #tpu.memory_space<hbm>> -> memref<2x125xi32, #tpu.memory_space<hbm>>
        %dma_start3A_131 = arith.constant 0 : i32
        %dma_start3A_132 = arith.constant 0 : i32
        %dma_start3A_133 = tpu.memref_slice %arg3[%add3A, %add3A_126, %dma_start3A_131, %dma_start3A_132] : memref<32x40x2x125xi32, #tpu.memory_space<hbm>> -> memref<1x1x2x125xi32, #tpu.memory_space<hbm>>
        %dma_start3A_134 = tpu.memref_squeeze %dma_start3A_133 : memref<1x1x2x125xi32, #tpu.memory_space<hbm>> -> memref<2x125xi32, #tpu.memory_space<hbm>>
        tpu.enqueue_dma source(%dma_start3A_134 : memref<2x125xi32, #tpu.memory_space<hbm>>) target(%arg9 : memref<2x125xi32, #tpu.memory_space<vmem>>) target_semaphore(%arg16 : memref<!tpu.dma_semaphore, #tpu.memory_space<semaphore_mem>>)
        %dma_start3A_135 = arith.constant 0 : i32
        %dma_start3A_136 = arith.constant 0 : i32
        %dma_start3A_137 = tpu.memref_slice %arg4[%add3A, %add3A_126, %dma_start3A_135, %dma_start3A_136] : memref<32x40x2x125xi32, #tpu.memory_space<hbm>> -> memref<1x1x2x125xi32, #tpu.memory_space<hbm>>
        %dma_start3A_138 = tpu.memref_squeeze %dma_start3A_137 : memref<1x1x2x125xi32, #tpu.memory_space<hbm>> -> memref<2x125xi32, #tpu.memory_space<hbm>>
        %dma_start3A_139 = arith.constant 0 : i32
        %dma_start3A_140 = arith.constant 0 : i32
        %dma_start3A_141 = tpu.memref_slice %arg4[%add3A, %add3A_126, %dma_start3A_139, %dma_start3A_140] : memref<32x40x2x125xi32, #tpu.memory_space<hbm>> -> memref<1x1x2x125xi32, #tpu.memory_space<hbm>>
        %dma_start3A_142 = tpu.memref_squeeze %dma_start3A_141 : memref<1x1x2x125xi32, #tpu.memory_space<hbm>> -> memref<2x125xi32, #tpu.memory_space<hbm>>
        tpu.enqueue_dma source(%dma_start3A_142 : memref<2x125xi32, #tpu.memory_space<hbm>>) target(%arg10 : memref<2x125xi32, #tpu.memory_space<vmem>>) target_semaphore(%arg16 : memref<!tpu.dma_semaphore, #tpu.memory_space<semaphore_mem>>)
      } else {
      }
    }
    %scan3A_32 = arith.constant 20 : i32
    %barrier3A_33 = arith.constant 0 : index
    tpu.barrier barrier_id(%barrier3A_33)
    %mul3A_34 = arith.constant 640 : i32
    %mul3A_35 = arith.muli %arg1, %mul3A_34 : i32
    %mul3A_36 = arith.constant 640 : i32
    %mul3A_37 = arith.muli %arg1, %mul3A_36 : i32
    "tpu.region"() ({
      %run_scoped3A_38 = tpu.sem_alloc : memref<!tpu.dma_semaphore, #tpu.memory_space<semaphore_mem>>
      %dma_start3A_39 = arith.constant 0 : i32
      %dma_start3A_40 = tpu.memref_slice %arg6[%arg0, %mul3A_37, %dma_start3A_39] : memref<2x10240x128xf32, #tpu.memory_space<hbm>> -> memref<1x640x128xf32, #tpu.memory_space<hbm>>
      %dma_start3A_41 = tpu.memref_squeeze %dma_start3A_40 : memref<1x640x128xf32, #tpu.memory_space<hbm>> -> memref<640x128xf32, #tpu.memory_space<hbm>>
      %dma_start3A_42 = arith.constant 0 : i32
      %dma_start3A_43 = tpu.memref_slice %arg13[%mul3A_35, %dma_start3A_42] : memref<10240x128xf32, #tpu.memory_space<vmem_shared>> -> memref<640x128xf32, #tpu.memory_space<vmem_shared>>
      tpu.enqueue_dma source(%dma_start3A_43 : memref<640x128xf32, #tpu.memory_space<vmem_shared>>) target(%dma_start3A_41 : memref<640x128xf32, #tpu.memory_space<hbm>>) target_semaphore(%run_scoped3A_38 : memref<!tpu.dma_semaphore, #tpu.memory_space<semaphore_mem>>)
      %dma_wait3A = arith.constant 0 : i32
      %dma_wait3A_44 = tpu.memref_slice %arg6[%arg0, %mul3A_37, %dma_wait3A] : memref<2x10240x128xf32, #tpu.memory_space<hbm>> -> memref<1x640x128xf32, #tpu.memory_space<hbm>>
      %dma_wait3A_45 = tpu.memref_squeeze %dma_wait3A_44 : memref<1x640x128xf32, #tpu.memory_space<hbm>> -> memref<640x128xf32, #tpu.memory_space<hbm>>
      %dma_wait3A_46 = arith.constant 0 : i32
      %dma_wait3A_47 = tpu.memref_slice %arg13[%mul3A_35, %dma_wait3A_46] : memref<10240x128xf32, #tpu.memory_space<vmem_shared>> -> memref<640x128xf32, #tpu.memory_space<vmem_shared>>
      tpu.wait_dma2 semaphore(%run_scoped3A_38 : memref<!tpu.dma_semaphore, #tpu.memory_space<semaphore_mem>>) src(%dma_wait3A_47 : memref<640x128xf32, #tpu.memory_space<vmem_shared>>) dst(%dma_wait3A_45 : memref<640x128xf32, #tpu.memory_space<hbm>>)
      tpu.yield
    }) : () -> ()
    return
  }
}

#map = affine_map<(d0, d1) -> (0, 0)>
#map1 = affine_map<(d0, d1) -> (0, 0, 0, 0)>
#map2 = affine_map<(d0, d1) -> (0, 0, 0)>
module attributes {stable_mosaic.version = 14 : i64} {
  func.func @k(%arg0: i32, %arg1: i32, %arg2: memref<10000x128xf32, #tpu.memory_space<hbm>>, %arg3: memref<32x40x2x125xi32, #tpu.memory_space<hbm>>, %arg4: memref<32x40x2x125xi32, #tpu.memory_space<hbm>>, %arg5: memref<640x128xf32, #tpu.memory_space<hbm>>, %arg6: memref<2x10240x128xf32, #tpu.memory_space<hbm>>, %arg7: memref<2x125xi32, #tpu.memory_space<vmem>>, %arg8: memref<2x125xi32, #tpu.memory_space<vmem>>, %arg9: memref<2x125xi32, #tpu.memory_space<vmem>>, %arg10: memref<2x125xi32, #tpu.memory_space<vmem>>, %arg11: memref<125x128xf32, #tpu.memory_space<vmem>>, %arg12: memref<125x128xf32, #tpu.memory_space<vmem>>, %arg13: memref<10240x128xf32, #tpu.memory_space<vmem_shared>>, %arg14: memref<!tpu.dma_semaphore, #tpu.memory_space<semaphore_mem>>, %arg15: memref<!tpu.dma_semaphore, #tpu.memory_space<semaphore_mem>>, %arg16: memref<!tpu.dma_semaphore, #tpu.memory_space<semaphore_mem>>) attributes {dimension_semantics = [#tpu.dimension_semantics<core_parallel>, #tpu.dimension_semantics<subcore_parallel>], iteration_bounds = array<i64: 2, 16>, scalar_prefetch = 0 : i64, scratch_operands = 10 : i64, tpu.core_type = #tpu.core_type<sc_vector_subcore>, window_params = [{transform_indices = #map}, {transform_indices = #map1}, {transform_indices = #map1}, {transform_indices = #map}, {transform_indices = #map2}]} {
    %mul3A = arith.constant 2 : i32
    %mul3A_0 = arith.muli %arg1, %mul3A : i32
    %add3A = arith.addi %mul3A_0, %arg0 : i32
    %mul3A_1 = arith.constant 640 : i32
    %mul3A_2 = arith.muli %arg1, %mul3A_1 : i32
    "tpu.region"() ({
      %run_scoped3A_38 = tpu.sem_alloc : memref<!tpu.dma_semaphore, #tpu.memory_space<semaphore_mem>>
      %dma_start3A_39 = arith.constant 0 : i32
      %dma_start3A_40 = tpu.memref_slice %arg13[%mul3A_2, %dma_start3A_39] : memref<10240x128xf32, #tpu.memory_space<vmem_shared>> -> memref<640x128xf32, #tpu.memory_space<vmem_shared>>
      tpu.enqueue_dma source(%arg5 : memref<640x128xf32, #tpu.memory_space<hbm>>) target(%dma_start3A_40 : memref<640x128xf32, #tpu.memory_space<vmem_shared>>) target_semaphore(%run_scoped3A_38 : memref<!tpu.dma_semaphore, #tpu.memory_space<semaphore_mem>>)
      %dma_wait3A = arith.constant 0 : i32
      %dma_wait3A_41 = tpu.memref_slice %arg13[%mul3A_2, %dma_wait3A] : memref<10240x128xf32, #tpu.memory_space<vmem_shared>> -> memref<640x128xf32, #tpu.memory_space<vmem_shared>>
      tpu.wait_dma2 semaphore(%run_scoped3A_38 : memref<!tpu.dma_semaphore, #tpu.memory_space<semaphore_mem>>) src(%arg5 : memref<640x128xf32, #tpu.memory_space<hbm>>) dst(%dma_wait3A_41 : memref<640x128xf32, #tpu.memory_space<vmem_shared>>)
      tpu.yield
    }) : () -> ()
    %run_scoped3A = arith.constant 0 : i32
    "tpu.region"() ({
      %run_scoped3A_38 = tpu.sem_alloc : memref<!tpu.dma_semaphore, #tpu.memory_space<semaphore_mem>>
      %dma_start3A_39 = arith.constant 0 : i32
      %dma_start3A_40 = arith.constant 0 : i32
      %dma_start3A_41 = tpu.memref_slice %arg3[%add3A, %run_scoped3A, %dma_start3A_39, %dma_start3A_40] : memref<32x40x2x125xi32, #tpu.memory_space<hbm>> -> memref<1x1x2x125xi32, #tpu.memory_space<hbm>>
      %dma_start3A_42 = tpu.memref_squeeze %dma_start3A_41 : memref<1x1x2x125xi32, #tpu.memory_space<hbm>> -> memref<2x125xi32, #tpu.memory_space<hbm>>
      %dma_start3A_43 = arith.constant 0 : i32
      %dma_start3A_44 = arith.constant 0 : i32
      %dma_start3A_45 = tpu.memref_slice %arg3[%add3A, %run_scoped3A, %dma_start3A_43, %dma_start3A_44] : memref<32x40x2x125xi32, #tpu.memory_space<hbm>> -> memref<1x1x2x125xi32, #tpu.memory_space<hbm>>
      %dma_start3A_46 = tpu.memref_squeeze %dma_start3A_45 : memref<1x1x2x125xi32, #tpu.memory_space<hbm>> -> memref<2x125xi32, #tpu.memory_space<hbm>>
      tpu.enqueue_dma source(%dma_start3A_46 : memref<2x125xi32, #tpu.memory_space<hbm>>) target(%arg7 : memref<2x125xi32, #tpu.memory_space<vmem>>) target_semaphore(%run_scoped3A_38 : memref<!tpu.dma_semaphore, #tpu.memory_space<semaphore_mem>>)
      %dma_wait3A = arith.constant 0 : i32
      %dma_wait3A_47 = arith.constant 0 : i32
      %dma_wait3A_48 = tpu.memref_slice %arg3[%add3A, %run_scoped3A, %dma_wait3A, %dma_wait3A_47] : memref<32x40x2x125xi32, #tpu.memory_space<hbm>> -> memref<1x1x2x125xi32, #tpu.memory_space<hbm>>
      %dma_wait3A_49 = tpu.memref_squeeze %dma_wait3A_48 : memref<1x1x2x125xi32, #tpu.memory_space<hbm>> -> memref<2x125xi32, #tpu.memory_space<hbm>>
      %dma_wait3A_50 = arith.constant 0 : i32
      %dma_wait3A_51 = arith.constant 0 : i32
      %dma_wait3A_52 = tpu.memref_slice %arg3[%add3A, %run_scoped3A, %dma_wait3A_50, %dma_wait3A_51] : memref<32x40x2x125xi32, #tpu.memory_space<hbm>> -> memref<1x1x2x125xi32, #tpu.memory_space<hbm>>
      %dma_wait3A_53 = tpu.memref_squeeze %dma_wait3A_52 : memref<1x1x2x125xi32, #tpu.memory_space<hbm>> -> memref<2x125xi32, #tpu.memory_space<hbm>>
      tpu.wait_dma2 semaphore(%run_scoped3A_38 : memref<!tpu.dma_semaphore, #tpu.memory_space<semaphore_mem>>) src(%dma_wait3A_53 : memref<2x125xi32, #tpu.memory_space<hbm>>) dst(%arg7 : memref<2x125xi32, #tpu.memory_space<vmem>>)
      tpu.yield
    }) : () -> ()
    %run_scoped3A_3 = arith.constant 0 : i32
    "tpu.region"() ({
      %run_scoped3A_38 = tpu.sem_alloc : memref<!tpu.dma_semaphore, #tpu.memory_space<semaphore_mem>>
      %dma_start3A_39 = arith.constant 0 : i32
      %dma_start3A_40 = arith.constant 0 : i32
      %dma_start3A_41 = tpu.memref_slice %arg4[%add3A, %run_scoped3A_3, %dma_start3A_39, %dma_start3A_40] : memref<32x40x2x125xi32, #tpu.memory_space<hbm>> -> memref<1x1x2x125xi32, #tpu.memory_space<hbm>>
      %dma_start3A_42 = tpu.memref_squeeze %dma_start3A_41 : memref<1x1x2x125xi32, #tpu.memory_space<hbm>> -> memref<2x125xi32, #tpu.memory_space<hbm>>
      %dma_start3A_43 = arith.constant 0 : i32
      %dma_start3A_44 = arith.constant 0 : i32
      %dma_start3A_45 = tpu.memref_slice %arg4[%add3A, %run_scoped3A_3, %dma_start3A_43, %dma_start3A_44] : memref<32x40x2x125xi32, #tpu.memory_space<hbm>> -> memref<1x1x2x125xi32, #tpu.memory_space<hbm>>
      %dma_start3A_46 = tpu.memref_squeeze %dma_start3A_45 : memref<1x1x2x125xi32, #tpu.memory_space<hbm>> -> memref<2x125xi32, #tpu.memory_space<hbm>>
      tpu.enqueue_dma source(%dma_start3A_46 : memref<2x125xi32, #tpu.memory_space<hbm>>) target(%arg8 : memref<2x125xi32, #tpu.memory_space<vmem>>) target_semaphore(%run_scoped3A_38 : memref<!tpu.dma_semaphore, #tpu.memory_space<semaphore_mem>>)
      %dma_wait3A = arith.constant 0 : i32
      %dma_wait3A_47 = arith.constant 0 : i32
      %dma_wait3A_48 = tpu.memref_slice %arg4[%add3A, %run_scoped3A_3, %dma_wait3A, %dma_wait3A_47] : memref<32x40x2x125xi32, #tpu.memory_space<hbm>> -> memref<1x1x2x125xi32, #tpu.memory_space<hbm>>
      %dma_wait3A_49 = tpu.memref_squeeze %dma_wait3A_48 : memref<1x1x2x125xi32, #tpu.memory_space<hbm>> -> memref<2x125xi32, #tpu.memory_space<hbm>>
      %dma_wait3A_50 = arith.constant 0 : i32
      %dma_wait3A_51 = arith.constant 0 : i32
      %dma_wait3A_52 = tpu.memref_slice %arg4[%add3A, %run_scoped3A_3, %dma_wait3A_50, %dma_wait3A_51] : memref<32x40x2x125xi32, #tpu.memory_space<hbm>> -> memref<1x1x2x125xi32, #tpu.memory_space<hbm>>
      %dma_wait3A_53 = tpu.memref_squeeze %dma_wait3A_52 : memref<1x1x2x125xi32, #tpu.memory_space<hbm>> -> memref<2x125xi32, #tpu.memory_space<hbm>>
      tpu.wait_dma2 semaphore(%run_scoped3A_38 : memref<!tpu.dma_semaphore, #tpu.memory_space<semaphore_mem>>) src(%dma_wait3A_53 : memref<2x125xi32, #tpu.memory_space<hbm>>) dst(%arg8 : memref<2x125xi32, #tpu.memory_space<vmem>>)
      tpu.yield
    }) : () -> ()
    %dma_start3A = arith.constant 1 : i32
    %dma_start3A_4 = arith.constant 0 : i32
    %dma_start3A_5 = arith.constant 0 : i32
    %dma_start3A_6 = tpu.memref_slice %arg3[%add3A, %dma_start3A, %dma_start3A_4, %dma_start3A_5] : memref<32x40x2x125xi32, #tpu.memory_space<hbm>> -> memref<1x1x2x125xi32, #tpu.memory_space<hbm>>
    %dma_start3A_7 = tpu.memref_squeeze %dma_start3A_6 : memref<1x1x2x125xi32, #tpu.memory_space<hbm>> -> memref<2x125xi32, #tpu.memory_space<hbm>>
    %dma_start3A_8 = arith.constant 0 : i32
    %dma_start3A_9 = arith.constant 0 : i32
    %dma_start3A_10 = tpu.memref_slice %arg3[%add3A, %dma_start3A, %dma_start3A_8, %dma_start3A_9] : memref<32x40x2x125xi32, #tpu.memory_space<hbm>> -> memref<1x1x2x125xi32, #tpu.memory_space<hbm>>
    %dma_start3A_11 = tpu.memref_squeeze %dma_start3A_10 : memref<1x1x2x125xi32, #tpu.memory_space<hbm>> -> memref<2x125xi32, #tpu.memory_space<hbm>>
    tpu.enqueue_dma source(%dma_start3A_11 : memref<2x125xi32, #tpu.memory_space<hbm>>) target(%arg9 : memref<2x125xi32, #tpu.memory_space<vmem>>) target_semaphore(%arg16 : memref<!tpu.dma_semaphore, #tpu.memory_space<semaphore_mem>>)
    %dma_start3A_12 = arith.constant 1 : i32
    %dma_start3A_13 = arith.constant 0 : i32
    %dma_start3A_14 = arith.constant 0 : i32
    %dma_start3A_15 = tpu.memref_slice %arg4[%add3A, %dma_start3A_12, %dma_start3A_13, %dma_start3A_14] : memref<32x40x2x125xi32, #tpu.memory_space<hbm>> -> memref<1x1x2x125xi32, #tpu.memory_space<hbm>>
    %dma_start3A_16 = tpu.memref_squeeze %dma_start3A_15 : memref<1x1x2x125xi32, #tpu.memory_space<hbm>> -> memref<2x125xi32, #tpu.memory_space<hbm>>
    %dma_start3A_17 = arith.constant 0 : i32
    %dma_start3A_18 = arith.constant 0 : i32
    %dma_start3A_19 = tpu.memref_slice %arg4[%add3A, %dma_start3A_12, %dma_start3A_17, %dma_start3A_18] : memref<32x40x2x125xi32, #tpu.memory_space<hbm>> -> memref<1x1x2x125xi32, #tpu.memory_space<hbm>>
    %dma_start3A_20 = tpu.memref_squeeze %dma_start3A_19 : memref<1x1x2x125xi32, #tpu.memory_space<hbm>> -> memref<2x125xi32, #tpu.memory_space<hbm>>
    tpu.enqueue_dma source(%dma_start3A_20 : memref<2x125xi32, #tpu.memory_space<hbm>>) target(%arg10 : memref<2x125xi32, #tpu.memory_space<vmem>>) target_semaphore(%arg16 : memref<!tpu.dma_semaphore, #tpu.memory_space<semaphore_mem>>)
    %dma_start3A_21 = arith.constant 0 : i32
    %dma_start3A_22 = arith.constant 0 : i32
    %dma_start3A_23 = tpu.memref_slice %arg7[%dma_start3A_21, %dma_start3A_22] : memref<2x125xi32, #tpu.memory_space<vmem>> -> memref<1x125xi32, #tpu.memory_space<vmem>>
    %dma_start3A_24 = tpu.memref_squeeze %dma_start3A_23 : memref<1x125xi32, #tpu.memory_space<vmem>> -> memref<125xi32, #tpu.memory_space<vmem>>
    %dma_start3A_25 = arith.constant 0 : i32
    %dma_start3A_26 = arith.constant 0 : i32
    %dma_start3A_27 = tpu.memref_slice %arg2[%dma_start3A_25, %dma_start3A_26] : memref<10000x128xf32, #tpu.memory_space<hbm>> -> memref<10000x128xf32, #tpu.memory_space<hbm>>
    tpu.enqueue_indirect_dma source(%dma_start3A_27 : memref<10000x128xf32, #tpu.memory_space<hbm>>) target(%arg11 : memref<125x128xf32, #tpu.memory_space<vmem>>) offsets(%dma_start3A_24 : memref<125xi32, #tpu.memory_space<vmem>>) semaphore(%arg14 : memref<!tpu.dma_semaphore, #tpu.memory_space<semaphore_mem>>)
    %barrier3A = arith.constant 0 : index
    tpu.barrier barrier_id(%barrier3A)
    %scan3A = arith.constant 0 : i32
    %scan3A_28 = arith.constant 0 : i32
    %scan3A_29 = arith.constant 20 : i32
    %scan3A_30 = arith.addi %scan3A_28, %scan3A_29 : i32
    %scan3A_31 = arith.constant 1 : i32
    scf.for %scan3A_38 = %scan3A_28 to %scan3A_30 step %scan3A_31  : i32 {
      %dma_start3A_39 = arith.constant 1 : i32
      %dma_start3A_40 = arith.constant 0 : i32
      %dma_start3A_41 = tpu.memref_slice %arg7[%dma_start3A_39, %dma_start3A_40] : memref<2x125xi32, #tpu.memory_space<vmem>> -> memref<1x125xi32, #tpu.memory_space<vmem>>
      %dma_start3A_42 = tpu.memref_squeeze %dma_start3A_41 : memref<1x125xi32, #tpu.memory_space<vmem>> -> memref<125xi32, #tpu.memory_space<vmem>>
      %dma_start3A_43 = arith.constant 0 : i32
      %dma_start3A_44 = arith.constant 0 : i32
      %dma_start3A_45 = tpu.memref_slice %arg2[%dma_start3A_43, %dma_start3A_44] : memref<10000x128xf32, #tpu.memory_space<hbm>> -> memref<10000x128xf32, #tpu.memory_space<hbm>>
      tpu.enqueue_indirect_dma source(%dma_start3A_45 : memref<10000x128xf32, #tpu.memory_space<hbm>>) target(%arg12 : memref<125x128xf32, #tpu.memory_space<vmem>>) offsets(%dma_start3A_42 : memref<125xi32, #tpu.memory_space<vmem>>) semaphore(%arg15 : memref<!tpu.dma_semaphore, #tpu.memory_space<semaphore_mem>>)
      %dma_wait3A = arith.constant 0 : i32
      %dma_wait3A_46 = arith.constant 0 : i32
      %dma_wait3A_47 = tpu.memref_slice %arg7[%dma_wait3A, %dma_wait3A_46] : memref<2x125xi32, #tpu.memory_space<vmem>> -> memref<1x125xi32, #tpu.memory_space<vmem>>
      %dma_wait3A_48 = tpu.memref_squeeze %dma_wait3A_47 : memref<1x125xi32, #tpu.memory_space<vmem>> -> memref<125xi32, #tpu.memory_space<vmem>>
      %dma_wait3A_49 = arith.constant 0 : i32
      %dma_wait3A_50 = arith.constant 0 : i32
      %dma_wait3A_51 = tpu.memref_slice %arg2[%dma_wait3A_49, %dma_wait3A_50] : memref<10000x128xf32, #tpu.memory_space<hbm>> -> memref<10000x128xf32, #tpu.memory_space<hbm>>
      tpu.wait_indirect_dma semaphore(%arg14 : memref<!tpu.dma_semaphore, #tpu.memory_space<semaphore_mem>>) src(%dma_wait3A_51 : memref<10000x128xf32, #tpu.memory_space<hbm>>) dst(%arg11 : memref<125x128xf32, #tpu.memory_space<vmem>>)
      %run_scoped3A_52 = arith.constant 0 : i32
      "tpu.region"() ({
        %run_scoped3A_123 = tpu.sem_alloc : memref<!tpu.dma_semaphore, #tpu.memory_space<semaphore_mem>>
        %dma_start3A_124 = arith.constant 0 : i32
        %dma_start3A_125 = tpu.memref_slice %arg8[%run_scoped3A_52, %dma_start3A_124] : memref<2x125xi32, #tpu.memory_space<vmem>> -> memref<1x125xi32, #tpu.memory_space<vmem>>
        %dma_start3A_126 = tpu.memref_squeeze %dma_start3A_125 : memref<1x125xi32, #tpu.memory_space<vmem>> -> memref<125xi32, #tpu.memory_space<vmem>>
        %dma_start3A_127 = arith.constant 0 : i32
        %dma_start3A_128 = arith.constant 0 : i32
        %dma_start3A_129 = tpu.memref_slice %arg13[%dma_start3A_127, %dma_start3A_128] : memref<10240x128xf32, #tpu.memory_space<vmem_shared>> -> memref<10240x128xf32, #tpu.memory_space<vmem_shared>>
        tpu.enqueue_indirect_dma source(%arg11 : memref<125x128xf32, #tpu.memory_space<vmem>>) target(%dma_start3A_129 : memref<10240x128xf32, #tpu.memory_space<vmem_shared>>) offsets(%dma_start3A_126 : memref<125xi32, #tpu.memory_space<vmem>>) semaphore(%run_scoped3A_123 : memref<!tpu.dma_semaphore, #tpu.memory_space<semaphore_mem>>) {add = true}
        %dma_wait3A_130 = arith.constant 0 : i32
        %dma_wait3A_131 = tpu.memref_slice %arg8[%run_scoped3A_52, %dma_wait3A_130] : memref<2x125xi32, #tpu.memory_space<vmem>> -> memref<1x125xi32, #tpu.memory_space<vmem>>
        %dma_wait3A_132 = tpu.memref_squeeze %dma_wait3A_131 : memref<1x125xi32, #tpu.memory_space<vmem>> -> memref<125xi32, #tpu.memory_space<vmem>>
        %dma_wait3A_133 = arith.constant 0 : i32
        %dma_wait3A_134 = arith.constant 0 : i32
        %dma_wait3A_135 = tpu.memref_slice %arg13[%dma_wait3A_133, %dma_wait3A_134] : memref<10240x128xf32, #tpu.memory_space<vmem_shared>> -> memref<10240x128xf32, #tpu.memory_space<vmem_shared>>
        tpu.wait_indirect_dma semaphore(%run_scoped3A_123 : memref<!tpu.dma_semaphore, #tpu.memory_space<semaphore_mem>>) src(%arg11 : memref<125x128xf32, #tpu.memory_space<vmem>>) dst(%dma_wait3A_135 : memref<10240x128xf32, #tpu.memory_space<vmem_shared>>)
        tpu.yield
      }) : () -> ()
      %mul3A_53 = arith.constant 2 : i32
      %mul3A_54 = arith.muli %mul3A_53, %scan3A_38 : i32
      %add3A_55 = arith.constant 1 : i32
      %add3A_56 = arith.addi %mul3A_54, %add3A_55 : i32
      %dma_wait3A_57 = arith.constant 0 : i32
      %dma_wait3A_58 = arith.constant 0 : i32
      %dma_wait3A_59 = tpu.memref_slice %arg3[%add3A, %add3A_56, %dma_wait3A_57, %dma_wait3A_58] : memref<32x40x2x125xi32, #tpu.memory_space<hbm>> -> memref<1x1x2x125xi32, #tpu.memory_space<hbm>>
      %dma_wait3A_60 = tpu.memref_squeeze %dma_wait3A_59 : memref<1x1x2x125xi32, #tpu.memory_space<hbm>> -> memref<2x125xi32, #tpu.memory_space<hbm>>
      %dma_wait3A_61 = arith.constant 0 : i32
      %dma_wait3A_62 = arith.constant 0 : i32
      %dma_wait3A_63 = tpu.memref_slice %arg3[%add3A, %add3A_56, %dma_wait3A_61, %dma_wait3A_62] : memref<32x40x2x125xi32, #tpu.memory_space<hbm>> -> memref<1x1x2x125xi32, #tpu.memory_space<hbm>>
      %dma_wait3A_64 = tpu.memref_squeeze %dma_wait3A_63 : memref<1x1x2x125xi32, #tpu.memory_space<hbm>> -> memref<2x125xi32, #tpu.memory_space<hbm>>
      tpu.wait_dma2 semaphore(%arg16 : memref<!tpu.dma_semaphore, #tpu.memory_space<semaphore_mem>>) src(%dma_wait3A_64 : memref<2x125xi32, #tpu.memory_space<hbm>>) dst(%arg9 : memref<2x125xi32, #tpu.memory_space<vmem>>)
      %dma_wait3A_65 = arith.constant 0 : i32
      %dma_wait3A_66 = arith.constant 0 : i32
      %dma_wait3A_67 = tpu.memref_slice %arg4[%add3A, %add3A_56, %dma_wait3A_65, %dma_wait3A_66] : memref<32x40x2x125xi32, #tpu.memory_space<hbm>> -> memref<1x1x2x125xi32, #tpu.memory_space<hbm>>
      %dma_wait3A_68 = tpu.memref_squeeze %dma_wait3A_67 : memref<1x1x2x125xi32, #tpu.memory_space<hbm>> -> memref<2x125xi32, #tpu.memory_space<hbm>>
      %dma_wait3A_69 = arith.constant 0 : i32
      %dma_wait3A_70 = arith.constant 0 : i32
      %dma_wait3A_71 = tpu.memref_slice %arg4[%add3A, %add3A_56, %dma_wait3A_69, %dma_wait3A_70] : memref<32x40x2x125xi32, #tpu.memory_space<hbm>> -> memref<1x1x2x125xi32, #tpu.memory_space<hbm>>
      %dma_wait3A_72 = tpu.memref_squeeze %dma_wait3A_71 : memref<1x1x2x125xi32, #tpu.memory_space<hbm>> -> memref<2x125xi32, #tpu.memory_space<hbm>>
      tpu.wait_dma2 semaphore(%arg16 : memref<!tpu.dma_semaphore, #tpu.memory_space<semaphore_mem>>) src(%dma_wait3A_72 : memref<2x125xi32, #tpu.memory_space<hbm>>) dst(%arg10 : memref<2x125xi32, #tpu.memory_space<vmem>>)
      %dma_start3A_73 = arith.constant 0 : i32
      %dma_start3A_74 = arith.constant 0 : i32
      %dma_start3A_75 = tpu.memref_slice %arg9[%dma_start3A_73, %dma_start3A_74] : memref<2x125xi32, #tpu.memory_space<vmem>> -> memref<1x125xi32, #tpu.memory_space<vmem>>
      %dma_start3A_76 = tpu.memref_squeeze %dma_start3A_75 : memref<1x125xi32, #tpu.memory_space<vmem>> -> memref<125xi32, #tpu.memory_space<vmem>>
      %dma_start3A_77 = arith.constant 0 : i32
      %dma_start3A_78 = arith.constant 0 : i32
      %dma_start3A_79 = tpu.memref_slice %arg2[%dma_start3A_77, %dma_start3A_78] : memref<10000x128xf32, #tpu.memory_space<hbm>> -> memref<10000x128xf32, #tpu.memory_space<hbm>>
      tpu.enqueue_indirect_dma source(%dma_start3A_79 : memref<10000x128xf32, #tpu.memory_space<hbm>>) target(%arg11 : memref<125x128xf32, #tpu.memory_space<vmem>>) offsets(%dma_start3A_76 : memref<125xi32, #tpu.memory_space<vmem>>) semaphore(%arg14 : memref<!tpu.dma_semaphore, #tpu.memory_space<semaphore_mem>>)
      %dma_wait3A_80 = arith.constant 1 : i32
      %dma_wait3A_81 = arith.constant 0 : i32
      %dma_wait3A_82 = tpu.memref_slice %arg7[%dma_wait3A_80, %dma_wait3A_81] : memref<2x125xi32, #tpu.memory_space<vmem>> -> memref<1x125xi32, #tpu.memory_space<vmem>>
      %dma_wait3A_83 = tpu.memref_squeeze %dma_wait3A_82 : memref<1x125xi32, #tpu.memory_space<vmem>> -> memref<125xi32, #tpu.memory_space<vmem>>
      %dma_wait3A_84 = arith.constant 0 : i32
      %dma_wait3A_85 = arith.constant 0 : i32
      %dma_wait3A_86 = tpu.memref_slice %arg2[%dma_wait3A_84, %dma_wait3A_85] : memref<10000x128xf32, #tpu.memory_space<hbm>> -> memref<10000x128xf32, #tpu.memory_space<hbm>>
      tpu.wait_indirect_dma semaphore(%arg15 : memref<!tpu.dma_semaphore, #tpu.memory_space<semaphore_mem>>) src(%dma_wait3A_86 : memref<10000x128xf32, #tpu.memory_space<hbm>>) dst(%arg12 : memref<125x128xf32, #tpu.memory_space<vmem>>)
      %run_scoped3A_87 = arith.constant 1 : i32
      "tpu.region"() ({
        %run_scoped3A_123 = tpu.sem_alloc : memref<!tpu.dma_semaphore, #tpu.memory_space<semaphore_mem>>
        %dma_start3A_124 = arith.constant 0 : i32
        %dma_start3A_125 = tpu.memref_slice %arg8[%run_scoped3A_87, %dma_start3A_124] : memref<2x125xi32, #tpu.memory_space<vmem>> -> memref<1x125xi32, #tpu.memory_space<vmem>>
        %dma_start3A_126 = tpu.memref_squeeze %dma_start3A_125 : memref<1x125xi32, #tpu.memory_space<vmem>> -> memref<125xi32, #tpu.memory_space<vmem>>
        %dma_start3A_127 = arith.constant 0 : i32
        %dma_start3A_128 = arith.constant 0 : i32
        %dma_start3A_129 = tpu.memref_slice %arg13[%dma_start3A_127, %dma_start3A_128] : memref<10240x128xf32, #tpu.memory_space<vmem_shared>> -> memref<10240x128xf32, #tpu.memory_space<vmem_shared>>
        tpu.enqueue_indirect_dma source(%arg12 : memref<125x128xf32, #tpu.memory_space<vmem>>) target(%dma_start3A_129 : memref<10240x128xf32, #tpu.memory_space<vmem_shared>>) offsets(%dma_start3A_126 : memref<125xi32, #tpu.memory_space<vmem>>) semaphore(%run_scoped3A_123 : memref<!tpu.dma_semaphore, #tpu.memory_space<semaphore_mem>>) {add = true}
        %dma_wait3A_130 = arith.constant 0 : i32
        %dma_wait3A_131 = tpu.memref_slice %arg8[%run_scoped3A_87, %dma_wait3A_130] : memref<2x125xi32, #tpu.memory_space<vmem>> -> memref<1x125xi32, #tpu.memory_space<vmem>>
        %dma_wait3A_132 = tpu.memref_squeeze %dma_wait3A_131 : memref<1x125xi32, #tpu.memory_space<vmem>> -> memref<125xi32, #tpu.memory_space<vmem>>
        %dma_wait3A_133 = arith.constant 0 : i32
        %dma_wait3A_134 = arith.constant 0 : i32
        %dma_wait3A_135 = tpu.memref_slice %arg13[%dma_wait3A_133, %dma_wait3A_134] : memref<10240x128xf32, #tpu.memory_space<vmem_shared>> -> memref<10240x128xf32, #tpu.memory_space<vmem_shared>>
        tpu.wait_indirect_dma semaphore(%run_scoped3A_123 : memref<!tpu.dma_semaphore, #tpu.memory_space<semaphore_mem>>) src(%arg12 : memref<125x128xf32, #tpu.memory_space<vmem>>) dst(%dma_wait3A_135 : memref<10240x128xf32, #tpu.memory_space<vmem_shared>>)
        tpu.yield
      }) : () -> ()
      %lt3A = arith.constant 19 : i32
      %lt3A_88 = arith.cmpi slt, %scan3A_38, %lt3A : i32
      %convert_element_type3A = arith.extui %lt3A_88 : i1 to i32
      %cond3A = arith.constant 0 : i32
      %cond3A_89 = arith.cmpi ne, %convert_element_type3A, %cond3A : i32
      scf.if %cond3A_89 {
        %mul3A_123 = arith.constant 2 : i32
        %mul3A_124 = arith.muli %mul3A_123, %scan3A_38 : i32
        %add3A_125 = arith.constant 2 : i32
        %add3A_126 = arith.addi %mul3A_124, %add3A_125 : i32
        %dma_start3A_127 = arith.constant 0 : i32
        %dma_start3A_128 = arith.constant 0 : i32
        %dma_start3A_129 = tpu.memref_slice %arg3[%add3A, %add3A_126, %dma_start3A_127, %dma_start3A_128] : memref<32x40x2x125xi32, #tpu.memory_space<hbm>> -> memref<1x1x2x125xi32, #tpu.memory_space<hbm>>
        %dma_start3A_130 = tpu.memref_squeeze %dma_start3A_129 : memref<1x1x2x125xi32, #tpu.memory_space<hbm>> -> memref<2x125xi32, #tpu.memory_space<hbm>>
        %dma_start3A_131 = arith.constant 0 : i32
        %dma_start3A_132 = arith.constant 0 : i32
        %dma_start3A_133 = tpu.memref_slice %arg3[%add3A, %add3A_126, %dma_start3A_131, %dma_start3A_132] : memref<32x40x2x125xi32, #tpu.memory_space<hbm>> -> memref<1x1x2x125xi32, #tpu.memory_space<hbm>>
        %dma_start3A_134 = tpu.memref_squeeze %dma_start3A_133 : memref<1x1x2x125xi32, #tpu.memory_space<hbm>> -> memref<2x125xi32, #tpu.memory_space<hbm>>
        tpu.enqueue_dma source(%dma_start3A_134 : memref<2x125xi32, #tpu.memory_space<hbm>>) target(%arg7 : memref<2x125xi32, #tpu.memory_space<vmem>>) target_semaphore(%arg16 : memref<!tpu.dma_semaphore, #tpu.memory_space<semaphore_mem>>)
        %dma_start3A_135 = arith.constant 0 : i32
        %dma_start3A_136 = arith.constant 0 : i32
        %dma_start3A_137 = tpu.memref_slice %arg4[%add3A, %add3A_126, %dma_start3A_135, %dma_start3A_136] : memref<32x40x2x125xi32, #tpu.memory_space<hbm>> -> memref<1x1x2x125xi32, #tpu.memory_space<hbm>>
        %dma_start3A_138 = tpu.memref_squeeze %dma_start3A_137 : memref<1x1x2x125xi32, #tpu.memory_space<hbm>> -> memref<2x125xi32, #tpu.memory_space<hbm>>
        %dma_start3A_139 = arith.constant 0 : i32
        %dma_start3A_140 = arith.constant 0 : i32
        %dma_start3A_141 = tpu.memref_slice %arg4[%add3A, %add3A_126, %dma_start3A_139, %dma_start3A_140] : memref<32x40x2x125xi32, #tpu.memory_space<hbm>> -> memref<1x1x2x125xi32, #tpu.memory_space<hbm>>
        %dma_start3A_142 = tpu.memref_squeeze %dma_start3A_141 : memref<1x1x2x125xi32, #tpu.memory_space<hbm>> -> memref<2x125xi32, #tpu.memory_space<hbm>>
        tpu.enqueue_dma source(%dma_start3A_142 : memref<2x125xi32, #tpu.memory_space<hbm>>) target(%arg8 : memref<2x125xi32, #tpu.memory_space<vmem>>) target_semaphore(%arg16 : memref<!tpu.dma_semaphore, #tpu.memory_space<semaphore_mem>>)
      } else {
      }
      %dma_start3A_90 = arith.constant 1 : i32
      %dma_start3A_91 = arith.constant 0 : i32
      %dma_start3A_92 = tpu.memref_slice %arg9[%dma_start3A_90, %dma_start3A_91] : memref<2x125xi32, #tpu.memory_space<vmem>> -> memref<1x125xi32, #tpu.memory_space<vmem>>
      %dma_start3A_93 = tpu.memref_squeeze %dma_start3A_92 : memref<1x125xi32, #tpu.memory_space<vmem>> -> memref<125xi32, #tpu.memory_space<vmem>>
      %dma_start3A_94 = arith.constant 0 : i32
      %dma_start3A_95 = arith.constant 0 : i32
      %dma_start3A_96 = tpu.memref_slice %arg2[%dma_start3A_94, %dma_start3A_95] : memref<10000x128xf32, #tpu.memory_space<hbm>> -> memref<10000x128xf32, #tpu.memory_space<hbm>>
      tpu.enqueue_indirect_dma source(%dma_start3A_96 : memref<10000x128xf32, #tpu.memory_space<hbm>>) target(%arg12 : memref<125x128xf32, #tpu.memory_space<vmem>>) offsets(%dma_start3A_93 : memref<125xi32, #tpu.memory_space<vmem>>) semaphore(%arg15 : memref<!tpu.dma_semaphore, #tpu.memory_space<semaphore_mem>>)
      %dma_wait3A_97 = arith.constant 0 : i32
      %dma_wait3A_98 = arith.constant 0 : i32
      %dma_wait3A_99 = tpu.memref_slice %arg9[%dma_wait3A_97, %dma_wait3A_98] : memref<2x125xi32, #tpu.memory_space<vmem>> -> memref<1x125xi32, #tpu.memory_space<vmem>>
      %dma_wait3A_100 = tpu.memref_squeeze %dma_wait3A_99 : memref<1x125xi32, #tpu.memory_space<vmem>> -> memref<125xi32, #tpu.memory_space<vmem>>
      %dma_wait3A_101 = arith.constant 0 : i32
      %dma_wait3A_102 = arith.constant 0 : i32
      %dma_wait3A_103 = tpu.memref_slice %arg2[%dma_wait3A_101, %dma_wait3A_102] : memref<10000x128xf32, #tpu.memory_space<hbm>> -> memref<10000x128xf32, #tpu.memory_space<hbm>>
      tpu.wait_indirect_dma semaphore(%arg14 : memref<!tpu.dma_semaphore, #tpu.memory_space<semaphore_mem>>) src(%dma_wait3A_103 : memref<10000x128xf32, #tpu.memory_space<hbm>>) dst(%arg11 : memref<125x128xf32, #tpu.memory_space<vmem>>)
      %run_scoped3A_104 = arith.constant 0 : i32
      "tpu.region"() ({
        %run_scoped3A_123 = tpu.sem_alloc : memref<!tpu.dma_semaphore, #tpu.memory_space<semaphore_mem>>
        %dma_start3A_124 = arith.constant 0 : i32
        %dma_start3A_125 = tpu.memref_slice %arg10[%run_scoped3A_104, %dma_start3A_124] : memref<2x125xi32, #tpu.memory_space<vmem>> -> memref<1x125xi32, #tpu.memory_space<vmem>>
        %dma_start3A_126 = tpu.memref_squeeze %dma_start3A_125 : memref<1x125xi32, #tpu.memory_space<vmem>> -> memref<125xi32, #tpu.memory_space<vmem>>
        %dma_start3A_127 = arith.constant 0 : i32
        %dma_start3A_128 = arith.constant 0 : i32
        %dma_start3A_129 = tpu.memref_slice %arg13[%dma_start3A_127, %dma_start3A_128] : memref<10240x128xf32, #tpu.memory_space<vmem_shared>> -> memref<10240x128xf32, #tpu.memory_space<vmem_shared>>
        tpu.enqueue_indirect_dma source(%arg11 : memref<125x128xf32, #tpu.memory_space<vmem>>) target(%dma_start3A_129 : memref<10240x128xf32, #tpu.memory_space<vmem_shared>>) offsets(%dma_start3A_126 : memref<125xi32, #tpu.memory_space<vmem>>) semaphore(%run_scoped3A_123 : memref<!tpu.dma_semaphore, #tpu.memory_space<semaphore_mem>>) {add = true}
        %dma_wait3A_130 = arith.constant 0 : i32
        %dma_wait3A_131 = tpu.memref_slice %arg10[%run_scoped3A_104, %dma_wait3A_130] : memref<2x125xi32, #tpu.memory_space<vmem>> -> memref<1x125xi32, #tpu.memory_space<vmem>>
        %dma_wait3A_132 = tpu.memref_squeeze %dma_wait3A_131 : memref<1x125xi32, #tpu.memory_space<vmem>> -> memref<125xi32, #tpu.memory_space<vmem>>
        %dma_wait3A_133 = arith.constant 0 : i32
        %dma_wait3A_134 = arith.constant 0 : i32
        %dma_wait3A_135 = tpu.memref_slice %arg13[%dma_wait3A_133, %dma_wait3A_134] : memref<10240x128xf32, #tpu.memory_space<vmem_shared>> -> memref<10240x128xf32, #tpu.memory_space<vmem_shared>>
        tpu.wait_indirect_dma semaphore(%run_scoped3A_123 : memref<!tpu.dma_semaphore, #tpu.memory_space<semaphore_mem>>) src(%arg11 : memref<125x128xf32, #tpu.memory_space<vmem>>) dst(%dma_wait3A_135 : memref<10240x128xf32, #tpu.memory_space<vmem_shared>>)
        tpu.yield
      }) : () -> ()
      %lt3A_105 = arith.constant 19 : i32
      %lt3A_106 = arith.cmpi slt, %scan3A_38, %lt3A_105 : i32
      %convert_element_type3A_107 = arith.extui %lt3A_106 : i1 to i32
      %cond3A_108 = arith.constant 0 : i32
      %cond3A_109 = arith.cmpi ne, %convert_element_type3A_107, %cond3A_108 : i32
      scf.if %cond3A_109 {
        %mul3A_123 = arith.constant 2 : i32
        %mul3A_124 = arith.muli %mul3A_123, %scan3A_38 : i32
        %add3A_125 = arith.constant 2 : i32
        %add3A_126 = arith.addi %mul3A_124, %add3A_125 : i32
        %dma_wait3A_127 = arith.constant 0 : i32
        %dma_wait3A_128 = arith.constant 0 : i32
        %dma_wait3A_129 = tpu.memref_slice %arg3[%add3A, %add3A_126, %dma_wait3A_127, %dma_wait3A_128] : memref<32x40x2x125xi32, #tpu.memory_space<hbm>> -> memref<1x1x2x125xi32, #tpu.memory_space<hbm>>
        %dma_wait3A_130 = tpu.memref_squeeze %dma_wait3A_129 : memref<1x1x2x125xi32, #tpu.memory_space<hbm>> -> memref<2x125xi32, #tpu.memory_space<hbm>>
        %dma_wait3A_131 = arith.constant 0 : i32
        %dma_wait3A_132 = arith.constant 0 : i32
        %dma_wait3A_133 = tpu.memref_slice %arg3[%add3A, %add3A_126, %dma_wait3A_131, %dma_wait3A_132] : memref<32x40x2x125xi32, #tpu.memory_space<hbm>> -> memref<1x1x2x125xi32, #tpu.memory_space<hbm>>
        %dma_wait3A_134 = tpu.memref_squeeze %dma_wait3A_133 : memref<1x1x2x125xi32, #tpu.memory_space<hbm>> -> memref<2x125xi32, #tpu.memory_space<hbm>>
        tpu.wait_dma2 semaphore(%arg16 : memref<!tpu.dma_semaphore, #tpu.memory_space<semaphore_mem>>) src(%dma_wait3A_134 : memref<2x125xi32, #tpu.memory_space<hbm>>) dst(%arg7 : memref<2x125xi32, #tpu.memory_space<vmem>>)
        %dma_wait3A_135 = arith.constant 0 : i32
        %dma_wait3A_136 = arith.constant 0 : i32
        %dma_wait3A_137 = tpu.memref_slice %arg4[%add3A, %add3A_126, %dma_wait3A_135, %dma_wait3A_136] : memref<32x40x2x125xi32, #tpu.memory_space<hbm>> -> memref<1x1x2x125xi32, #tpu.memory_space<hbm>>
        %dma_wait3A_138 = tpu.memref_squeeze %dma_wait3A_137 : memref<1x1x2x125xi32, #tpu.memory_space<hbm>> -> memref<2x125xi32, #tpu.memory_space<hbm>>
        %dma_wait3A_139 = arith.constant 0 : i32
        %dma_wait3A_140 = arith.constant 0 : i32
        %dma_wait3A_141 = tpu.memref_slice %arg4[%add3A, %add3A_126, %dma_wait3A_139, %dma_wait3A_140] : memref<32x40x2x125xi32, #tpu.memory_space<hbm>> -> memref<1x1x2x125xi32, #tpu.memory_space<hbm>>
        %dma_wait3A_142 = tpu.memref_squeeze %dma_wait3A_141 : memref<1x1x2x125xi32, #tpu.memory_space<hbm>> -> memref<2x125xi32, #tpu.memory_space<hbm>>
        tpu.wait_dma2 semaphore(%arg16 : memref<!tpu.dma_semaphore, #tpu.memory_space<semaphore_mem>>) src(%dma_wait3A_142 : memref<2x125xi32, #tpu.memory_space<hbm>>) dst(%arg8 : memref<2x125xi32, #tpu.memory_space<vmem>>)
        %dma_start3A_143 = arith.constant 0 : i32
        %dma_start3A_144 = arith.constant 0 : i32
        %dma_start3A_145 = tpu.memref_slice %arg7[%dma_start3A_143, %dma_start3A_144] : memref<2x125xi32, #tpu.memory_space<vmem>> -> memref<1x125xi32, #tpu.memory_space<vmem>>
        %dma_start3A_146 = tpu.memref_squeeze %dma_start3A_145 : memref<1x125xi32, #tpu.memory_space<vmem>> -> memref<125xi32, #tpu.memory_space<vmem>>
        %dma_start3A_147 = arith.constant 0 : i32
        %dma_start3A_148 = arith.constant 0 : i32
        %dma_start3A_149 = tpu.memref_slice %arg2[%dma_start3A_147, %dma_start3A_148] : memref<10000x128xf32, #tpu.memory_space<hbm>> -> memref<10000x128xf32, #tpu.memory_space<hbm>>
        tpu.enqueue_indirect_dma source(%dma_start3A_149 : memref<10000x128xf32, #tpu.memory_space<hbm>>) target(%arg11 : memref<125x128xf32, #tpu.memory_space<vmem>>) offsets(%dma_start3A_146 : memref<125xi32, #tpu.memory_space<vmem>>) semaphore(%arg14 : memref<!tpu.dma_semaphore, #tpu.memory_space<semaphore_mem>>)
      } else {
      }
      %dma_wait3A_110 = arith.constant 1 : i32
      %dma_wait3A_111 = arith.constant 0 : i32
      %dma_wait3A_112 = tpu.memref_slice %arg9[%dma_wait3A_110, %dma_wait3A_111] : memref<2x125xi32, #tpu.memory_space<vmem>> -> memref<1x125xi32, #tpu.memory_space<vmem>>
      %dma_wait3A_113 = tpu.memref_squeeze %dma_wait3A_112 : memref<1x125xi32, #tpu.memory_space<vmem>> -> memref<125xi32, #tpu.memory_space<vmem>>
      %dma_wait3A_114 = arith.constant 0 : i32
      %dma_wait3A_115 = arith.constant 0 : i32
      %dma_wait3A_116 = tpu.memref_slice %arg2[%dma_wait3A_114, %dma_wait3A_115] : memref<10000x128xf32, #tpu.memory_space<hbm>> -> memref<10000x128xf32, #tpu.memory_space<hbm>>
      tpu.wait_indirect_dma semaphore(%arg15 : memref<!tpu.dma_semaphore, #tpu.memory_space<semaphore_mem>>) src(%dma_wait3A_116 : memref<10000x128xf32, #tpu.memory_space<hbm>>) dst(%arg12 : memref<125x128xf32, #tpu.memory_space<vmem>>)
      %run_scoped3A_117 = arith.constant 1 : i32
      "tpu.region"() ({
        %run_scoped3A_123 = tpu.sem_alloc : memref<!tpu.dma_semaphore, #tpu.memory_space<semaphore_mem>>
        %dma_start3A_124 = arith.constant 0 : i32
        %dma_start3A_125 = tpu.memref_slice %arg10[%run_scoped3A_117, %dma_start3A_124] : memref<2x125xi32, #tpu.memory_space<vmem>> -> memref<1x125xi32, #tpu.memory_space<vmem>>
        %dma_start3A_126 = tpu.memref_squeeze %dma_start3A_125 : memref<1x125xi32, #tpu.memory_space<vmem>> -> memref<125xi32, #tpu.memory_space<vmem>>
        %dma_start3A_127 = arith.constant 0 : i32
        %dma_start3A_128 = arith.constant 0 : i32
        %dma_start3A_129 = tpu.memref_slice %arg13[%dma_start3A_127, %dma_start3A_128] : memref<10240x128xf32, #tpu.memory_space<vmem_shared>> -> memref<10240x128xf32, #tpu.memory_space<vmem_shared>>
        tpu.enqueue_indirect_dma source(%arg12 : memref<125x128xf32, #tpu.memory_space<vmem>>) target(%dma_start3A_129 : memref<10240x128xf32, #tpu.memory_space<vmem_shared>>) offsets(%dma_start3A_126 : memref<125xi32, #tpu.memory_space<vmem>>) semaphore(%run_scoped3A_123 : memref<!tpu.dma_semaphore, #tpu.memory_space<semaphore_mem>>) {add = true}
        %dma_wait3A_130 = arith.constant 0 : i32
        %dma_wait3A_131 = tpu.memref_slice %arg10[%run_scoped3A_117, %dma_wait3A_130] : memref<2x125xi32, #tpu.memory_space<vmem>> -> memref<1x125xi32, #tpu.memory_space<vmem>>
        %dma_wait3A_132 = tpu.memref_squeeze %dma_wait3A_131 : memref<1x125xi32, #tpu.memory_space<vmem>> -> memref<125xi32, #tpu.memory_space<vmem>>
        %dma_wait3A_133 = arith.constant 0 : i32
        %dma_wait3A_134 = arith.constant 0 : i32
        %dma_wait3A_135 = tpu.memref_slice %arg13[%dma_wait3A_133, %dma_wait3A_134] : memref<10240x128xf32, #tpu.memory_space<vmem_shared>> -> memref<10240x128xf32, #tpu.memory_space<vmem_shared>>
        tpu.wait_indirect_dma semaphore(%run_scoped3A_123 : memref<!tpu.dma_semaphore, #tpu.memory_space<semaphore_mem>>) src(%arg12 : memref<125x128xf32, #tpu.memory_space<vmem>>) dst(%dma_wait3A_135 : memref<10240x128xf32, #tpu.memory_space<vmem_shared>>)
        tpu.yield
      }) : () -> ()
      %lt3A_118 = arith.constant 19 : i32
      %lt3A_119 = arith.cmpi slt, %scan3A_38, %lt3A_118 : i32
      %convert_element_type3A_120 = arith.extui %lt3A_119 : i1 to i32
      %cond3A_121 = arith.constant 0 : i32
      %cond3A_122 = arith.cmpi ne, %convert_element_type3A_120, %cond3A_121 : i32
      scf.if %cond3A_122 {
        %mul3A_123 = arith.constant 2 : i32
        %mul3A_124 = arith.muli %mul3A_123, %scan3A_38 : i32
        %add3A_125 = arith.constant 3 : i32
        %add3A_126 = arith.addi %mul3A_124, %add3A_125 : i32
        %dma_start3A_127 = arith.constant 0 : i32
        %dma_start3A_128 = arith.constant 0 : i32
        %dma_start3A_129 = tpu.memref_slice %arg3[%add3A, %add3A_126, %dma_start3A_127, %dma_start3A_128] : memref<32x40x2x125xi32, #tpu.memory_space<hbm>> -> memref<1x1x2x125xi32, #tpu.memory_space<hbm>>
        %dma_start3A_130 = tpu.memref_squeeze %dma_start3A_129 : memref<1x1x2x125xi32, #tpu.memory_space<hbm>> -> memref<2x125xi32, #tpu.memory_space<hbm>>
        %dma_start3A_131 = arith.constant 0 : i32
        %dma_start3A_132 = arith.constant 0 : i32
        %dma_start3A_133 = tpu.memref_slice %arg3[%add3A, %add3A_126, %dma_start3A_131, %dma_start3A_132] : memref<32x40x2x125xi32, #tpu.memory_space<hbm>> -> memref<1x1x2x125xi32, #tpu.memory_space<hbm>>
        %dma_start3A_134 = tpu.memref_squeeze %dma_start3A_133 : memref<1x1x2x125xi32, #tpu.memory_space<hbm>> -> memref<2x125xi32, #tpu.memory_space<hbm>>
        tpu.enqueue_dma source(%dma_start3A_134 : memref<2x125xi32, #tpu.memory_space<hbm>>) target(%arg9 : memref<2x125xi32, #tpu.memory_space<vmem>>) target_semaphore(%arg16 : memref<!tpu.dma_semaphore, #tpu.memory_space<semaphore_mem>>)
        %dma_start3A_135 = arith.constant 0 : i32
        %dma_start3A_136 = arith.constant 0 : i32
        %dma_start3A_137 = tpu.memref_slice %arg4[%add3A, %add3A_126, %dma_start3A_135, %dma_start3A_136] : memref<32x40x2x125xi32, #tpu.memory_space<hbm>> -> memref<1x1x2x125xi32, #tpu.memory_space<hbm>>
        %dma_start3A_138 = tpu.memref_squeeze %dma_start3A_137 : memref<1x1x2x125xi32, #tpu.memory_space<hbm>> -> memref<2x125xi32, #tpu.memory_space<hbm>>
        %dma_start3A_139 = arith.constant 0 : i32
        %dma_start3A_140 = arith.constant 0 : i32
        %dma_start3A_141 = tpu.memref_slice %arg4[%add3A, %add3A_126, %dma_start3A_139, %dma_start3A_140] : memref<32x40x2x125xi32, #tpu.memory_space<hbm>> -> memref<1x1x2x125xi32, #tpu.memory_space<hbm>>
        %dma_start3A_142 = tpu.memref_squeeze %dma_start3A_141 : memref<1x1x2x125xi32, #tpu.memory_space<hbm>> -> memref<2x125xi32, #tpu.memory_space<hbm>>
        tpu.enqueue_dma source(%dma_start3A_142 : memref<2x125xi32, #tpu.memory_space<hbm>>) target(%arg10 : memref<2x125xi32, #tpu.memory_space<vmem>>) target_semaphore(%arg16 : memref<!tpu.dma_semaphore, #tpu.memory_space<semaphore_mem>>)
      } else {
      }
    }
    %scan3A_32 = arith.constant 20 : i32
    %barrier3A_33 = arith.constant 0 : index
    tpu.barrier barrier_id(%barrier3A_33)
    %mul3A_34 = arith.constant 640 : i32
    %mul3A_35 = arith.muli %arg1, %mul3A_34 : i32
    %mul3A_36 = arith.constant 640 : i32
    %mul3A_37 = arith.muli %arg1, %mul3A_36 : i32
    "tpu.region"() ({
      %run_scoped3A_38 = tpu.sem_alloc : memref<!tpu.dma_semaphore, #tpu.memory_space<semaphore_mem>>
      %dma_start3A_39 = arith.constant 0 : i32
      %dma_start3A_40 = tpu.memref_slice %arg6[%arg0, %mul3A_37, %dma_start3A_39] : memref<2x10240x128xf32, #tpu.memory_space<hbm>> -> memref<1x640x128xf32, #tpu.memory_space<hbm>>
      %dma_start3A_41 = tpu.memref_squeeze %dma_start3A_40 : memref<1x640x128xf32, #tpu.memory_space<hbm>> -> memref<640x128xf32, #tpu.memory_space<hbm>>
      %dma_start3A_42 = arith.constant 0 : i32
      %dma_start3A_43 = tpu.memref_slice %arg13[%mul3A_35, %dma_start3A_42] : memref<10240x128xf32, #tpu.memory_space<vmem_shared>> -> memref<640x128xf32, #tpu.memory_space<vmem_shared>>
      tpu.enqueue_dma source(%dma_start3A_43 : memref<640x128xf32, #tpu.memory_space<vmem_shared>>) target(%dma_start3A_41 : memref<640x128xf32, #tpu.memory_space<hbm>>) target_semaphore(%run_scoped3A_38 : memref<!tpu.dma_semaphore, #tpu.memory_space<semaphore_mem>>)
      %dma_wait3A = arith.constant 0 : i32
      %dma_wait3A_44 = tpu.memref_slice %arg6[%arg0, %mul3A_37, %dma_wait3A] : memref<2x10240x128xf32, #tpu.memory_space<hbm>> -> memref<1x640x128xf32, #tpu.memory_space<hbm>>
      %dma_wait3A_45 = tpu.memref_squeeze %dma_wait3A_44 : memref<1x640x128xf32, #tpu.memory_space<hbm>> -> memref<640x128xf32, #tpu.memory_space<hbm>>
      %dma_wait3A_46 = arith.constant 0 : i32
      %dma_wait3A_47 = tpu.memref_slice %arg13[%mul3A_35, %dma_wait3A_46] : memref<10240x128xf32, #tpu.memory_space<vmem_shared>> -> memref<640x128xf32, #tpu.memory_space<vmem_shared>>
      tpu.wait_dma2 semaphore(%run_scoped3A_38 : memref<!tpu.dma_semaphore, #tpu.memory_space<semaphore_mem>>) src(%dma_wait3A_47 : memref<640x128xf32, #tpu.memory_space<vmem_shared>>) dst(%dma_wait3A_45 : memref<640x128xf32, #tpu.memory_space<hbm>>)
      tpu.yield
    }) : () -> ()
    return
  }
}

#map = affine_map<(d0, d1) -> (0, 0)>
#map1 = affine_map<(d0, d1) -> (0, 0, 0, 0)>
#map2 = affine_map<(d0, d1) -> (0, 0, 0)>
module attributes {stable_mosaic.version = 14 : i64} {
  func.func @k(%arg0: i32, %arg1: i32, %arg2: memref<10000x128xf32, #tpu.memory_space<hbm>>, %arg3: memref<32x40x2x125xi32, #tpu.memory_space<hbm>>, %arg4: memref<32x40x2x125xi32, #tpu.memory_space<hbm>>, %arg5: memref<640x128xf32, #tpu.memory_space<hbm>>, %arg6: memref<2x10240x128xf32, #tpu.memory_space<hbm>>, %arg7: memref<2x125xi32, #tpu.memory_space<vmem>>, %arg8: memref<2x125xi32, #tpu.memory_space<vmem>>, %arg9: memref<2x125xi32, #tpu.memory_space<vmem>>, %arg10: memref<2x125xi32, #tpu.memory_space<vmem>>, %arg11: memref<125x128xf32, #tpu.memory_space<vmem>>, %arg12: memref<125x128xf32, #tpu.memory_space<vmem>>, %arg13: memref<10240x128xf32, #tpu.memory_space<vmem_shared>>, %arg14: memref<!tpu.dma_semaphore, #tpu.memory_space<semaphore_mem>>, %arg15: memref<!tpu.dma_semaphore, #tpu.memory_space<semaphore_mem>>, %arg16: memref<!tpu.dma_semaphore, #tpu.memory_space<semaphore_mem>>) attributes {dimension_semantics = [#tpu.dimension_semantics<core_parallel>, #tpu.dimension_semantics<subcore_parallel>], iteration_bounds = array<i64: 2, 16>, scalar_prefetch = 0 : i64, scratch_operands = 10 : i64, tpu.core_type = #tpu.core_type<sc_vector_subcore>, window_params = [{transform_indices = #map}, {transform_indices = #map1}, {transform_indices = #map1}, {transform_indices = #map}, {transform_indices = #map2}]} {
    %mul3A = arith.constant 2 : i32
    %mul3A_0 = arith.muli %arg1, %mul3A : i32
    %add3A = arith.addi %mul3A_0, %arg0 : i32
    %mul3A_1 = arith.constant 640 : i32
    %mul3A_2 = arith.muli %arg1, %mul3A_1 : i32
    "tpu.region"() ({
      %run_scoped3A_38 = tpu.sem_alloc : memref<!tpu.dma_semaphore, #tpu.memory_space<semaphore_mem>>
      %dma_start3A_39 = arith.constant 0 : i32
      %dma_start3A_40 = tpu.memref_slice %arg13[%mul3A_2, %dma_start3A_39] : memref<10240x128xf32, #tpu.memory_space<vmem_shared>> -> memref<640x128xf32, #tpu.memory_space<vmem_shared>>
      tpu.enqueue_dma source(%arg5 : memref<640x128xf32, #tpu.memory_space<hbm>>) target(%dma_start3A_40 : memref<640x128xf32, #tpu.memory_space<vmem_shared>>) target_semaphore(%run_scoped3A_38 : memref<!tpu.dma_semaphore, #tpu.memory_space<semaphore_mem>>)
      %dma_wait3A = arith.constant 0 : i32
      %dma_wait3A_41 = tpu.memref_slice %arg13[%mul3A_2, %dma_wait3A] : memref<10240x128xf32, #tpu.memory_space<vmem_shared>> -> memref<640x128xf32, #tpu.memory_space<vmem_shared>>
      tpu.wait_dma2 semaphore(%run_scoped3A_38 : memref<!tpu.dma_semaphore, #tpu.memory_space<semaphore_mem>>) src(%arg5 : memref<640x128xf32, #tpu.memory_space<hbm>>) dst(%dma_wait3A_41 : memref<640x128xf32, #tpu.memory_space<vmem_shared>>)
      tpu.yield
    }) : () -> ()
    %run_scoped3A = arith.constant 0 : i32
    "tpu.region"() ({
      %run_scoped3A_38 = tpu.sem_alloc : memref<!tpu.dma_semaphore, #tpu.memory_space<semaphore_mem>>
      %dma_start3A_39 = arith.constant 0 : i32
      %dma_start3A_40 = arith.constant 0 : i32
      %dma_start3A_41 = tpu.memref_slice %arg3[%add3A, %run_scoped3A, %dma_start3A_39, %dma_start3A_40] : memref<32x40x2x125xi32, #tpu.memory_space<hbm>> -> memref<1x1x2x125xi32, #tpu.memory_space<hbm>>
      %dma_start3A_42 = tpu.memref_squeeze %dma_start3A_41 : memref<1x1x2x125xi32, #tpu.memory_space<hbm>> -> memref<2x125xi32, #tpu.memory_space<hbm>>
      %dma_start3A_43 = arith.constant 0 : i32
      %dma_start3A_44 = arith.constant 0 : i32
      %dma_start3A_45 = tpu.memref_slice %arg3[%add3A, %run_scoped3A, %dma_start3A_43, %dma_start3A_44] : memref<32x40x2x125xi32, #tpu.memory_space<hbm>> -> memref<1x1x2x125xi32, #tpu.memory_space<hbm>>
      %dma_start3A_46 = tpu.memref_squeeze %dma_start3A_45 : memref<1x1x2x125xi32, #tpu.memory_space<hbm>> -> memref<2x125xi32, #tpu.memory_space<hbm>>
      tpu.enqueue_dma source(%dma_start3A_46 : memref<2x125xi32, #tpu.memory_space<hbm>>) target(%arg7 : memref<2x125xi32, #tpu.memory_space<vmem>>) target_semaphore(%run_scoped3A_38 : memref<!tpu.dma_semaphore, #tpu.memory_space<semaphore_mem>>)
      %dma_wait3A = arith.constant 0 : i32
      %dma_wait3A_47 = arith.constant 0 : i32
      %dma_wait3A_48 = tpu.memref_slice %arg3[%add3A, %run_scoped3A, %dma_wait3A, %dma_wait3A_47] : memref<32x40x2x125xi32, #tpu.memory_space<hbm>> -> memref<1x1x2x125xi32, #tpu.memory_space<hbm>>
      %dma_wait3A_49 = tpu.memref_squeeze %dma_wait3A_48 : memref<1x1x2x125xi32, #tpu.memory_space<hbm>> -> memref<2x125xi32, #tpu.memory_space<hbm>>
      %dma_wait3A_50 = arith.constant 0 : i32
      %dma_wait3A_51 = arith.constant 0 : i32
      %dma_wait3A_52 = tpu.memref_slice %arg3[%add3A, %run_scoped3A, %dma_wait3A_50, %dma_wait3A_51] : memref<32x40x2x125xi32, #tpu.memory_space<hbm>> -> memref<1x1x2x125xi32, #tpu.memory_space<hbm>>
      %dma_wait3A_53 = tpu.memref_squeeze %dma_wait3A_52 : memref<1x1x2x125xi32, #tpu.memory_space<hbm>> -> memref<2x125xi32, #tpu.memory_space<hbm>>
      tpu.wait_dma2 semaphore(%run_scoped3A_38 : memref<!tpu.dma_semaphore, #tpu.memory_space<semaphore_mem>>) src(%dma_wait3A_53 : memref<2x125xi32, #tpu.memory_space<hbm>>) dst(%arg7 : memref<2x125xi32, #tpu.memory_space<vmem>>)
      tpu.yield
    }) : () -> ()
    %run_scoped3A_3 = arith.constant 0 : i32
    "tpu.region"() ({
      %run_scoped3A_38 = tpu.sem_alloc : memref<!tpu.dma_semaphore, #tpu.memory_space<semaphore_mem>>
      %dma_start3A_39 = arith.constant 0 : i32
      %dma_start3A_40 = arith.constant 0 : i32
      %dma_start3A_41 = tpu.memref_slice %arg4[%add3A, %run_scoped3A_3, %dma_start3A_39, %dma_start3A_40] : memref<32x40x2x125xi32, #tpu.memory_space<hbm>> -> memref<1x1x2x125xi32, #tpu.memory_space<hbm>>
      %dma_start3A_42 = tpu.memref_squeeze %dma_start3A_41 : memref<1x1x2x125xi32, #tpu.memory_space<hbm>> -> memref<2x125xi32, #tpu.memory_space<hbm>>
      %dma_start3A_43 = arith.constant 0 : i32
      %dma_start3A_44 = arith.constant 0 : i32
      %dma_start3A_45 = tpu.memref_slice %arg4[%add3A, %run_scoped3A_3, %dma_start3A_43, %dma_start3A_44] : memref<32x40x2x125xi32, #tpu.memory_space<hbm>> -> memref<1x1x2x125xi32, #tpu.memory_space<hbm>>
      %dma_start3A_46 = tpu.memref_squeeze %dma_start3A_45 : memref<1x1x2x125xi32, #tpu.memory_space<hbm>> -> memref<2x125xi32, #tpu.memory_space<hbm>>
      tpu.enqueue_dma source(%dma_start3A_46 : memref<2x125xi32, #tpu.memory_space<hbm>>) target(%arg8 : memref<2x125xi32, #tpu.memory_space<vmem>>) target_semaphore(%run_scoped3A_38 : memref<!tpu.dma_semaphore, #tpu.memory_space<semaphore_mem>>)
      %dma_wait3A = arith.constant 0 : i32
      %dma_wait3A_47 = arith.constant 0 : i32
      %dma_wait3A_48 = tpu.memref_slice %arg4[%add3A, %run_scoped3A_3, %dma_wait3A, %dma_wait3A_47] : memref<32x40x2x125xi32, #tpu.memory_space<hbm>> -> memref<1x1x2x125xi32, #tpu.memory_space<hbm>>
      %dma_wait3A_49 = tpu.memref_squeeze %dma_wait3A_48 : memref<1x1x2x125xi32, #tpu.memory_space<hbm>> -> memref<2x125xi32, #tpu.memory_space<hbm>>
      %dma_wait3A_50 = arith.constant 0 : i32
      %dma_wait3A_51 = arith.constant 0 : i32
      %dma_wait3A_52 = tpu.memref_slice %arg4[%add3A, %run_scoped3A_3, %dma_wait3A_50, %dma_wait3A_51] : memref<32x40x2x125xi32, #tpu.memory_space<hbm>> -> memref<1x1x2x125xi32, #tpu.memory_space<hbm>>
      %dma_wait3A_53 = tpu.memref_squeeze %dma_wait3A_52 : memref<1x1x2x125xi32, #tpu.memory_space<hbm>> -> memref<2x125xi32, #tpu.memory_space<hbm>>
      tpu.wait_dma2 semaphore(%run_scoped3A_38 : memref<!tpu.dma_semaphore, #tpu.memory_space<semaphore_mem>>) src(%dma_wait3A_53 : memref<2x125xi32, #tpu.memory_space<hbm>>) dst(%arg8 : memref<2x125xi32, #tpu.memory_space<vmem>>)
      tpu.yield
    }) : () -> ()
    %dma_start3A = arith.constant 1 : i32
    %dma_start3A_4 = arith.constant 0 : i32
    %dma_start3A_5 = arith.constant 0 : i32
    %dma_start3A_6 = tpu.memref_slice %arg3[%add3A, %dma_start3A, %dma_start3A_4, %dma_start3A_5] : memref<32x40x2x125xi32, #tpu.memory_space<hbm>> -> memref<1x1x2x125xi32, #tpu.memory_space<hbm>>
    %dma_start3A_7 = tpu.memref_squeeze %dma_start3A_6 : memref<1x1x2x125xi32, #tpu.memory_space<hbm>> -> memref<2x125xi32, #tpu.memory_space<hbm>>
    %dma_start3A_8 = arith.constant 0 : i32
    %dma_start3A_9 = arith.constant 0 : i32
    %dma_start3A_10 = tpu.memref_slice %arg3[%add3A, %dma_start3A, %dma_start3A_8, %dma_start3A_9] : memref<32x40x2x125xi32, #tpu.memory_space<hbm>> -> memref<1x1x2x125xi32, #tpu.memory_space<hbm>>
    %dma_start3A_11 = tpu.memref_squeeze %dma_start3A_10 : memref<1x1x2x125xi32, #tpu.memory_space<hbm>> -> memref<2x125xi32, #tpu.memory_space<hbm>>
    tpu.enqueue_dma source(%dma_start3A_11 : memref<2x125xi32, #tpu.memory_space<hbm>>) target(%arg9 : memref<2x125xi32, #tpu.memory_space<vmem>>) target_semaphore(%arg16 : memref<!tpu.dma_semaphore, #tpu.memory_space<semaphore_mem>>)
    %dma_start3A_12 = arith.constant 1 : i32
    %dma_start3A_13 = arith.constant 0 : i32
    %dma_start3A_14 = arith.constant 0 : i32
    %dma_start3A_15 = tpu.memref_slice %arg4[%add3A, %dma_start3A_12, %dma_start3A_13, %dma_start3A_14] : memref<32x40x2x125xi32, #tpu.memory_space<hbm>> -> memref<1x1x2x125xi32, #tpu.memory_space<hbm>>
    %dma_start3A_16 = tpu.memref_squeeze %dma_start3A_15 : memref<1x1x2x125xi32, #tpu.memory_space<hbm>> -> memref<2x125xi32, #tpu.memory_space<hbm>>
    %dma_start3A_17 = arith.constant 0 : i32
    %dma_start3A_18 = arith.constant 0 : i32
    %dma_start3A_19 = tpu.memref_slice %arg4[%add3A, %dma_start3A_12, %dma_start3A_17, %dma_start3A_18] : memref<32x40x2x125xi32, #tpu.memory_space<hbm>> -> memref<1x1x2x125xi32, #tpu.memory_space<hbm>>
    %dma_start3A_20 = tpu.memref_squeeze %dma_start3A_19 : memref<1x1x2x125xi32, #tpu.memory_space<hbm>> -> memref<2x125xi32, #tpu.memory_space<hbm>>
    tpu.enqueue_dma source(%dma_start3A_20 : memref<2x125xi32, #tpu.memory_space<hbm>>) target(%arg10 : memref<2x125xi32, #tpu.memory_space<vmem>>) target_semaphore(%arg16 : memref<!tpu.dma_semaphore, #tpu.memory_space<semaphore_mem>>)
    %dma_start3A_21 = arith.constant 0 : i32
    %dma_start3A_22 = arith.constant 0 : i32
    %dma_start3A_23 = tpu.memref_slice %arg7[%dma_start3A_21, %dma_start3A_22] : memref<2x125xi32, #tpu.memory_space<vmem>> -> memref<1x125xi32, #tpu.memory_space<vmem>>
    %dma_start3A_24 = tpu.memref_squeeze %dma_start3A_23 : memref<1x125xi32, #tpu.memory_space<vmem>> -> memref<125xi32, #tpu.memory_space<vmem>>
    %dma_start3A_25 = arith.constant 0 : i32
    %dma_start3A_26 = arith.constant 0 : i32
    %dma_start3A_27 = tpu.memref_slice %arg2[%dma_start3A_25, %dma_start3A_26] : memref<10000x128xf32, #tpu.memory_space<hbm>> -> memref<10000x128xf32, #tpu.memory_space<hbm>>
    tpu.enqueue_indirect_dma source(%dma_start3A_27 : memref<10000x128xf32, #tpu.memory_space<hbm>>) target(%arg11 : memref<125x128xf32, #tpu.memory_space<vmem>>) offsets(%dma_start3A_24 : memref<125xi32, #tpu.memory_space<vmem>>) semaphore(%arg14 : memref<!tpu.dma_semaphore, #tpu.memory_space<semaphore_mem>>)
    %barrier3A = arith.constant 0 : index
    tpu.barrier barrier_id(%barrier3A)
    %scan3A = arith.constant 0 : i32
    %scan3A_28 = arith.constant 0 : i32
    %scan3A_29 = arith.constant 20 : i32
    %scan3A_30 = arith.addi %scan3A_28, %scan3A_29 : i32
    %scan3A_31 = arith.constant 1 : i32
    scf.for %scan3A_38 = %scan3A_28 to %scan3A_30 step %scan3A_31  : i32 {
      %dma_start3A_39 = arith.constant 1 : i32
      %dma_start3A_40 = arith.constant 0 : i32
      %dma_start3A_41 = tpu.memref_slice %arg7[%dma_start3A_39, %dma_start3A_40] : memref<2x125xi32, #tpu.memory_space<vmem>> -> memref<1x125xi32, #tpu.memory_space<vmem>>
      %dma_start3A_42 = tpu.memref_squeeze %dma_start3A_41 : memref<1x125xi32, #tpu.memory_space<vmem>> -> memref<125xi32, #tpu.memory_space<vmem>>
      %dma_start3A_43 = arith.constant 0 : i32
      %dma_start3A_44 = arith.constant 0 : i32
      %dma_start3A_45 = tpu.memref_slice %arg2[%dma_start3A_43, %dma_start3A_44] : memref<10000x128xf32, #tpu.memory_space<hbm>> -> memref<10000x128xf32, #tpu.memory_space<hbm>>
      tpu.enqueue_indirect_dma source(%dma_start3A_45 : memref<10000x128xf32, #tpu.memory_space<hbm>>) target(%arg12 : memref<125x128xf32, #tpu.memory_space<vmem>>) offsets(%dma_start3A_42 : memref<125xi32, #tpu.memory_space<vmem>>) semaphore(%arg15 : memref<!tpu.dma_semaphore, #tpu.memory_space<semaphore_mem>>)
      %dma_wait3A = arith.constant 0 : i32
      %dma_wait3A_46 = arith.constant 0 : i32
      %dma_wait3A_47 = tpu.memref_slice %arg7[%dma_wait3A, %dma_wait3A_46] : memref<2x125xi32, #tpu.memory_space<vmem>> -> memref<1x125xi32, #tpu.memory_space<vmem>>
      %dma_wait3A_48 = tpu.memref_squeeze %dma_wait3A_47 : memref<1x125xi32, #tpu.memory_space<vmem>> -> memref<125xi32, #tpu.memory_space<vmem>>
      %dma_wait3A_49 = arith.constant 0 : i32
      %dma_wait3A_50 = arith.constant 0 : i32
      %dma_wait3A_51 = tpu.memref_slice %arg2[%dma_wait3A_49, %dma_wait3A_50] : memref<10000x128xf32, #tpu.memory_space<hbm>> -> memref<10000x128xf32, #tpu.memory_space<hbm>>
      tpu.wait_indirect_dma semaphore(%arg14 : memref<!tpu.dma_semaphore, #tpu.memory_space<semaphore_mem>>) src(%dma_wait3A_51 : memref<10000x128xf32, #tpu.memory_space<hbm>>) dst(%arg11 : memref<125x128xf32, #tpu.memory_space<vmem>>)
      %run_scoped3A_52 = arith.constant 0 : i32
      "tpu.region"() ({
        %run_scoped3A_123 = tpu.sem_alloc : memref<!tpu.dma_semaphore, #tpu.memory_space<semaphore_mem>>
        %dma_start3A_124 = arith.constant 0 : i32
        %dma_start3A_125 = tpu.memref_slice %arg8[%run_scoped3A_52, %dma_start3A_124] : memref<2x125xi32, #tpu.memory_space<vmem>> -> memref<1x125xi32, #tpu.memory_space<vmem>>
        %dma_start3A_126 = tpu.memref_squeeze %dma_start3A_125 : memref<1x125xi32, #tpu.memory_space<vmem>> -> memref<125xi32, #tpu.memory_space<vmem>>
        %dma_start3A_127 = arith.constant 0 : i32
        %dma_start3A_128 = arith.constant 0 : i32
        %dma_start3A_129 = tpu.memref_slice %arg13[%dma_start3A_127, %dma_start3A_128] : memref<10240x128xf32, #tpu.memory_space<vmem_shared>> -> memref<10240x128xf32, #tpu.memory_space<vmem_shared>>
        tpu.enqueue_indirect_dma source(%arg11 : memref<125x128xf32, #tpu.memory_space<vmem>>) target(%dma_start3A_129 : memref<10240x128xf32, #tpu.memory_space<vmem_shared>>) offsets(%dma_start3A_126 : memref<125xi32, #tpu.memory_space<vmem>>) semaphore(%run_scoped3A_123 : memref<!tpu.dma_semaphore, #tpu.memory_space<semaphore_mem>>) {add = true}
        %dma_wait3A_130 = arith.constant 0 : i32
        %dma_wait3A_131 = tpu.memref_slice %arg8[%run_scoped3A_52, %dma_wait3A_130] : memref<2x125xi32, #tpu.memory_space<vmem>> -> memref<1x125xi32, #tpu.memory_space<vmem>>
        %dma_wait3A_132 = tpu.memref_squeeze %dma_wait3A_131 : memref<1x125xi32, #tpu.memory_space<vmem>> -> memref<125xi32, #tpu.memory_space<vmem>>
        %dma_wait3A_133 = arith.constant 0 : i32
        %dma_wait3A_134 = arith.constant 0 : i32
        %dma_wait3A_135 = tpu.memref_slice %arg13[%dma_wait3A_133, %dma_wait3A_134] : memref<10240x128xf32, #tpu.memory_space<vmem_shared>> -> memref<10240x128xf32, #tpu.memory_space<vmem_shared>>
        tpu.wait_indirect_dma semaphore(%run_scoped3A_123 : memref<!tpu.dma_semaphore, #tpu.memory_space<semaphore_mem>>) src(%arg11 : memref<125x128xf32, #tpu.memory_space<vmem>>) dst(%dma_wait3A_135 : memref<10240x128xf32, #tpu.memory_space<vmem_shared>>)
        tpu.yield
      }) : () -> ()
      %mul3A_53 = arith.constant 2 : i32
      %mul3A_54 = arith.muli %mul3A_53, %scan3A_38 : i32
      %add3A_55 = arith.constant 1 : i32
      %add3A_56 = arith.addi %mul3A_54, %add3A_55 : i32
      %dma_wait3A_57 = arith.constant 0 : i32
      %dma_wait3A_58 = arith.constant 0 : i32
      %dma_wait3A_59 = tpu.memref_slice %arg3[%add3A, %add3A_56, %dma_wait3A_57, %dma_wait3A_58] : memref<32x40x2x125xi32, #tpu.memory_space<hbm>> -> memref<1x1x2x125xi32, #tpu.memory_space<hbm>>
      %dma_wait3A_60 = tpu.memref_squeeze %dma_wait3A_59 : memref<1x1x2x125xi32, #tpu.memory_space<hbm>> -> memref<2x125xi32, #tpu.memory_space<hbm>>
      %dma_wait3A_61 = arith.constant 0 : i32
      %dma_wait3A_62 = arith.constant 0 : i32
      %dma_wait3A_63 = tpu.memref_slice %arg3[%add3A, %add3A_56, %dma_wait3A_61, %dma_wait3A_62] : memref<32x40x2x125xi32, #tpu.memory_space<hbm>> -> memref<1x1x2x125xi32, #tpu.memory_space<hbm>>
      %dma_wait3A_64 = tpu.memref_squeeze %dma_wait3A_63 : memref<1x1x2x125xi32, #tpu.memory_space<hbm>> -> memref<2x125xi32, #tpu.memory_space<hbm>>
      tpu.wait_dma2 semaphore(%arg16 : memref<!tpu.dma_semaphore, #tpu.memory_space<semaphore_mem>>) src(%dma_wait3A_64 : memref<2x125xi32, #tpu.memory_space<hbm>>) dst(%arg9 : memref<2x125xi32, #tpu.memory_space<vmem>>)
      %dma_wait3A_65 = arith.constant 0 : i32
      %dma_wait3A_66 = arith.constant 0 : i32
      %dma_wait3A_67 = tpu.memref_slice %arg4[%add3A, %add3A_56, %dma_wait3A_65, %dma_wait3A_66] : memref<32x40x2x125xi32, #tpu.memory_space<hbm>> -> memref<1x1x2x125xi32, #tpu.memory_space<hbm>>
      %dma_wait3A_68 = tpu.memref_squeeze %dma_wait3A_67 : memref<1x1x2x125xi32, #tpu.memory_space<hbm>> -> memref<2x125xi32, #tpu.memory_space<hbm>>
      %dma_wait3A_69 = arith.constant 0 : i32
      %dma_wait3A_70 = arith.constant 0 : i32
      %dma_wait3A_71 = tpu.memref_slice %arg4[%add3A, %add3A_56, %dma_wait3A_69, %dma_wait3A_70] : memref<32x40x2x125xi32, #tpu.memory_space<hbm>> -> memref<1x1x2x125xi32, #tpu.memory_space<hbm>>
      %dma_wait3A_72 = tpu.memref_squeeze %dma_wait3A_71 : memref<1x1x2x125xi32, #tpu.memory_space<hbm>> -> memref<2x125xi32, #tpu.memory_space<hbm>>
      tpu.wait_dma2 semaphore(%arg16 : memref<!tpu.dma_semaphore, #tpu.memory_space<semaphore_mem>>) src(%dma_wait3A_72 : memref<2x125xi32, #tpu.memory_space<hbm>>) dst(%arg10 : memref<2x125xi32, #tpu.memory_space<vmem>>)
      %dma_start3A_73 = arith.constant 0 : i32
      %dma_start3A_74 = arith.constant 0 : i32
      %dma_start3A_75 = tpu.memref_slice %arg9[%dma_start3A_73, %dma_start3A_74] : memref<2x125xi32, #tpu.memory_space<vmem>> -> memref<1x125xi32, #tpu.memory_space<vmem>>
      %dma_start3A_76 = tpu.memref_squeeze %dma_start3A_75 : memref<1x125xi32, #tpu.memory_space<vmem>> -> memref<125xi32, #tpu.memory_space<vmem>>
      %dma_start3A_77 = arith.constant 0 : i32
      %dma_start3A_78 = arith.constant 0 : i32
      %dma_start3A_79 = tpu.memref_slice %arg2[%dma_start3A_77, %dma_start3A_78] : memref<10000x128xf32, #tpu.memory_space<hbm>> -> memref<10000x128xf32, #tpu.memory_space<hbm>>
      tpu.enqueue_indirect_dma source(%dma_start3A_79 : memref<10000x128xf32, #tpu.memory_space<hbm>>) target(%arg11 : memref<125x128xf32, #tpu.memory_space<vmem>>) offsets(%dma_start3A_76 : memref<125xi32, #tpu.memory_space<vmem>>) semaphore(%arg14 : memref<!tpu.dma_semaphore, #tpu.memory_space<semaphore_mem>>)
      %dma_wait3A_80 = arith.constant 1 : i32
      %dma_wait3A_81 = arith.constant 0 : i32
      %dma_wait3A_82 = tpu.memref_slice %arg7[%dma_wait3A_80, %dma_wait3A_81] : memref<2x125xi32, #tpu.memory_space<vmem>> -> memref<1x125xi32, #tpu.memory_space<vmem>>
      %dma_wait3A_83 = tpu.memref_squeeze %dma_wait3A_82 : memref<1x125xi32, #tpu.memory_space<vmem>> -> memref<125xi32, #tpu.memory_space<vmem>>
      %dma_wait3A_84 = arith.constant 0 : i32
      %dma_wait3A_85 = arith.constant 0 : i32
      %dma_wait3A_86 = tpu.memref_slice %arg2[%dma_wait3A_84, %dma_wait3A_85] : memref<10000x128xf32, #tpu.memory_space<hbm>> -> memref<10000x128xf32, #tpu.memory_space<hbm>>
      tpu.wait_indirect_dma semaphore(%arg15 : memref<!tpu.dma_semaphore, #tpu.memory_space<semaphore_mem>>) src(%dma_wait3A_86 : memref<10000x128xf32, #tpu.memory_space<hbm>>) dst(%arg12 : memref<125x128xf32, #tpu.memory_space<vmem>>)
      %run_scoped3A_87 = arith.constant 1 : i32
      "tpu.region"() ({
        %run_scoped3A_123 = tpu.sem_alloc : memref<!tpu.dma_semaphore, #tpu.memory_space<semaphore_mem>>
        %dma_start3A_124 = arith.constant 0 : i32
        %dma_start3A_125 = tpu.memref_slice %arg8[%run_scoped3A_87, %dma_start3A_124] : memref<2x125xi32, #tpu.memory_space<vmem>> -> memref<1x125xi32, #tpu.memory_space<vmem>>
        %dma_start3A_126 = tpu.memref_squeeze %dma_start3A_125 : memref<1x125xi32, #tpu.memory_space<vmem>> -> memref<125xi32, #tpu.memory_space<vmem>>
        %dma_start3A_127 = arith.constant 0 : i32
        %dma_start3A_128 = arith.constant 0 : i32
        %dma_start3A_129 = tpu.memref_slice %arg13[%dma_start3A_127, %dma_start3A_128] : memref<10240x128xf32, #tpu.memory_space<vmem_shared>> -> memref<10240x128xf32, #tpu.memory_space<vmem_shared>>
        tpu.enqueue_indirect_dma source(%arg12 : memref<125x128xf32, #tpu.memory_space<vmem>>) target(%dma_start3A_129 : memref<10240x128xf32, #tpu.memory_space<vmem_shared>>) offsets(%dma_start3A_126 : memref<125xi32, #tpu.memory_space<vmem>>) semaphore(%run_scoped3A_123 : memref<!tpu.dma_semaphore, #tpu.memory_space<semaphore_mem>>) {add = true}
        %dma_wait3A_130 = arith.constant 0 : i32
        %dma_wait3A_131 = tpu.memref_slice %arg8[%run_scoped3A_87, %dma_wait3A_130] : memref<2x125xi32, #tpu.memory_space<vmem>> -> memref<1x125xi32, #tpu.memory_space<vmem>>
        %dma_wait3A_132 = tpu.memref_squeeze %dma_wait3A_131 : memref<1x125xi32, #tpu.memory_space<vmem>> -> memref<125xi32, #tpu.memory_space<vmem>>
        %dma_wait3A_133 = arith.constant 0 : i32
        %dma_wait3A_134 = arith.constant 0 : i32
        %dma_wait3A_135 = tpu.memref_slice %arg13[%dma_wait3A_133, %dma_wait3A_134] : memref<10240x128xf32, #tpu.memory_space<vmem_shared>> -> memref<10240x128xf32, #tpu.memory_space<vmem_shared>>
        tpu.wait_indirect_dma semaphore(%run_scoped3A_123 : memref<!tpu.dma_semaphore, #tpu.memory_space<semaphore_mem>>) src(%arg12 : memref<125x128xf32, #tpu.memory_space<vmem>>) dst(%dma_wait3A_135 : memref<10240x128xf32, #tpu.memory_space<vmem_shared>>)
        tpu.yield
      }) : () -> ()
      %lt3A = arith.constant 19 : i32
      %lt3A_88 = arith.cmpi slt, %scan3A_38, %lt3A : i32
      %convert_element_type3A = arith.extui %lt3A_88 : i1 to i32
      %cond3A = arith.constant 0 : i32
      %cond3A_89 = arith.cmpi ne, %convert_element_type3A, %cond3A : i32
      scf.if %cond3A_89 {
        %mul3A_123 = arith.constant 2 : i32
        %mul3A_124 = arith.muli %mul3A_123, %scan3A_38 : i32
        %add3A_125 = arith.constant 2 : i32
        %add3A_126 = arith.addi %mul3A_124, %add3A_125 : i32
        %dma_start3A_127 = arith.constant 0 : i32
        %dma_start3A_128 = arith.constant 0 : i32
        %dma_start3A_129 = tpu.memref_slice %arg3[%add3A, %add3A_126, %dma_start3A_127, %dma_start3A_128] : memref<32x40x2x125xi32, #tpu.memory_space<hbm>> -> memref<1x1x2x125xi32, #tpu.memory_space<hbm>>
        %dma_start3A_130 = tpu.memref_squeeze %dma_start3A_129 : memref<1x1x2x125xi32, #tpu.memory_space<hbm>> -> memref<2x125xi32, #tpu.memory_space<hbm>>
        %dma_start3A_131 = arith.constant 0 : i32
        %dma_start3A_132 = arith.constant 0 : i32
        %dma_start3A_133 = tpu.memref_slice %arg3[%add3A, %add3A_126, %dma_start3A_131, %dma_start3A_132] : memref<32x40x2x125xi32, #tpu.memory_space<hbm>> -> memref<1x1x2x125xi32, #tpu.memory_space<hbm>>
        %dma_start3A_134 = tpu.memref_squeeze %dma_start3A_133 : memref<1x1x2x125xi32, #tpu.memory_space<hbm>> -> memref<2x125xi32, #tpu.memory_space<hbm>>
        tpu.enqueue_dma source(%dma_start3A_134 : memref<2x125xi32, #tpu.memory_space<hbm>>) target(%arg7 : memref<2x125xi32, #tpu.memory_space<vmem>>) target_semaphore(%arg16 : memref<!tpu.dma_semaphore, #tpu.memory_space<semaphore_mem>>)
        %dma_start3A_135 = arith.constant 0 : i32
        %dma_start3A_136 = arith.constant 0 : i32
        %dma_start3A_137 = tpu.memref_slice %arg4[%add3A, %add3A_126, %dma_start3A_135, %dma_start3A_136] : memref<32x40x2x125xi32, #tpu.memory_space<hbm>> -> memref<1x1x2x125xi32, #tpu.memory_space<hbm>>
        %dma_start3A_138 = tpu.memref_squeeze %dma_start3A_137 : memref<1x1x2x125xi32, #tpu.memory_space<hbm>> -> memref<2x125xi32, #tpu.memory_space<hbm>>
        %dma_start3A_139 = arith.constant 0 : i32
        %dma_start3A_140 = arith.constant 0 : i32
        %dma_start3A_141 = tpu.memref_slice %arg4[%add3A, %add3A_126, %dma_start3A_139, %dma_start3A_140] : memref<32x40x2x125xi32, #tpu.memory_space<hbm>> -> memref<1x1x2x125xi32, #tpu.memory_space<hbm>>
        %dma_start3A_142 = tpu.memref_squeeze %dma_start3A_141 : memref<1x1x2x125xi32, #tpu.memory_space<hbm>> -> memref<2x125xi32, #tpu.memory_space<hbm>>
        tpu.enqueue_dma source(%dma_start3A_142 : memref<2x125xi32, #tpu.memory_space<hbm>>) target(%arg8 : memref<2x125xi32, #tpu.memory_space<vmem>>) target_semaphore(%arg16 : memref<!tpu.dma_semaphore, #tpu.memory_space<semaphore_mem>>)
      } else {
      }
      %dma_start3A_90 = arith.constant 1 : i32
      %dma_start3A_91 = arith.constant 0 : i32
      %dma_start3A_92 = tpu.memref_slice %arg9[%dma_start3A_90, %dma_start3A_91] : memref<2x125xi32, #tpu.memory_space<vmem>> -> memref<1x125xi32, #tpu.memory_space<vmem>>
      %dma_start3A_93 = tpu.memref_squeeze %dma_start3A_92 : memref<1x125xi32, #tpu.memory_space<vmem>> -> memref<125xi32, #tpu.memory_space<vmem>>
      %dma_start3A_94 = arith.constant 0 : i32
      %dma_start3A_95 = arith.constant 0 : i32
      %dma_start3A_96 = tpu.memref_slice %arg2[%dma_start3A_94, %dma_start3A_95] : memref<10000x128xf32, #tpu.memory_space<hbm>> -> memref<10000x128xf32, #tpu.memory_space<hbm>>
      tpu.enqueue_indirect_dma source(%dma_start3A_96 : memref<10000x128xf32, #tpu.memory_space<hbm>>) target(%arg12 : memref<125x128xf32, #tpu.memory_space<vmem>>) offsets(%dma_start3A_93 : memref<125xi32, #tpu.memory_space<vmem>>) semaphore(%arg15 : memref<!tpu.dma_semaphore, #tpu.memory_space<semaphore_mem>>)
      %dma_wait3A_97 = arith.constant 0 : i32
      %dma_wait3A_98 = arith.constant 0 : i32
      %dma_wait3A_99 = tpu.memref_slice %arg9[%dma_wait3A_97, %dma_wait3A_98] : memref<2x125xi32, #tpu.memory_space<vmem>> -> memref<1x125xi32, #tpu.memory_space<vmem>>
      %dma_wait3A_100 = tpu.memref_squeeze %dma_wait3A_99 : memref<1x125xi32, #tpu.memory_space<vmem>> -> memref<125xi32, #tpu.memory_space<vmem>>
      %dma_wait3A_101 = arith.constant 0 : i32
      %dma_wait3A_102 = arith.constant 0 : i32
      %dma_wait3A_103 = tpu.memref_slice %arg2[%dma_wait3A_101, %dma_wait3A_102] : memref<10000x128xf32, #tpu.memory_space<hbm>> -> memref<10000x128xf32, #tpu.memory_space<hbm>>
      tpu.wait_indirect_dma semaphore(%arg14 : memref<!tpu.dma_semaphore, #tpu.memory_space<semaphore_mem>>) src(%dma_wait3A_103 : memref<10000x128xf32, #tpu.memory_space<hbm>>) dst(%arg11 : memref<125x128xf32, #tpu.memory_space<vmem>>)
      %run_scoped3A_104 = arith.constant 0 : i32
      "tpu.region"() ({
        %run_scoped3A_123 = tpu.sem_alloc : memref<!tpu.dma_semaphore, #tpu.memory_space<semaphore_mem>>
        %dma_start3A_124 = arith.constant 0 : i32
        %dma_start3A_125 = tpu.memref_slice %arg10[%run_scoped3A_104, %dma_start3A_124] : memref<2x125xi32, #tpu.memory_space<vmem>> -> memref<1x125xi32, #tpu.memory_space<vmem>>
        %dma_start3A_126 = tpu.memref_squeeze %dma_start3A_125 : memref<1x125xi32, #tpu.memory_space<vmem>> -> memref<125xi32, #tpu.memory_space<vmem>>
        %dma_start3A_127 = arith.constant 0 : i32
        %dma_start3A_128 = arith.constant 0 : i32
        %dma_start3A_129 = tpu.memref_slice %arg13[%dma_start3A_127, %dma_start3A_128] : memref<10240x128xf32, #tpu.memory_space<vmem_shared>> -> memref<10240x128xf32, #tpu.memory_space<vmem_shared>>
        tpu.enqueue_indirect_dma source(%arg11 : memref<125x128xf32, #tpu.memory_space<vmem>>) target(%dma_start3A_129 : memref<10240x128xf32, #tpu.memory_space<vmem_shared>>) offsets(%dma_start3A_126 : memref<125xi32, #tpu.memory_space<vmem>>) semaphore(%run_scoped3A_123 : memref<!tpu.dma_semaphore, #tpu.memory_space<semaphore_mem>>) {add = true}
        %dma_wait3A_130 = arith.constant 0 : i32
        %dma_wait3A_131 = tpu.memref_slice %arg10[%run_scoped3A_104, %dma_wait3A_130] : memref<2x125xi32, #tpu.memory_space<vmem>> -> memref<1x125xi32, #tpu.memory_space<vmem>>
        %dma_wait3A_132 = tpu.memref_squeeze %dma_wait3A_131 : memref<1x125xi32, #tpu.memory_space<vmem>> -> memref<125xi32, #tpu.memory_space<vmem>>
        %dma_wait3A_133 = arith.constant 0 : i32
        %dma_wait3A_134 = arith.constant 0 : i32
        %dma_wait3A_135 = tpu.memref_slice %arg13[%dma_wait3A_133, %dma_wait3A_134] : memref<10240x128xf32, #tpu.memory_space<vmem_shared>> -> memref<10240x128xf32, #tpu.memory_space<vmem_shared>>
        tpu.wait_indirect_dma semaphore(%run_scoped3A_123 : memref<!tpu.dma_semaphore, #tpu.memory_space<semaphore_mem>>) src(%arg11 : memref<125x128xf32, #tpu.memory_space<vmem>>) dst(%dma_wait3A_135 : memref<10240x128xf32, #tpu.memory_space<vmem_shared>>)
        tpu.yield
      }) : () -> ()
      %lt3A_105 = arith.constant 19 : i32
      %lt3A_106 = arith.cmpi slt, %scan3A_38, %lt3A_105 : i32
      %convert_element_type3A_107 = arith.extui %lt3A_106 : i1 to i32
      %cond3A_108 = arith.constant 0 : i32
      %cond3A_109 = arith.cmpi ne, %convert_element_type3A_107, %cond3A_108 : i32
      scf.if %cond3A_109 {
        %mul3A_123 = arith.constant 2 : i32
        %mul3A_124 = arith.muli %mul3A_123, %scan3A_38 : i32
        %add3A_125 = arith.constant 2 : i32
        %add3A_126 = arith.addi %mul3A_124, %add3A_125 : i32
        %dma_wait3A_127 = arith.constant 0 : i32
        %dma_wait3A_128 = arith.constant 0 : i32
        %dma_wait3A_129 = tpu.memref_slice %arg3[%add3A, %add3A_126, %dma_wait3A_127, %dma_wait3A_128] : memref<32x40x2x125xi32, #tpu.memory_space<hbm>> -> memref<1x1x2x125xi32, #tpu.memory_space<hbm>>
        %dma_wait3A_130 = tpu.memref_squeeze %dma_wait3A_129 : memref<1x1x2x125xi32, #tpu.memory_space<hbm>> -> memref<2x125xi32, #tpu.memory_space<hbm>>
        %dma_wait3A_131 = arith.constant 0 : i32
        %dma_wait3A_132 = arith.constant 0 : i32
        %dma_wait3A_133 = tpu.memref_slice %arg3[%add3A, %add3A_126, %dma_wait3A_131, %dma_wait3A_132] : memref<32x40x2x125xi32, #tpu.memory_space<hbm>> -> memref<1x1x2x125xi32, #tpu.memory_space<hbm>>
        %dma_wait3A_134 = tpu.memref_squeeze %dma_wait3A_133 : memref<1x1x2x125xi32, #tpu.memory_space<hbm>> -> memref<2x125xi32, #tpu.memory_space<hbm>>
        tpu.wait_dma2 semaphore(%arg16 : memref<!tpu.dma_semaphore, #tpu.memory_space<semaphore_mem>>) src(%dma_wait3A_134 : memref<2x125xi32, #tpu.memory_space<hbm>>) dst(%arg7 : memref<2x125xi32, #tpu.memory_space<vmem>>)
        %dma_wait3A_135 = arith.constant 0 : i32
        %dma_wait3A_136 = arith.constant 0 : i32
        %dma_wait3A_137 = tpu.memref_slice %arg4[%add3A, %add3A_126, %dma_wait3A_135, %dma_wait3A_136] : memref<32x40x2x125xi32, #tpu.memory_space<hbm>> -> memref<1x1x2x125xi32, #tpu.memory_space<hbm>>
        %dma_wait3A_138 = tpu.memref_squeeze %dma_wait3A_137 : memref<1x1x2x125xi32, #tpu.memory_space<hbm>> -> memref<2x125xi32, #tpu.memory_space<hbm>>
        %dma_wait3A_139 = arith.constant 0 : i32
        %dma_wait3A_140 = arith.constant 0 : i32
        %dma_wait3A_141 = tpu.memref_slice %arg4[%add3A, %add3A_126, %dma_wait3A_139, %dma_wait3A_140] : memref<32x40x2x125xi32, #tpu.memory_space<hbm>> -> memref<1x1x2x125xi32, #tpu.memory_space<hbm>>
        %dma_wait3A_142 = tpu.memref_squeeze %dma_wait3A_141 : memref<1x1x2x125xi32, #tpu.memory_space<hbm>> -> memref<2x125xi32, #tpu.memory_space<hbm>>
        tpu.wait_dma2 semaphore(%arg16 : memref<!tpu.dma_semaphore, #tpu.memory_space<semaphore_mem>>) src(%dma_wait3A_142 : memref<2x125xi32, #tpu.memory_space<hbm>>) dst(%arg8 : memref<2x125xi32, #tpu.memory_space<vmem>>)
        %dma_start3A_143 = arith.constant 0 : i32
        %dma_start3A_144 = arith.constant 0 : i32
        %dma_start3A_145 = tpu.memref_slice %arg7[%dma_start3A_143, %dma_start3A_144] : memref<2x125xi32, #tpu.memory_space<vmem>> -> memref<1x125xi32, #tpu.memory_space<vmem>>
        %dma_start3A_146 = tpu.memref_squeeze %dma_start3A_145 : memref<1x125xi32, #tpu.memory_space<vmem>> -> memref<125xi32, #tpu.memory_space<vmem>>
        %dma_start3A_147 = arith.constant 0 : i32
        %dma_start3A_148 = arith.constant 0 : i32
        %dma_start3A_149 = tpu.memref_slice %arg2[%dma_start3A_147, %dma_start3A_148] : memref<10000x128xf32, #tpu.memory_space<hbm>> -> memref<10000x128xf32, #tpu.memory_space<hbm>>
        tpu.enqueue_indirect_dma source(%dma_start3A_149 : memref<10000x128xf32, #tpu.memory_space<hbm>>) target(%arg11 : memref<125x128xf32, #tpu.memory_space<vmem>>) offsets(%dma_start3A_146 : memref<125xi32, #tpu.memory_space<vmem>>) semaphore(%arg14 : memref<!tpu.dma_semaphore, #tpu.memory_space<semaphore_mem>>)
      } else {
      }
      %dma_wait3A_110 = arith.constant 1 : i32
      %dma_wait3A_111 = arith.constant 0 : i32
      %dma_wait3A_112 = tpu.memref_slice %arg9[%dma_wait3A_110, %dma_wait3A_111] : memref<2x125xi32, #tpu.memory_space<vmem>> -> memref<1x125xi32, #tpu.memory_space<vmem>>
      %dma_wait3A_113 = tpu.memref_squeeze %dma_wait3A_112 : memref<1x125xi32, #tpu.memory_space<vmem>> -> memref<125xi32, #tpu.memory_space<vmem>>
      %dma_wait3A_114 = arith.constant 0 : i32
      %dma_wait3A_115 = arith.constant 0 : i32
      %dma_wait3A_116 = tpu.memref_slice %arg2[%dma_wait3A_114, %dma_wait3A_115] : memref<10000x128xf32, #tpu.memory_space<hbm>> -> memref<10000x128xf32, #tpu.memory_space<hbm>>
      tpu.wait_indirect_dma semaphore(%arg15 : memref<!tpu.dma_semaphore, #tpu.memory_space<semaphore_mem>>) src(%dma_wait3A_116 : memref<10000x128xf32, #tpu.memory_space<hbm>>) dst(%arg12 : memref<125x128xf32, #tpu.memory_space<vmem>>)
      %run_scoped3A_117 = arith.constant 1 : i32
      "tpu.region"() ({
        %run_scoped3A_123 = tpu.sem_alloc : memref<!tpu.dma_semaphore, #tpu.memory_space<semaphore_mem>>
        %dma_start3A_124 = arith.constant 0 : i32
        %dma_start3A_125 = tpu.memref_slice %arg10[%run_scoped3A_117, %dma_start3A_124] : memref<2x125xi32, #tpu.memory_space<vmem>> -> memref<1x125xi32, #tpu.memory_space<vmem>>
        %dma_start3A_126 = tpu.memref_squeeze %dma_start3A_125 : memref<1x125xi32, #tpu.memory_space<vmem>> -> memref<125xi32, #tpu.memory_space<vmem>>
        %dma_start3A_127 = arith.constant 0 : i32
        %dma_start3A_128 = arith.constant 0 : i32
        %dma_start3A_129 = tpu.memref_slice %arg13[%dma_start3A_127, %dma_start3A_128] : memref<10240x128xf32, #tpu.memory_space<vmem_shared>> -> memref<10240x128xf32, #tpu.memory_space<vmem_shared>>
        tpu.enqueue_indirect_dma source(%arg12 : memref<125x128xf32, #tpu.memory_space<vmem>>) target(%dma_start3A_129 : memref<10240x128xf32, #tpu.memory_space<vmem_shared>>) offsets(%dma_start3A_126 : memref<125xi32, #tpu.memory_space<vmem>>) semaphore(%run_scoped3A_123 : memref<!tpu.dma_semaphore, #tpu.memory_space<semaphore_mem>>) {add = true}
        %dma_wait3A_130 = arith.constant 0 : i32
        %dma_wait3A_131 = tpu.memref_slice %arg10[%run_scoped3A_117, %dma_wait3A_130] : memref<2x125xi32, #tpu.memory_space<vmem>> -> memref<1x125xi32, #tpu.memory_space<vmem>>
        %dma_wait3A_132 = tpu.memref_squeeze %dma_wait3A_131 : memref<1x125xi32, #tpu.memory_space<vmem>> -> memref<125xi32, #tpu.memory_space<vmem>>
        %dma_wait3A_133 = arith.constant 0 : i32
        %dma_wait3A_134 = arith.constant 0 : i32
        %dma_wait3A_135 = tpu.memref_slice %arg13[%dma_wait3A_133, %dma_wait3A_134] : memref<10240x128xf32, #tpu.memory_space<vmem_shared>> -> memref<10240x128xf32, #tpu.memory_space<vmem_shared>>
        tpu.wait_indirect_dma semaphore(%run_scoped3A_123 : memref<!tpu.dma_semaphore, #tpu.memory_space<semaphore_mem>>) src(%arg12 : memref<125x128xf32, #tpu.memory_space<vmem>>) dst(%dma_wait3A_135 : memref<10240x128xf32, #tpu.memory_space<vmem_shared>>)
        tpu.yield
      }) : () -> ()
      %lt3A_118 = arith.constant 19 : i32
      %lt3A_119 = arith.cmpi slt, %scan3A_38, %lt3A_118 : i32
      %convert_element_type3A_120 = arith.extui %lt3A_119 : i1 to i32
      %cond3A_121 = arith.constant 0 : i32
      %cond3A_122 = arith.cmpi ne, %convert_element_type3A_120, %cond3A_121 : i32
      scf.if %cond3A_122 {
        %mul3A_123 = arith.constant 2 : i32
        %mul3A_124 = arith.muli %mul3A_123, %scan3A_38 : i32
        %add3A_125 = arith.constant 3 : i32
        %add3A_126 = arith.addi %mul3A_124, %add3A_125 : i32
        %dma_start3A_127 = arith.constant 0 : i32
        %dma_start3A_128 = arith.constant 0 : i32
        %dma_start3A_129 = tpu.memref_slice %arg3[%add3A, %add3A_126, %dma_start3A_127, %dma_start3A_128] : memref<32x40x2x125xi32, #tpu.memory_space<hbm>> -> memref<1x1x2x125xi32, #tpu.memory_space<hbm>>
        %dma_start3A_130 = tpu.memref_squeeze %dma_start3A_129 : memref<1x1x2x125xi32, #tpu.memory_space<hbm>> -> memref<2x125xi32, #tpu.memory_space<hbm>>
        %dma_start3A_131 = arith.constant 0 : i32
        %dma_start3A_132 = arith.constant 0 : i32
        %dma_start3A_133 = tpu.memref_slice %arg3[%add3A, %add3A_126, %dma_start3A_131, %dma_start3A_132] : memref<32x40x2x125xi32, #tpu.memory_space<hbm>> -> memref<1x1x2x125xi32, #tpu.memory_space<hbm>>
        %dma_start3A_134 = tpu.memref_squeeze %dma_start3A_133 : memref<1x1x2x125xi32, #tpu.memory_space<hbm>> -> memref<2x125xi32, #tpu.memory_space<hbm>>
        tpu.enqueue_dma source(%dma_start3A_134 : memref<2x125xi32, #tpu.memory_space<hbm>>) target(%arg9 : memref<2x125xi32, #tpu.memory_space<vmem>>) target_semaphore(%arg16 : memref<!tpu.dma_semaphore, #tpu.memory_space<semaphore_mem>>)
        %dma_start3A_135 = arith.constant 0 : i32
        %dma_start3A_136 = arith.constant 0 : i32
        %dma_start3A_137 = tpu.memref_slice %arg4[%add3A, %add3A_126, %dma_start3A_135, %dma_start3A_136] : memref<32x40x2x125xi32, #tpu.memory_space<hbm>> -> memref<1x1x2x125xi32, #tpu.memory_space<hbm>>
        %dma_start3A_138 = tpu.memref_squeeze %dma_start3A_137 : memref<1x1x2x125xi32, #tpu.memory_space<hbm>> -> memref<2x125xi32, #tpu.memory_space<hbm>>
        %dma_start3A_139 = arith.constant 0 : i32
        %dma_start3A_140 = arith.constant 0 : i32
        %dma_start3A_141 = tpu.memref_slice %arg4[%add3A, %add3A_126, %dma_start3A_139, %dma_start3A_140] : memref<32x40x2x125xi32, #tpu.memory_space<hbm>> -> memref<1x1x2x125xi32, #tpu.memory_space<hbm>>
        %dma_start3A_142 = tpu.memref_squeeze %dma_start3A_141 : memref<1x1x2x125xi32, #tpu.memory_space<hbm>> -> memref<2x125xi32, #tpu.memory_space<hbm>>
        tpu.enqueue_dma source(%dma_start3A_142 : memref<2x125xi32, #tpu.memory_space<hbm>>) target(%arg10 : memref<2x125xi32, #tpu.memory_space<vmem>>) target_semaphore(%arg16 : memref<!tpu.dma_semaphore, #tpu.memory_space<semaphore_mem>>)
      } else {
      }
    }
    %scan3A_32 = arith.constant 20 : i32
    %barrier3A_33 = arith.constant 0 : index
    tpu.barrier barrier_id(%barrier3A_33)
    %mul3A_34 = arith.constant 640 : i32
    %mul3A_35 = arith.muli %arg1, %mul3A_34 : i32
    %mul3A_36 = arith.constant 640 : i32
    %mul3A_37 = arith.muli %arg1, %mul3A_36 : i32
    "tpu.region"() ({
      %run_scoped3A_38 = tpu.sem_alloc : memref<!tpu.dma_semaphore, #tpu.memory_space<semaphore_mem>>
      %dma_start3A_39 = arith.constant 0 : i32
      %dma_start3A_40 = tpu.memref_slice %arg6[%arg0, %mul3A_37, %dma_start3A_39] : memref<2x10240x128xf32, #tpu.memory_space<hbm>> -> memref<1x640x128xf32, #tpu.memory_space<hbm>>
      %dma_start3A_41 = tpu.memref_squeeze %dma_start3A_40 : memref<1x640x128xf32, #tpu.memory_space<hbm>> -> memref<640x128xf32, #tpu.memory_space<hbm>>
      %dma_start3A_42 = arith.constant 0 : i32
      %dma_start3A_43 = tpu.memref_slice %arg13[%mul3A_35, %dma_start3A_42] : memref<10240x128xf32, #tpu.memory_space<vmem_shared>> -> memref<640x128xf32, #tpu.memory_space<vmem_shared>>
      tpu.enqueue_dma source(%dma_start3A_43 : memref<640x128xf32, #tpu.memory_space<vmem_shared>>) target(%dma_start3A_41 : memref<640x128xf32, #tpu.memory_space<hbm>>) target_semaphore(%run_scoped3A_38 : memref<!tpu.dma_semaphore, #tpu.memory_space<semaphore_mem>>)
      %dma_wait3A = arith.constant 0 : i32
      %dma_wait3A_44 = tpu.memref_slice %arg6[%arg0, %mul3A_37, %dma_wait3A] : memref<2x10240x128xf32, #tpu.memory_space<hbm>> -> memref<1x640x128xf32, #tpu.memory_space<hbm>>
      %dma_wait3A_45 = tpu.memref_squeeze %dma_wait3A_44 : memref<1x640x128xf32, #tpu.memory_space<hbm>> -> memref<640x128xf32, #tpu.memory_space<hbm>>
      %dma_wait3A_46 = arith.constant 0 : i32
      %dma_wait3A_47 = tpu.memref_slice %arg13[%mul3A_35, %dma_wait3A_46] : memref<10240x128xf32, #tpu.memory_space<vmem_shared>> -> memref<640x128xf32, #tpu.memory_space<vmem_shared>>
      tpu.wait_dma2 semaphore(%run_scoped3A_38 : memref<!tpu.dma_semaphore, #tpu.memory_space<semaphore_mem>>) src(%dma_wait3A_47 : memref<640x128xf32, #tpu.memory_space<vmem_shared>>) dst(%dma_wait3A_45 : memref<640x128xf32, #tpu.memory_space<hbm>>)
      tpu.yield
    }) : () -> ()
    return
  }
}

#map = affine_map<(d0, d1) -> (0, 0)>
#map1 = affine_map<(d0, d1) -> (0, 0, 0)>
module attributes {stable_mosaic.version = 14 : i64} {
  func.func @k(%arg0: i32, %arg1: i32, %arg2: memref<10000x128xf32, #tpu.memory_space<hbm>>, %arg3: memref<32x125x80xi32, #tpu.memory_space<hbm>>, %arg4: memref<32x125x80xi32, #tpu.memory_space<hbm>>, %arg5: memref<2x320000x128xf32, #tpu.memory_space<hbm>>, %arg6: memref<125x80xi32, #tpu.memory_space<vmem>>, %arg7: memref<125x80xi32, #tpu.memory_space<vmem>>, %arg8: memref<80x128xf32, #tpu.memory_space<vmem>>, %arg9: memref<80x128xf32, #tpu.memory_space<vmem>>, %arg10: memref<80x128xf32, #tpu.memory_space<vmem>>, %arg11: memref<80x128xf32, #tpu.memory_space<vmem>>, %arg12: memref<!tpu.dma_semaphore, #tpu.memory_space<semaphore_mem>>, %arg13: memref<!tpu.dma_semaphore, #tpu.memory_space<semaphore_mem>>, %arg14: memref<!tpu.dma_semaphore, #tpu.memory_space<semaphore_mem>>, %arg15: memref<!tpu.dma_semaphore, #tpu.memory_space<semaphore_mem>>) attributes {dimension_semantics = [#tpu.dimension_semantics<core_parallel>, #tpu.dimension_semantics<subcore_parallel>], iteration_bounds = array<i64: 2, 16>, scalar_prefetch = 0 : i64, scratch_operands = 10 : i64, tpu.core_type = #tpu.core_type<sc_vector_subcore>, window_params = [{transform_indices = #map}, {transform_indices = #map1}, {transform_indices = #map1}, {transform_indices = #map1}]} {
    %mul3A = arith.constant 2 : i32
    %mul3A_0 = arith.muli %arg1, %mul3A : i32
    %add3A = arith.addi %mul3A_0, %arg0 : i32
    %mul3A_1 = arith.constant 10000 : i32
    %mul3A_2 = arith.muli %add3A, %mul3A_1 : i32
    "tpu.region"() ({
      %run_scoped3A_39 = tpu.sem_alloc : memref<!tpu.dma_semaphore, #tpu.memory_space<semaphore_mem>>
      %dma_start3A_40 = arith.constant 0 : i32
      %dma_start3A_41 = arith.constant 0 : i32
      %dma_start3A_42 = tpu.memref_slice %arg3[%add3A, %dma_start3A_40, %dma_start3A_41] : memref<32x125x80xi32, #tpu.memory_space<hbm>> -> memref<1x125x80xi32, #tpu.memory_space<hbm>>
      %dma_start3A_43 = tpu.memref_squeeze %dma_start3A_42 : memref<1x125x80xi32, #tpu.memory_space<hbm>> -> memref<125x80xi32, #tpu.memory_space<hbm>>
      %dma_start3A_44 = arith.constant 0 : i32
      %dma_start3A_45 = arith.constant 0 : i32
      %dma_start3A_46 = tpu.memref_slice %arg3[%add3A, %dma_start3A_44, %dma_start3A_45] : memref<32x125x80xi32, #tpu.memory_space<hbm>> -> memref<1x125x80xi32, #tpu.memory_space<hbm>>
      %dma_start3A_47 = tpu.memref_squeeze %dma_start3A_46 : memref<1x125x80xi32, #tpu.memory_space<hbm>> -> memref<125x80xi32, #tpu.memory_space<hbm>>
      tpu.enqueue_dma source(%dma_start3A_47 : memref<125x80xi32, #tpu.memory_space<hbm>>) target(%arg6 : memref<125x80xi32, #tpu.memory_space<vmem>>) target_semaphore(%run_scoped3A_39 : memref<!tpu.dma_semaphore, #tpu.memory_space<semaphore_mem>>)
      %dma_wait3A_48 = arith.constant 0 : i32
      %dma_wait3A_49 = arith.constant 0 : i32
      %dma_wait3A_50 = tpu.memref_slice %arg3[%add3A, %dma_wait3A_48, %dma_wait3A_49] : memref<32x125x80xi32, #tpu.memory_space<hbm>> -> memref<1x125x80xi32, #tpu.memory_space<hbm>>
      %dma_wait3A_51 = tpu.memref_squeeze %dma_wait3A_50 : memref<1x125x80xi32, #tpu.memory_space<hbm>> -> memref<125x80xi32, #tpu.memory_space<hbm>>
      %dma_wait3A_52 = arith.constant 0 : i32
      %dma_wait3A_53 = arith.constant 0 : i32
      %dma_wait3A_54 = tpu.memref_slice %arg3[%add3A, %dma_wait3A_52, %dma_wait3A_53] : memref<32x125x80xi32, #tpu.memory_space<hbm>> -> memref<1x125x80xi32, #tpu.memory_space<hbm>>
      %dma_wait3A_55 = tpu.memref_squeeze %dma_wait3A_54 : memref<1x125x80xi32, #tpu.memory_space<hbm>> -> memref<125x80xi32, #tpu.memory_space<hbm>>
      tpu.wait_dma2 semaphore(%run_scoped3A_39 : memref<!tpu.dma_semaphore, #tpu.memory_space<semaphore_mem>>) src(%dma_wait3A_55 : memref<125x80xi32, #tpu.memory_space<hbm>>) dst(%arg6 : memref<125x80xi32, #tpu.memory_space<vmem>>)
      tpu.yield
    }) : () -> ()
    "tpu.region"() ({
      %run_scoped3A_39 = tpu.sem_alloc : memref<!tpu.dma_semaphore, #tpu.memory_space<semaphore_mem>>
      %dma_start3A_40 = arith.constant 0 : i32
      %dma_start3A_41 = arith.constant 0 : i32
      %dma_start3A_42 = tpu.memref_slice %arg4[%add3A, %dma_start3A_40, %dma_start3A_41] : memref<32x125x80xi32, #tpu.memory_space<hbm>> -> memref<1x125x80xi32, #tpu.memory_space<hbm>>
      %dma_start3A_43 = tpu.memref_squeeze %dma_start3A_42 : memref<1x125x80xi32, #tpu.memory_space<hbm>> -> memref<125x80xi32, #tpu.memory_space<hbm>>
      %dma_start3A_44 = arith.constant 0 : i32
      %dma_start3A_45 = arith.constant 0 : i32
      %dma_start3A_46 = tpu.memref_slice %arg4[%add3A, %dma_start3A_44, %dma_start3A_45] : memref<32x125x80xi32, #tpu.memory_space<hbm>> -> memref<1x125x80xi32, #tpu.memory_space<hbm>>
      %dma_start3A_47 = tpu.memref_squeeze %dma_start3A_46 : memref<1x125x80xi32, #tpu.memory_space<hbm>> -> memref<125x80xi32, #tpu.memory_space<hbm>>
      tpu.enqueue_dma source(%dma_start3A_47 : memref<125x80xi32, #tpu.memory_space<hbm>>) target(%arg7 : memref<125x80xi32, #tpu.memory_space<vmem>>) target_semaphore(%run_scoped3A_39 : memref<!tpu.dma_semaphore, #tpu.memory_space<semaphore_mem>>)
      %dma_wait3A_48 = arith.constant 0 : i32
      %dma_wait3A_49 = arith.constant 0 : i32
      %dma_wait3A_50 = tpu.memref_slice %arg4[%add3A, %dma_wait3A_48, %dma_wait3A_49] : memref<32x125x80xi32, #tpu.memory_space<hbm>> -> memref<1x125x80xi32, #tpu.memory_space<hbm>>
      %dma_wait3A_51 = tpu.memref_squeeze %dma_wait3A_50 : memref<1x125x80xi32, #tpu.memory_space<hbm>> -> memref<125x80xi32, #tpu.memory_space<hbm>>
      %dma_wait3A_52 = arith.constant 0 : i32
      %dma_wait3A_53 = arith.constant 0 : i32
      %dma_wait3A_54 = tpu.memref_slice %arg4[%add3A, %dma_wait3A_52, %dma_wait3A_53] : memref<32x125x80xi32, #tpu.memory_space<hbm>> -> memref<1x125x80xi32, #tpu.memory_space<hbm>>
      %dma_wait3A_55 = tpu.memref_squeeze %dma_wait3A_54 : memref<1x125x80xi32, #tpu.memory_space<hbm>> -> memref<125x80xi32, #tpu.memory_space<hbm>>
      tpu.wait_dma2 semaphore(%run_scoped3A_39 : memref<!tpu.dma_semaphore, #tpu.memory_space<semaphore_mem>>) src(%dma_wait3A_55 : memref<125x80xi32, #tpu.memory_space<hbm>>) dst(%arg7 : memref<125x80xi32, #tpu.memory_space<vmem>>)
      tpu.yield
    }) : () -> ()
    %dma_start3A = arith.constant 0 : i32
    %dma_start3A_3 = arith.constant 0 : i32
    %dma_start3A_4 = tpu.memref_slice %arg6[%dma_start3A, %dma_start3A_3] : memref<125x80xi32, #tpu.memory_space<vmem>> -> memref<1x80xi32, #tpu.memory_space<vmem>>
    %dma_start3A_5 = tpu.memref_squeeze %dma_start3A_4 : memref<1x80xi32, #tpu.memory_space<vmem>> -> memref<80xi32, #tpu.memory_space<vmem>>
    %dma_start3A_6 = arith.constant 0 : i32
    %dma_start3A_7 = arith.constant 0 : i32
    %dma_start3A_8 = tpu.memref_slice %arg2[%dma_start3A_6, %dma_start3A_7] : memref<10000x128xf32, #tpu.memory_space<hbm>> -> memref<10000x128xf32, #tpu.memory_space<hbm>>
    tpu.enqueue_indirect_dma source(%dma_start3A_8 : memref<10000x128xf32, #tpu.memory_space<hbm>>) target(%arg8 : memref<80x128xf32, #tpu.memory_space<vmem>>) offsets(%dma_start3A_5 : memref<80xi32, #tpu.memory_space<vmem>>) semaphore(%arg12 : memref<!tpu.dma_semaphore, #tpu.memory_space<semaphore_mem>>)
    %dma_start3A_9 = arith.constant 0 : i32
    %dma_start3A_10 = arith.constant 0 : i32
    %dma_start3A_11 = tpu.memref_slice %arg7[%dma_start3A_9, %dma_start3A_10] : memref<125x80xi32, #tpu.memory_space<vmem>> -> memref<1x80xi32, #tpu.memory_space<vmem>>
    %dma_start3A_12 = tpu.memref_squeeze %dma_start3A_11 : memref<1x80xi32, #tpu.memory_space<vmem>> -> memref<80xi32, #tpu.memory_space<vmem>>
    %dma_start3A_13 = arith.constant 0 : i32
    %dma_start3A_14 = arith.constant 0 : i32
    %dma_start3A_15 = tpu.memref_slice %arg2[%dma_start3A_13, %dma_start3A_14] : memref<10000x128xf32, #tpu.memory_space<hbm>> -> memref<10000x128xf32, #tpu.memory_space<hbm>>
    tpu.enqueue_indirect_dma source(%dma_start3A_15 : memref<10000x128xf32, #tpu.memory_space<hbm>>) target(%arg10 : memref<80x128xf32, #tpu.memory_space<vmem>>) offsets(%dma_start3A_12 : memref<80xi32, #tpu.memory_space<vmem>>) semaphore(%arg14 : memref<!tpu.dma_semaphore, #tpu.memory_space<semaphore_mem>>)
    %scan3A = arith.constant 0 : i32
    %scan3A_16 = arith.constant 0 : i32
    %scan3A_17 = arith.constant 62 : i32
    %scan3A_18 = arith.addi %scan3A_16, %scan3A_17 : i32
    %scan3A_19 = arith.constant 1 : i32
    scf.for %scan3A_39 = %scan3A_16 to %scan3A_18 step %scan3A_19  : i32 {
      %mul3A_40 = arith.constant 2 : i32
      %mul3A_41 = arith.muli %mul3A_40, %scan3A_39 : i32
      %add3A_42 = arith.constant 1 : i32
      %add3A_43 = arith.addi %mul3A_41, %add3A_42 : i32
      %dma_start3A_44 = arith.constant 0 : i32
      %dma_start3A_45 = tpu.memref_slice %arg6[%add3A_43, %dma_start3A_44] : memref<125x80xi32, #tpu.memory_space<vmem>> -> memref<1x80xi32, #tpu.memory_space<vmem>>
      %dma_start3A_46 = tpu.memref_squeeze %dma_start3A_45 : memref<1x80xi32, #tpu.memory_space<vmem>> -> memref<80xi32, #tpu.memory_space<vmem>>
      %dma_start3A_47 = arith.constant 0 : i32
      %dma_start3A_48 = arith.constant 0 : i32
      %dma_start3A_49 = tpu.memref_slice %arg2[%dma_start3A_47, %dma_start3A_48] : memref<10000x128xf32, #tpu.memory_space<hbm>> -> memref<10000x128xf32, #tpu.memory_space<hbm>>
      tpu.enqueue_indirect_dma source(%dma_start3A_49 : memref<10000x128xf32, #tpu.memory_space<hbm>>) target(%arg9 : memref<80x128xf32, #tpu.memory_space<vmem>>) offsets(%dma_start3A_46 : memref<80xi32, #tpu.memory_space<vmem>>) semaphore(%arg13 : memref<!tpu.dma_semaphore, #tpu.memory_space<semaphore_mem>>)
      %dma_start3A_50 = arith.constant 0 : i32
      %dma_start3A_51 = tpu.memref_slice %arg7[%add3A_43, %dma_start3A_50] : memref<125x80xi32, #tpu.memory_space<vmem>> -> memref<1x80xi32, #tpu.memory_space<vmem>>
      %dma_start3A_52 = tpu.memref_squeeze %dma_start3A_51 : memref<1x80xi32, #tpu.memory_space<vmem>> -> memref<80xi32, #tpu.memory_space<vmem>>
      %dma_start3A_53 = arith.constant 0 : i32
      %dma_start3A_54 = arith.constant 0 : i32
      %dma_start3A_55 = tpu.memref_slice %arg2[%dma_start3A_53, %dma_start3A_54] : memref<10000x128xf32, #tpu.memory_space<hbm>> -> memref<10000x128xf32, #tpu.memory_space<hbm>>
      tpu.enqueue_indirect_dma source(%dma_start3A_55 : memref<10000x128xf32, #tpu.memory_space<hbm>>) target(%arg11 : memref<80x128xf32, #tpu.memory_space<vmem>>) offsets(%dma_start3A_52 : memref<80xi32, #tpu.memory_space<vmem>>) semaphore(%arg15 : memref<!tpu.dma_semaphore, #tpu.memory_space<semaphore_mem>>)
      %dma_wait3A_56 = arith.constant 0 : i32
      %dma_wait3A_57 = tpu.memref_slice %arg6[%mul3A_41, %dma_wait3A_56] : memref<125x80xi32, #tpu.memory_space<vmem>> -> memref<1x80xi32, #tpu.memory_space<vmem>>
      %dma_wait3A_58 = tpu.memref_squeeze %dma_wait3A_57 : memref<1x80xi32, #tpu.memory_space<vmem>> -> memref<80xi32, #tpu.memory_space<vmem>>
      %dma_wait3A_59 = arith.constant 0 : i32
      %dma_wait3A_60 = arith.constant 0 : i32
      %dma_wait3A_61 = tpu.memref_slice %arg2[%dma_wait3A_59, %dma_wait3A_60] : memref<10000x128xf32, #tpu.memory_space<hbm>> -> memref<10000x128xf32, #tpu.memory_space<hbm>>
      tpu.wait_indirect_dma semaphore(%arg12 : memref<!tpu.dma_semaphore, #tpu.memory_space<semaphore_mem>>) src(%dma_wait3A_61 : memref<10000x128xf32, #tpu.memory_space<hbm>>) dst(%arg8 : memref<80x128xf32, #tpu.memory_space<vmem>>)
      %mul3A_62 = arith.constant 80 : i32
      %mul3A_63 = arith.muli %mul3A_41, %mul3A_62 : i32
      %add3A_64 = arith.addi %mul3A_2, %mul3A_63 : i32
      %run_scoped3A_65 = arith.constant 0 : i32
      "tpu.region"() ({
        %run_scoped3A_112 = tpu.sem_alloc : memref<!tpu.dma_semaphore, #tpu.memory_space<semaphore_mem>>
        %dma_start3A_113 = arith.constant 0 : i32
        %dma_start3A_114 = tpu.memref_slice %arg5[%run_scoped3A_65, %add3A_64, %dma_start3A_113] : memref<2x320000x128xf32, #tpu.memory_space<hbm>> -> memref<1x80x128xf32, #tpu.memory_space<hbm>>
        %dma_start3A_115 = tpu.memref_squeeze %dma_start3A_114 : memref<1x80x128xf32, #tpu.memory_space<hbm>> -> memref<80x128xf32, #tpu.memory_space<hbm>>
        %dma_start3A_116 = arith.constant 0 : i32
        %dma_start3A_117 = tpu.memref_slice %arg5[%run_scoped3A_65, %add3A_64, %dma_start3A_116] : memref<2x320000x128xf32, #tpu.memory_space<hbm>> -> memref<1x80x128xf32, #tpu.memory_space<hbm>>
        %dma_start3A_118 = tpu.memref_squeeze %dma_start3A_117 : memref<1x80x128xf32, #tpu.memory_space<hbm>> -> memref<80x128xf32, #tpu.memory_space<hbm>>
        tpu.enqueue_dma source(%arg8 : memref<80x128xf32, #tpu.memory_space<vmem>>) target(%dma_start3A_118 : memref<80x128xf32, #tpu.memory_space<hbm>>) target_semaphore(%run_scoped3A_112 : memref<!tpu.dma_semaphore, #tpu.memory_space<semaphore_mem>>)
        %dma_wait3A_119 = arith.constant 0 : i32
        %dma_wait3A_120 = tpu.memref_slice %arg5[%run_scoped3A_65, %add3A_64, %dma_wait3A_119] : memref<2x320000x128xf32, #tpu.memory_space<hbm>> -> memref<1x80x128xf32, #tpu.memory_space<hbm>>
        %dma_wait3A_121 = tpu.memref_squeeze %dma_wait3A_120 : memref<1x80x128xf32, #tpu.memory_space<hbm>> -> memref<80x128xf32, #tpu.memory_space<hbm>>
        %dma_wait3A_122 = arith.constant 0 : i32
        %dma_wait3A_123 = tpu.memref_slice %arg5[%run_scoped3A_65, %add3A_64, %dma_wait3A_122] : memref<2x320000x128xf32, #tpu.memory_space<hbm>> -> memref<1x80x128xf32, #tpu.memory_space<hbm>>
        %dma_wait3A_124 = tpu.memref_squeeze %dma_wait3A_123 : memref<1x80x128xf32, #tpu.memory_space<hbm>> -> memref<80x128xf32, #tpu.memory_space<hbm>>
        tpu.wait_dma2 semaphore(%run_scoped3A_112 : memref<!tpu.dma_semaphore, #tpu.memory_space<semaphore_mem>>) src(%arg8 : memref<80x128xf32, #tpu.memory_space<vmem>>) dst(%dma_wait3A_124 : memref<80x128xf32, #tpu.memory_space<hbm>>)
        tpu.yield
      }) : () -> ()
      %dma_wait3A_66 = arith.constant 0 : i32
      %dma_wait3A_67 = tpu.memref_slice %arg7[%mul3A_41, %dma_wait3A_66] : memref<125x80xi32, #tpu.memory_space<vmem>> -> memref<1x80xi32, #tpu.memory_space<vmem>>
      %dma_wait3A_68 = tpu.memref_squeeze %dma_wait3A_67 : memref<1x80xi32, #tpu.memory_space<vmem>> -> memref<80xi32, #tpu.memory_space<vmem>>
      %dma_wait3A_69 = arith.constant 0 : i32
      %dma_wait3A_70 = arith.constant 0 : i32
      %dma_wait3A_71 = tpu.memref_slice %arg2[%dma_wait3A_69, %dma_wait3A_70] : memref<10000x128xf32, #tpu.memory_space<hbm>> -> memref<10000x128xf32, #tpu.memory_space<hbm>>
      tpu.wait_indirect_dma semaphore(%arg14 : memref<!tpu.dma_semaphore, #tpu.memory_space<semaphore_mem>>) src(%dma_wait3A_71 : memref<10000x128xf32, #tpu.memory_space<hbm>>) dst(%arg10 : memref<80x128xf32, #tpu.memory_space<vmem>>)
      %mul3A_72 = arith.constant 80 : i32
      %mul3A_73 = arith.muli %mul3A_41, %mul3A_72 : i32
      %add3A_74 = arith.addi %mul3A_2, %mul3A_73 : i32
      %run_scoped3A_75 = arith.constant 1 : i32
      "tpu.region"() ({
        %run_scoped3A_112 = tpu.sem_alloc : memref<!tpu.dma_semaphore, #tpu.memory_space<semaphore_mem>>
        %dma_start3A_113 = arith.constant 0 : i32
        %dma_start3A_114 = tpu.memref_slice %arg5[%run_scoped3A_75, %add3A_74, %dma_start3A_113] : memref<2x320000x128xf32, #tpu.memory_space<hbm>> -> memref<1x80x128xf32, #tpu.memory_space<hbm>>
        %dma_start3A_115 = tpu.memref_squeeze %dma_start3A_114 : memref<1x80x128xf32, #tpu.memory_space<hbm>> -> memref<80x128xf32, #tpu.memory_space<hbm>>
        %dma_start3A_116 = arith.constant 0 : i32
        %dma_start3A_117 = tpu.memref_slice %arg5[%run_scoped3A_75, %add3A_74, %dma_start3A_116] : memref<2x320000x128xf32, #tpu.memory_space<hbm>> -> memref<1x80x128xf32, #tpu.memory_space<hbm>>
        %dma_start3A_118 = tpu.memref_squeeze %dma_start3A_117 : memref<1x80x128xf32, #tpu.memory_space<hbm>> -> memref<80x128xf32, #tpu.memory_space<hbm>>
        tpu.enqueue_dma source(%arg10 : memref<80x128xf32, #tpu.memory_space<vmem>>) target(%dma_start3A_118 : memref<80x128xf32, #tpu.memory_space<hbm>>) target_semaphore(%run_scoped3A_112 : memref<!tpu.dma_semaphore, #tpu.memory_space<semaphore_mem>>)
        %dma_wait3A_119 = arith.constant 0 : i32
        %dma_wait3A_120 = tpu.memref_slice %arg5[%run_scoped3A_75, %add3A_74, %dma_wait3A_119] : memref<2x320000x128xf32, #tpu.memory_space<hbm>> -> memref<1x80x128xf32, #tpu.memory_space<hbm>>
        %dma_wait3A_121 = tpu.memref_squeeze %dma_wait3A_120 : memref<1x80x128xf32, #tpu.memory_space<hbm>> -> memref<80x128xf32, #tpu.memory_space<hbm>>
        %dma_wait3A_122 = arith.constant 0 : i32
        %dma_wait3A_123 = tpu.memref_slice %arg5[%run_scoped3A_75, %add3A_74, %dma_wait3A_122] : memref<2x320000x128xf32, #tpu.memory_space<hbm>> -> memref<1x80x128xf32, #tpu.memory_space<hbm>>
        %dma_wait3A_124 = tpu.memref_squeeze %dma_wait3A_123 : memref<1x80x128xf32, #tpu.memory_space<hbm>> -> memref<80x128xf32, #tpu.memory_space<hbm>>
        tpu.wait_dma2 semaphore(%run_scoped3A_112 : memref<!tpu.dma_semaphore, #tpu.memory_space<semaphore_mem>>) src(%arg10 : memref<80x128xf32, #tpu.memory_space<vmem>>) dst(%dma_wait3A_124 : memref<80x128xf32, #tpu.memory_space<hbm>>)
        tpu.yield
      }) : () -> ()
      %add3A_76 = arith.constant 1 : i32
      %add3A_77 = arith.addi %add3A_43, %add3A_76 : i32
      %dma_start3A_78 = arith.constant 0 : i32
      %dma_start3A_79 = tpu.memref_slice %arg6[%add3A_77, %dma_start3A_78] : memref<125x80xi32, #tpu.memory_space<vmem>> -> memref<1x80xi32, #tpu.memory_space<vmem>>
      %dma_start3A_80 = tpu.memref_squeeze %dma_start3A_79 : memref<1x80xi32, #tpu.memory_space<vmem>> -> memref<80xi32, #tpu.memory_space<vmem>>
      %dma_start3A_81 = arith.constant 0 : i32
      %dma_start3A_82 = arith.constant 0 : i32
      %dma_start3A_83 = tpu.memref_slice %arg2[%dma_start3A_81, %dma_start3A_82] : memref<10000x128xf32, #tpu.memory_space<hbm>> -> memref<10000x128xf32, #tpu.memory_space<hbm>>
      tpu.enqueue_indirect_dma source(%dma_start3A_83 : memref<10000x128xf32, #tpu.memory_space<hbm>>) target(%arg8 : memref<80x128xf32, #tpu.memory_space<vmem>>) offsets(%dma_start3A_80 : memref<80xi32, #tpu.memory_space<vmem>>) semaphore(%arg12 : memref<!tpu.dma_semaphore, #tpu.memory_space<semaphore_mem>>)
      %add3A_84 = arith.constant 1 : i32
      %add3A_85 = arith.addi %add3A_43, %add3A_84 : i32
      %dma_start3A_86 = arith.constant 0 : i32
      %dma_start3A_87 = tpu.memref_slice %arg7[%add3A_85, %dma_start3A_86] : memref<125x80xi32, #tpu.memory_space<vmem>> -> memref<1x80xi32, #tpu.memory_space<vmem>>
      %dma_start3A_88 = tpu.memref_squeeze %dma_start3A_87 : memref<1x80xi32, #tpu.memory_space<vmem>> -> memref<80xi32, #tpu.memory_space<vmem>>
      %dma_start3A_89 = arith.constant 0 : i32
      %dma_start3A_90 = arith.constant 0 : i32
      %dma_start3A_91 = tpu.memref_slice %arg2[%dma_start3A_89, %dma_start3A_90] : memref<10000x128xf32, #tpu.memory_space<hbm>> -> memref<10000x128xf32, #tpu.memory_space<hbm>>
      tpu.enqueue_indirect_dma source(%dma_start3A_91 : memref<10000x128xf32, #tpu.memory_space<hbm>>) target(%arg10 : memref<80x128xf32, #tpu.memory_space<vmem>>) offsets(%dma_start3A_88 : memref<80xi32, #tpu.memory_space<vmem>>) semaphore(%arg14 : memref<!tpu.dma_semaphore, #tpu.memory_space<semaphore_mem>>)
      %dma_wait3A_92 = arith.constant 0 : i32
      %dma_wait3A_93 = tpu.memref_slice %arg6[%add3A_43, %dma_wait3A_92] : memref<125x80xi32, #tpu.memory_space<vmem>> -> memref<1x80xi32, #tpu.memory_space<vmem>>
      %dma_wait3A_94 = tpu.memref_squeeze %dma_wait3A_93 : memref<1x80xi32, #tpu.memory_space<vmem>> -> memref<80xi32, #tpu.memory_space<vmem>>
      %dma_wait3A_95 = arith.constant 0 : i32
      %dma_wait3A_96 = arith.constant 0 : i32
      %dma_wait3A_97 = tpu.memref_slice %arg2[%dma_wait3A_95, %dma_wait3A_96] : memref<10000x128xf32, #tpu.memory_space<hbm>> -> memref<10000x128xf32, #tpu.memory_space<hbm>>
      tpu.wait_indirect_dma semaphore(%arg13 : memref<!tpu.dma_semaphore, #tpu.memory_space<semaphore_mem>>) src(%dma_wait3A_97 : memref<10000x128xf32, #tpu.memory_space<hbm>>) dst(%arg9 : memref<80x128xf32, #tpu.memory_space<vmem>>)
      %mul3A_98 = arith.constant 80 : i32
      %mul3A_99 = arith.muli %add3A_43, %mul3A_98 : i32
      %add3A_100 = arith.addi %mul3A_2, %mul3A_99 : i32
      %run_scoped3A_101 = arith.constant 0 : i32
      "tpu.region"() ({
        %run_scoped3A_112 = tpu.sem_alloc : memref<!tpu.dma_semaphore, #tpu.memory_space<semaphore_mem>>
        %dma_start3A_113 = arith.constant 0 : i32
        %dma_start3A_114 = tpu.memref_slice %arg5[%run_scoped3A_101, %add3A_100, %dma_start3A_113] : memref<2x320000x128xf32, #tpu.memory_space<hbm>> -> memref<1x80x128xf32, #tpu.memory_space<hbm>>
        %dma_start3A_115 = tpu.memref_squeeze %dma_start3A_114 : memref<1x80x128xf32, #tpu.memory_space<hbm>> -> memref<80x128xf32, #tpu.memory_space<hbm>>
        %dma_start3A_116 = arith.constant 0 : i32
        %dma_start3A_117 = tpu.memref_slice %arg5[%run_scoped3A_101, %add3A_100, %dma_start3A_116] : memref<2x320000x128xf32, #tpu.memory_space<hbm>> -> memref<1x80x128xf32, #tpu.memory_space<hbm>>
        %dma_start3A_118 = tpu.memref_squeeze %dma_start3A_117 : memref<1x80x128xf32, #tpu.memory_space<hbm>> -> memref<80x128xf32, #tpu.memory_space<hbm>>
        tpu.enqueue_dma source(%arg9 : memref<80x128xf32, #tpu.memory_space<vmem>>) target(%dma_start3A_118 : memref<80x128xf32, #tpu.memory_space<hbm>>) target_semaphore(%run_scoped3A_112 : memref<!tpu.dma_semaphore, #tpu.memory_space<semaphore_mem>>)
        %dma_wait3A_119 = arith.constant 0 : i32
        %dma_wait3A_120 = tpu.memref_slice %arg5[%run_scoped3A_101, %add3A_100, %dma_wait3A_119] : memref<2x320000x128xf32, #tpu.memory_space<hbm>> -> memref<1x80x128xf32, #tpu.memory_space<hbm>>
        %dma_wait3A_121 = tpu.memref_squeeze %dma_wait3A_120 : memref<1x80x128xf32, #tpu.memory_space<hbm>> -> memref<80x128xf32, #tpu.memory_space<hbm>>
        %dma_wait3A_122 = arith.constant 0 : i32
        %dma_wait3A_123 = tpu.memref_slice %arg5[%run_scoped3A_101, %add3A_100, %dma_wait3A_122] : memref<2x320000x128xf32, #tpu.memory_space<hbm>> -> memref<1x80x128xf32, #tpu.memory_space<hbm>>
        %dma_wait3A_124 = tpu.memref_squeeze %dma_wait3A_123 : memref<1x80x128xf32, #tpu.memory_space<hbm>> -> memref<80x128xf32, #tpu.memory_space<hbm>>
        tpu.wait_dma2 semaphore(%run_scoped3A_112 : memref<!tpu.dma_semaphore, #tpu.memory_space<semaphore_mem>>) src(%arg9 : memref<80x128xf32, #tpu.memory_space<vmem>>) dst(%dma_wait3A_124 : memref<80x128xf32, #tpu.memory_space<hbm>>)
        tpu.yield
      }) : () -> ()
      %dma_wait3A_102 = arith.constant 0 : i32
      %dma_wait3A_103 = tpu.memref_slice %arg7[%add3A_43, %dma_wait3A_102] : memref<125x80xi32, #tpu.memory_space<vmem>> -> memref<1x80xi32, #tpu.memory_space<vmem>>
      %dma_wait3A_104 = tpu.memref_squeeze %dma_wait3A_103 : memref<1x80xi32, #tpu.memory_space<vmem>> -> memref<80xi32, #tpu.memory_space<vmem>>
      %dma_wait3A_105 = arith.constant 0 : i32
      %dma_wait3A_106 = arith.constant 0 : i32
      %dma_wait3A_107 = tpu.memref_slice %arg2[%dma_wait3A_105, %dma_wait3A_106] : memref<10000x128xf32, #tpu.memory_space<hbm>> -> memref<10000x128xf32, #tpu.memory_space<hbm>>
      tpu.wait_indirect_dma semaphore(%arg15 : memref<!tpu.dma_semaphore, #tpu.memory_space<semaphore_mem>>) src(%dma_wait3A_107 : memref<10000x128xf32, #tpu.memory_space<hbm>>) dst(%arg11 : memref<80x128xf32, #tpu.memory_space<vmem>>)
      %mul3A_108 = arith.constant 80 : i32
      %mul3A_109 = arith.muli %add3A_43, %mul3A_108 : i32
      %add3A_110 = arith.addi %mul3A_2, %mul3A_109 : i32
      %run_scoped3A_111 = arith.constant 1 : i32
      "tpu.region"() ({
        %run_scoped3A_112 = tpu.sem_alloc : memref<!tpu.dma_semaphore, #tpu.memory_space<semaphore_mem>>
        %dma_start3A_113 = arith.constant 0 : i32
        %dma_start3A_114 = tpu.memref_slice %arg5[%run_scoped3A_111, %add3A_110, %dma_start3A_113] : memref<2x320000x128xf32, #tpu.memory_space<hbm>> -> memref<1x80x128xf32, #tpu.memory_space<hbm>>
        %dma_start3A_115 = tpu.memref_squeeze %dma_start3A_114 : memref<1x80x128xf32, #tpu.memory_space<hbm>> -> memref<80x128xf32, #tpu.memory_space<hbm>>
        %dma_start3A_116 = arith.constant 0 : i32
        %dma_start3A_117 = tpu.memref_slice %arg5[%run_scoped3A_111, %add3A_110, %dma_start3A_116] : memref<2x320000x128xf32, #tpu.memory_space<hbm>> -> memref<1x80x128xf32, #tpu.memory_space<hbm>>
        %dma_start3A_118 = tpu.memref_squeeze %dma_start3A_117 : memref<1x80x128xf32, #tpu.memory_space<hbm>> -> memref<80x128xf32, #tpu.memory_space<hbm>>
        tpu.enqueue_dma source(%arg11 : memref<80x128xf32, #tpu.memory_space<vmem>>) target(%dma_start3A_118 : memref<80x128xf32, #tpu.memory_space<hbm>>) target_semaphore(%run_scoped3A_112 : memref<!tpu.dma_semaphore, #tpu.memory_space<semaphore_mem>>)
        %dma_wait3A_119 = arith.constant 0 : i32
        %dma_wait3A_120 = tpu.memref_slice %arg5[%run_scoped3A_111, %add3A_110, %dma_wait3A_119] : memref<2x320000x128xf32, #tpu.memory_space<hbm>> -> memref<1x80x128xf32, #tpu.memory_space<hbm>>
        %dma_wait3A_121 = tpu.memref_squeeze %dma_wait3A_120 : memref<1x80x128xf32, #tpu.memory_space<hbm>> -> memref<80x128xf32, #tpu.memory_space<hbm>>
        %dma_wait3A_122 = arith.constant 0 : i32
        %dma_wait3A_123 = tpu.memref_slice %arg5[%run_scoped3A_111, %add3A_110, %dma_wait3A_122] : memref<2x320000x128xf32, #tpu.memory_space<hbm>> -> memref<1x80x128xf32, #tpu.memory_space<hbm>>
        %dma_wait3A_124 = tpu.memref_squeeze %dma_wait3A_123 : memref<1x80x128xf32, #tpu.memory_space<hbm>> -> memref<80x128xf32, #tpu.memory_space<hbm>>
        tpu.wait_dma2 semaphore(%run_scoped3A_112 : memref<!tpu.dma_semaphore, #tpu.memory_space<semaphore_mem>>) src(%arg11 : memref<80x128xf32, #tpu.memory_space<vmem>>) dst(%dma_wait3A_124 : memref<80x128xf32, #tpu.memory_space<hbm>>)
        tpu.yield
      }) : () -> ()
    }
    %scan3A_20 = arith.constant 62 : i32
    %dma_wait3A = arith.constant 124 : i32
    %dma_wait3A_21 = arith.constant 0 : i32
    %dma_wait3A_22 = tpu.memref_slice %arg6[%dma_wait3A, %dma_wait3A_21] : memref<125x80xi32, #tpu.memory_space<vmem>> -> memref<1x80xi32, #tpu.memory_space<vmem>>
    %dma_wait3A_23 = tpu.memref_squeeze %dma_wait3A_22 : memref<1x80xi32, #tpu.memory_space<vmem>> -> memref<80xi32, #tpu.memory_space<vmem>>
    %dma_wait3A_24 = arith.constant 0 : i32
    %dma_wait3A_25 = arith.constant 0 : i32
    %dma_wait3A_26 = tpu.memref_slice %arg2[%dma_wait3A_24, %dma_wait3A_25] : memref<10000x128xf32, #tpu.memory_space<hbm>> -> memref<10000x128xf32, #tpu.memory_space<hbm>>
    tpu.wait_indirect_dma semaphore(%arg12 : memref<!tpu.dma_semaphore, #tpu.memory_space<semaphore_mem>>) src(%dma_wait3A_26 : memref<10000x128xf32, #tpu.memory_space<hbm>>) dst(%arg8 : memref<80x128xf32, #tpu.memory_space<vmem>>)
    %add3A_27 = arith.constant 9920 : i32
    %add3A_28 = arith.addi %mul3A_2, %add3A_27 : i32
    %run_scoped3A = arith.constant 0 : i32
    "tpu.region"() ({
      %run_scoped3A_39 = tpu.sem_alloc : memref<!tpu.dma_semaphore, #tpu.memory_space<semaphore_mem>>
      %dma_start3A_40 = arith.constant 0 : i32
      %dma_start3A_41 = tpu.memref_slice %arg5[%run_scoped3A, %add3A_28, %dma_start3A_40] : memref<2x320000x128xf32, #tpu.memory_space<hbm>> -> memref<1x80x128xf32, #tpu.memory_space<hbm>>
      %dma_start3A_42 = tpu.memref_squeeze %dma_start3A_41 : memref<1x80x128xf32, #tpu.memory_space<hbm>> -> memref<80x128xf32, #tpu.memory_space<hbm>>
      %dma_start3A_43 = arith.constant 0 : i32
      %dma_start3A_44 = tpu.memref_slice %arg5[%run_scoped3A, %add3A_28, %dma_start3A_43] : memref<2x320000x128xf32, #tpu.memory_space<hbm>> -> memref<1x80x128xf32, #tpu.memory_space<hbm>>
      %dma_start3A_45 = tpu.memref_squeeze %dma_start3A_44 : memref<1x80x128xf32, #tpu.memory_space<hbm>> -> memref<80x128xf32, #tpu.memory_space<hbm>>
      tpu.enqueue_dma source(%arg8 : memref<80x128xf32, #tpu.memory_space<vmem>>) target(%dma_start3A_45 : memref<80x128xf32, #tpu.memory_space<hbm>>) target_semaphore(%run_scoped3A_39 : memref<!tpu.dma_semaphore, #tpu.memory_space<semaphore_mem>>)
      %dma_wait3A_46 = arith.constant 0 : i32
      %dma_wait3A_47 = tpu.memref_slice %arg5[%run_scoped3A, %add3A_28, %dma_wait3A_46] : memref<2x320000x128xf32, #tpu.memory_space<hbm>> -> memref<1x80x128xf32, #tpu.memory_space<hbm>>
      %dma_wait3A_48 = tpu.memref_squeeze %dma_wait3A_47 : memref<1x80x128xf32, #tpu.memory_space<hbm>> -> memref<80x128xf32, #tpu.memory_space<hbm>>
      %dma_wait3A_49 = arith.constant 0 : i32
      %dma_wait3A_50 = tpu.memref_slice %arg5[%run_scoped3A, %add3A_28, %dma_wait3A_49] : memref<2x320000x128xf32, #tpu.memory_space<hbm>> -> memref<1x80x128xf32, #tpu.memory_space<hbm>>
      %dma_wait3A_51 = tpu.memref_squeeze %dma_wait3A_50 : memref<1x80x128xf32, #tpu.memory_space<hbm>> -> memref<80x128xf32, #tpu.memory_space<hbm>>
      tpu.wait_dma2 semaphore(%run_scoped3A_39 : memref<!tpu.dma_semaphore, #tpu.memory_space<semaphore_mem>>) src(%arg8 : memref<80x128xf32, #tpu.memory_space<vmem>>) dst(%dma_wait3A_51 : memref<80x128xf32, #tpu.memory_space<hbm>>)
      tpu.yield
    }) : () -> ()
    %dma_wait3A_29 = arith.constant 124 : i32
    %dma_wait3A_30 = arith.constant 0 : i32
    %dma_wait3A_31 = tpu.memref_slice %arg7[%dma_wait3A_29, %dma_wait3A_30] : memref<125x80xi32, #tpu.memory_space<vmem>> -> memref<1x80xi32, #tpu.memory_space<vmem>>
    %dma_wait3A_32 = tpu.memref_squeeze %dma_wait3A_31 : memref<1x80xi32, #tpu.memory_space<vmem>> -> memref<80xi32, #tpu.memory_space<vmem>>
    %dma_wait3A_33 = arith.constant 0 : i32
    %dma_wait3A_34 = arith.constant 0 : i32
    %dma_wait3A_35 = tpu.memref_slice %arg2[%dma_wait3A_33, %dma_wait3A_34] : memref<10000x128xf32, #tpu.memory_space<hbm>> -> memref<10000x128xf32, #tpu.memory_space<hbm>>
    tpu.wait_indirect_dma semaphore(%arg14 : memref<!tpu.dma_semaphore, #tpu.memory_space<semaphore_mem>>) src(%dma_wait3A_35 : memref<10000x128xf32, #tpu.memory_space<hbm>>) dst(%arg10 : memref<80x128xf32, #tpu.memory_space<vmem>>)
    %add3A_36 = arith.constant 9920 : i32
    %add3A_37 = arith.addi %mul3A_2, %add3A_36 : i32
    %run_scoped3A_38 = arith.constant 1 : i32
    "tpu.region"() ({
      %run_scoped3A_39 = tpu.sem_alloc : memref<!tpu.dma_semaphore, #tpu.memory_space<semaphore_mem>>
      %dma_start3A_40 = arith.constant 0 : i32
      %dma_start3A_41 = tpu.memref_slice %arg5[%run_scoped3A_38, %add3A_37, %dma_start3A_40] : memref<2x320000x128xf32, #tpu.memory_space<hbm>> -> memref<1x80x128xf32, #tpu.memory_space<hbm>>
      %dma_start3A_42 = tpu.memref_squeeze %dma_start3A_41 : memref<1x80x128xf32, #tpu.memory_space<hbm>> -> memref<80x128xf32, #tpu.memory_space<hbm>>
      %dma_start3A_43 = arith.constant 0 : i32
      %dma_start3A_44 = tpu.memref_slice %arg5[%run_scoped3A_38, %add3A_37, %dma_start3A_43] : memref<2x320000x128xf32, #tpu.memory_space<hbm>> -> memref<1x80x128xf32, #tpu.memory_space<hbm>>
      %dma_start3A_45 = tpu.memref_squeeze %dma_start3A_44 : memref<1x80x128xf32, #tpu.memory_space<hbm>> -> memref<80x128xf32, #tpu.memory_space<hbm>>
      tpu.enqueue_dma source(%arg10 : memref<80x128xf32, #tpu.memory_space<vmem>>) target(%dma_start3A_45 : memref<80x128xf32, #tpu.memory_space<hbm>>) target_semaphore(%run_scoped3A_39 : memref<!tpu.dma_semaphore, #tpu.memory_space<semaphore_mem>>)
      %dma_wait3A_46 = arith.constant 0 : i32
      %dma_wait3A_47 = tpu.memref_slice %arg5[%run_scoped3A_38, %add3A_37, %dma_wait3A_46] : memref<2x320000x128xf32, #tpu.memory_space<hbm>> -> memref<1x80x128xf32, #tpu.memory_space<hbm>>
      %dma_wait3A_48 = tpu.memref_squeeze %dma_wait3A_47 : memref<1x80x128xf32, #tpu.memory_space<hbm>> -> memref<80x128xf32, #tpu.memory_space<hbm>>
      %dma_wait3A_49 = arith.constant 0 : i32
      %dma_wait3A_50 = tpu.memref_slice %arg5[%run_scoped3A_38, %add3A_37, %dma_wait3A_49] : memref<2x320000x128xf32, #tpu.memory_space<hbm>> -> memref<1x80x128xf32, #tpu.memory_space<hbm>>
      %dma_wait3A_51 = tpu.memref_squeeze %dma_wait3A_50 : memref<1x80x128xf32, #tpu.memory_space<hbm>> -> memref<80x128xf32, #tpu.memory_space<hbm>>
      tpu.wait_dma2 semaphore(%run_scoped3A_39 : memref<!tpu.dma_semaphore, #tpu.memory_space<semaphore_mem>>) src(%arg10 : memref<80x128xf32, #tpu.memory_space<vmem>>) dst(%dma_wait3A_51 : memref<80x128xf32, #tpu.memory_space<hbm>>)
      tpu.yield
    }) : () -> ()
    return
  }
}

module attributes {stable_mosaic.version = 14 : i64} {
  func.func @body(%arg0: i32, %arg1: memref<1000x2xf32, #tpu.memory_space<vmem>>, %arg2: memref<1000x128xf32, #tpu.memory_space<vmem>>, %arg3: memref<128x128xf32, #tpu.memory_space<vmem>>, %arg4: memref<1000x1xf32, #tpu.memory_space<vmem>>, %arg5: memref<1000x128xf32, #tpu.memory_space<vmem>>) attributes {dimension_semantics = [#tpu.dimension_semantics<arbitrary>], iteration_bounds = array<i64: 10>, scalar_prefetch = 0 : i64, scratch_operands = 0 : i64, tpu.core_type = #tpu.core_type<tc>, window_params = [{transform_indices = @transform_0, window_bounds = array<i64: 1000, 2>}, {transform_indices = @transform_1, window_bounds = array<i64: 1000, 128>}, {pipeline_mode = #tpu.pipeline_mode<synchronous>, transform_indices = @transform_2, window_bounds = array<i64: 128, 128>}, {transform_indices = @transform_3, window_bounds = array<i64: 1000, 1>}, {transform_indices = @transform_4, window_bounds = array<i64: 1000, 128>}]} {
    %get3A = arith.constant 0 : index
    %get3A_0 = arith.constant 0 : index
    %get3A_1 = vector.load %arg1[%get3A, %get3A_0] : memref<1000x2xf32, #tpu.memory_space<vmem>>, vector<1000x2xf32>
    %reduce_sum3A = arith.constant dense<0.000000e+00> : vector<1000xf32>
    %reduce_sum3A_2 = vector.multi_reduction <add>, %get3A_1, %reduce_sum3A [1] : vector<1000x2xf32> to vector<1000xf32>
    %broadcast_in_dim3A = vector.shape_cast %reduce_sum3A_2 : vector<1000xf32> to vector<1000x1xf32>
    %add3A = arith.constant 1.000000e+00 : f32
    %add3A_3 = vector.broadcast %add3A : f32 to vector<1000x1xf32>
    %add3A_4 = arith.addf %broadcast_in_dim3A, %add3A_3 : vector<1000x1xf32>
    %rsqrt3A = math.rsqrt %add3A_4 : vector<1000x1xf32>
    %get3A_5 = arith.constant 0 : index
    %get3A_6 = arith.constant 0 : index
    %get3A_7 = vector.load %arg2[%get3A_5, %get3A_6] : memref<1000x128xf32, #tpu.memory_space<vmem>>, vector<1000x128xf32>
    %get3A_8 = arith.constant 0 : index
    %get3A_9 = arith.constant 0 : index
    %get3A_10 = vector.load %arg3[%get3A_8, %get3A_9] : memref<128x128xf32, #tpu.memory_space<vmem>>, vector<128x128xf32>
    %dot_general3A = arith.constant dense<0.000000e+00> : vector<1000x128xf32>
    %dot_general3A_11 = tpu.matmul %get3A_7, %get3A_10, %dot_general3A {dimension_numbers = #tpu.dot_dimension_numbers<[1], [0], [0], [1], [0, 0, 1, 1], [], []>, transpose_lhs_hint = false} : vector<1000x128xf32>, vector<128x128xf32>, vector<1000x128xf32> -> vector<1000x128xf32>
    %swap3A = arith.constant 0 : index
    %swap3A_12 = arith.constant 0 : index
    %swap3A_13 = vector.load %arg4[%swap3A, %swap3A_12] : memref<1000x1xf32, #tpu.memory_space<vmem>>, vector<1000x1xf32>
    tpu.vector_store %arg4[%swap3A, %swap3A_12], %rsqrt3A {strides = array<i32>} : memref<1000x1xf32, #tpu.memory_space<vmem>>, vector<1000x1xf32>,
    %mul3A = vector.broadcast %rsqrt3A : vector<1000x1xf32> to vector<1000x128xf32>
    %mul3A_14 = arith.mulf %dot_general3A_11, %mul3A : vector<1000x128xf32>
    %swap3A_15 = arith.constant 0 : index
    %swap3A_16 = arith.constant 0 : index
    %swap3A_17 = vector.load %arg5[%swap3A_15, %swap3A_16] : memref<1000x128xf32, #tpu.memory_space<vmem>>, vector<1000x128xf32>
    tpu.vector_store %arg5[%swap3A_15, %swap3A_16], %mul3A_14 {strides = array<i32>} : memref<1000x128xf32, #tpu.memory_space<vmem>>, vector<1000x128xf32>,
    return
  }
  func.func @transform_0(%arg0: i32) -> (i32, i32) {
    %c0_i32 = arith.constant 0 : i32
    %c0_i32_0 = arith.constant 0 : i32
    return %arg0, %c0_i32 : i32, i32
  }
  func.func @transform_1(%arg0: i32) -> (i32, i32) {
    %c0_i32 = arith.constant 0 : i32
    %c0_i32_0 = arith.constant 0 : i32
    return %arg0, %c0_i32 : i32, i32
  }
  func.func @transform_2(%arg0: i32) -> (i32, i32) {
    %c0_i32 = arith.constant 0 : i32
    %c0_i32_0 = arith.constant 0 : i32
    %c0_i32_1 = arith.constant 0 : i32
    return %c0_i32, %c0_i32_0 : i32, i32
  }
  func.func @transform_3(%arg0: i32) -> (i32, i32) {
    %c0_i32 = arith.constant 0 : i32
    %c0_i32_0 = arith.constant 0 : i32
    return %arg0, %c0_i32 : i32, i32
  }
  func.func @transform_4(%arg0: i32) -> (i32, i32) {
    %c0_i32 = arith.constant 0 : i32
    %c0_i32_0 = arith.constant 0 : i32
    return %arg0, %c0_i32 : i32, i32
  }
}

module attributes {stable_mosaic.version = 14 : i64} {
  func.func @body(%arg0: i32, %arg1: memref<2x1000x128xf32, #tpu.memory_space<vmem>>, %arg2: memref<1000x128xf32, #tpu.memory_space<vmem>>, %arg3: memref<1000x1xf32, #tpu.memory_space<vmem>>, %arg4: memref<1x128xf32, #tpu.memory_space<vmem>>, %arg5: memref<1x128xf32, #tpu.memory_space<vmem>>, %arg6: memref<1x128xf32, #tpu.memory_space<vmem>>, %arg7: memref<128x128xf32, #tpu.memory_space<vmem>>, %arg8: memref<1000x128xf32, #tpu.memory_space<vmem>>, %arg9: memref<1000x128xf32, #tpu.memory_space<vmem>>) attributes {dimension_semantics = [#tpu.dimension_semantics<arbitrary>], iteration_bounds = array<i64: 10>, scalar_prefetch = 0 : i64, scratch_operands = 0 : i64, tpu.core_type = #tpu.core_type<tc>, window_params = [{transform_indices = @transform_0, window_bounds = array<i64: 2, 1000, 128>}, {transform_indices = @transform_1, window_bounds = array<i64: 1000, 128>}, {transform_indices = @transform_2, window_bounds = array<i64: 1000, 1>}, {pipeline_mode = #tpu.pipeline_mode<synchronous>, transform_indices = @transform_3, window_bounds = array<i64: 1, 128>}, {pipeline_mode = #tpu.pipeline_mode<synchronous>, transform_indices = @transform_4, window_bounds = array<i64: 1, 128>}, {pipeline_mode = #tpu.pipeline_mode<synchronous>, transform_indices = @transform_5, window_bounds = array<i64: 1, 128>}, {pipeline_mode = #tpu.pipeline_mode<synchronous>, transform_indices = @transform_6, window_bounds = array<i64: 128, 128>}, {transform_indices = @transform_7, window_bounds = array<i64: 1000, 128>}, {transform_indices = @transform_8, window_bounds = array<i64: 1000, 128>}]} {
    %get3A = arith.constant 0 : index
    %get3A_0 = arith.constant 0 : index
    %get3A_1 = vector.load %arg3[%get3A, %get3A_0] : memref<1000x1xf32, #tpu.memory_space<vmem>>, vector<1000x1xf32>
    %get3A_2 = arith.constant 0 : index
    %get3A_3 = arith.constant 0 : index
    %get3A_4 = arith.constant 0 : index
    %get3A_5 = vector.load %arg1[%get3A_2, %get3A_3, %get3A_4] : memref<2x1000x128xf32, #tpu.memory_space<vmem>>, vector<1x1000x128xf32>
    %get3A_6 = vector.shape_cast %get3A_5 : vector<1x1000x128xf32> to vector<1000x128xf32>
    %get3A_7 = arith.constant 1 : index
    %get3A_8 = arith.constant 0 : index
    %get3A_9 = arith.constant 0 : index
    %get3A_10 = vector.load %arg1[%get3A_7, %get3A_8, %get3A_9] : memref<2x1000x128xf32, #tpu.memory_space<vmem>>, vector<1x1000x128xf32>
    %get3A_11 = vector.shape_cast %get3A_10 : vector<1x1000x128xf32> to vector<1000x128xf32>
    %add3A = arith.addf %get3A_6, %get3A_11 : vector<1000x128xf32>
    %get3A_12 = arith.constant 0 : index
    %get3A_13 = arith.constant 0 : index
    %get3A_14 = vector.load %arg2[%get3A_12, %get3A_13] : memref<1000x128xf32, #tpu.memory_space<vmem>>, vector<1000x128xf32>
    %add3A_15 = arith.addf %add3A, %get3A_14 : vector<1000x128xf32>
    %mul3A = vector.broadcast %get3A_1 : vector<1000x1xf32> to vector<1000x128xf32>
    %mul3A_16 = arith.mulf %add3A_15, %mul3A : vector<1000x128xf32>
    %get3A_17 = arith.constant 0 : index
    %get3A_18 = arith.constant 0 : index
    %get3A_19 = vector.load %arg4[%get3A_17, %get3A_18] : memref<1x128xf32, #tpu.memory_space<vmem>>, vector<1x128xf32>
    %add3A_20 = vector.broadcast %get3A_19 : vector<1x128xf32> to vector<1000x128xf32>
    %add3A_21 = arith.addf %mul3A_16, %add3A_20 : vector<1000x128xf32>
    %max3A = arith.constant 0.000000e+00 : f32
    %max3A_22 = vector.broadcast %max3A : f32 to vector<1000x128xf32>
    %max3A_23 = arith.maximumf %add3A_21, %max3A_22 : vector<1000x128xf32>
    %get3A_24 = arith.constant 0 : index
    %get3A_25 = arith.constant 0 : index
    %get3A_26 = vector.load %arg5[%get3A_24, %get3A_25] : memref<1x128xf32, #tpu.memory_space<vmem>>, vector<1x128xf32>
    %get3A_27 = arith.constant 0 : index
    %get3A_28 = arith.constant 0 : index
    %get3A_29 = vector.load %arg6[%get3A_27, %get3A_28] : memref<1x128xf32, #tpu.memory_space<vmem>>, vector<1x128xf32>
    %reduce_sum3A = arith.constant dense<0.000000e+00> : vector<1000xf32>
    %reduce_sum3A_30 = vector.multi_reduction <add>, %max3A_23, %reduce_sum3A [1] : vector<1000x128xf32> to vector<1000xf32>
    %broadcast_in_dim3A = vector.shape_cast %reduce_sum3A_30 : vector<1000xf32> to vector<1000x1xf32>
    %div3A = arith.constant 1.280000e+02 : f32
    %div3A_31 = vector.broadcast %div3A : f32 to vector<1000x1xf32>
    %div3A_32 = arith.divf %broadcast_in_dim3A, %div3A_31 : vector<1000x1xf32>
    %jit3A = arith.constant 0 : i32
    %reduce_sum3A_33 = arith.constant dense<0.000000e+00> : vector<1000xf32>
    %reduce_sum3A_34 = vector.multi_reduction <add>, %max3A_23, %reduce_sum3A_33 [1] : vector<1000x128xf32> to vector<1000xf32>
    %broadcast_in_dim3A_35 = vector.shape_cast %reduce_sum3A_34 : vector<1000xf32> to vector<1000x1xf32>
    %div3A_36 = arith.constant 1.280000e+02 : f32
    %div3A_37 = vector.broadcast %div3A_36 : f32 to vector<1000x1xf32>
    %div3A_38 = arith.divf %broadcast_in_dim3A_35, %div3A_37 : vector<1000x1xf32>
    %sub3A = vector.broadcast %div3A_38 : vector<1000x1xf32> to vector<1000x128xf32>
    %sub3A_39 = arith.subf %max3A_23, %sub3A : vector<1000x128xf32>
    %square3A = arith.mulf %sub3A_39, %sub3A_39 : vector<1000x128xf32>
    %convert_element_type3A = arith.sitofp %jit3A : i32 to f32
    %sub3A_40 = arith.constant 1.280000e+02 : f32
    %sub3A_41 = arith.subf %sub3A_40, %convert_element_type3A : f32
    %reduce_sum3A_42 = arith.constant dense<0.000000e+00> : vector<1000xf32>
    %reduce_sum3A_43 = vector.multi_reduction <add>, %square3A, %reduce_sum3A_42 [1] : vector<1000x128xf32> to vector<1000xf32>
    %broadcast_in_dim3A_44 = vector.shape_cast %reduce_sum3A_43 : vector<1000xf32> to vector<1000x1xf32>
    %div3A_45 = vector.broadcast %sub3A_41 : f32 to vector<1000x1xf32>
    %div3A_46 = arith.divf %broadcast_in_dim3A_44, %div3A_45 : vector<1000x1xf32>
    %gt3A = arith.constant 0.000000e+00 : f32
    %gt3A_47 = arith.cmpf ogt, %sub3A_41, %gt3A : f32
    %jit3A_48 = arith.constant 0x7FC00000 : f32
    %broadcast_in_dim3A_49 = vector.broadcast %jit3A_48 : f32 to vector<1000x1xf32>
    %select_n3A = arith.select %gt3A_47, %div3A_46, %broadcast_in_dim3A_49 : vector<1000x1xf32>
    %sub3A_50 = vector.broadcast %div3A_32 : vector<1000x1xf32> to vector<1000x128xf32>
    %sub3A_51 = arith.subf %max3A_23, %sub3A_50 : vector<1000x128xf32>
    %add3A_52 = arith.constant 9.99999974E-6 : f32
    %add3A_53 = vector.broadcast %add3A_52 : f32 to vector<1000x1xf32>
    %add3A_54 = arith.addf %select_n3A, %add3A_53 : vector<1000x1xf32>
    %sqrt3A = math.sqrt %add3A_54 : vector<1000x1xf32>
    %div3A_55 = vector.broadcast %sqrt3A : vector<1000x1xf32> to vector<1000x128xf32>
    %div3A_56 = arith.divf %sub3A_51, %div3A_55 : vector<1000x128xf32>
    %mul3A_57 = vector.broadcast %get3A_26 : vector<1x128xf32> to vector<1000x128xf32>
    %mul3A_58 = arith.mulf %div3A_56, %mul3A_57 : vector<1000x128xf32>
    %add3A_59 = vector.broadcast %get3A_29 : vector<1x128xf32> to vector<1000x128xf32>
    %add3A_60 = arith.addf %mul3A_58, %add3A_59 : vector<1000x128xf32>
    %swap3A = arith.constant 0 : index
    %swap3A_61 = arith.constant 0 : index
    %swap3A_62 = vector.load %arg8[%swap3A, %swap3A_61] : memref<1000x128xf32, #tpu.memory_space<vmem>>, vector<1000x128xf32>
    tpu.vector_store %arg8[%swap3A, %swap3A_61], %add3A_60 {strides = array<i32>} : memref<1000x128xf32, #tpu.memory_space<vmem>>, vector<1000x128xf32>,
    %get3A_63 = arith.constant 0 : index
    %get3A_64 = arith.constant 0 : index
    %get3A_65 = vector.load %arg7[%get3A_63, %get3A_64] : memref<128x128xf32, #tpu.memory_space<vmem>>, vector<128x128xf32>
    %dot_general3A = arith.constant dense<0.000000e+00> : vector<1000x128xf32>
    %dot_general3A_66 = tpu.matmul %add3A_60, %get3A_65, %dot_general3A {dimension_numbers = #tpu.dot_dimension_numbers<[1], [0], [0], [1], [0, 0, 1, 1], [], []>, transpose_lhs_hint = false} : vector<1000x128xf32>, vector<128x128xf32>, vector<1000x128xf32> -> vector<1000x128xf32>
    %mul3A_67 = vector.broadcast %get3A_1 : vector<1000x1xf32> to vector<1000x128xf32>
    %mul3A_68 = arith.mulf %dot_general3A_66, %mul3A_67 : vector<1000x128xf32>
    %swap3A_69 = arith.constant 0 : index
    %swap3A_70 = arith.constant 0 : index
    %swap3A_71 = vector.load %arg9[%swap3A_69, %swap3A_70] : memref<1000x128xf32, #tpu.memory_space<vmem>>, vector<1000x128xf32>
    tpu.vector_store %arg9[%swap3A_69, %swap3A_70], %mul3A_68 {strides = array<i32>} : memref<1000x128xf32, #tpu.memory_space<vmem>>, vector<1000x128xf32>,
    return
  }
  func.func @transform_0(%arg0: i32) -> (i32, i32, i32) {
    %c0_i32 = arith.constant 0 : i32
    %c0_i32_0 = arith.constant 0 : i32
    %c0_i32_1 = arith.constant 0 : i32
    return %c0_i32, %arg0, %c0_i32_0 : i32, i32, i32
  }
  func.func @transform_1(%arg0: i32) -> (i32, i32) {
    %c0_i32 = arith.constant 0 : i32
    %c0_i32_0 = arith.constant 0 : i32
    return %arg0, %c0_i32 : i32, i32
  }
  func.func @transform_2(%arg0: i32) -> (i32, i32) {
    %c0_i32 = arith.constant 0 : i32
    %c0_i32_0 = arith.constant 0 : i32
    return %arg0, %c0_i32 : i32, i32
  }
  func.func @transform_3(%arg0: i32) -> (i32, i32) {
    %c0_i32 = arith.constant 0 : i32
    %c0_i32_0 = arith.constant 0 : i32
    %c0_i32_1 = arith.constant 0 : i32
    return %c0_i32, %c0_i32_0 : i32, i32
  }
  func.func @transform_4(%arg0: i32) -> (i32, i32) {
    %c0_i32 = arith.constant 0 : i32
    %c0_i32_0 = arith.constant 0 : i32
    %c0_i32_1 = arith.constant 0 : i32
    return %c0_i32, %c0_i32_0 : i32, i32
  }
  func.func @transform_5(%arg0: i32) -> (i32, i32) {
    %c0_i32 = arith.constant 0 : i32
    %c0_i32_0 = arith.constant 0 : i32
    %c0_i32_1 = arith.constant 0 : i32
    return %c0_i32, %c0_i32_0 : i32, i32
  }
  func.func @transform_6(%arg0: i32) -> (i32, i32) {
    %c0_i32 = arith.constant 0 : i32
    %c0_i32_0 = arith.constant 0 : i32
    %c0_i32_1 = arith.constant 0 : i32
    return %c0_i32, %c0_i32_0 : i32, i32
  }
  func.func @transform_7(%arg0: i32) -> (i32, i32) {
    %c0_i32 = arith.constant 0 : i32
    %c0_i32_0 = arith.constant 0 : i32
    return %arg0, %c0_i32 : i32, i32
  }
  func.func @transform_8(%arg0: i32) -> (i32, i32) {
    %c0_i32 = arith.constant 0 : i32
    %c0_i32_0 = arith.constant 0 : i32
    return %arg0, %c0_i32 : i32, i32
  }
}

module attributes {stable_mosaic.version = 14 : i64} {
  func.func @body(%arg0: i32, %arg1: memref<2x1000x128xf32, #tpu.memory_space<vmem>>, %arg2: memref<1000x128xf32, #tpu.memory_space<vmem>>, %arg3: memref<1000x1xf32, #tpu.memory_space<vmem>>, %arg4: memref<1000x128xf32, #tpu.memory_space<vmem>>, %arg5: memref<1x128xf32, #tpu.memory_space<vmem>>, %arg6: memref<1x128xf32, #tpu.memory_space<vmem>>, %arg7: memref<1x128xf32, #tpu.memory_space<vmem>>, %arg8: memref<128x128xf32, #tpu.memory_space<vmem>>, %arg9: memref<1000x128xf32, #tpu.memory_space<vmem>>, %arg10: memref<1000x128xf32, #tpu.memory_space<vmem>>) attributes {dimension_semantics = [#tpu.dimension_semantics<arbitrary>], iteration_bounds = array<i64: 10>, scalar_prefetch = 0 : i64, scratch_operands = 0 : i64, tpu.core_type = #tpu.core_type<tc>, window_params = [{transform_indices = @transform_0, window_bounds = array<i64: 2, 1000, 128>}, {transform_indices = @transform_1, window_bounds = array<i64: 1000, 128>}, {transform_indices = @transform_2, window_bounds = array<i64: 1000, 1>}, {transform_indices = @transform_3, window_bounds = array<i64: 1000, 128>}, {pipeline_mode = #tpu.pipeline_mode<synchronous>, transform_indices = @transform_4, window_bounds = array<i64: 1, 128>}, {pipeline_mode = #tpu.pipeline_mode<synchronous>, transform_indices = @transform_5, window_bounds = array<i64: 1, 128>}, {pipeline_mode = #tpu.pipeline_mode<synchronous>, transform_indices = @transform_6, window_bounds = array<i64: 1, 128>}, {pipeline_mode = #tpu.pipeline_mode<synchronous>, transform_indices = @transform_7, window_bounds = array<i64: 128, 128>}, {transform_indices = @transform_8, window_bounds = array<i64: 1000, 128>}, {transform_indices = @transform_9, window_bounds = array<i64: 1000, 128>}]} {
    %get3A = arith.constant 0 : index
    %get3A_0 = arith.constant 0 : index
    %get3A_1 = vector.load %arg3[%get3A, %get3A_0] : memref<1000x1xf32, #tpu.memory_space<vmem>>, vector<1000x1xf32>
    %get3A_2 = arith.constant 0 : index
    %get3A_3 = arith.constant 0 : index
    %get3A_4 = arith.constant 0 : index
    %get3A_5 = vector.load %arg1[%get3A_2, %get3A_3, %get3A_4] : memref<2x1000x128xf32, #tpu.memory_space<vmem>>, vector<1x1000x128xf32>
    %get3A_6 = vector.shape_cast %get3A_5 : vector<1x1000x128xf32> to vector<1000x128xf32>
    %get3A_7 = arith.constant 1 : index
    %get3A_8 = arith.constant 0 : index
    %get3A_9 = arith.constant 0 : index
    %get3A_10 = vector.load %arg1[%get3A_7, %get3A_8, %get3A_9] : memref<2x1000x128xf32, #tpu.memory_space<vmem>>, vector<1x1000x128xf32>
    %get3A_11 = vector.shape_cast %get3A_10 : vector<1x1000x128xf32> to vector<1000x128xf32>
    %add3A = arith.addf %get3A_6, %get3A_11 : vector<1000x128xf32>
    %get3A_12 = arith.constant 0 : index
    %get3A_13 = arith.constant 0 : index
    %get3A_14 = vector.load %arg2[%get3A_12, %get3A_13] : memref<1000x128xf32, #tpu.memory_space<vmem>>, vector<1000x128xf32>
    %add3A_15 = arith.addf %add3A, %get3A_14 : vector<1000x128xf32>
    %mul3A = vector.broadcast %get3A_1 : vector<1000x1xf32> to vector<1000x128xf32>
    %mul3A_16 = arith.mulf %add3A_15, %mul3A : vector<1000x128xf32>
    %get3A_17 = arith.constant 0 : index
    %get3A_18 = arith.constant 0 : index
    %get3A_19 = vector.load %arg5[%get3A_17, %get3A_18] : memref<1x128xf32, #tpu.memory_space<vmem>>, vector<1x128xf32>
    %add3A_20 = vector.broadcast %get3A_19 : vector<1x128xf32> to vector<1000x128xf32>
    %add3A_21 = arith.addf %mul3A_16, %add3A_20 : vector<1000x128xf32>
    %max3A = arith.constant 0.000000e+00 : f32
    %max3A_22 = vector.broadcast %max3A : f32 to vector<1000x128xf32>
    %max3A_23 = arith.maximumf %add3A_21, %max3A_22 : vector<1000x128xf32>
    %get3A_24 = arith.constant 0 : index
    %get3A_25 = arith.constant 0 : index
    %get3A_26 = vector.load %arg6[%get3A_24, %get3A_25] : memref<1x128xf32, #tpu.memory_space<vmem>>, vector<1x128xf32>
    %get3A_27 = arith.constant 0 : index
    %get3A_28 = arith.constant 0 : index
    %get3A_29 = vector.load %arg7[%get3A_27, %get3A_28] : memref<1x128xf32, #tpu.memory_space<vmem>>, vector<1x128xf32>
    %reduce_sum3A = arith.constant dense<0.000000e+00> : vector<1000xf32>
    %reduce_sum3A_30 = vector.multi_reduction <add>, %max3A_23, %reduce_sum3A [1] : vector<1000x128xf32> to vector<1000xf32>
    %broadcast_in_dim3A = vector.shape_cast %reduce_sum3A_30 : vector<1000xf32> to vector<1000x1xf32>
    %div3A = arith.constant 1.280000e+02 : f32
    %div3A_31 = vector.broadcast %div3A : f32 to vector<1000x1xf32>
    %div3A_32 = arith.divf %broadcast_in_dim3A, %div3A_31 : vector<1000x1xf32>
    %jit3A = arith.constant 0 : i32
    %reduce_sum3A_33 = arith.constant dense<0.000000e+00> : vector<1000xf32>
    %reduce_sum3A_34 = vector.multi_reduction <add>, %max3A_23, %reduce_sum3A_33 [1] : vector<1000x128xf32> to vector<1000xf32>
    %broadcast_in_dim3A_35 = vector.shape_cast %reduce_sum3A_34 : vector<1000xf32> to vector<1000x1xf32>
    %div3A_36 = arith.constant 1.280000e+02 : f32
    %div3A_37 = vector.broadcast %div3A_36 : f32 to vector<1000x1xf32>
    %div3A_38 = arith.divf %broadcast_in_dim3A_35, %div3A_37 : vector<1000x1xf32>
    %sub3A = vector.broadcast %div3A_38 : vector<1000x1xf32> to vector<1000x128xf32>
    %sub3A_39 = arith.subf %max3A_23, %sub3A : vector<1000x128xf32>
    %square3A = arith.mulf %sub3A_39, %sub3A_39 : vector<1000x128xf32>
    %convert_element_type3A = arith.sitofp %jit3A : i32 to f32
    %sub3A_40 = arith.constant 1.280000e+02 : f32
    %sub3A_41 = arith.subf %sub3A_40, %convert_element_type3A : f32
    %reduce_sum3A_42 = arith.constant dense<0.000000e+00> : vector<1000xf32>
    %reduce_sum3A_43 = vector.multi_reduction <add>, %square3A, %reduce_sum3A_42 [1] : vector<1000x128xf32> to vector<1000xf32>
    %broadcast_in_dim3A_44 = vector.shape_cast %reduce_sum3A_43 : vector<1000xf32> to vector<1000x1xf32>
    %div3A_45 = vector.broadcast %sub3A_41 : f32 to vector<1000x1xf32>
    %div3A_46 = arith.divf %broadcast_in_dim3A_44, %div3A_45 : vector<1000x1xf32>
    %gt3A = arith.constant 0.000000e+00 : f32
    %gt3A_47 = arith.cmpf ogt, %sub3A_41, %gt3A : f32
    %jit3A_48 = arith.constant 0x7FC00000 : f32
    %broadcast_in_dim3A_49 = vector.broadcast %jit3A_48 : f32 to vector<1000x1xf32>
    %select_n3A = arith.select %gt3A_47, %div3A_46, %broadcast_in_dim3A_49 : vector<1000x1xf32>
    %sub3A_50 = vector.broadcast %div3A_32 : vector<1000x1xf32> to vector<1000x128xf32>
    %sub3A_51 = arith.subf %max3A_23, %sub3A_50 : vector<1000x128xf32>
    %add3A_52 = arith.constant 9.99999974E-6 : f32
    %add3A_53 = vector.broadcast %add3A_52 : f32 to vector<1000x1xf32>
    %add3A_54 = arith.addf %select_n3A, %add3A_53 : vector<1000x1xf32>
    %sqrt3A = math.sqrt %add3A_54 : vector<1000x1xf32>
    %div3A_55 = vector.broadcast %sqrt3A : vector<1000x1xf32> to vector<1000x128xf32>
    %div3A_56 = arith.divf %sub3A_51, %div3A_55 : vector<1000x128xf32>
    %mul3A_57 = vector.broadcast %get3A_26 : vector<1x128xf32> to vector<1000x128xf32>
    %mul3A_58 = arith.mulf %div3A_56, %mul3A_57 : vector<1000x128xf32>
    %add3A_59 = vector.broadcast %get3A_29 : vector<1x128xf32> to vector<1000x128xf32>
    %add3A_60 = arith.addf %mul3A_58, %add3A_59 : vector<1000x128xf32>
    %get3A_61 = arith.constant 0 : index
    %get3A_62 = arith.constant 0 : index
    %get3A_63 = vector.load %arg4[%get3A_61, %get3A_62] : memref<1000x128xf32, #tpu.memory_space<vmem>>, vector<1000x128xf32>
    %add3A_64 = arith.addf %add3A_60, %get3A_63 : vector<1000x128xf32>
    %swap3A = arith.constant 0 : index
    %swap3A_65 = arith.constant 0 : index
    %swap3A_66 = vector.load %arg9[%swap3A, %swap3A_65] : memref<1000x128xf32, #tpu.memory_space<vmem>>, vector<1000x128xf32>
    tpu.vector_store %arg9[%swap3A, %swap3A_65], %add3A_64 {strides = array<i32>} : memref<1000x128xf32, #tpu.memory_space<vmem>>, vector<1000x128xf32>,
    %get3A_67 = arith.constant 0 : index
    %get3A_68 = arith.constant 0 : index
    %get3A_69 = vector.load %arg8[%get3A_67, %get3A_68] : memref<128x128xf32, #tpu.memory_space<vmem>>, vector<128x128xf32>
    %dot_general3A = arith.constant dense<0.000000e+00> : vector<1000x128xf32>
    %dot_general3A_70 = tpu.matmul %add3A_64, %get3A_69, %dot_general3A {dimension_numbers = #tpu.dot_dimension_numbers<[1], [0], [0], [1], [0, 0, 1, 1], [], []>, transpose_lhs_hint = false} : vector<1000x128xf32>, vector<128x128xf32>, vector<1000x128xf32> -> vector<1000x128xf32>
    %mul3A_71 = vector.broadcast %get3A_1 : vector<1000x1xf32> to vector<1000x128xf32>
    %mul3A_72 = arith.mulf %dot_general3A_70, %mul3A_71 : vector<1000x128xf32>
    %swap3A_73 = arith.constant 0 : index
    %swap3A_74 = arith.constant 0 : index
    %swap3A_75 = vector.load %arg10[%swap3A_73, %swap3A_74] : memref<1000x128xf32, #tpu.memory_space<vmem>>, vector<1000x128xf32>
    tpu.vector_store %arg10[%swap3A_73, %swap3A_74], %mul3A_72 {strides = array<i32>} : memref<1000x128xf32, #tpu.memory_space<vmem>>, vector<1000x128xf32>,
    return
  }
  func.func @transform_0(%arg0: i32) -> (i32, i32, i32) {
    %c0_i32 = arith.constant 0 : i32
    %c0_i32_0 = arith.constant 0 : i32
    %c0_i32_1 = arith.constant 0 : i32
    return %c0_i32, %arg0, %c0_i32_0 : i32, i32, i32
  }
  func.func @transform_1(%arg0: i32) -> (i32, i32) {
    %c0_i32 = arith.constant 0 : i32
    %c0_i32_0 = arith.constant 0 : i32
    return %arg0, %c0_i32 : i32, i32
  }
  func.func @transform_2(%arg0: i32) -> (i32, i32) {
    %c0_i32 = arith.constant 0 : i32
    %c0_i32_0 = arith.constant 0 : i32
    return %arg0, %c0_i32 : i32, i32
  }
  func.func @transform_3(%arg0: i32) -> (i32, i32) {
    %c0_i32 = arith.constant 0 : i32
    %c0_i32_0 = arith.constant 0 : i32
    return %arg0, %c0_i32 : i32, i32
  }
  func.func @transform_4(%arg0: i32) -> (i32, i32) {
    %c0_i32 = arith.constant 0 : i32
    %c0_i32_0 = arith.constant 0 : i32
    %c0_i32_1 = arith.constant 0 : i32
    return %c0_i32, %c0_i32_0 : i32, i32
  }
  func.func @transform_5(%arg0: i32) -> (i32, i32) {
    %c0_i32 = arith.constant 0 : i32
    %c0_i32_0 = arith.constant 0 : i32
    %c0_i32_1 = arith.constant 0 : i32
    return %c0_i32, %c0_i32_0 : i32, i32
  }
  func.func @transform_6(%arg0: i32) -> (i32, i32) {
    %c0_i32 = arith.constant 0 : i32
    %c0_i32_0 = arith.constant 0 : i32
    %c0_i32_1 = arith.constant 0 : i32
    return %c0_i32, %c0_i32_0 : i32, i32
  }
  func.func @transform_7(%arg0: i32) -> (i32, i32) {
    %c0_i32 = arith.constant 0 : i32
    %c0_i32_0 = arith.constant 0 : i32
    %c0_i32_1 = arith.constant 0 : i32
    return %c0_i32, %c0_i32_0 : i32, i32
  }
  func.func @transform_8(%arg0: i32) -> (i32, i32) {
    %c0_i32 = arith.constant 0 : i32
    %c0_i32_0 = arith.constant 0 : i32
    return %arg0, %c0_i32 : i32, i32
  }
  func.func @transform_9(%arg0: i32) -> (i32, i32) {
    %c0_i32 = arith.constant 0 : i32
    %c0_i32_0 = arith.constant 0 : i32
    return %arg0, %c0_i32 : i32, i32
  }
}

module attributes {stable_mosaic.version = 14 : i64} {
  func.func @body(%arg0: i32, %arg1: memref<2x1000x128xf32, #tpu.memory_space<vmem>>, %arg2: memref<1000x128xf32, #tpu.memory_space<vmem>>, %arg3: memref<1000x1xf32, #tpu.memory_space<vmem>>, %arg4: memref<1000x128xf32, #tpu.memory_space<vmem>>, %arg5: memref<1x128xf32, #tpu.memory_space<vmem>>, %arg6: memref<1x128xf32, #tpu.memory_space<vmem>>, %arg7: memref<1x128xf32, #tpu.memory_space<vmem>>, %arg8: memref<1000x128xf32, #tpu.memory_space<vmem>>) attributes {dimension_semantics = [#tpu.dimension_semantics<arbitrary>], iteration_bounds = array<i64: 10>, scalar_prefetch = 0 : i64, scratch_operands = 0 : i64, tpu.core_type = #tpu.core_type<tc>, window_params = [{transform_indices = @transform_0, window_bounds = array<i64: 2, 1000, 128>}, {transform_indices = @transform_1, window_bounds = array<i64: 1000, 128>}, {transform_indices = @transform_2, window_bounds = array<i64: 1000, 1>}, {transform_indices = @transform_3, window_bounds = array<i64: 1000, 128>}, {pipeline_mode = #tpu.pipeline_mode<synchronous>, transform_indices = @transform_4, window_bounds = array<i64: 1, 128>}, {pipeline_mode = #tpu.pipeline_mode<synchronous>, transform_indices = @transform_5, window_bounds = array<i64: 1, 128>}, {pipeline_mode = #tpu.pipeline_mode<synchronous>, transform_indices = @transform_6, window_bounds = array<i64: 1, 128>}, {transform_indices = @transform_7, window_bounds = array<i64: 1000, 128>}]} {
    %get3A = arith.constant 0 : index
    %get3A_0 = arith.constant 0 : index
    %get3A_1 = vector.load %arg3[%get3A, %get3A_0] : memref<1000x1xf32, #tpu.memory_space<vmem>>, vector<1000x1xf32>
    %get3A_2 = arith.constant 0 : index
    %get3A_3 = arith.constant 0 : index
    %get3A_4 = arith.constant 0 : index
    %get3A_5 = vector.load %arg1[%get3A_2, %get3A_3, %get3A_4] : memref<2x1000x128xf32, #tpu.memory_space<vmem>>, vector<1x1000x128xf32>
    %get3A_6 = vector.shape_cast %get3A_5 : vector<1x1000x128xf32> to vector<1000x128xf32>
    %get3A_7 = arith.constant 1 : index
    %get3A_8 = arith.constant 0 : index
    %get3A_9 = arith.constant 0 : index
    %get3A_10 = vector.load %arg1[%get3A_7, %get3A_8, %get3A_9] : memref<2x1000x128xf32, #tpu.memory_space<vmem>>, vector<1x1000x128xf32>
    %get3A_11 = vector.shape_cast %get3A_10 : vector<1x1000x128xf32> to vector<1000x128xf32>
    %add3A = arith.addf %get3A_6, %get3A_11 : vector<1000x128xf32>
    %get3A_12 = arith.constant 0 : index
    %get3A_13 = arith.constant 0 : index
    %get3A_14 = vector.load %arg2[%get3A_12, %get3A_13] : memref<1000x128xf32, #tpu.memory_space<vmem>>, vector<1000x128xf32>
    %add3A_15 = arith.addf %add3A, %get3A_14 : vector<1000x128xf32>
    %mul3A = vector.broadcast %get3A_1 : vector<1000x1xf32> to vector<1000x128xf32>
    %mul3A_16 = arith.mulf %add3A_15, %mul3A : vector<1000x128xf32>
    %get3A_17 = arith.constant 0 : index
    %get3A_18 = arith.constant 0 : index
    %get3A_19 = vector.load %arg5[%get3A_17, %get3A_18] : memref<1x128xf32, #tpu.memory_space<vmem>>, vector<1x128xf32>
    %add3A_20 = vector.broadcast %get3A_19 : vector<1x128xf32> to vector<1000x128xf32>
    %add3A_21 = arith.addf %mul3A_16, %add3A_20 : vector<1000x128xf32>
    %max3A = arith.constant 0.000000e+00 : f32
    %max3A_22 = vector.broadcast %max3A : f32 to vector<1000x128xf32>
    %max3A_23 = arith.maximumf %add3A_21, %max3A_22 : vector<1000x128xf32>
    %get3A_24 = arith.constant 0 : index
    %get3A_25 = arith.constant 0 : index
    %get3A_26 = vector.load %arg6[%get3A_24, %get3A_25] : memref<1x128xf32, #tpu.memory_space<vmem>>, vector<1x128xf32>
    %get3A_27 = arith.constant 0 : index
    %get3A_28 = arith.constant 0 : index
    %get3A_29 = vector.load %arg7[%get3A_27, %get3A_28] : memref<1x128xf32, #tpu.memory_space<vmem>>, vector<1x128xf32>
    %reduce_sum3A = arith.constant dense<0.000000e+00> : vector<1000xf32>
    %reduce_sum3A_30 = vector.multi_reduction <add>, %max3A_23, %reduce_sum3A [1] : vector<1000x128xf32> to vector<1000xf32>
    %broadcast_in_dim3A = vector.shape_cast %reduce_sum3A_30 : vector<1000xf32> to vector<1000x1xf32>
    %div3A = arith.constant 1.280000e+02 : f32
    %div3A_31 = vector.broadcast %div3A : f32 to vector<1000x1xf32>
    %div3A_32 = arith.divf %broadcast_in_dim3A, %div3A_31 : vector<1000x1xf32>
    %jit3A = arith.constant 0 : i32
    %reduce_sum3A_33 = arith.constant dense<0.000000e+00> : vector<1000xf32>
    %reduce_sum3A_34 = vector.multi_reduction <add>, %max3A_23, %reduce_sum3A_33 [1] : vector<1000x128xf32> to vector<1000xf32>
    %broadcast_in_dim3A_35 = vector.shape_cast %reduce_sum3A_34 : vector<1000xf32> to vector<1000x1xf32>
    %div3A_36 = arith.constant 1.280000e+02 : f32
    %div3A_37 = vector.broadcast %div3A_36 : f32 to vector<1000x1xf32>
    %div3A_38 = arith.divf %broadcast_in_dim3A_35, %div3A_37 : vector<1000x1xf32>
    %sub3A = vector.broadcast %div3A_38 : vector<1000x1xf32> to vector<1000x128xf32>
    %sub3A_39 = arith.subf %max3A_23, %sub3A : vector<1000x128xf32>
    %square3A = arith.mulf %sub3A_39, %sub3A_39 : vector<1000x128xf32>
    %convert_element_type3A = arith.sitofp %jit3A : i32 to f32
    %sub3A_40 = arith.constant 1.280000e+02 : f32
    %sub3A_41 = arith.subf %sub3A_40, %convert_element_type3A : f32
    %reduce_sum3A_42 = arith.constant dense<0.000000e+00> : vector<1000xf32>
    %reduce_sum3A_43 = vector.multi_reduction <add>, %square3A, %reduce_sum3A_42 [1] : vector<1000x128xf32> to vector<1000xf32>
    %broadcast_in_dim3A_44 = vector.shape_cast %reduce_sum3A_43 : vector<1000xf32> to vector<1000x1xf32>
    %div3A_45 = vector.broadcast %sub3A_41 : f32 to vector<1000x1xf32>
    %div3A_46 = arith.divf %broadcast_in_dim3A_44, %div3A_45 : vector<1000x1xf32>
    %gt3A = arith.constant 0.000000e+00 : f32
    %gt3A_47 = arith.cmpf ogt, %sub3A_41, %gt3A : f32
    %jit3A_48 = arith.constant 0x7FC00000 : f32
    %broadcast_in_dim3A_49 = vector.broadcast %jit3A_48 : f32 to vector<1000x1xf32>
    %select_n3A = arith.select %gt3A_47, %div3A_46, %broadcast_in_dim3A_49 : vector<1000x1xf32>
    %sub3A_50 = vector.broadcast %div3A_32 : vector<1000x1xf32> to vector<1000x128xf32>
    %sub3A_51 = arith.subf %max3A_23, %sub3A_50 : vector<1000x128xf32>
    %add3A_52 = arith.constant 9.99999974E-6 : f32
    %add3A_53 = vector.broadcast %add3A_52 : f32 to vector<1000x1xf32>
    %add3A_54 = arith.addf %select_n3A, %add3A_53 : vector<1000x1xf32>
    %sqrt3A = math.sqrt %add3A_54 : vector<1000x1xf32>
    %div3A_55 = vector.broadcast %sqrt3A : vector<1000x1xf32> to vector<1000x128xf32>
    %div3A_56 = arith.divf %sub3A_51, %div3A_55 : vector<1000x128xf32>
    %mul3A_57 = vector.broadcast %get3A_26 : vector<1x128xf32> to vector<1000x128xf32>
    %mul3A_58 = arith.mulf %div3A_56, %mul3A_57 : vector<1000x128xf32>
    %add3A_59 = vector.broadcast %get3A_29 : vector<1x128xf32> to vector<1000x128xf32>
    %add3A_60 = arith.addf %mul3A_58, %add3A_59 : vector<1000x128xf32>
    %get3A_61 = arith.constant 0 : index
    %get3A_62 = arith.constant 0 : index
    %get3A_63 = vector.load %arg4[%get3A_61, %get3A_62] : memref<1000x128xf32, #tpu.memory_space<vmem>>, vector<1000x128xf32>
    %add3A_64 = arith.addf %add3A_60, %get3A_63 : vector<1000x128xf32>
    %swap3A = arith.constant 0 : index
    %swap3A_65 = arith.constant 0 : index
    %swap3A_66 = vector.load %arg8[%swap3A, %swap3A_65] : memref<1000x128xf32, #tpu.memory_space<vmem>>, vector<1000x128xf32>
    tpu.vector_store %arg8[%swap3A, %swap3A_65], %add3A_64 {strides = array<i32>} : memref<1000x128xf32, #tpu.memory_space<vmem>>, vector<1000x128xf32>,
    return
  }
  func.func @transform_0(%arg0: i32) -> (i32, i32, i32) {
    %c0_i32 = arith.constant 0 : i32
    %c0_i32_0 = arith.constant 0 : i32
    %c0_i32_1 = arith.constant 0 : i32
    return %c0_i32, %arg0, %c0_i32_0 : i32, i32, i32
  }
  func.func @transform_1(%arg0: i32) -> (i32, i32) {
    %c0_i32 = arith.constant 0 : i32
    %c0_i32_0 = arith.constant 0 : i32
    return %arg0, %c0_i32 : i32, i32
  }
  func.func @transform_2(%arg0: i32) -> (i32, i32) {
    %c0_i32 = arith.constant 0 : i32
    %c0_i32_0 = arith.constant 0 : i32
    return %arg0, %c0_i32 : i32, i32
  }
  func.func @transform_3(%arg0: i32) -> (i32, i32) {
    %c0_i32 = arith.constant 0 : i32
    %c0_i32_0 = arith.constant 0 : i32
    return %arg0, %c0_i32 : i32, i32
  }
  func.func @transform_4(%arg0: i32) -> (i32, i32) {
    %c0_i32 = arith.constant 0 : i32
    %c0_i32_0 = arith.constant 0 : i32
    %c0_i32_1 = arith.constant 0 : i32
    return %c0_i32, %c0_i32_0 : i32, i32
  }
  func.func @transform_5(%arg0: i32) -> (i32, i32) {
    %c0_i32 = arith.constant 0 : i32
    %c0_i32_0 = arith.constant 0 : i32
    %c0_i32_1 = arith.constant 0 : i32
    return %c0_i32, %c0_i32_0 : i32, i32
  }
  func.func @transform_6(%arg0: i32) -> (i32, i32) {
    %c0_i32 = arith.constant 0 : i32
    %c0_i32_0 = arith.constant 0 : i32
    %c0_i32_1 = arith.constant 0 : i32
    return %c0_i32, %c0_i32_0 : i32, i32
  }
  func.func @transform_7(%arg0: i32) -> (i32, i32) {
    %c0_i32 = arith.constant 0 : i32
    %c0_i32_0 = arith.constant 0 : i32
    return %arg0, %c0_i32 : i32, i32
  }
}

module attributes {stable_mosaic.version = 14 : i64} {
  func.func @body(%arg0: i32, %arg1: memref<2x2000x128xf32, #tpu.memory_space<vmem>>, %arg2: memref<128x256xf32, #tpu.memory_space<vmem>>, %arg3: memref<128x256xf32, #tpu.memory_space<vmem>>, %arg4: memref<1x256xf32, #tpu.memory_space<vmem>>, %arg5: memref<1x256xf32, #tpu.memory_space<vmem>>, %arg6: memref<1x256xf32, #tpu.memory_space<vmem>>, %arg7: memref<256x128xf32, #tpu.memory_space<vmem>>, %arg8: memref<1x128xf32, #tpu.memory_space<vmem>>, %arg9: memref<1x128xf32, #tpu.memory_space<vmem>>, %arg10: memref<1x128xf32, #tpu.memory_space<vmem>>, %arg11: memref<128x1xf32, #tpu.memory_space<vmem>>, %arg12: memref<1x1xf32, #tpu.memory_space<vmem>>, %arg13: memref<2000x1xf32, #tpu.memory_space<vmem>>) attributes {dimension_semantics = [#tpu.dimension_semantics<arbitrary>], iteration_bounds = array<i64: 160>, scalar_prefetch = 0 : i64, scratch_operands = 0 : i64, tpu.core_type = #tpu.core_type<tc>, window_params = [{transform_indices = @transform_0, window_bounds = array<i64: 2, 2000, 128>}, {pipeline_mode = #tpu.pipeline_mode<synchronous>, transform_indices = @transform_1, window_bounds = array<i64: 128, 256>}, {pipeline_mode = #tpu.pipeline_mode<synchronous>, transform_indices = @transform_2, window_bounds = array<i64: 128, 256>}, {pipeline_mode = #tpu.pipeline_mode<synchronous>, transform_indices = @transform_3, window_bounds = array<i64: 1, 256>}, {pipeline_mode = #tpu.pipeline_mode<synchronous>, transform_indices = @transform_4, window_bounds = array<i64: 1, 256>}, {pipeline_mode = #tpu.pipeline_mode<synchronous>, transform_indices = @transform_5, window_bounds = array<i64: 1, 256>}, {pipeline_mode = #tpu.pipeline_mode<synchronous>, transform_indices = @transform_6, window_bounds = array<i64: 256, 128>}, {pipeline_mode = #tpu.pipeline_mode<synchronous>, transform_indices = @transform_7, window_bounds = array<i64: 1, 128>}, {pipeline_mode = #tpu.pipeline_mode<synchronous>, transform_indices = @transform_8, window_bounds = array<i64: 1, 128>}, {pipeline_mode = #tpu.pipeline_mode<synchronous>, transform_indices = @transform_9, window_bounds = array<i64: 1, 128>}, {pipeline_mode = #tpu.pipeline_mode<synchronous>, transform_indices = @transform_10, window_bounds = array<i64: 128, 1>}, {pipeline_mode = #tpu.pipeline_mode<synchronous>, transform_indices = @transform_11, window_bounds = array<i64: 1, 1>}, {transform_indices = @transform_12, window_bounds = array<i64: 2000, 1>}]} {
    %get3A = arith.constant 0 : index
    %get3A_0 = arith.constant 0 : index
    %get3A_1 = arith.constant 0 : index
    %get3A_2 = vector.load %arg1[%get3A, %get3A_0, %get3A_1] : memref<2x2000x128xf32, #tpu.memory_space<vmem>>, vector<1x2000x128xf32>
    %get3A_3 = vector.shape_cast %get3A_2 : vector<1x2000x128xf32> to vector<2000x128xf32>
    %convert_element_type3A = arith.truncf %get3A_3 : vector<2000x128xf32> to vector<2000x128xbf16>
    %get3A_4 = arith.constant 0 : index
    %get3A_5 = arith.constant 0 : index
    %get3A_6 = vector.load %arg2[%get3A_4, %get3A_5] : memref<128x256xf32, #tpu.memory_space<vmem>>, vector<128x256xf32>
    %convert_element_type3A_7 = arith.truncf %get3A_6 : vector<128x256xf32> to vector<128x256xbf16>
    %dot_general3A = arith.constant dense<0.000000e+00> : vector<2000x256xf32>
    %dot_general3A_8 = tpu.matmul %convert_element_type3A, %convert_element_type3A_7, %dot_general3A {dimension_numbers = #tpu.dot_dimension_numbers<[1], [0], [0], [1], [0, 0, 1, 1], [], []>, transpose_lhs_hint = false} : vector<2000x128xbf16>, vector<128x256xbf16>, vector<2000x256xf32> -> vector<2000x256xf32>
    %get3A_9 = arith.constant 1 : index
    %get3A_10 = arith.constant 0 : index
    %get3A_11 = arith.constant 0 : index
    %get3A_12 = vector.load %arg1[%get3A_9, %get3A_10, %get3A_11] : memref<2x2000x128xf32, #tpu.memory_space<vmem>>, vector<1x2000x128xf32>
    %get3A_13 = vector.shape_cast %get3A_12 : vector<1x2000x128xf32> to vector<2000x128xf32>
    %convert_element_type3A_14 = arith.truncf %get3A_13 : vector<2000x128xf32> to vector<2000x128xbf16>
    %get3A_15 = arith.constant 0 : index
    %get3A_16 = arith.constant 0 : index
    %get3A_17 = vector.load %arg3[%get3A_15, %get3A_16] : memref<128x256xf32, #tpu.memory_space<vmem>>, vector<128x256xf32>
    %convert_element_type3A_18 = arith.truncf %get3A_17 : vector<128x256xf32> to vector<128x256xbf16>
    %dot_general3A_19 = arith.constant dense<0.000000e+00> : vector<2000x256xf32>
    %dot_general3A_20 = tpu.matmul %convert_element_type3A_14, %convert_element_type3A_18, %dot_general3A_19 {dimension_numbers = #tpu.dot_dimension_numbers<[1], [0], [0], [1], [0, 0, 1, 1], [], []>, transpose_lhs_hint = false} : vector<2000x128xbf16>, vector<128x256xbf16>, vector<2000x256xf32> -> vector<2000x256xf32>
    %add3A = arith.addf %dot_general3A_8, %dot_general3A_20 : vector<2000x256xf32>
    %get3A_21 = arith.constant 0 : index
    %get3A_22 = arith.constant 0 : index
    %get3A_23 = vector.load %arg4[%get3A_21, %get3A_22] : memref<1x256xf32, #tpu.memory_space<vmem>>, vector<1x256xf32>
    %add3A_24 = vector.broadcast %get3A_23 : vector<1x256xf32> to vector<2000x256xf32>
    %add3A_25 = arith.addf %add3A, %add3A_24 : vector<2000x256xf32>
    %get3A_26 = arith.constant 0 : index
    %get3A_27 = arith.constant 0 : index
    %get3A_28 = vector.load %arg5[%get3A_26, %get3A_27] : memref<1x256xf32, #tpu.memory_space<vmem>>, vector<1x256xf32>
    %get3A_29 = arith.constant 0 : index
    %get3A_30 = arith.constant 0 : index
    %get3A_31 = vector.load %arg6[%get3A_29, %get3A_30] : memref<1x256xf32, #tpu.memory_space<vmem>>, vector<1x256xf32>
    %reduce_sum3A = arith.constant dense<0.000000e+00> : vector<2000xf32>
    %reduce_sum3A_32 = vector.multi_reduction <add>, %add3A_25, %reduce_sum3A [1] : vector<2000x256xf32> to vector<2000xf32>
    %broadcast_in_dim3A = vector.shape_cast %reduce_sum3A_32 : vector<2000xf32> to vector<2000x1xf32>
    %div3A = arith.constant 2.560000e+02 : f32
    %div3A_33 = vector.broadcast %div3A : f32 to vector<2000x1xf32>
    %div3A_34 = arith.divf %broadcast_in_dim3A, %div3A_33 : vector<2000x1xf32>
    %jit3A = arith.constant 0 : i32
    %reduce_sum3A_35 = arith.constant dense<0.000000e+00> : vector<2000xf32>
    %reduce_sum3A_36 = vector.multi_reduction <add>, %add3A_25, %reduce_sum3A_35 [1] : vector<2000x256xf32> to vector<2000xf32>
    %broadcast_in_dim3A_37 = vector.shape_cast %reduce_sum3A_36 : vector<2000xf32> to vector<2000x1xf32>
    %div3A_38 = arith.constant 2.560000e+02 : f32
    %div3A_39 = vector.broadcast %div3A_38 : f32 to vector<2000x1xf32>
    %div3A_40 = arith.divf %broadcast_in_dim3A_37, %div3A_39 : vector<2000x1xf32>
    %sub3A = vector.broadcast %div3A_40 : vector<2000x1xf32> to vector<2000x256xf32>
    %sub3A_41 = arith.subf %add3A_25, %sub3A : vector<2000x256xf32>
    %square3A = arith.mulf %sub3A_41, %sub3A_41 : vector<2000x256xf32>
    %convert_element_type3A_42 = arith.sitofp %jit3A : i32 to f32
    %sub3A_43 = arith.constant 2.560000e+02 : f32
    %sub3A_44 = arith.subf %sub3A_43, %convert_element_type3A_42 : f32
    %reduce_sum3A_45 = arith.constant dense<0.000000e+00> : vector<2000xf32>
    %reduce_sum3A_46 = vector.multi_reduction <add>, %square3A, %reduce_sum3A_45 [1] : vector<2000x256xf32> to vector<2000xf32>
    %broadcast_in_dim3A_47 = vector.shape_cast %reduce_sum3A_46 : vector<2000xf32> to vector<2000x1xf32>
    %div3A_48 = vector.broadcast %sub3A_44 : f32 to vector<2000x1xf32>
    %div3A_49 = arith.divf %broadcast_in_dim3A_47, %div3A_48 : vector<2000x1xf32>
    %gt3A = arith.constant 0.000000e+00 : f32
    %gt3A_50 = arith.cmpf ogt, %sub3A_44, %gt3A : f32
    %jit3A_51 = arith.constant 0x7FC00000 : f32
    %broadcast_in_dim3A_52 = vector.broadcast %jit3A_51 : f32 to vector<2000x1xf32>
    %select_n3A = arith.select %gt3A_50, %div3A_49, %broadcast_in_dim3A_52 : vector<2000x1xf32>
    %sub3A_53 = vector.broadcast %div3A_34 : vector<2000x1xf32> to vector<2000x256xf32>
    %sub3A_54 = arith.subf %add3A_25, %sub3A_53 : vector<2000x256xf32>
    %add3A_55 = arith.constant 9.99999974E-6 : f32
    %add3A_56 = vector.broadcast %add3A_55 : f32 to vector<2000x1xf32>
    %add3A_57 = arith.addf %select_n3A, %add3A_56 : vector<2000x1xf32>
    %sqrt3A = math.sqrt %add3A_57 : vector<2000x1xf32>
    %div3A_58 = vector.broadcast %sqrt3A : vector<2000x1xf32> to vector<2000x256xf32>
    %div3A_59 = arith.divf %sub3A_54, %div3A_58 : vector<2000x256xf32>
    %mul3A = vector.broadcast %get3A_28 : vector<1x256xf32> to vector<2000x256xf32>
    %mul3A_60 = arith.mulf %div3A_59, %mul3A : vector<2000x256xf32>
    %add3A_61 = vector.broadcast %get3A_31 : vector<1x256xf32> to vector<2000x256xf32>
    %add3A_62 = arith.addf %mul3A_60, %add3A_61 : vector<2000x256xf32>
    %max3A = arith.constant 0.000000e+00 : f32
    %max3A_63 = vector.broadcast %max3A : f32 to vector<2000x256xf32>
    %max3A_64 = arith.maximumf %add3A_62, %max3A_63 : vector<2000x256xf32>
    %convert_element_type3A_65 = arith.truncf %max3A_64 : vector<2000x256xf32> to vector<2000x256xbf16>
    %get3A_66 = arith.constant 0 : index
    %get3A_67 = arith.constant 0 : index
    %get3A_68 = vector.load %arg7[%get3A_66, %get3A_67] : memref<256x128xf32, #tpu.memory_space<vmem>>, vector<256x128xf32>
    %convert_element_type3A_69 = arith.truncf %get3A_68 : vector<256x128xf32> to vector<256x128xbf16>
    %dot_general3A_70 = arith.constant dense<0.000000e+00> : vector<2000x128xf32>
    %dot_general3A_71 = tpu.matmul %convert_element_type3A_65, %convert_element_type3A_69, %dot_general3A_70 {dimension_numbers = #tpu.dot_dimension_numbers<[1], [0], [0], [1], [0, 0, 1, 1], [], []>, transpose_lhs_hint = false} : vector<2000x256xbf16>, vector<256x128xbf16>, vector<2000x128xf32> -> vector<2000x128xf32>
    %get3A_72 = arith.constant 0 : index
    %get3A_73 = arith.constant 0 : index
    %get3A_74 = vector.load %arg8[%get3A_72, %get3A_73] : memref<1x128xf32, #tpu.memory_space<vmem>>, vector<1x128xf32>
    %add3A_75 = vector.broadcast %get3A_74 : vector<1x128xf32> to vector<2000x128xf32>
    %add3A_76 = arith.addf %dot_general3A_71, %add3A_75 : vector<2000x128xf32>
    %get3A_77 = arith.constant 0 : index
    %get3A_78 = arith.constant 0 : index
    %get3A_79 = vector.load %arg9[%get3A_77, %get3A_78] : memref<1x128xf32, #tpu.memory_space<vmem>>, vector<1x128xf32>
    %get3A_80 = arith.constant 0 : index
    %get3A_81 = arith.constant 0 : index
    %get3A_82 = vector.load %arg10[%get3A_80, %get3A_81] : memref<1x128xf32, #tpu.memory_space<vmem>>, vector<1x128xf32>
    %reduce_sum3A_83 = arith.constant dense<0.000000e+00> : vector<2000xf32>
    %reduce_sum3A_84 = vector.multi_reduction <add>, %add3A_76, %reduce_sum3A_83 [1] : vector<2000x128xf32> to vector<2000xf32>
    %broadcast_in_dim3A_85 = vector.shape_cast %reduce_sum3A_84 : vector<2000xf32> to vector<2000x1xf32>
    %div3A_86 = arith.constant 1.280000e+02 : f32
    %div3A_87 = vector.broadcast %div3A_86 : f32 to vector<2000x1xf32>
    %div3A_88 = arith.divf %broadcast_in_dim3A_85, %div3A_87 : vector<2000x1xf32>
    %jit3A_89 = arith.constant 0 : i32
    %reduce_sum3A_90 = arith.constant dense<0.000000e+00> : vector<2000xf32>
    %reduce_sum3A_91 = vector.multi_reduction <add>, %add3A_76, %reduce_sum3A_90 [1] : vector<2000x128xf32> to vector<2000xf32>
    %broadcast_in_dim3A_92 = vector.shape_cast %reduce_sum3A_91 : vector<2000xf32> to vector<2000x1xf32>
    %div3A_93 = arith.constant 1.280000e+02 : f32
    %div3A_94 = vector.broadcast %div3A_93 : f32 to vector<2000x1xf32>
    %div3A_95 = arith.divf %broadcast_in_dim3A_92, %div3A_94 : vector<2000x1xf32>
    %sub3A_96 = vector.broadcast %div3A_95 : vector<2000x1xf32> to vector<2000x128xf32>
    %sub3A_97 = arith.subf %add3A_76, %sub3A_96 : vector<2000x128xf32>
    %square3A_98 = arith.mulf %sub3A_97, %sub3A_97 : vector<2000x128xf32>
    %convert_element_type3A_99 = arith.sitofp %jit3A_89 : i32 to f32
    %sub3A_100 = arith.constant 1.280000e+02 : f32
    %sub3A_101 = arith.subf %sub3A_100, %convert_element_type3A_99 : f32
    %reduce_sum3A_102 = arith.constant dense<0.000000e+00> : vector<2000xf32>
    %reduce_sum3A_103 = vector.multi_reduction <add>, %square3A_98, %reduce_sum3A_102 [1] : vector<2000x128xf32> to vector<2000xf32>
    %broadcast_in_dim3A_104 = vector.shape_cast %reduce_sum3A_103 : vector<2000xf32> to vector<2000x1xf32>
    %div3A_105 = vector.broadcast %sub3A_101 : f32 to vector<2000x1xf32>
    %div3A_106 = arith.divf %broadcast_in_dim3A_104, %div3A_105 : vector<2000x1xf32>
    %gt3A_107 = arith.constant 0.000000e+00 : f32
    %gt3A_108 = arith.cmpf ogt, %sub3A_101, %gt3A_107 : f32
    %jit3A_109 = arith.constant 0x7FC00000 : f32
    %broadcast_in_dim3A_110 = vector.broadcast %jit3A_109 : f32 to vector<2000x1xf32>
    %select_n3A_111 = arith.select %gt3A_108, %div3A_106, %broadcast_in_dim3A_110 : vector<2000x1xf32>
    %sub3A_112 = vector.broadcast %div3A_88 : vector<2000x1xf32> to vector<2000x128xf32>
    %sub3A_113 = arith.subf %add3A_76, %sub3A_112 : vector<2000x128xf32>
    %add3A_114 = arith.constant 9.99999974E-6 : f32
    %add3A_115 = vector.broadcast %add3A_114 : f32 to vector<2000x1xf32>
    %add3A_116 = arith.addf %select_n3A_111, %add3A_115 : vector<2000x1xf32>
    %sqrt3A_117 = math.sqrt %add3A_116 : vector<2000x1xf32>
    %div3A_118 = vector.broadcast %sqrt3A_117 : vector<2000x1xf32> to vector<2000x128xf32>
    %div3A_119 = arith.divf %sub3A_113, %div3A_118 : vector<2000x128xf32>
    %mul3A_120 = vector.broadcast %get3A_79 : vector<1x128xf32> to vector<2000x128xf32>
    %mul3A_121 = arith.mulf %div3A_119, %mul3A_120 : vector<2000x128xf32>
    %add3A_122 = vector.broadcast %get3A_82 : vector<1x128xf32> to vector<2000x128xf32>
    %add3A_123 = arith.addf %mul3A_121, %add3A_122 : vector<2000x128xf32>
    %max3A_124 = arith.constant 0.000000e+00 : f32
    %max3A_125 = vector.broadcast %max3A_124 : f32 to vector<2000x128xf32>
    %max3A_126 = arith.maximumf %add3A_123, %max3A_125 : vector<2000x128xf32>
    %get3A_127 = arith.constant 0 : index
    %get3A_128 = arith.constant 0 : index
    %get3A_129 = vector.load %arg11[%get3A_127, %get3A_128] : memref<128x1xf32, #tpu.memory_space<vmem>>, vector<128x1xf32>
    %dot_general3A_130 = arith.constant dense<0.000000e+00> : vector<2000x1xf32>
    %dot_general3A_131 = tpu.matmul %max3A_126, %get3A_129, %dot_general3A_130 {dimension_numbers = #tpu.dot_dimension_numbers<[1], [0], [0], [1], [0, 0, 1, 1], [], []>, transpose_lhs_hint = false} : vector<2000x128xf32>, vector<128x1xf32>, vector<2000x1xf32> -> vector<2000x1xf32>
    %get3A_132 = arith.constant 0 : index
    %get3A_133 = arith.constant 0 : index
    %get3A_134 = vector.load %arg12[%get3A_132, %get3A_133] : memref<1x1xf32, #tpu.memory_space<vmem>>, vector<1x1xf32>
    %add3A_135 = vector.broadcast %get3A_134 : vector<1x1xf32> to vector<2000x1xf32>
    %add3A_136 = arith.addf %dot_general3A_131, %add3A_135 : vector<2000x1xf32>
    %swap3A = arith.constant 0 : index
    %swap3A_137 = arith.constant 0 : index
    %swap3A_138 = vector.load %arg13[%swap3A, %swap3A_137] : memref<2000x1xf32, #tpu.memory_space<vmem>>, vector<2000x1xf32>
    tpu.vector_store %arg13[%swap3A, %swap3A_137], %add3A_136 {strides = array<i32>} : memref<2000x1xf32, #tpu.memory_space<vmem>>, vector<2000x1xf32>,
    return
  }
  func.func @transform_0(%arg0: i32) -> (i32, i32, i32) {
    %c0_i32 = arith.constant 0 : i32
    %c0_i32_0 = arith.constant 0 : i32
    %c0_i32_1 = arith.constant 0 : i32
    return %c0_i32, %arg0, %c0_i32_0 : i32, i32, i32
  }
  func.func @transform_1(%arg0: i32) -> (i32, i32) {
    %c0_i32 = arith.constant 0 : i32
    %c0_i32_0 = arith.constant 0 : i32
    %c0_i32_1 = arith.constant 0 : i32
    return %c0_i32, %c0_i32_0 : i32, i32
  }
  func.func @transform_2(%arg0: i32) -> (i32, i32) {
    %c0_i32 = arith.constant 0 : i32
    %c0_i32_0 = arith.constant 0 : i32
    %c0_i32_1 = arith.constant 0 : i32
    return %c0_i32, %c0_i32_0 : i32, i32
  }
  func.func @transform_3(%arg0: i32) -> (i32, i32) {
    %c0_i32 = arith.constant 0 : i32
    %c0_i32_0 = arith.constant 0 : i32
    %c0_i32_1 = arith.constant 0 : i32
    return %c0_i32, %c0_i32_0 : i32, i32
  }
  func.func @transform_4(%arg0: i32) -> (i32, i32) {
    %c0_i32 = arith.constant 0 : i32
    %c0_i32_0 = arith.constant 0 : i32
    %c0_i32_1 = arith.constant 0 : i32
    return %c0_i32, %c0_i32_0 : i32, i32
  }
  func.func @transform_5(%arg0: i32) -> (i32, i32) {
    %c0_i32 = arith.constant 0 : i32
    %c0_i32_0 = arith.constant 0 : i32
    %c0_i32_1 = arith.constant 0 : i32
    return %c0_i32, %c0_i32_0 : i32, i32
  }
  func.func @transform_6(%arg0: i32) -> (i32, i32) {
    %c0_i32 = arith.constant 0 : i32
    %c0_i32_0 = arith.constant 0 : i32
    %c0_i32_1 = arith.constant 0 : i32
    return %c0_i32, %c0_i32_0 : i32, i32
  }
  func.func @transform_7(%arg0: i32) -> (i32, i32) {
    %c0_i32 = arith.constant 0 : i32
    %c0_i32_0 = arith.constant 0 : i32
    %c0_i32_1 = arith.constant 0 : i32
    return %c0_i32, %c0_i32_0 : i32, i32
  }
  func.func @transform_8(%arg0: i32) -> (i32, i32) {
    %c0_i32 = arith.constant 0 : i32
    %c0_i32_0 = arith.constant 0 : i32
    %c0_i32_1 = arith.constant 0 : i32
    return %c0_i32, %c0_i32_0 : i32, i32
  }
  func.func @transform_9(%arg0: i32) -> (i32, i32) {
    %c0_i32 = arith.constant 0 : i32
    %c0_i32_0 = arith.constant 0 : i32
    %c0_i32_1 = arith.constant 0 : i32
    return %c0_i32, %c0_i32_0 : i32, i32
  }
  func.func @transform_10(%arg0: i32) -> (i32, i32) {
    %c0_i32 = arith.constant 0 : i32
    %c0_i32_0 = arith.constant 0 : i32
    %c0_i32_1 = arith.constant 0 : i32
    return %c0_i32, %c0_i32_0 : i32, i32
  }
  func.func @transform_11(%arg0: i32) -> (i32, i32) {
    %c0_i32 = arith.constant 0 : i32
    %c0_i32_0 = arith.constant 0 : i32
    %c0_i32_1 = arith.constant 0 : i32
    return %c0_i32, %c0_i32_0 : i32, i32
  }
  func.func @transform_12(%arg0: i32) -> (i32, i32) {
    %c0_i32 = arith.constant 0 : i32
    %c0_i32_0 = arith.constant 0 : i32
    return %arg0, %c0_i32 : i32, i32
  }
}

</mosaic_0001>

<sc_bundles>
// kernel: kernel.14.cloned.1.call-start
scs
__scs_entry_jumppad:
0x0: {  	(pc) =	sbr.rel $0x88, $3  }
0x1: {  	(tag) =	ssettag $0x0;
	lr =	simm.s32 $0x1  }
0x2: {  	[smem:$0x3F85] =	sst lr;
	_ =	strace $0xD0000000  }
0x3: {  	_ = 	snop  }
0x4: {  	_ = 	snop  }
0x5: {  	_ = 	snop  }
0x6: {  	_ = 	snop  }
0x7: {  	_ = 	snop  }
__scs_overlays_trampoline_lowered:
0x8: {  	[smem:$0x3F94] =	sst s0  }
0x9: {  	[smem:$0x3F95] =	sst s1  }
0xa: {  	[smem:$0x3F96] =	sst s2  }
0xb: {  	[smem:$0x3F97] =	sst s3  }
0xc: {  	[smem:$0x3F98] =	sst s4  }
0xd: {  	[smem:$0x3F99] =	sst s5  }
0xe: {  	[smem:$0x3F9A] =	sst s6  }
0xf: {  	[smem:$0x3F9B] =	sst s7  }
0x10: {  	[smem:$0x3F9C] =	sst s8  }
0x11: {  	[smem:$0x3F9D] =	sst s9;
	s0 =	simm.s32 @!p0 $0x0  }
0x12: {  	s1 =	sld [smem:$0x3F83];
	s0 =	simm.s32 @p0 $0x1  }
0x13: {  	[smem:$0x3F9E] =	sst s0;
	s0 =	simm.s32 @!p1 $0x0  }
0x14: {  	s2 =	sld [smem:$0x3F82];
	s0 =	simm.s32 @p1 $0x1  }
0x15: {  	[smem:$0x3F9F] =	sst s0;
	s0 =	simm.s32 @!p2 $0x0  }
0x16: {  	s3 =	sld [smem:$0x3FDB];
	s0 =	simm.s32 @p2 $0x1  }
0x17: {  	s4 =	simm.s32 $0x1BF5;
	[smem:$0x3FA1] =	sst s0  }
0x18: {  	s0 =	sld [smem:$0x3F84];
	_ =	swait.ge [sflag:s4], $0x0  }
0x19: {  	s7 =	sld [smem:$0x3F85]  }
0x1a: {  	s8 =	sadd.s32 $0xFFFFE003, lr  }
0x1b: {  	s9 =	sadd.s32 $0xFFFFFEF7, lr;
	s5 =	simm.s32 $0xFFFFFFFF;
	p2 =	slt.u32 s8, $0xFFFFF086  }
0x1c: {  	p1 =	slt.u32 s9, $0xF7A;
	s5 =	simm.s32 @!p2 $0x0  }
0x1d: {  	s5 =	simm.s32 @p1 $0x1;
	p0 =	seq.s32 s7, s2  }
0x1e: {  	s7 =	smul.u32 @!p0 $0xF7A, s2;
	p2 =	seq.s32 @!p0 s5, $0x0  }
0x1f: {  	s9 =	smul.u32 $0xF7A, s1;
	s8 =	simm.s32 @!p0 $0x1BF5;
	p2 =	por !p2, p0  }
0x20: {  	[sflag:s8] =	ssyncset.s32 @!p0 $0xFFFFF086;
	s6 =	sadd.s32 @!p0 s3, s7;
	s7 =	simm.s32 @!p0 $0x108  }
0x21: {  	s3 =	sadd.s32 s3, s9;
	s6 =	sadd.s32 @!p0 $0x88, s6;
	s7 =	simm.s32 @p2 $0x1082  }
0x22: {  	[simem:s7], [sflag:s8] =	dma.local @!p0 [hbm:s6], $0xF7A  }
0x23: {  	s9 =	sor.u32 $0xD0000000, s2;
	s6 =	simm.s32 $0x108;
	_ =	swait.ge @!p0 [sflag:s8], $0x0  }
0x24: {  	s3 =	sadd.s32 $0x88, s3;
	s6 =	simm.s32 @!p1 $0x1082;
	[sflag:s4] =	ssyncset.s32 $0xFFFFF086  }
0x25: {  	[simem:s6], [sflag:s4] =	dma.local [hbm:s3], $0xF7A  }
0x26: {  	[smem:$0x3F85] =	sst s1;
	(tag) =	ssettag s2;
	_ =	strace s9  }
0x27: {  	s1 =	sld [smem:$0x3F95]  }
0x28: {  	s2 =	sld [smem:$0x3F96]  }
0x29: {  	s4 =	sld [smem:$0x3F98]  }
0x2a: {  	p0 =	seq.s32 s5, $0x0;
	s5 =	sld [smem:$0x3F99]  }
0x2b: {  	s6 =	sld [smem:$0x3F9A]  }
0x2c: {  	s7 =	sld [smem:$0x3F9B]  }
0x2d: {  	s3 =	simm.s32 $0x108;
	s8 =	sld [smem:$0x3F9C]  }
0x2e: {  	s3 =	simm.s32 @!p0 $0x1082;
	s9 =	sld [smem:$0x3F9D]  }
0x2f: {  	lr =	sadd.s32 s0, s3;
	s0 =	sld [smem:$0x3F94]  }
0x30: {  	s3 =	sld [smem:$0x3F97]  }
0x31: {  	[smem:$0x3FA0] =	sst s10  }
0x32: {  	s10 =	sld [smem:$0x3F9E];
	_ =	sdelay $0x3  }
0x33: {  	p0 =	seq.s32 s10, $0x1;
	s10 =	sld [smem:$0x3FA0];
	_ =	sdelay $0x3  }
0x34: {  	[smem:$0x3FA0] =	sst s10  }
0x35: {  	s10 =	sld [smem:$0x3F9F];
	_ =	sdelay $0x3  }
0x36: {  	p1 =	seq.s32 s10, $0x1;
	s10 =	sld [smem:$0x3FA0];
	_ =	sdelay $0x3  }
0x37: {  	[smem:$0x3FA0] =	sst s10  }
0x38: {  	s10 =	sld [smem:$0x3FA1]  }
0x39: {  	_ = 	snop;
	(pc) =	sbr.ind lr, $3  }
0x3a: {  	_ = 	snop  }
0x3b: {  	_ = 	snop  }
0x3c: {  	p2 =	seq.s32 s10, $0x1;
	s10 =	sld [smem:$0x3FA0]  }
0x3d: {  	_ =	shalt  }
0x3e: {  	_ =	shalt  }
0x3f: {  	_ =	shalt  }
0x40: {  	_ =	shalt  }
0x41: {  	_ =	shalt  }
0x42: {  	_ =	shalt  }
0x43: {  	_ =	shalt  }
0x44: {  	_ =	shalt  }
0x45: {  	_ =	shalt  }
0x46: {  	_ =	shalt  }
0x47: {  	_ =	shalt  }
0x48: {  	_ =	shalt  }
0x49: {  	_ =	shalt  }
0x4a: {  	_ =	shalt  }
0x4b: {  	_ =	shalt  }
0x4c: {  	_ =	shalt  }
0x4d: {  	_ =	shalt  }
0x4e: {  	_ =	shalt  }
0x4f: {  	_ =	shalt  }
0x50: {  	_ =	shalt  }
0x51: {  	_ =	shalt  }
0x52: {  	_ =	shalt  }
0x53: {  	_ =	shalt  }
0x54: {  	_ =	shalt  }
0x55: {  	_ =	shalt  }
0x56: {  	_ =	shalt  }
0x57: {  	_ =	shalt  }
0x58: {  	_ =	shalt  }
0x59: {  	_ =	shalt  }
0x5a: {  	_ =	shalt  }
0x5b: {  	_ =	shalt  }
0x5c: {  	_ =	shalt  }
0x5d: {  	_ =	shalt  }
0x5e: {  	_ =	shalt  }
0x5f: {  	_ =	shalt  }
0x60: {  	_ =	shalt  }
0x61: {  	_ =	shalt  }
0x62: {  	_ =	shalt  }
0x63: {  	_ =	shalt  }
0x64: {  	_ =	shalt  }
0x65: {  	_ =	shalt  }
0x66: {  	_ =	shalt  }
0x67: {  	_ =	shalt  }
0x68: {  	_ =	shalt  }
0x69: {  	_ =	shalt  }
0x6a: {  	_ =	shalt  }
0x6b: {  	_ =	shalt  }
0x6c: {  	_ =	shalt  }
0x6d: {  	_ =	shalt  }
0x6e: {  	_ =	shalt  }
0x6f: {  	_ =	shalt  }
0x70: {  	_ =	shalt  }
0x71: {  	_ =	shalt  }
0x72: {  	_ =	shalt  }
0x73: {  	_ =	shalt  }
0x74: {  	_ =	shalt  }
0x75: {  	_ =	shalt  }
0x76: {  	_ =	shalt  }
0x77: {  	_ =	shalt  }
0x78: {  	_ =	shalt  }
0x79: {  	_ =	shalt  }
0x7a: {  	_ =	shalt  }
0x7b: {  	_ =	shalt  }
0x7c: {  	_ =	shalt  }
0x7d: {  	_ =	shalt  }
0x7e: {  	_ =	shalt  }
0x7f: {  	_ =	shalt  }
0x80: {  	_ =	shalt  }
0x81: {  	_ =	shalt  }
0x82: {  	_ =	shalt  }
0x83: {  	_ =	shalt  }
0x84: {  	_ =	shalt  }
0x85: {  	_ =	shalt  }
0x86: {  	_ =	shalt  }
0x87: {  	_ =	shalt  }
.Lfunc_end0:
.L_simem_size_0:
called_computation_lowered:
.L_overlay_start_0:
0x88: {  	s2 =	sld [smem:$0x3FD9]  }
0x89: {  	s3 =	sld [smem:$0x3FFE];
	_ =	sdelay $0x1  }
0x8a: {  	s1 =	srdreg.scid  }
0x8b: {  	s0 =	sand.u32 $0x1, s1  }
0x8c: {  	s17 =	sshll.u32 s0, $0xA;
	s2 =	sadd.s32 s3, s2  }
0x8d: {  	s2 =	sadd.s32 s2, s17  }
0x8e: {  	[smem:$0x3FAC] =	sst s2  }
0x8f: {  	_ = 	snop  }
0x90: {  	s2 =	sld [smem:$0x3FD0];
	(tm) =	ssettm $0x1  }
0x91: {  	s18 =	sld [smem:$0x3FFB];
	_ =	sdelay $0x3  }
0x92: {  	_ =	strace s18  }
0x93: {  	s3 =	sld [smem:$0x3FFC];
	_ =	sdelay $0x3  }
0x94: {  	_ =	strace s3  }
0x95: {  	s3 =	sld [smem:$0x3FFD];
	_ =	sdelay $0x3  }
0x96: {  	_ =	strace s3  }
0x97: {  	_ =	strace $0x8FFFFFFF  }
0x98: {  	s19 =	sld [smem:$0x3FDB];
	_ =	sdelay $0x1  }
0x99: {  	s4 =	simm.s32 $_scs_section_size  }
0x9a: {  	s5 =	simm.s32 $_size__tile_overlayer_lowered;
	s6 =	simm.s32 $_tile_overlayer_lowered  }
0x9b: {  	s22 =	simm.s32 $0x1BFF;
	s21 =	sshll.u32 s6, $0x1;
	s3 =	sadd.s32 s4, s19  }
0x9c: {  	s7 =	simm.s32 $0x0;
	s20 =	sshll.u32 s5, $0x1;
	s5 =	sadd.s32 s21, s3  }
0x9d: {  	[timem:s7], [sflag:s22] =	dma.local [hbm:s5], s20  }
0x9e: {  	_ =	swait.ge [sflag:s22], s20  }
0x9f: {  	s4 =	ssub.s32 $0x0, s20;
	[sflag:s22] =	ssyncset.done $0x0  }
0xa0: {  	[sflag:s22] =	ssyncadd.s32 s4;
	_ =	sdelay $0x1  }
0xa1: {  	s23 =	simm.s32 $0x1B8B  }
0xa2: {  	_ =	swait.ge [sflag:s23], $0x1  }
0xa3: {  	[sflag:s23] =	ssyncset.done $0x0  }
0xa4: {  	s25 =	simm.s32 $0x1B8E;
	s24 =	sld [smem:$0x3FFE];
	[sflag:s23] =	ssyncadd.s32 $0xFFFFFFFF  }
0xa5: {  	s26 =	simm.s32 $execute0_lowered;
	[smem:$0x3FD2] =	sst s25  }
0xa6: {  	s5 =	sshll.u32 s26, $0x1;
	_ =	strace $0x80000046;
	[dreg:$0x1] =	wrdreg $0xFFFFFFFF  }
0xa7: {  	s28 =	simm.s32 $_size_execute0_lowered;
	s3 =	sadd.s32 s3, s5;
	[dreg:$0x0] =	wrdreg $0x0  }
0xa8: {  	s5 =	sshll.u32 s28, $0x1;
	[dreg:$0x2] =	wrdreg s3  }
0xa9: {  	[dreg:$0x3] =	wrdreg s5  }
0xaa: {  	[dreg:$0x4] =	wrdreg $0xC0  }
0xab: {  	_ =	task [dreg:s7], $0x5FFFF  }
0xac: {  	[dreg:$0x1] =	wrdreg $0xFFFFFFFF  }
0xad: {  	[dreg:$0x0] =	wrdreg $0x60  }
0xae: {  	[dreg:$0x2] =	wrdreg s2  }
0xaf: {  	[dreg:$0x3] =	wrdreg s24  }
0xb0: {  	[dreg:$0x4] =	wrdreg $0x50000  }
0xb1: {  	[dreg:$0x5] =	wrdreg $0x9  }
0xb2: {  	_ =	task.clear_ibuf [dreg:s7], $0x6FFFF;
	_ =	strace $0x90000046  }
0xb3: {  	s29 =	simm.s32 $0x9;
	_ =	strace $0x80000048  }
0xb4: {  	_ =	swait.ge [sflag:s29], $0x1  }
0xb5: {  	[sflag:s29] =	ssyncadd.s32 $0xFFFFFFFF  }
0xb6: {  	_ =	strace $0x90000048  }
0xb7: {  	_ =	sfence  }
0xb8: {  	s30 =	sld [smem:$0x0];
	_ =	sdelay $0x2  }
0xb9: {  	s31 =	sshll.u32 s1, $0xD;
	s1 =	sshrl.u32 s1, $0x2  }
0xba: {  	s3 =	sand.u32 $0x4000, s31;
	s1 =	sadd.s32 s1, s30  }
0xbb: {  	s0 =	sor.u32 s3, s0;
	s1 =	sshll.u32 s1, $0x11  }
0xbc: {  	s0 =	sor.u32 s1, s0  }
0xbd: {  	s0 =	sadd.s32 $0x8F2B, s0  }
0xbe: {  	[sflag:s0] =	ssyncadd.remote.s32 $0x1  }
0xbf: {  	_ =	sfence.sel $0xFFFF  }
0xc0: {  	[dreg:$0x0] =	wrdreg $0xFFFFFFFF;
	(pc) =	sbr.abs _section_cstart, $3  }
0xc1: {  	[dreg:$0x1] =	wrdreg $0xFFFFFFFF  }
0xc2: {  	_ =	task.clear_ibuf [dreg:s7], $0x2FFFF;
	_ =	strace $0x9FFFFFFF  }
0xc3: {  	(tm) =	ssettm $0x7FFFFFFF  }
tec
execute0_lowered:
.L_overlay_start_1:
0x0: {  	(tag) =	ssettag $0x1  }
0x1: {  	s6 =	rddreg [dreg:$0x0]  }
0x2: {  	s4 =	rddreg [dreg:$0x1]  }
0x3: {  	s1 =	rddreg [dreg:$0x2]  }
0x4: {  	s2 =	srdreg.scid;
	s0 =	rddreg [dreg:$0x3]  }
0x5: {  	s3 =	simm.s32 $0x0;
	s11 =	simm.s32 $0x50;
	s12 =	simm.s32 $0x4F80  }
0x6: {  	s15 =	simm.s32 $0x0;
	s5 =	sand.u32 $0x1, s2;
	s2 =	stileid.u32  }
0x7: {  	[smem:$0x7FF] =	sst s3;
	s7 =	smul.u32 $0x2800, s5;
	s8 =	sshll.u32 s2, $0xA  }
0x8: {  	_ =	strace $0x80000047;
	s9 =	sshll.u32 s2, $0x1;
	s10 =	ssub.s32 $0x2, s5  }
0x9: {  	p0 =	sgt.u32 s2, $0x9;
	s5 =	sor.u32 s5, s9;
	s31 =	sshrl.u32 s10, $0x1  }
0xa: {  	s13 =	sshll.u32 @!p0 s2, $0x6;
	s7 =	sadd.s32 s8, s7;
	s9 =	smul.u32 $0x4E2, s5  }
0xb: {  	s10 =	ssub.s32 s10, s31;
	s5 =	sadd.s32 $0x2780, s8;
	s7 =	sshrl.u32 s7, $0x3  }
0xc: {  	v0 =	vlaneseq.u32;
	s13 =	sor.u32 @!p0 $0x1C01, s13;
	s7 =	sadd.s32 s7, s4;
	s4 =	sadd.s32 s8, s1  }
0xd: {  	v1 =	vimm.f32 $0.0e+00;
	v6 =	vimm.f32 $1.000000000e+00;
	v2 =	vor.u32 $0x10, v0;
	s6 =	sadd.s32 s6, s9;
	s8 =	smax.u32 s10, $0x1;
	s9 =	simm.s32 $0x1  }
0xe: {  	v3 =	vor.u32 $0x20, v0;
	v4 =	vor.u32 $0x30, v0;
	v5 =	vor.u32 $0x40, v0;
	s10 =	simm.s32 $0x2780;
	s7 =	sadd.s32 $0x6C00, s7;
	s14 =	sshrl.u32 @!p0 s4, $0x3  }
.LBB2_1:
0xf: {  	s16 =	sand.u32 $0xFE00, s3  }
0x10: {  	s17 =	sand.u32 $0x70, s3;
	s18 =	sshrl.u32 s16, $0x2  }
0x11: {  	s16 =	simm.s32 $0x40;
	s18 =	sor.u32 s17, s18;
	s17 =	simm.s32 $0x0  }
.LBB2_2:
0x12: {  	p1 =	sne.s32 s16, $0x9FC0  }
0x13: {  	[tilespmem:s18+$0x2780] =	vst v1;
	s17 =	sadd.s32 $0x10, s17;
	s18 =	smov.u32 s16;
	s16 =	sadd.s32 $0x40, s16  }
.Ltmp0:
0x14: {  	(pc) =	sbr.rel @p1 .LBB2_2-.Ltmp0, $4  }
0x15: {  	_ = 	snop  }
0x16: {  	s18 =	sand.u32 $0xFE00, s18  }
0x17: {  	s19 =	sand.u32 $0x70, s17;
	s18 =	sshrl.u32 s18, $0x2  }
0x18: {  	s18 =	sor.u32 s19, s18  }
0x19: {  	[tilespmem:s18+$0x2780] =	vst v1  }
0x1a: {  	[tilespmem:$0x4F80] =	vst v0  }
0x1b: {  	[tilespmem:$0x4F90] =	vst v2  }
0x1c: {  	[tilespmem:$0x4FA0] =	vst v3  }
0x1d: {  	[tilespmem:$0x4FB0] =	vst v4  }
0x1e: {  	s16 =	simm.s32 @!p0 $0x1;
	[tilespmem:$0x4FC0] =	vst v5  }
0x1f: {  	[spmem:s4] =	stream.linear.scatter @!p0 [tilespmem:s5], [sflag:$0x1], $0x400, $0x38;
	[tilespmem:$0x5280] =	vst v63  }
0x20: {  	_ =	swait.ge @!p0 [sflag:s16], $0x400  }
0x21: {  	[sflag:s16] =	ssyncset.done @!p0 $0x0  }
0x22: {  	s31 =	simm.s32 $0x0;
	[sflag:s16] =	ssyncadd.s32 @!p0 $0xFFFFFC00  }
0x23: {  	[tilespmem:s31], [sflag:$0x1] =	stream.linear.gather [hbm4b:s6+s31], $0x2710, $0x38;
	[tilespmem:$0x5280] =	vst v63  }
0x24: {  	_ =	swait.ge [sflag:s9], $0x2710  }
0x25: {  	[sflag:s9] =	ssyncset.done $0x0  }
0x26: {  	[sflag:s9] =	ssyncadd.s32 $0xFFFFD8F0  }
0x27: {  	s17 =	simm.s32 $0x0;
	s16 =	simm.s32 $0x40;
	[bflag:$0x0] =	sbarrier.arrive $0xFFFF  }
.LBB2_4:
0x28: {  	p1 =	sne.s32 s16, $0x9C00;
	v7 =	vld [tilespmem:s17+$0x0];
	_ =	sdelay $0x3  }
.Ltmp1:
0x29: {  	(pc) =	sbr.rel @p1 .LBB2_4-.Ltmp1, $2  }
0x2a: {  	_ =	sdelay $0x2  }
0x2b: {  	s17 =	sshra.s32 s16, $0x2;
	s16 =	sadd.s32 $0x40, s16;
	[tilespmem:v7+s10+$0x0] =	vst.idx.add.f32.msk $0xffff, v6  }
0x2c: {  	v7 =	vld [tilespmem:s17+$0x0];
	_ =	sdelay $0x7  }
0x2d: {  	[tilespmem:v7+s10+$0x0] =	vst.idx.add.f32.msk $0xffff, v6  }
0x2e: {  	[spmem:s1] =	stream.indirect.scatter.add.f32 [tilespmem:s10], [sflag:$0x1], $0x80, s12, s11, $0xb8;
	[tilespmem:$0x5280] =	vst v63  }
0x2f: {  	_ =	swait.ge [sflag:s9], $0x2800  }
0x30: {  	s15 =	sadd.s32 $0x1, s15;
	[sflag:s9] =	ssyncset.done $0x0  }
0x31: {  	p1 =	sne.s32 s15, s8;
	[sflag:s9] =	ssyncadd.s32 $0xFFFFD800  }
.Ltmp2:
0x32: {  	s16 =	simm.s32 @!p0 $0x1;
	[bflag:$0x0] =	sbarrier.arrive $0xFFFF;
	(pc) =	sbr.rel @p1 .LBB2_1-.Ltmp2, $4  }
0x33: {  	[hbm:s7], [sflag:s13] =	dma.local @!p0 [spmem:s14], $0x80  }
0x34: {  	_ =	swait.ge @!p0 [sflag:s16], $0x80  }
0x35: {  	[sflag:s16] =	ssyncset.done @!p0 $0x0  }
0x36: {  	[sflag:s16] =	ssyncadd.s32 @!p0 $0xFFFFFF80  }
0x37: {  	_ =	sfence.sel $0x180000  }
0x38: {  	[bflag:$0x0] =	sbarrier.arrive $0xFFFF  }
0x39: {  	p0 =	sne.s32 s2, $0x0;
	_ =	strace $0x90000047  }
0x3a: {  	s0 =	sadd.s32 @!p0 $0x100000, s0;
	[bflag:$0x2] =	sbarrier.arrive $0xFFFF  }
0x3b: {  	[sflag:s0] =	ssyncadd.tile.s32 @!p0 $0x1;
	_ =	shalt  }
.Lfunc_end2:
_tile_overlayer_lowered:
.L_overlay_start_2:
0x3c: {  	(tag) =	ssettag $0x2  }
0x3d: {  	s0 =	rddreg [dreg:$0x0];
	s2 =	stileid.u32  }
0x3e: {  	s1 =	rddreg [dreg:$0x1];
	p0 =	sne.s32 s2, $0x0  }
0x3f: {  	s3 =	rddreg [dreg:$0x2];
	[bflag:$0x3] =	sbarrier.arrive $0xFFFF;
	s2 =	simm.s32 @!p0 $0x1C01  }
0x40: {  	[timem:s3], [sflag:s2] =	dma.local @!p0 [hbm:s0], s1  }
0x41: {  	s0 =	simm.s32 @!p0 $0x1  }
0x42: {  	_ =	swait.ge @!p0 [sflag:s0], s1  }
0x43: {  	s1 =	ssub.s32 @!p0 $0x0, s1;
	[sflag:s0] =	ssyncset.done @!p0 $0x0  }
0x44: {  	[sflag:s0] =	ssyncadd.s32 @!p0 s1  }
0x45: {  	[bflag:$0x3] =	sbarrier.arrive $0xFFFF  }
0x46: {  	_ =	shalt  }

// kernel: kernel.17.cloned.1.call-start
scs
__scs_entry_jumppad:
0x0: {  	(pc) =	sbr.rel $0x88, $3  }
0x1: {  	(tag) =	ssettag $0x0;
	lr =	simm.s32 $0x1  }
0x2: {  	[smem:$0x3F85] =	sst lr;
	_ =	strace $0xD0000000  }
0x3: {  	_ = 	snop  }
0x4: {  	_ = 	snop  }
0x5: {  	_ = 	snop  }
0x6: {  	_ = 	snop  }
0x7: {  	_ = 	snop  }
__scs_overlays_trampoline_lowered:
0x8: {  	[smem:$0x3F94] =	sst s0  }
0x9: {  	[smem:$0x3F95] =	sst s1  }
0xa: {  	[smem:$0x3F96] =	sst s2  }
0xb: {  	[smem:$0x3F97] =	sst s3  }
0xc: {  	[smem:$0x3F98] =	sst s4  }
0xd: {  	[smem:$0x3F99] =	sst s5  }
0xe: {  	[smem:$0x3F9A] =	sst s6  }
0xf: {  	[smem:$0x3F9B] =	sst s7  }
0x10: {  	[smem:$0x3F9C] =	sst s8  }
0x11: {  	[smem:$0x3F9D] =	sst s9;
	s0 =	simm.s32 @!p0 $0x0  }
0x12: {  	s1 =	sld [smem:$0x3F83];
	s0 =	simm.s32 @p0 $0x1  }
0x13: {  	[smem:$0x3F9E] =	sst s0;
	s0 =	simm.s32 @!p1 $0x0  }
0x14: {  	s2 =	sld [smem:$0x3F82];
	s0 =	simm.s32 @p1 $0x1  }
0x15: {  	[smem:$0x3F9F] =	sst s0;
	s0 =	simm.s32 @!p2 $0x0  }
0x16: {  	s3 =	sld [smem:$0x3FDB];
	s0 =	simm.s32 @p2 $0x1  }
0x17: {  	s4 =	simm.s32 $0x1BF5;
	[smem:$0x3FA1] =	sst s0  }
0x18: {  	s0 =	sld [smem:$0x3F84];
	_ =	swait.ge [sflag:s4], $0x0  }
0x19: {  	s7 =	sld [smem:$0x3F85]  }
0x1a: {  	s8 =	sadd.s32 $0xFFFFE003, lr  }
0x1b: {  	s9 =	sadd.s32 $0xFFFFFEF7, lr;
	s5 =	simm.s32 $0xFFFFFFFF;
	p2 =	slt.u32 s8, $0xFFFFF086  }
0x1c: {  	p1 =	slt.u32 s9, $0xF7A;
	s5 =	simm.s32 @!p2 $0x0  }
0x1d: {  	s5 =	simm.s32 @p1 $0x1;
	p0 =	seq.s32 s7, s2  }
0x1e: {  	s7 =	smul.u32 @!p0 $0xF7A, s2;
	p2 =	seq.s32 @!p0 s5, $0x0  }
0x1f: {  	s9 =	smul.u32 $0xF7A, s1;
	s8 =	simm.s32 @!p0 $0x1BF5;
	p2 =	por !p2, p0  }
0x20: {  	[sflag:s8] =	ssyncset.s32 @!p0 $0xFFFFF086;
	s6 =	sadd.s32 @!p0 s3, s7;
	s7 =	simm.s32 @!p0 $0x108  }
0x21: {  	s3 =	sadd.s32 s3, s9;
	s6 =	sadd.s32 @!p0 $0x88, s6;
	s7 =	simm.s32 @p2 $0x1082  }
0x22: {  	[simem:s7], [sflag:s8] =	dma.local @!p0 [hbm:s6], $0xF7A  }
0x23: {  	s9 =	sor.u32 $0xD0000000, s2;
	s6 =	simm.s32 $0x108;
	_ =	swait.ge @!p0 [sflag:s8], $0x0  }
0x24: {  	s3 =	sadd.s32 $0x88, s3;
	s6 =	simm.s32 @!p1 $0x1082;
	[sflag:s4] =	ssyncset.s32 $0xFFFFF086  }
0x25: {  	[simem:s6], [sflag:s4] =	dma.local [hbm:s3], $0xF7A  }
0x26: {  	[smem:$0x3F85] =	sst s1;
	(tag) =	ssettag s2;
	_ =	strace s9  }
0x27: {  	s1 =	sld [smem:$0x3F95]  }
0x28: {  	s2 =	sld [smem:$0x3F96]  }
0x29: {  	s4 =	sld [smem:$0x3F98]  }
0x2a: {  	p0 =	seq.s32 s5, $0x0;
	s5 =	sld [smem:$0x3F99]  }
0x2b: {  	s6 =	sld [smem:$0x3F9A]  }
0x2c: {  	s7 =	sld [smem:$0x3F9B]  }
0x2d: {  	s3 =	simm.s32 $0x108;
	s8 =	sld [smem:$0x3F9C]  }
0x2e: {  	s3 =	simm.s32 @!p0 $0x1082;
	s9 =	sld [smem:$0x3F9D]  }
0x2f: {  	lr =	sadd.s32 s0, s3;
	s0 =	sld [smem:$0x3F94]  }
0x30: {  	s3 =	sld [smem:$0x3F97]  }
0x31: {  	[smem:$0x3FA0] =	sst s10  }
0x32: {  	s10 =	sld [smem:$0x3F9E];
	_ =	sdelay $0x3  }
0x33: {  	p0 =	seq.s32 s10, $0x1;
	s10 =	sld [smem:$0x3FA0];
	_ =	sdelay $0x3  }
0x34: {  	[smem:$0x3FA0] =	sst s10  }
0x35: {  	s10 =	sld [smem:$0x3F9F];
	_ =	sdelay $0x3  }
0x36: {  	p1 =	seq.s32 s10, $0x1;
	s10 =	sld [smem:$0x3FA0];
	_ =	sdelay $0x3  }
0x37: {  	[smem:$0x3FA0] =	sst s10  }
0x38: {  	s10 =	sld [smem:$0x3FA1]  }
0x39: {  	_ = 	snop;
	(pc) =	sbr.ind lr, $3  }
0x3a: {  	_ = 	snop  }
0x3b: {  	_ = 	snop  }
0x3c: {  	p2 =	seq.s32 s10, $0x1;
	s10 =	sld [smem:$0x3FA0]  }
0x3d: {  	_ =	shalt  }
0x3e: {  	_ =	shalt  }
0x3f: {  	_ =	shalt  }
0x40: {  	_ =	shalt  }
0x41: {  	_ =	shalt  }
0x42: {  	_ =	shalt  }
0x43: {  	_ =	shalt  }
0x44: {  	_ =	shalt  }
0x45: {  	_ =	shalt  }
0x46: {  	_ =	shalt  }
0x47: {  	_ =	shalt  }
0x48: {  	_ =	shalt  }
0x49: {  	_ =	shalt  }
0x4a: {  	_ =	shalt  }
0x4b: {  	_ =	shalt  }
0x4c: {  	_ =	shalt  }
0x4d: {  	_ =	shalt  }
0x4e: {  	_ =	shalt  }
0x4f: {  	_ =	shalt  }
0x50: {  	_ =	shalt  }
0x51: {  	_ =	shalt  }
0x52: {  	_ =	shalt  }
0x53: {  	_ =	shalt  }
0x54: {  	_ =	shalt  }
0x55: {  	_ =	shalt  }
0x56: {  	_ =	shalt  }
0x57: {  	_ =	shalt  }
0x58: {  	_ =	shalt  }
0x59: {  	_ =	shalt  }
0x5a: {  	_ =	shalt  }
0x5b: {  	_ =	shalt  }
0x5c: {  	_ =	shalt  }
0x5d: {  	_ =	shalt  }
0x5e: {  	_ =	shalt  }
0x5f: {  	_ =	shalt  }
0x60: {  	_ =	shalt  }
0x61: {  	_ =	shalt  }
0x62: {  	_ =	shalt  }
0x63: {  	_ =	shalt  }
0x64: {  	_ =	shalt  }
0x65: {  	_ =	shalt  }
0x66: {  	_ =	shalt  }
0x67: {  	_ =	shalt  }
0x68: {  	_ =	shalt  }
0x69: {  	_ =	shalt  }
0x6a: {  	_ =	shalt  }
0x6b: {  	_ =	shalt  }
0x6c: {  	_ =	shalt  }
0x6d: {  	_ =	shalt  }
0x6e: {  	_ =	shalt  }
0x6f: {  	_ =	shalt  }
0x70: {  	_ =	shalt  }
0x71: {  	_ =	shalt  }
0x72: {  	_ =	shalt  }
0x73: {  	_ =	shalt  }
0x74: {  	_ =	shalt  }
0x75: {  	_ =	shalt  }
0x76: {  	_ =	shalt  }
0x77: {  	_ =	shalt  }
0x78: {  	_ =	shalt  }
0x79: {  	_ =	shalt  }
0x7a: {  	_ =	shalt  }
0x7b: {  	_ =	shalt  }
0x7c: {  	_ =	shalt  }
0x7d: {  	_ =	shalt  }
0x7e: {  	_ =	shalt  }
0x7f: {  	_ =	shalt  }
0x80: {  	_ =	shalt  }
0x81: {  	_ =	shalt  }
0x82: {  	_ =	shalt  }
0x83: {  	_ =	shalt  }
0x84: {  	_ =	shalt  }
0x85: {  	_ =	shalt  }
0x86: {  	_ =	shalt  }
0x87: {  	_ =	shalt  }
.Lfunc_end0:
.L_simem_size_0:
called_computation.1_lowered:
.L_overlay_start_0:
0x88: {  	s2 =	sld [smem:$0x3FD9]  }
0x89: {  	s3 =	sld [smem:$0x3FFE];
	_ =	sdelay $0x1  }
0x8a: {  	s1 =	srdreg.scid  }
0x8b: {  	s0 =	sand.u32 $0x1, s1  }
0x8c: {  	s17 =	sshll.u32 s0, $0xA;
	s2 =	sadd.s32 s3, s2  }
0x8d: {  	s2 =	sadd.s32 s2, s17  }
0x8e: {  	[smem:$0x3FAC] =	sst s2  }
0x8f: {  	_ = 	snop  }
0x90: {  	s2 =	sld [smem:$0x3FD0];
	(tm) =	ssettm $0x1  }
0x91: {  	s18 =	sld [smem:$0x3FFB];
	_ =	sdelay $0x3  }
0x92: {  	_ =	strace s18  }
0x93: {  	s3 =	sld [smem:$0x3FFC];
	_ =	sdelay $0x3  }
0x94: {  	_ =	strace s3  }
0x95: {  	s3 =	sld [smem:$0x3FFD];
	_ =	sdelay $0x3  }
0x96: {  	_ =	strace s3  }
0x97: {  	_ =	strace $0x8FFFFFFF  }
0x98: {  	s19 =	sld [smem:$0x3FDB];
	_ =	sdelay $0x1  }
0x99: {  	s4 =	simm.s32 $_scs_section_size  }
0x9a: {  	s5 =	simm.s32 $_size__tile_overlayer_lowered;
	s6 =	simm.s32 $_tile_overlayer_lowered  }
0x9b: {  	s22 =	simm.s32 $0x1BFF;
	s21 =	sshll.u32 s6, $0x1;
	s3 =	sadd.s32 s4, s19  }
0x9c: {  	s7 =	simm.s32 $0x0;
	s20 =	sshll.u32 s5, $0x1;
	s5 =	sadd.s32 s21, s3  }
0x9d: {  	[timem:s7], [sflag:s22] =	dma.local [hbm:s5], s20  }
0x9e: {  	_ =	swait.ge [sflag:s22], s20  }
0x9f: {  	s4 =	ssub.s32 $0x0, s20;
	[sflag:s22] =	ssyncset.done $0x0  }
0xa0: {  	[sflag:s22] =	ssyncadd.s32 s4;
	_ =	sdelay $0x1  }
0xa1: {  	s23 =	simm.s32 $0x1B8B  }
0xa2: {  	_ =	swait.ge [sflag:s23], $0x1  }
0xa3: {  	[sflag:s23] =	ssyncset.done $0x0  }
0xa4: {  	s25 =	simm.s32 $0x1B8E;
	s24 =	sld [smem:$0x3FFE];
	[sflag:s23] =	ssyncadd.s32 $0xFFFFFFFF  }
0xa5: {  	s26 =	simm.s32 $execute0_lowered;
	[smem:$0x3FD2] =	sst s25  }
0xa6: {  	s5 =	sshll.u32 s26, $0x1;
	_ =	strace $0x80000049;
	[dreg:$0x1] =	wrdreg $0xFFFFFFFF  }
0xa7: {  	s28 =	simm.s32 $_size_execute0_lowered;
	s3 =	sadd.s32 s3, s5;
	[dreg:$0x0] =	wrdreg $0x0  }
0xa8: {  	s5 =	sshll.u32 s28, $0x1;
	[dreg:$0x2] =	wrdreg s3  }
0xa9: {  	[dreg:$0x3] =	wrdreg s5  }
0xaa: {  	[dreg:$0x4] =	wrdreg $0xC0  }
0xab: {  	_ =	task [dreg:s7], $0x5FFFF  }
0xac: {  	[dreg:$0x1] =	wrdreg $0xFFFFFFFF  }
0xad: {  	[dreg:$0x0] =	wrdreg $0x60  }
0xae: {  	[dreg:$0x2] =	wrdreg s24  }
0xaf: {  	[dreg:$0x3] =	wrdreg s2  }
0xb0: {  	[dreg:$0x4] =	wrdreg $0x84000  }
0xb1: {  	[dreg:$0x5] =	wrdreg $0x9  }
0xb2: {  	_ =	task.clear_ibuf [dreg:s7], $0x6FFFF;
	_ =	strace $0x90000049  }
0xb3: {  	s29 =	simm.s32 $0x9;
	_ =	strace $0x8000004B  }
0xb4: {  	_ =	swait.ge [sflag:s29], $0x1  }
0xb5: {  	[sflag:s29] =	ssyncadd.s32 $0xFFFFFFFF  }
0xb6: {  	_ =	strace $0x9000004B  }
0xb7: {  	_ =	sfence  }
0xb8: {  	s30 =	sld [smem:$0x0];
	_ =	sdelay $0x2  }
0xb9: {  	s31 =	sshll.u32 s1, $0xD;
	s1 =	sshrl.u32 s1, $0x2  }
0xba: {  	s3 =	sand.u32 $0x4000, s31;
	s1 =	sadd.s32 s1, s30  }
0xbb: {  	s0 =	sor.u32 s3, s0;
	s1 =	sshll.u32 s1, $0x11  }
0xbc: {  	s0 =	sor.u32 s1, s0  }
0xbd: {  	s0 =	sadd.s32 $0x8F2B, s0  }
0xbe: {  	[sflag:s0] =	ssyncadd.remote.s32 $0x1  }
0xbf: {  	_ =	sfence.sel $0xFFFF  }
0xc0: {  	[dreg:$0x0] =	wrdreg $0xFFFFFFFF;
	(pc) =	sbr.abs _section_cstart, $3  }
0xc1: {  	[dreg:$0x1] =	wrdreg $0xFFFFFFFF  }
0xc2: {  	_ =	task.clear_ibuf [dreg:s7], $0x2FFFF;
	_ =	strace $0x9FFFFFFF  }
0xc3: {  	(tm) =	ssettm $0x7FFFFFFF  }
tec
execute0_lowered:
.L_overlay_start_1:
0x0: {  	(tag) =	ssettag $0x1  }
0x1: {  	s0 =	rddreg [dreg:$0x0]  }
0x2: {  	s2 =	rddreg [dreg:$0x2]  }
0x3: {  	s3 =	srdreg.scid;
	s4 =	simm.s32 $0x0;
	s1 =	stileid.u32  }
0x4: {  	s28 =	simm.s32 $0x3;
	s29 =	simm.s32 $0x2;
	s30 =	simm.s32 $0x180  }
0x5: {  	s31 =	simm.s32 $0x380;
	s3 =	sand.u32 $0x1, s3;
	s7 =	smul.u32 $0x14000, s1  }
0x6: {  	[smem:$0x7FF] =	sst s4;
	s5 =	sadd.s32 $0x1B600, s0;
	s9 =	smul.u32 $0x50000, s1  }
0x7: {  	s16 =	sadd.s32 $0x7600, s0;
	s15 =	sadd.s32 $0x11600, s0;
	s21 =	smul.u32 $0x5000, s1  }
0x8: {  	s18 =	sshll.u32 s1, $0x1;
	s6 =	smul.u32 $0x140000, s3;
	s8 =	ssub.s32 $0x2, s3  }
0x9: {  	s22 =	sshll.u32 s1, $0x6;
	_ =	strace $0x8000004A;
	s19 =	sshrl.u32 s8, $0x1  }
0xa: {  	s20 =	sshrl.u32 s9, $0x2;
	s6 =	sadd.s32 s7, s6;
	s7 =	sor.u32 s3, s18  }
0xb: {  	s12 =	ssub.s32 s8, s19;
	s3 =	smul.u32 $0x2800, s3;
	s17 =	sadd.s32 s20, s2  }
0xc: {  	s18 =	simm.s32 $0x4;
	s19 =	simm.s32 $0x100;
	s20 =	simm.s32 $0x200  }
0xd: {  	s6 =	sshrl.u32 s6, $0x3;
	s7 =	smul.u32 $0x2800, s7;
	s12 =	smax.u32 s12, $0x1  }
0xe: {  	s17 =	sshrl.u32 s17, $0x3;
	s0 =	sadd.s32 s6, s0;
	s6 =	sor.u32 $0x1C04, s22  }
0xf: {  	s3 =	sadd.s32 s3, s21;
	s21 =	simm.s32 $0x300;
	s22 =	simm.s32 $0x7D  }
0x10: {  	s10 =	sshrl.u32 s7, $0x3;
	s13 =	sor.u32 $0x300, s3;
	s11 =	sadd.s32 $0x42800, s0  }
0x11: {  	s3 =	sor.u32 $0x200, s3;
	s0 =	simm.s32 $0x0;
	s23 =	sadd.s32 s16, s10  }
0x12: {  	s24 =	sadd.s32 s15, s10;
	s10 =	sor.u32 $0x20, s10;
	s26 =	sshrl.u32 s13, $0x3  }
.Ltmp0:
0x13: {  	s3 =	sshrl.u32 s3, $0x3;
	[dreg:$0x4] =	wrdreg s23;
	(pc) =	sbr.rel .LBB2_1-.Ltmp0, $4  }
0x14: {  	[dreg:$0x5] =	wrdreg s24;
	s25 =	sadd.s32 s16, s10;
	s10 =	sadd.s32 s15, s10  }
0x15: {  	s13 =	sadd.s32 s26, s15;
	s14 =	sadd.s32 s26, s16;
	s15 =	sadd.s32 s3, s15  }
0x16: {  	s16 =	sadd.s32 s3, s16;
	s23 =	simm.s32 $0x400;
	s24 =	simm.s32 $0x80  }
0x17: {  	s26 =	simm.s32 $0x1;
	[dreg:$0x6] =	wrdreg s25;
	s25 =	simm.s32 $0x4400  }
.LBB2_4:
0x18: {  	s0 =	sadd.s32 $0x1, s0  }
0x19: {  	p0 =	sne.s32 s0, s12  }
.Ltmp1:
0x1a: {  	[bflag:$0x0] =	sbarrier.arrive $0xFFFF;
	(pc) =	sbr.rel @!p0 .LBB2_5-.Ltmp1, $4  }
0x1b: {  	[hbm:s11], [sflag:s6] =	dma.local [spmem:s17], $0x2800  }
0x1c: {  	_ =	swait.ge [sflag:s18], $0x2800  }
0x1d: {  	[sflag:s18] =	ssyncset.done $0x0  }
0x1e: {  	[sflag:s18] =	ssyncadd.s32 $0xFFFFD800  }
.LBB2_1:
0x1f: {  	s1 =	rddreg [dreg:$0x1]  }
0x20: {  	[spmem:s17], [sflag:s6] =	dma.local [hbm:s1], $0x2800  }
0x21: {  	_ =	swait.ge [sflag:s18], $0x2800  }
0x22: {  	[sflag:s18] =	ssyncset.done $0x0  }
0x23: {  	s7 =	rddreg [dreg:$0x4];
	[sflag:s18] =	ssyncadd.s32 $0xFFFFD800  }
0x24: {  	[tilespmem:s4], [sflag:$0x4] =	stream.linear.gather [hbm4b:s7+s4], $0x100, $0x38;
	[tilespmem:$0x1C400] =	vst v63  }
0x25: {  	_ =	swait.ge [sflag:s18], $0x100  }
0x26: {  	[sflag:s18] =	ssyncset.done $0x0  }
0x27: {  	s8 =	rddreg [dreg:$0x5];
	[sflag:s18] =	ssyncadd.s32 $0xFFFFFF00  }
0x28: {  	[tilespmem:s19], [sflag:$0x4] =	stream.linear.gather [hbm4b:s8+s4], $0x100, $0x38;
	[tilespmem:$0x1C400] =	vst v63  }
0x29: {  	_ =	swait.ge [sflag:s18], $0x100  }
0x2a: {  	[sflag:s18] =	ssyncset.done $0x0  }
0x2b: {  	s9 =	rddreg [dreg:$0x6];
	[sflag:s18] =	ssyncadd.s32 $0xFFFFFF00  }
0x2c: {  	[tilespmem:s20], [sflag:$0x3] =	stream.linear.gather [hbm4b:s9+s4], $0x100, $0x38;
	[tilespmem:$0x1C400] =	vst v63  }
0x2d: {  	_ = 	snop  }
0x2e: {  	[tilespmem:s21], [sflag:$0x3] =	stream.linear.gather [hbm4b:s10+s4], $0x100, $0x38;
	[tilespmem:$0x1C400] =	vst v63  }
0x2f: {  	_ = 	snop  }
0x30: {  	[tilespmem:s23], [sflag:$0x1] =	stream.indirect.gather [hbm4b:s5+s22], $0x80, s4, s22, $0xb8;
	[tilespmem:$0x1C400] =	vst v63  }
0x31: {  	s3 =	simm.s32 $0x0;
	[bflag:$0x0] =	sbarrier.arrive $0xFFFF  }
.LBB2_2:
0x32: {  	[tilespmem:s25], [sflag:$0x2] =	stream.indirect.gather [hbm4b:s5+s22], $0x80, s24, s22, $0xb8;
	[tilespmem:$0x1C400] =	vst v63  }
0x33: {  	_ =	swait.ge [sflag:s26], $0x3E80  }
0x34: {  	[sflag:s26] =	ssyncset.done $0x0  }
0x35: {  	[sflag:s26] =	ssyncadd.s32 $0xFFFFC180  }
0x36: {  	[spmem:s2] =	stream.indirect.scatter.add.f32 [tilespmem:s23], [sflag:$0x4], $0x80, s19, s22, $0xb8;
	[tilespmem:$0x1C400] =	vst v63  }
0x37: {  	_ =	swait.ge [sflag:s18], $0x3E80  }
0x38: {  	[sflag:s18] =	ssyncset.done $0x0  }
0x39: {  	[sflag:s18] =	ssyncadd.s32 $0xFFFFC180  }
0x3a: {  	_ =	swait.ge [sflag:s28], $0x100  }
0x3b: {  	[sflag:s28] =	ssyncset.done $0x0  }
0x3c: {  	[sflag:s28] =	ssyncadd.s32 $0xFFFFFF00  }
0x3d: {  	_ =	swait.ge [sflag:s28], $0x100  }
0x3e: {  	[sflag:s28] =	ssyncset.done $0x0  }
0x3f: {  	[sflag:s28] =	ssyncadd.s32 $0xFFFFFF00  }
0x40: {  	[tilespmem:s23], [sflag:$0x1] =	stream.indirect.gather [hbm4b:s5+s22], $0x80, s20, s22, $0xb8;
	[tilespmem:$0x1C400] =	vst v63  }
0x41: {  	_ =	swait.ge [sflag:s29], $0x3E80  }
0x42: {  	[sflag:s29] =	ssyncset.done $0x0  }
0x43: {  	[sflag:s29] =	ssyncadd.s32 $0xFFFFC180  }
0x44: {  	[spmem:s2] =	stream.indirect.scatter.add.f32 [tilespmem:s25], [sflag:$0x4], $0x80, s30, s22, $0xb8;
	[tilespmem:$0x1C400] =	vst v63  }
0x45: {  	p0 =	seq.s32 s3, $0x4C0;
	_ =	swait.ge [sflag:s18], $0x3E80  }
0x46: {  	s1 =	simm.s32 @p0 $0x7D;
	[sflag:s18] =	ssyncset.done $0x0  }
0x47: {  	s7 =	simm.s32 @p0 $0x280;
	s8 =	simm.s32 @p0 $0x4400;
	[sflag:s18] =	ssyncadd.s32 $0xFFFFC180  }
0x48: {  	[tilespmem:s8], [sflag:$0x2] =	stream.indirect.gather @p0 [hbm4b:s5+s1], $0x80, s7, s1, $0xb8;
	[tilespmem:$0x1C400] =	vst v63  }
0x49: {  	s7 =	simm.s32 @p0 $0x1  }
0x4a: {  	_ =	swait.ge @p0 [sflag:s7], $0x3E80  }
0x4b: {  	[sflag:s7] =	ssyncset.done @p0 $0x0  }
0x4c: {  	s8 =	simm.s32 @p0 $0x400;
	[sflag:s7] =	ssyncadd.s32 @p0 $0xFFFFC180;
	s7 =	simm.s32 @p0 $0x300  }
0x4d: {  	[spmem:s2] =	stream.indirect.scatter.add.f32 @p0 [tilespmem:s8], [sflag:$0x4], $0x80, s7, s1, $0xb8;
	[tilespmem:$0x1C400] =	vst v63  }
0x4e: {  	s1 =	simm.s32 @p0 $0x4  }
0x4f: {  	_ =	swait.ge @p0 [sflag:s1], $0x3E80  }
0x50: {  	[sflag:s1] =	ssyncset.done @p0 $0x0  }
0x51: {  	s7 =	simm.s32 @!p0 $0x0;
	[sflag:s1] =	ssyncadd.s32 @p0 $0xFFFFC180;
	s1 =	sadd.s32 @!p0 s3, s16  }
0x52: {  	[tilespmem:s7], [sflag:$0x3] =	stream.linear.gather @!p0 [hbm4b:s1+s7], $0x100, $0x38;
	[tilespmem:$0x1C400] =	vst v63  }
0x53: {  	s8 =	simm.s32 @!p0 $0x100;
	s1 =	sadd.s32 @!p0 s3, s15  }
0x54: {  	[tilespmem:s8], [sflag:$0x3] =	stream.linear.gather @!p0 [hbm4b:s1+s7], $0x100, $0x38;
	[tilespmem:$0x1C400] =	vst v63  }
0x55: {  	s9 =	simm.s32 @!p0 $0x4400;
	s1 =	simm.s32 @!p0 $0x7D;
	s8 =	simm.s32 @!p0 $0x280  }
0x56: {  	[tilespmem:s9], [sflag:$0x2] =	stream.indirect.gather @!p0 [hbm4b:s5+s1], $0x80, s8, s1, $0xb8;
	[tilespmem:$0x1C400] =	vst v63  }
0x57: {  	s8 =	simm.s32 @!p0 $0x1  }
0x58: {  	_ =	swait.ge @!p0 [sflag:s8], $0x3E80  }
0x59: {  	[sflag:s8] =	ssyncset.done @!p0 $0x0  }
0x5a: {  	s9 =	simm.s32 @!p0 $0x400;
	[sflag:s8] =	ssyncadd.s32 @!p0 $0xFFFFC180;
	s8 =	simm.s32 @!p0 $0x300  }
0x5b: {  	[spmem:s2] =	stream.indirect.scatter.add.f32 @!p0 [tilespmem:s9], [sflag:$0x4], $0x80, s8, s1, $0xb8;
	[tilespmem:$0x1C400] =	vst v63  }
0x5c: {  	s8 =	simm.s32 @!p0 $0x4  }
0x5d: {  	_ =	swait.ge @!p0 [sflag:s8], $0x3E80  }
0x5e: {  	[sflag:s8] =	ssyncset.done @!p0 $0x0  }
0x5f: {  	[sflag:s8] =	ssyncadd.s32 @!p0 $0xFFFFC180;
	s8 =	simm.s32 @!p0 $0x3  }
0x60: {  	_ =	swait.ge @!p0 [sflag:s8], $0x100  }
0x61: {  	[sflag:s8] =	ssyncset.done @!p0 $0x0  }
0x62: {  	[sflag:s8] =	ssyncadd.s32 @!p0 $0xFFFFFF00  }
0x63: {  	_ =	swait.ge @!p0 [sflag:s8], $0x100  }
0x64: {  	[sflag:s8] =	ssyncset.done @!p0 $0x0  }
0x65: {  	[sflag:s8] =	ssyncadd.s32 @!p0 $0xFFFFFF00  }
0x66: {  	[tilespmem:s9], [sflag:$0x1] =	stream.indirect.gather @!p0 [hbm4b:s5+s1], $0x80, s7, s1, $0xb8;
	[tilespmem:$0x1C400] =	vst v63  }
0x67: {  	_ =	swait.ge [sflag:s29], $0x3E80  }
0x68: {  	[sflag:s29] =	ssyncset.done $0x0  }
.Ltmp2:
0x69: {  	[sflag:s29] =	ssyncadd.s32 $0xFFFFC180;
	(pc) =	sbr.rel @p0 .LBB2_4-.Ltmp2, $4  }
0x6a: {  	[spmem:s2] =	stream.indirect.scatter.add.f32 [tilespmem:s25], [sflag:$0x4], $0x80, s31, s22, $0xb8;
	[tilespmem:$0x1C400] =	vst v63  }
0x6b: {  	_ =	swait.ge [sflag:s18], $0x3E80  }
0x6c: {  	[sflag:s18] =	ssyncset.done $0x0  }
0x6d: {  	[sflag:s18] =	ssyncadd.s32 $0xFFFFC180  }
.Ltmp3:
0x6e: {  	(pc) =	sbr.rel .LBB2_2-.Ltmp3, $4  }
0x6f: {  	s1 =	sadd.s32 s3, s14  }
0x70: {  	[tilespmem:s20], [sflag:$0x3] =	stream.linear.gather [hbm4b:s1+s4], $0x100, $0x38;
	[tilespmem:$0x1C400] =	vst v63  }
0x71: {  	s9 =	sadd.s32 s3, s13;
	s3 =	sadd.s32 $0x40, s3  }
0x72: {  	[tilespmem:s21], [sflag:$0x3] =	stream.linear.gather [hbm4b:s9+s4], $0x100, $0x38;
	[tilespmem:$0x1C400] =	vst v63  }
.LBB2_5:
0x73: {  	_ =	sfence.sel $0x180000  }
0x74: {  	[bflag:$0x0] =	sbarrier.arrive $0xFFFF  }
0x75: {  	_ =	strace $0x9000004A  }
0x76: {  	s0 =	stileid.u32;
	[bflag:$0x2] =	sbarrier.arrive $0xFFFF  }
0x77: {  	p0 =	sne.s32 s0, $0x0;
	s0 =	rddreg [dreg:$0x3]  }
0x78: {  	s0 =	sadd.s32 @!p0 $0x100000, s0  }
0x79: {  	[sflag:s0] =	ssyncadd.tile.s32 @!p0 $0x1;
	_ =	shalt  }
.Lfunc_end2:
_tile_overlayer_lowered:
.L_overlay_start_2:
0x7a: {  	(tag) =	ssettag $0x2  }
0x7b: {  	s0 =	rddreg [dreg:$0x0];
	s2 =	stileid.u32  }
0x7c: {  	s1 =	rddreg [dreg:$0x1];
	p0 =	sne.s32 s2, $0x0  }
0x7d: {  	s3 =	rddreg [dreg:$0x2];
	[bflag:$0x3] =	sbarrier.arrive $0xFFFF;
	s2 =	simm.s32 @!p0 $0x1C04  }
0x7e: {  	[timem:s3], [sflag:s2] =	dma.local @!p0 [hbm:s0], s1  }
0x7f: {  	s0 =	simm.s32 @!p0 $0x4  }
0x80: {  	_ =	swait.ge @!p0 [sflag:s0], s1  }
0x81: {  	s1 =	ssub.s32 @!p0 $0x0, s1;
	[sflag:s0] =	ssyncset.done @!p0 $0x0  }
0x82: {  	[sflag:s0] =	ssyncadd.s32 @!p0 s1  }
0x83: {  	[bflag:$0x3] =	sbarrier.arrive $0xFFFF  }
0x84: {  	_ =	shalt  }

// kernel: kernel.20.cloned.1.call-start
scs
__scs_entry_jumppad:
0x0: {  	(pc) =	sbr.rel $0x88, $3  }
0x1: {  	(tag) =	ssettag $0x0;
	lr =	simm.s32 $0x1  }
0x2: {  	[smem:$0x3F85] =	sst lr;
	_ =	strace $0xD0000000  }
0x3: {  	_ = 	snop  }
0x4: {  	_ = 	snop  }
0x5: {  	_ = 	snop  }
0x6: {  	_ = 	snop  }
0x7: {  	_ = 	snop  }
__scs_overlays_trampoline_lowered:
0x8: {  	[smem:$0x3F94] =	sst s0  }
0x9: {  	[smem:$0x3F95] =	sst s1  }
0xa: {  	[smem:$0x3F96] =	sst s2  }
0xb: {  	[smem:$0x3F97] =	sst s3  }
0xc: {  	[smem:$0x3F98] =	sst s4  }
0xd: {  	[smem:$0x3F99] =	sst s5  }
0xe: {  	[smem:$0x3F9A] =	sst s6  }
0xf: {  	[smem:$0x3F9B] =	sst s7  }
0x10: {  	[smem:$0x3F9C] =	sst s8  }
0x11: {  	[smem:$0x3F9D] =	sst s9;
	s0 =	simm.s32 @!p0 $0x0  }
0x12: {  	s1 =	sld [smem:$0x3F83];
	s0 =	simm.s32 @p0 $0x1  }
0x13: {  	[smem:$0x3F9E] =	sst s0;
	s0 =	simm.s32 @!p1 $0x0  }
0x14: {  	s2 =	sld [smem:$0x3F82];
	s0 =	simm.s32 @p1 $0x1  }
0x15: {  	[smem:$0x3F9F] =	sst s0;
	s0 =	simm.s32 @!p2 $0x0  }
0x16: {  	s3 =	sld [smem:$0x3FDB];
	s0 =	simm.s32 @p2 $0x1  }
0x17: {  	s4 =	simm.s32 $0x1BF5;
	[smem:$0x3FA1] =	sst s0  }
0x18: {  	s0 =	sld [smem:$0x3F84];
	_ =	swait.ge [sflag:s4], $0x0  }
0x19: {  	s7 =	sld [smem:$0x3F85]  }
0x1a: {  	s8 =	sadd.s32 $0xFFFFE003, lr  }
0x1b: {  	s9 =	sadd.s32 $0xFFFFFEF7, lr;
	s5 =	simm.s32 $0xFFFFFFFF;
	p2 =	slt.u32 s8, $0xFFFFF086  }
0x1c: {  	p1 =	slt.u32 s9, $0xF7A;
	s5 =	simm.s32 @!p2 $0x0  }
0x1d: {  	s5 =	simm.s32 @p1 $0x1;
	p0 =	seq.s32 s7, s2  }
0x1e: {  	s7 =	smul.u32 @!p0 $0xF7A, s2;
	p2 =	seq.s32 @!p0 s5, $0x0  }
0x1f: {  	s9 =	smul.u32 $0xF7A, s1;
	s8 =	simm.s32 @!p0 $0x1BF5;
	p2 =	por !p2, p0  }
0x20: {  	[sflag:s8] =	ssyncset.s32 @!p0 $0xFFFFF086;
	s6 =	sadd.s32 @!p0 s3, s7;
	s7 =	simm.s32 @!p0 $0x108  }
0x21: {  	s3 =	sadd.s32 s3, s9;
	s6 =	sadd.s32 @!p0 $0x88, s6;
	s7 =	simm.s32 @p2 $0x1082  }
0x22: {  	[simem:s7], [sflag:s8] =	dma.local @!p0 [hbm:s6], $0xF7A  }
0x23: {  	s9 =	sor.u32 $0xD0000000, s2;
	s6 =	simm.s32 $0x108;
	_ =	swait.ge @!p0 [sflag:s8], $0x0  }
0x24: {  	s3 =	sadd.s32 $0x88, s3;
	s6 =	simm.s32 @!p1 $0x1082;
	[sflag:s4] =	ssyncset.s32 $0xFFFFF086  }
0x25: {  	[simem:s6], [sflag:s4] =	dma.local [hbm:s3], $0xF7A  }
0x26: {  	[smem:$0x3F85] =	sst s1;
	(tag) =	ssettag s2;
	_ =	strace s9  }
0x27: {  	s1 =	sld [smem:$0x3F95]  }
0x28: {  	s2 =	sld [smem:$0x3F96]  }
0x29: {  	s4 =	sld [smem:$0x3F98]  }
0x2a: {  	p0 =	seq.s32 s5, $0x0;
	s5 =	sld [smem:$0x3F99]  }
0x2b: {  	s6 =	sld [smem:$0x3F9A]  }
0x2c: {  	s7 =	sld [smem:$0x3F9B]  }
0x2d: {  	s3 =	simm.s32 $0x108;
	s8 =	sld [smem:$0x3F9C]  }
0x2e: {  	s3 =	simm.s32 @!p0 $0x1082;
	s9 =	sld [smem:$0x3F9D]  }
0x2f: {  	lr =	sadd.s32 s0, s3;
	s0 =	sld [smem:$0x3F94]  }
0x30: {  	s3 =	sld [smem:$0x3F97]  }
0x31: {  	[smem:$0x3FA0] =	sst s10  }
0x32: {  	s10 =	sld [smem:$0x3F9E];
	_ =	sdelay $0x3  }
0x33: {  	p0 =	seq.s32 s10, $0x1;
	s10 =	sld [smem:$0x3FA0];
	_ =	sdelay $0x3  }
0x34: {  	[smem:$0x3FA0] =	sst s10  }
0x35: {  	s10 =	sld [smem:$0x3F9F];
	_ =	sdelay $0x3  }
0x36: {  	p1 =	seq.s32 s10, $0x1;
	s10 =	sld [smem:$0x3FA0];
	_ =	sdelay $0x3  }
0x37: {  	[smem:$0x3FA0] =	sst s10  }
0x38: {  	s10 =	sld [smem:$0x3FA1]  }
0x39: {  	_ = 	snop;
	(pc) =	sbr.ind lr, $3  }
0x3a: {  	_ = 	snop  }
0x3b: {  	_ = 	snop  }
0x3c: {  	p2 =	seq.s32 s10, $0x1;
	s10 =	sld [smem:$0x3FA0]  }
0x3d: {  	_ =	shalt  }
0x3e: {  	_ =	shalt  }
0x3f: {  	_ =	shalt  }
0x40: {  	_ =	shalt  }
0x41: {  	_ =	shalt  }
0x42: {  	_ =	shalt  }
0x43: {  	_ =	shalt  }
0x44: {  	_ =	shalt  }
0x45: {  	_ =	shalt  }
0x46: {  	_ =	shalt  }
0x47: {  	_ =	shalt  }
0x48: {  	_ =	shalt  }
0x49: {  	_ =	shalt  }
0x4a: {  	_ =	shalt  }
0x4b: {  	_ =	shalt  }
0x4c: {  	_ =	shalt  }
0x4d: {  	_ =	shalt  }
0x4e: {  	_ =	shalt  }
0x4f: {  	_ =	shalt  }
0x50: {  	_ =	shalt  }
0x51: {  	_ =	shalt  }
0x52: {  	_ =	shalt  }
0x53: {  	_ =	shalt  }
0x54: {  	_ =	shalt  }
0x55: {  	_ =	shalt  }
0x56: {  	_ =	shalt  }
0x57: {  	_ =	shalt  }
0x58: {  	_ =	shalt  }
0x59: {  	_ =	shalt  }
0x5a: {  	_ =	shalt  }
0x5b: {  	_ =	shalt  }
0x5c: {  	_ =	shalt  }
0x5d: {  	_ =	shalt  }
0x5e: {  	_ =	shalt  }
0x5f: {  	_ =	shalt  }
0x60: {  	_ =	shalt  }
0x61: {  	_ =	shalt  }
0x62: {  	_ =	shalt  }
0x63: {  	_ =	shalt  }
0x64: {  	_ =	shalt  }
0x65: {  	_ =	shalt  }
0x66: {  	_ =	shalt  }
0x67: {  	_ =	shalt  }
0x68: {  	_ =	shalt  }
0x69: {  	_ =	shalt  }
0x6a: {  	_ =	shalt  }
0x6b: {  	_ =	shalt  }
0x6c: {  	_ =	shalt  }
0x6d: {  	_ =	shalt  }
0x6e: {  	_ =	shalt  }
0x6f: {  	_ =	shalt  }
0x70: {  	_ =	shalt  }
0x71: {  	_ =	shalt  }
0x72: {  	_ =	shalt  }
0x73: {  	_ =	shalt  }
0x74: {  	_ =	shalt  }
0x75: {  	_ =	shalt  }
0x76: {  	_ =	shalt  }
0x77: {  	_ =	shalt  }
0x78: {  	_ =	shalt  }
0x79: {  	_ =	shalt  }
0x7a: {  	_ =	shalt  }
0x7b: {  	_ =	shalt  }
0x7c: {  	_ =	shalt  }
0x7d: {  	_ =	shalt  }
0x7e: {  	_ =	shalt  }
0x7f: {  	_ =	shalt  }
0x80: {  	_ =	shalt  }
0x81: {  	_ =	shalt  }
0x82: {  	_ =	shalt  }
0x83: {  	_ =	shalt  }
0x84: {  	_ =	shalt  }
0x85: {  	_ =	shalt  }
0x86: {  	_ =	shalt  }
0x87: {  	_ =	shalt  }
.Lfunc_end0:
.L_simem_size_0:
called_computation.2_lowered:
.L_overlay_start_0:
0x88: {  	s2 =	sld [smem:$0x3FD9]  }
0x89: {  	s3 =	sld [smem:$0x3FFE];
	_ =	sdelay $0x1  }
0x8a: {  	s1 =	srdreg.scid  }
0x8b: {  	s0 =	sand.u32 $0x1, s1  }
0x8c: {  	s17 =	sshll.u32 s0, $0xA;
	s2 =	sadd.s32 s3, s2  }
0x8d: {  	s2 =	sadd.s32 s2, s17  }
0x8e: {  	[smem:$0x3FAC] =	sst s2  }
0x8f: {  	_ = 	snop  }
0x90: {  	s2 =	sld [smem:$0x3FD0];
	(tm) =	ssettm $0x1  }
0x91: {  	s18 =	sld [smem:$0x3FFB];
	_ =	sdelay $0x3  }
0x92: {  	_ =	strace s18  }
0x93: {  	s3 =	sld [smem:$0x3FFC];
	_ =	sdelay $0x3  }
0x94: {  	_ =	strace s3  }
0x95: {  	s3 =	sld [smem:$0x3FFD];
	_ =	sdelay $0x3  }
0x96: {  	_ =	strace s3  }
0x97: {  	_ =	strace $0x8FFFFFFF  }
0x98: {  	s19 =	sld [smem:$0x3FDB];
	_ =	sdelay $0x1  }
0x99: {  	s4 =	simm.s32 $_scs_section_size  }
0x9a: {  	s5 =	simm.s32 $_size__tile_overlayer_lowered;
	s6 =	simm.s32 $_tile_overlayer_lowered  }
0x9b: {  	s22 =	simm.s32 $0x1BFF;
	s21 =	sshll.u32 s6, $0x1;
	s3 =	sadd.s32 s4, s19  }
0x9c: {  	s7 =	simm.s32 $0x0;
	s20 =	sshll.u32 s5, $0x1;
	s5 =	sadd.s32 s21, s3  }
0x9d: {  	[timem:s7], [sflag:s22] =	dma.local [hbm:s5], s20  }
0x9e: {  	_ =	swait.ge [sflag:s22], s20  }
0x9f: {  	s4 =	ssub.s32 $0x0, s20;
	[sflag:s22] =	ssyncset.done $0x0  }
0xa0: {  	[sflag:s22] =	ssyncadd.s32 s4;
	_ =	sdelay $0x1  }
0xa1: {  	s23 =	simm.s32 $0x1B8B  }
0xa2: {  	_ =	swait.ge [sflag:s23], $0x1  }
0xa3: {  	[sflag:s23] =	ssyncset.done $0x0  }
0xa4: {  	s25 =	simm.s32 $0x1B8E;
	s24 =	sld [smem:$0x3FFE];
	[sflag:s23] =	ssyncadd.s32 $0xFFFFFFFF  }
0xa5: {  	s26 =	simm.s32 $execute0_lowered;
	[smem:$0x3FD2] =	sst s25  }
0xa6: {  	s5 =	sshll.u32 s26, $0x1;
	_ =	strace $0x8000004C;
	[dreg:$0x1] =	wrdreg $0xFFFFFFFF  }
0xa7: {  	s28 =	simm.s32 $_size_execute0_lowered;
	s3 =	sadd.s32 s3, s5;
	[dreg:$0x0] =	wrdreg $0x0  }
0xa8: {  	s5 =	sshll.u32 s28, $0x1;
	[dreg:$0x2] =	wrdreg s3  }
0xa9: {  	[dreg:$0x3] =	wrdreg s5  }
0xaa: {  	[dreg:$0x4] =	wrdreg $0xC0  }
0xab: {  	_ =	task [dreg:s7], $0x5FFFF  }
0xac: {  	[dreg:$0x1] =	wrdreg $0xFFFFFFFF  }
0xad: {  	[dreg:$0x0] =	wrdreg $0x60  }
0xae: {  	[dreg:$0x2] =	wrdreg s24  }
0xaf: {  	[dreg:$0x3] =	wrdreg s2  }
0xb0: {  	[dreg:$0x4] =	wrdreg $0x84000  }
0xb1: {  	[dreg:$0x5] =	wrdreg $0x9  }
0xb2: {  	_ =	task.clear_ibuf [dreg:s7], $0x6FFFF;
	_ =	strace $0x9000004C  }
0xb3: {  	s29 =	simm.s32 $0x9;
	_ =	strace $0x8000004E  }
0xb4: {  	_ =	swait.ge [sflag:s29], $0x1  }
0xb5: {  	[sflag:s29] =	ssyncadd.s32 $0xFFFFFFFF  }
0xb6: {  	_ =	strace $0x9000004E  }
0xb7: {  	_ =	sfence  }
0xb8: {  	s30 =	sld [smem:$0x0];
	_ =	sdelay $0x2  }
0xb9: {  	s31 =	sshll.u32 s1, $0xD;
	s1 =	sshrl.u32 s1, $0x2  }
0xba: {  	s3 =	sand.u32 $0x4000, s31;
	s1 =	sadd.s32 s1, s30  }
0xbb: {  	s0 =	sor.u32 s3, s0;
	s1 =	sshll.u32 s1, $0x11  }
0xbc: {  	s0 =	sor.u32 s1, s0  }
0xbd: {  	s0 =	sadd.s32 $0x8F2B, s0  }
0xbe: {  	[sflag:s0] =	ssyncadd.remote.s32 $0x1  }
0xbf: {  	_ =	sfence.sel $0xFFFF  }
0xc0: {  	[dreg:$0x0] =	wrdreg $0xFFFFFFFF;
	(pc) =	sbr.abs _section_cstart, $3  }
0xc1: {  	[dreg:$0x1] =	wrdreg $0xFFFFFFFF  }
0xc2: {  	_ =	task.clear_ibuf [dreg:s7], $0x2FFFF;
	_ =	strace $0x9FFFFFFF  }
0xc3: {  	(tm) =	ssettm $0x7FFFFFFF  }
tec
execute0_lowered:
.L_overlay_start_1:
0x0: {  	(tag) =	ssettag $0x1  }
0x1: {  	s0 =	rddreg [dreg:$0x0]  }
0x2: {  	s2 =	rddreg [dreg:$0x2]  }
0x3: {  	s3 =	srdreg.scid;
	s4 =	simm.s32 $0x0;
	s1 =	stileid.u32  }
0x4: {  	s28 =	simm.s32 $0x3;
	s29 =	simm.s32 $0x2;
	s30 =	simm.s32 $0x180  }
0x5: {  	s31 =	simm.s32 $0x380;
	s3 =	sand.u32 $0x1, s3;
	s7 =	smul.u32 $0x14000, s1  }
0x6: {  	[smem:$0x7FF] =	sst s4;
	s5 =	sadd.s32 $0x1B600, s0;
	s9 =	smul.u32 $0x50000, s1  }
0x7: {  	s16 =	sadd.s32 $0x7600, s0;
	s15 =	sadd.s32 $0x11600, s0;
	s21 =	smul.u32 $0x5000, s1  }
0x8: {  	s18 =	sshll.u32 s1, $0x1;
	s6 =	smul.u32 $0x140000, s3;
	s8 =	ssub.s32 $0x2, s3  }
0x9: {  	s22 =	sshll.u32 s1, $0x6;
	_ =	strace $0x8000004D;
	s19 =	sshrl.u32 s8, $0x1  }
0xa: {  	s20 =	sshrl.u32 s9, $0x2;
	s6 =	sadd.s32 s7, s6;
	s7 =	sor.u32 s3, s18  }
0xb: {  	s12 =	ssub.s32 s8, s19;
	s3 =	smul.u32 $0x2800, s3;
	s17 =	sadd.s32 s20, s2  }
0xc: {  	s18 =	simm.s32 $0x4;
	s19 =	simm.s32 $0x100;
	s20 =	simm.s32 $0x200  }
0xd: {  	s6 =	sshrl.u32 s6, $0x3;
	s7 =	smul.u32 $0x2800, s7;
	s12 =	smax.u32 s12, $0x1  }
0xe: {  	s17 =	sshrl.u32 s17, $0x3;
	s0 =	sadd.s32 s6, s0;
	s6 =	sor.u32 $0x1C04, s22  }
0xf: {  	s3 =	sadd.s32 s3, s21;
	s21 =	simm.s32 $0x300;
	s22 =	simm.s32 $0x7D  }
0x10: {  	s10 =	sshrl.u32 s7, $0x3;
	s13 =	sor.u32 $0x300, s3;
	s11 =	sadd.s32 $0x42800, s0  }
0x11: {  	s3 =	sor.u32 $0x200, s3;
	s0 =	simm.s32 $0x0;
	s23 =	sadd.s32 s16, s10  }
0x12: {  	s24 =	sadd.s32 s15, s10;
	s10 =	sor.u32 $0x20, s10;
	s26 =	sshrl.u32 s13, $0x3  }
.Ltmp0:
0x13: {  	s3 =	sshrl.u32 s3, $0x3;
	[dreg:$0x4] =	wrdreg s23;
	(pc) =	sbr.rel .LBB2_1-.Ltmp0, $4  }
0x14: {  	[dreg:$0x5] =	wrdreg s24;
	s25 =	sadd.s32 s16, s10;
	s10 =	sadd.s32 s15, s10  }
0x15: {  	s13 =	sadd.s32 s26, s15;
	s14 =	sadd.s32 s26, s16;
	s15 =	sadd.s32 s3, s15  }
0x16: {  	s16 =	sadd.s32 s3, s16;
	s23 =	simm.s32 $0x400;
	s24 =	simm.s32 $0x80  }
0x17: {  	s26 =	simm.s32 $0x1;
	[dreg:$0x6] =	wrdreg s25;
	s25 =	simm.s32 $0x4400  }
.LBB2_4:
0x18: {  	s0 =	sadd.s32 $0x1, s0  }
0x19: {  	p0 =	sne.s32 s0, s12  }
.Ltmp1:
0x1a: {  	[bflag:$0x0] =	sbarrier.arrive $0xFFFF;
	(pc) =	sbr.rel @!p0 .LBB2_5-.Ltmp1, $4  }
0x1b: {  	[hbm:s11], [sflag:s6] =	dma.local [spmem:s17], $0x2800  }
0x1c: {  	_ =	swait.ge [sflag:s18], $0x2800  }
0x1d: {  	[sflag:s18] =	ssyncset.done $0x0  }
0x1e: {  	[sflag:s18] =	ssyncadd.s32 $0xFFFFD800  }
.LBB2_1:
0x1f: {  	s1 =	rddreg [dreg:$0x1]  }
0x20: {  	[spmem:s17], [sflag:s6] =	dma.local [hbm:s1], $0x2800  }
0x21: {  	_ =	swait.ge [sflag:s18], $0x2800  }
0x22: {  	[sflag:s18] =	ssyncset.done $0x0  }
0x23: {  	s7 =	rddreg [dreg:$0x4];
	[sflag:s18] =	ssyncadd.s32 $0xFFFFD800  }
0x24: {  	[tilespmem:s4], [sflag:$0x4] =	stream.linear.gather [hbm4b:s7+s4], $0x100, $0x38;
	[tilespmem:$0x1C400] =	vst v63  }
0x25: {  	_ =	swait.ge [sflag:s18], $0x100  }
0x26: {  	[sflag:s18] =	ssyncset.done $0x0  }
0x27: {  	s8 =	rddreg [dreg:$0x5];
	[sflag:s18] =	ssyncadd.s32 $0xFFFFFF00  }
0x28: {  	[tilespmem:s19], [sflag:$0x4] =	stream.linear.gather [hbm4b:s8+s4], $0x100, $0x38;
	[tilespmem:$0x1C400] =	vst v63  }
0x29: {  	_ =	swait.ge [sflag:s18], $0x100  }
0x2a: {  	[sflag:s18] =	ssyncset.done $0x0  }
0x2b: {  	s9 =	rddreg [dreg:$0x6];
	[sflag:s18] =	ssyncadd.s32 $0xFFFFFF00  }
0x2c: {  	[tilespmem:s20], [sflag:$0x3] =	stream.linear.gather [hbm4b:s9+s4], $0x100, $0x38;
	[tilespmem:$0x1C400] =	vst v63  }
0x2d: {  	_ = 	snop  }
0x2e: {  	[tilespmem:s21], [sflag:$0x3] =	stream.linear.gather [hbm4b:s10+s4], $0x100, $0x38;
	[tilespmem:$0x1C400] =	vst v63  }
0x2f: {  	_ = 	snop  }
0x30: {  	[tilespmem:s23], [sflag:$0x1] =	stream.indirect.gather [hbm4b:s5+s22], $0x80, s4, s22, $0xb8;
	[tilespmem:$0x1C400] =	vst v63  }
0x31: {  	s3 =	simm.s32 $0x0;
	[bflag:$0x0] =	sbarrier.arrive $0xFFFF  }
.LBB2_2:
0x32: {  	[tilespmem:s25], [sflag:$0x2] =	stream.indirect.gather [hbm4b:s5+s22], $0x80, s24, s22, $0xb8;
	[tilespmem:$0x1C400] =	vst v63  }
0x33: {  	_ =	swait.ge [sflag:s26], $0x3E80  }
0x34: {  	[sflag:s26] =	ssyncset.done $0x0  }
0x35: {  	[sflag:s26] =	ssyncadd.s32 $0xFFFFC180  }
0x36: {  	[spmem:s2] =	stream.indirect.scatter.add.f32 [tilespmem:s23], [sflag:$0x4], $0x80, s19, s22, $0xb8;
	[tilespmem:$0x1C400] =	vst v63  }
0x37: {  	_ =	swait.ge [sflag:s18], $0x3E80  }
0x38: {  	[sflag:s18] =	ssyncset.done $0x0  }
0x39: {  	[sflag:s18] =	ssyncadd.s32 $0xFFFFC180  }
0x3a: {  	_ =	swait.ge [sflag:s28], $0x100  }
0x3b: {  	[sflag:s28] =	ssyncset.done $0x0  }
0x3c: {  	[sflag:s28] =	ssyncadd.s32 $0xFFFFFF00  }
0x3d: {  	_ =	swait.ge [sflag:s28], $0x100  }
0x3e: {  	[sflag:s28] =	ssyncset.done $0x0  }
0x3f: {  	[sflag:s28] =	ssyncadd.s32 $0xFFFFFF00  }
0x40: {  	[tilespmem:s23], [sflag:$0x1] =	stream.indirect.gather [hbm4b:s5+s22], $0x80, s20, s22, $0xb8;
	[tilespmem:$0x1C400] =	vst v63  }
0x41: {  	_ =	swait.ge [sflag:s29], $0x3E80  }
0x42: {  	[sflag:s29] =	ssyncset.done $0x0  }
0x43: {  	[sflag:s29] =	ssyncadd.s32 $0xFFFFC180  }
0x44: {  	[spmem:s2] =	stream.indirect.scatter.add.f32 [tilespmem:s25], [sflag:$0x4], $0x80, s30, s22, $0xb8;
	[tilespmem:$0x1C400] =	vst v63  }
0x45: {  	p0 =	seq.s32 s3, $0x4C0;
	_ =	swait.ge [sflag:s18], $0x3E80  }
0x46: {  	s1 =	simm.s32 @p0 $0x7D;
	[sflag:s18] =	ssyncset.done $0x0  }
0x47: {  	s7 =	simm.s32 @p0 $0x280;
	s8 =	simm.s32 @p0 $0x4400;
	[sflag:s18] =	ssyncadd.s32 $0xFFFFC180  }
0x48: {  	[tilespmem:s8], [sflag:$0x2] =	stream.indirect.gather @p0 [hbm4b:s5+s1], $0x80, s7, s1, $0xb8;
	[tilespmem:$0x1C400] =	vst v63  }
0x49: {  	s7 =	simm.s32 @p0 $0x1  }
0x4a: {  	_ =	swait.ge @p0 [sflag:s7], $0x3E80  }
0x4b: {  	[sflag:s7] =	ssyncset.done @p0 $0x0  }
0x4c: {  	s8 =	simm.s32 @p0 $0x400;
	[sflag:s7] =	ssyncadd.s32 @p0 $0xFFFFC180;
	s7 =	simm.s32 @p0 $0x300  }
0x4d: {  	[spmem:s2] =	stream.indirect.scatter.add.f32 @p0 [tilespmem:s8], [sflag:$0x4], $0x80, s7, s1, $0xb8;
	[tilespmem:$0x1C400] =	vst v63  }
0x4e: {  	s1 =	simm.s32 @p0 $0x4  }
0x4f: {  	_ =	swait.ge @p0 [sflag:s1], $0x3E80  }
0x50: {  	[sflag:s1] =	ssyncset.done @p0 $0x0  }
0x51: {  	s7 =	simm.s32 @!p0 $0x0;
	[sflag:s1] =	ssyncadd.s32 @p0 $0xFFFFC180;
	s1 =	sadd.s32 @!p0 s3, s16  }
0x52: {  	[tilespmem:s7], [sflag:$0x3] =	stream.linear.gather @!p0 [hbm4b:s1+s7], $0x100, $0x38;
	[tilespmem:$0x1C400] =	vst v63  }
0x53: {  	s8 =	simm.s32 @!p0 $0x100;
	s1 =	sadd.s32 @!p0 s3, s15  }
0x54: {  	[tilespmem:s8], [sflag:$0x3] =	stream.linear.gather @!p0 [hbm4b:s1+s7], $0x100, $0x38;
	[tilespmem:$0x1C400] =	vst v63  }
0x55: {  	s9 =	simm.s32 @!p0 $0x4400;
	s1 =	simm.s32 @!p0 $0x7D;
	s8 =	simm.s32 @!p0 $0x280  }
0x56: {  	[tilespmem:s9], [sflag:$0x2] =	stream.indirect.gather @!p0 [hbm4b:s5+s1], $0x80, s8, s1, $0xb8;
	[tilespmem:$0x1C400] =	vst v63  }
0x57: {  	s8 =	simm.s32 @!p0 $0x1  }
0x58: {  	_ =	swait.ge @!p0 [sflag:s8], $0x3E80  }
0x59: {  	[sflag:s8] =	ssyncset.done @!p0 $0x0  }
0x5a: {  	s9 =	simm.s32 @!p0 $0x400;
	[sflag:s8] =	ssyncadd.s32 @!p0 $0xFFFFC180;
	s8 =	simm.s32 @!p0 $0x300  }
0x5b: {  	[spmem:s2] =	stream.indirect.scatter.add.f32 @!p0 [tilespmem:s9], [sflag:$0x4], $0x80, s8, s1, $0xb8;
	[tilespmem:$0x1C400] =	vst v63  }
0x5c: {  	s8 =	simm.s32 @!p0 $0x4  }
0x5d: {  	_ =	swait.ge @!p0 [sflag:s8], $0x3E80  }
0x5e: {  	[sflag:s8] =	ssyncset.done @!p0 $0x0  }
0x5f: {  	[sflag:s8] =	ssyncadd.s32 @!p0 $0xFFFFC180;
	s8 =	simm.s32 @!p0 $0x3  }
0x60: {  	_ =	swait.ge @!p0 [sflag:s8], $0x100  }
0x61: {  	[sflag:s8] =	ssyncset.done @!p0 $0x0  }
0x62: {  	[sflag:s8] =	ssyncadd.s32 @!p0 $0xFFFFFF00  }
0x63: {  	_ =	swait.ge @!p0 [sflag:s8], $0x100  }
0x64: {  	[sflag:s8] =	ssyncset.done @!p0 $0x0  }
0x65: {  	[sflag:s8] =	ssyncadd.s32 @!p0 $0xFFFFFF00  }
0x66: {  	[tilespmem:s9], [sflag:$0x1] =	stream.indirect.gather @!p0 [hbm4b:s5+s1], $0x80, s7, s1, $0xb8;
	[tilespmem:$0x1C400] =	vst v63  }
0x67: {  	_ =	swait.ge [sflag:s29], $0x3E80  }
0x68: {  	[sflag:s29] =	ssyncset.done $0x0  }
.Ltmp2:
0x69: {  	[sflag:s29] =	ssyncadd.s32 $0xFFFFC180;
	(pc) =	sbr.rel @p0 .LBB2_4-.Ltmp2, $4  }
0x6a: {  	[spmem:s2] =	stream.indirect.scatter.add.f32 [tilespmem:s25], [sflag:$0x4], $0x80, s31, s22, $0xb8;
	[tilespmem:$0x1C400] =	vst v63  }
0x6b: {  	_ =	swait.ge [sflag:s18], $0x3E80  }
0x6c: {  	[sflag:s18] =	ssyncset.done $0x0  }
0x6d: {  	[sflag:s18] =	ssyncadd.s32 $0xFFFFC180  }
.Ltmp3:
0x6e: {  	(pc) =	sbr.rel .LBB2_2-.Ltmp3, $4  }
0x6f: {  	s1 =	sadd.s32 s3, s14  }
0x70: {  	[tilespmem:s20], [sflag:$0x3] =	stream.linear.gather [hbm4b:s1+s4], $0x100, $0x38;
	[tilespmem:$0x1C400] =	vst v63  }
0x71: {  	s9 =	sadd.s32 s3, s13;
	s3 =	sadd.s32 $0x40, s3  }
0x72: {  	[tilespmem:s21], [sflag:$0x3] =	stream.linear.gather [hbm4b:s9+s4], $0x100, $0x38;
	[tilespmem:$0x1C400] =	vst v63  }
.LBB2_5:
0x73: {  	_ =	sfence.sel $0x180000  }
0x74: {  	[bflag:$0x0] =	sbarrier.arrive $0xFFFF  }
0x75: {  	_ =	strace $0x9000004D  }
0x76: {  	s0 =	stileid.u32;
	[bflag:$0x2] =	sbarrier.arrive $0xFFFF  }
0x77: {  	p0 =	sne.s32 s0, $0x0;
	s0 =	rddreg [dreg:$0x3]  }
0x78: {  	s0 =	sadd.s32 @!p0 $0x100000, s0  }
0x79: {  	[sflag:s0] =	ssyncadd.tile.s32 @!p0 $0x1;
	_ =	shalt  }
.Lfunc_end2:
_tile_overlayer_lowered:
.L_overlay_start_2:
0x7a: {  	(tag) =	ssettag $0x2  }
0x7b: {  	s0 =	rddreg [dreg:$0x0];
	s2 =	stileid.u32  }
0x7c: {  	s1 =	rddreg [dreg:$0x1];
	p0 =	sne.s32 s2, $0x0  }
0x7d: {  	s3 =	rddreg [dreg:$0x2];
	[bflag:$0x3] =	sbarrier.arrive $0xFFFF;
	s2 =	simm.s32 @!p0 $0x1C04  }
0x7e: {  	[timem:s3], [sflag:s2] =	dma.local @!p0 [hbm:s0], s1  }
0x7f: {  	s0 =	simm.s32 @!p0 $0x4  }
0x80: {  	_ =	swait.ge @!p0 [sflag:s0], s1  }
0x81: {  	s1 =	ssub.s32 @!p0 $0x0, s1;
	[sflag:s0] =	ssyncset.done @!p0 $0x0  }
0x82: {  	[sflag:s0] =	ssyncadd.s32 @!p0 s1  }
0x83: {  	[bflag:$0x3] =	sbarrier.arrive $0xFFFF  }
0x84: {  	_ =	shalt  }

// kernel: kernel.23.cloned.1.call-start
scs
__scs_entry_jumppad:
0x0: {  	(pc) =	sbr.rel $0x88, $3  }
0x1: {  	(tag) =	ssettag $0x0;
	lr =	simm.s32 $0x1  }
0x2: {  	[smem:$0x3F85] =	sst lr;
	_ =	strace $0xD0000000  }
0x3: {  	_ = 	snop  }
0x4: {  	_ = 	snop  }
0x5: {  	_ = 	snop  }
0x6: {  	_ = 	snop  }
0x7: {  	_ = 	snop  }
__scs_overlays_trampoline_lowered:
0x8: {  	[smem:$0x3F94] =	sst s0  }
0x9: {  	[smem:$0x3F95] =	sst s1  }
0xa: {  	[smem:$0x3F96] =	sst s2  }
0xb: {  	[smem:$0x3F97] =	sst s3  }
0xc: {  	[smem:$0x3F98] =	sst s4  }
0xd: {  	[smem:$0x3F99] =	sst s5  }
0xe: {  	[smem:$0x3F9A] =	sst s6  }
0xf: {  	[smem:$0x3F9B] =	sst s7  }
0x10: {  	[smem:$0x3F9C] =	sst s8  }
0x11: {  	[smem:$0x3F9D] =	sst s9;
	s0 =	simm.s32 @!p0 $0x0  }
0x12: {  	s1 =	sld [smem:$0x3F83];
	s0 =	simm.s32 @p0 $0x1  }
0x13: {  	[smem:$0x3F9E] =	sst s0;
	s0 =	simm.s32 @!p1 $0x0  }
0x14: {  	s2 =	sld [smem:$0x3F82];
	s0 =	simm.s32 @p1 $0x1  }
0x15: {  	[smem:$0x3F9F] =	sst s0;
	s0 =	simm.s32 @!p2 $0x0  }
0x16: {  	s3 =	sld [smem:$0x3FDB];
	s0 =	simm.s32 @p2 $0x1  }
0x17: {  	s4 =	simm.s32 $0x1BF5;
	[smem:$0x3FA1] =	sst s0  }
0x18: {  	s0 =	sld [smem:$0x3F84];
	_ =	swait.ge [sflag:s4], $0x0  }
0x19: {  	s7 =	sld [smem:$0x3F85]  }
0x1a: {  	s8 =	sadd.s32 $0xFFFFE003, lr  }
0x1b: {  	s9 =	sadd.s32 $0xFFFFFEF7, lr;
	s5 =	simm.s32 $0xFFFFFFFF;
	p2 =	slt.u32 s8, $0xFFFFF086  }
0x1c: {  	p1 =	slt.u32 s9, $0xF7A;
	s5 =	simm.s32 @!p2 $0x0  }
0x1d: {  	s5 =	simm.s32 @p1 $0x1;
	p0 =	seq.s32 s7, s2  }
0x1e: {  	s7 =	smul.u32 @!p0 $0xF7A, s2;
	p2 =	seq.s32 @!p0 s5, $0x0  }
0x1f: {  	s9 =	smul.u32 $0xF7A, s1;
	s8 =	simm.s32 @!p0 $0x1BF5;
	p2 =	por !p2, p0  }
0x20: {  	[sflag:s8] =	ssyncset.s32 @!p0 $0xFFFFF086;
	s6 =	sadd.s32 @!p0 s3, s7;
	s7 =	simm.s32 @!p0 $0x108  }
0x21: {  	s3 =	sadd.s32 s3, s9;
	s6 =	sadd.s32 @!p0 $0x88, s6;
	s7 =	simm.s32 @p2 $0x1082  }
0x22: {  	[simem:s7], [sflag:s8] =	dma.local @!p0 [hbm:s6], $0xF7A  }
0x23: {  	s9 =	sor.u32 $0xD0000000, s2;
	s6 =	simm.s32 $0x108;
	_ =	swait.ge @!p0 [sflag:s8], $0x0  }
0x24: {  	s3 =	sadd.s32 $0x88, s3;
	s6 =	simm.s32 @!p1 $0x1082;
	[sflag:s4] =	ssyncset.s32 $0xFFFFF086  }
0x25: {  	[simem:s6], [sflag:s4] =	dma.local [hbm:s3], $0xF7A  }
0x26: {  	[smem:$0x3F85] =	sst s1;
	(tag) =	ssettag s2;
	_ =	strace s9  }
0x27: {  	s1 =	sld [smem:$0x3F95]  }
0x28: {  	s2 =	sld [smem:$0x3F96]  }
0x29: {  	s4 =	sld [smem:$0x3F98]  }
0x2a: {  	p0 =	seq.s32 s5, $0x0;
	s5 =	sld [smem:$0x3F99]  }
0x2b: {  	s6 =	sld [smem:$0x3F9A]  }
0x2c: {  	s7 =	sld [smem:$0x3F9B]  }
0x2d: {  	s3 =	simm.s32 $0x108;
	s8 =	sld [smem:$0x3F9C]  }
0x2e: {  	s3 =	simm.s32 @!p0 $0x1082;
	s9 =	sld [smem:$0x3F9D]  }
0x2f: {  	lr =	sadd.s32 s0, s3;
	s0 =	sld [smem:$0x3F94]  }
0x30: {  	s3 =	sld [smem:$0x3F97]  }
0x31: {  	[smem:$0x3FA0] =	sst s10  }
0x32: {  	s10 =	sld [smem:$0x3F9E];
	_ =	sdelay $0x3  }
0x33: {  	p0 =	seq.s32 s10, $0x1;
	s10 =	sld [smem:$0x3FA0];
	_ =	sdelay $0x3  }
0x34: {  	[smem:$0x3FA0] =	sst s10  }
0x35: {  	s10 =	sld [smem:$0x3F9F];
	_ =	sdelay $0x3  }
0x36: {  	p1 =	seq.s32 s10, $0x1;
	s10 =	sld [smem:$0x3FA0];
	_ =	sdelay $0x3  }
0x37: {  	[smem:$0x3FA0] =	sst s10  }
0x38: {  	s10 =	sld [smem:$0x3FA1]  }
0x39: {  	_ = 	snop;
	(pc) =	sbr.ind lr, $3  }
0x3a: {  	_ = 	snop  }
0x3b: {  	_ = 	snop  }
0x3c: {  	p2 =	seq.s32 s10, $0x1;
	s10 =	sld [smem:$0x3FA0]  }
0x3d: {  	_ =	shalt  }
0x3e: {  	_ =	shalt  }
0x3f: {  	_ =	shalt  }
0x40: {  	_ =	shalt  }
0x41: {  	_ =	shalt  }
0x42: {  	_ =	shalt  }
0x43: {  	_ =	shalt  }
0x44: {  	_ =	shalt  }
0x45: {  	_ =	shalt  }
0x46: {  	_ =	shalt  }
0x47: {  	_ =	shalt  }
0x48: {  	_ =	shalt  }
0x49: {  	_ =	shalt  }
0x4a: {  	_ =	shalt  }
0x4b: {  	_ =	shalt  }
0x4c: {  	_ =	shalt  }
0x4d: {  	_ =	shalt  }
0x4e: {  	_ =	shalt  }
0x4f: {  	_ =	shalt  }
0x50: {  	_ =	shalt  }
0x51: {  	_ =	shalt  }
0x52: {  	_ =	shalt  }
0x53: {  	_ =	shalt  }
0x54: {  	_ =	shalt  }
0x55: {  	_ =	shalt  }
0x56: {  	_ =	shalt  }
0x57: {  	_ =	shalt  }
0x58: {  	_ =	shalt  }
0x59: {  	_ =	shalt  }
0x5a: {  	_ =	shalt  }
0x5b: {  	_ =	shalt  }
0x5c: {  	_ =	shalt  }
0x5d: {  	_ =	shalt  }
0x5e: {  	_ =	shalt  }
0x5f: {  	_ =	shalt  }
0x60: {  	_ =	shalt  }
0x61: {  	_ =	shalt  }
0x62: {  	_ =	shalt  }
0x63: {  	_ =	shalt  }
0x64: {  	_ =	shalt  }
0x65: {  	_ =	shalt  }
0x66: {  	_ =	shalt  }
0x67: {  	_ =	shalt  }
0x68: {  	_ =	shalt  }
0x69: {  	_ =	shalt  }
0x6a: {  	_ =	shalt  }
0x6b: {  	_ =	shalt  }
0x6c: {  	_ =	shalt  }
0x6d: {  	_ =	shalt  }
0x6e: {  	_ =	shalt  }
0x6f: {  	_ =	shalt  }
0x70: {  	_ =	shalt  }
0x71: {  	_ =	shalt  }
0x72: {  	_ =	shalt  }
0x73: {  	_ =	shalt  }
0x74: {  	_ =	shalt  }
0x75: {  	_ =	shalt  }
0x76: {  	_ =	shalt  }
0x77: {  	_ =	shalt  }
0x78: {  	_ =	shalt  }
0x79: {  	_ =	shalt  }
0x7a: {  	_ =	shalt  }
0x7b: {  	_ =	shalt  }
0x7c: {  	_ =	shalt  }
0x7d: {  	_ =	shalt  }
0x7e: {  	_ =	shalt  }
0x7f: {  	_ =	shalt  }
0x80: {  	_ =	shalt  }
0x81: {  	_ =	shalt  }
0x82: {  	_ =	shalt  }
0x83: {  	_ =	shalt  }
0x84: {  	_ =	shalt  }
0x85: {  	_ =	shalt  }
0x86: {  	_ =	shalt  }
0x87: {  	_ =	shalt  }
.Lfunc_end0:
.L_simem_size_0:
called_computation.3_lowered:
.L_overlay_start_0:
0x88: {  	s2 =	sld [smem:$0x3FD9]  }
0x89: {  	s3 =	sld [smem:$0x3FFE];
	_ =	sdelay $0x1  }
0x8a: {  	s1 =	srdreg.scid  }
0x8b: {  	s0 =	sand.u32 $0x1, s1  }
0x8c: {  	s17 =	sshll.u32 s0, $0xA;
	s2 =	sadd.s32 s3, s2  }
0x8d: {  	s2 =	sadd.s32 s2, s17  }
0x8e: {  	[smem:$0x3FAC] =	sst s2  }
0x8f: {  	_ = 	snop  }
0x90: {  	s2 =	sld [smem:$0x3FD0];
	(tm) =	ssettm $0x1  }
0x91: {  	s18 =	sld [smem:$0x3FFB];
	_ =	sdelay $0x3  }
0x92: {  	_ =	strace s18  }
0x93: {  	s3 =	sld [smem:$0x3FFC];
	_ =	sdelay $0x3  }
0x94: {  	_ =	strace s3  }
0x95: {  	s3 =	sld [smem:$0x3FFD];
	_ =	sdelay $0x3  }
0x96: {  	_ =	strace s3  }
0x97: {  	_ =	strace $0x8FFFFFFF  }
0x98: {  	s19 =	sld [smem:$0x3FDB];
	_ =	sdelay $0x1  }
0x99: {  	s4 =	simm.s32 $_scs_section_size  }
0x9a: {  	s5 =	simm.s32 $_size__tile_overlayer_lowered;
	s6 =	simm.s32 $_tile_overlayer_lowered  }
0x9b: {  	s22 =	simm.s32 $0x1BFF;
	s21 =	sshll.u32 s6, $0x1;
	s3 =	sadd.s32 s4, s19  }
0x9c: {  	s7 =	simm.s32 $0x0;
	s20 =	sshll.u32 s5, $0x1;
	s5 =	sadd.s32 s21, s3  }
0x9d: {  	[timem:s7], [sflag:s22] =	dma.local [hbm:s5], s20  }
0x9e: {  	_ =	swait.ge [sflag:s22], s20  }
0x9f: {  	s4 =	ssub.s32 $0x0, s20;
	[sflag:s22] =	ssyncset.done $0x0  }
0xa0: {  	[sflag:s22] =	ssyncadd.s32 s4;
	_ =	sdelay $0x1  }
0xa1: {  	s23 =	simm.s32 $0x1B8B  }
0xa2: {  	_ =	swait.ge [sflag:s23], $0x1  }
0xa3: {  	[sflag:s23] =	ssyncset.done $0x0  }
0xa4: {  	s25 =	simm.s32 $0x1B8E;
	s24 =	sld [smem:$0x3FFE];
	[sflag:s23] =	ssyncadd.s32 $0xFFFFFFFF  }
0xa5: {  	s26 =	simm.s32 $execute0_lowered;
	[smem:$0x3FD2] =	sst s25  }
0xa6: {  	s5 =	sshll.u32 s26, $0x1;
	_ =	strace $0x8000004F;
	[dreg:$0x1] =	wrdreg $0xFFFFFFFF  }
0xa7: {  	s28 =	simm.s32 $_size_execute0_lowered;
	s3 =	sadd.s32 s3, s5;
	[dreg:$0x0] =	wrdreg $0x0  }
0xa8: {  	s5 =	sshll.u32 s28, $0x1;
	[dreg:$0x2] =	wrdreg s3  }
0xa9: {  	[dreg:$0x3] =	wrdreg s5  }
0xaa: {  	[dreg:$0x4] =	wrdreg $0xC0  }
0xab: {  	_ =	task [dreg:s7], $0x5FFFF  }
0xac: {  	[dreg:$0x1] =	wrdreg $0xFFFFFFFF  }
0xad: {  	[dreg:$0x0] =	wrdreg $0x60  }
0xae: {  	[dreg:$0x2] =	wrdreg s24  }
0xaf: {  	[dreg:$0x3] =	wrdreg s2  }
0xb0: {  	[dreg:$0x4] =	wrdreg $0x84000  }
0xb1: {  	[dreg:$0x5] =	wrdreg $0x9  }
0xb2: {  	_ =	task.clear_ibuf [dreg:s7], $0x6FFFF;
	_ =	strace $0x9000004F  }
0xb3: {  	s29 =	simm.s32 $0x9;
	_ =	strace $0x80000051  }
0xb4: {  	_ =	swait.ge [sflag:s29], $0x1  }
0xb5: {  	[sflag:s29] =	ssyncadd.s32 $0xFFFFFFFF  }
0xb6: {  	_ =	strace $0x90000051  }
0xb7: {  	_ =	sfence  }
0xb8: {  	s30 =	sld [smem:$0x0];
	_ =	sdelay $0x2  }
0xb9: {  	s31 =	sshll.u32 s1, $0xD;
	s1 =	sshrl.u32 s1, $0x2  }
0xba: {  	s3 =	sand.u32 $0x4000, s31;
	s1 =	sadd.s32 s1, s30  }
0xbb: {  	s0 =	sor.u32 s3, s0;
	s1 =	sshll.u32 s1, $0x11  }
0xbc: {  	s0 =	sor.u32 s1, s0  }
0xbd: {  	s0 =	sadd.s32 $0x8F2B, s0  }
0xbe: {  	[sflag:s0] =	ssyncadd.remote.s32 $0x1  }
0xbf: {  	_ =	sfence.sel $0xFFFF  }
0xc0: {  	[dreg:$0x0] =	wrdreg $0xFFFFFFFF;
	(pc) =	sbr.abs _section_cstart, $3  }
0xc1: {  	[dreg:$0x1] =	wrdreg $0xFFFFFFFF  }
0xc2: {  	_ =	task.clear_ibuf [dreg:s7], $0x2FFFF;
	_ =	strace $0x9FFFFFFF  }
0xc3: {  	(tm) =	ssettm $0x7FFFFFFF  }
tec
execute0_lowered:
.L_overlay_start_1:
0x0: {  	(tag) =	ssettag $0x1  }
0x1: {  	s0 =	rddreg [dreg:$0x0]  }
0x2: {  	s2 =	rddreg [dreg:$0x2]  }
0x3: {  	s3 =	srdreg.scid;
	s4 =	simm.s32 $0x0;
	s1 =	stileid.u32  }
0x4: {  	s28 =	simm.s32 $0x3;
	s29 =	simm.s32 $0x2;
	s30 =	simm.s32 $0x180  }
0x5: {  	s31 =	simm.s32 $0x380;
	s3 =	sand.u32 $0x1, s3;
	s7 =	smul.u32 $0x14000, s1  }
0x6: {  	[smem:$0x7FF] =	sst s4;
	s5 =	sadd.s32 $0x1B600, s0;
	s9 =	smul.u32 $0x50000, s1  }
0x7: {  	s16 =	sadd.s32 $0x7600, s0;
	s15 =	sadd.s32 $0x11600, s0;
	s21 =	smul.u32 $0x5000, s1  }
0x8: {  	s18 =	sshll.u32 s1, $0x1;
	s6 =	smul.u32 $0x140000, s3;
	s8 =	ssub.s32 $0x2, s3  }
0x9: {  	s22 =	sshll.u32 s1, $0x6;
	_ =	strace $0x80000050;
	s19 =	sshrl.u32 s8, $0x1  }
0xa: {  	s20 =	sshrl.u32 s9, $0x2;
	s6 =	sadd.s32 s7, s6;
	s7 =	sor.u32 s3, s18  }
0xb: {  	s12 =	ssub.s32 s8, s19;
	s3 =	smul.u32 $0x2800, s3;
	s17 =	sadd.s32 s20, s2  }
0xc: {  	s18 =	simm.s32 $0x4;
	s19 =	simm.s32 $0x100;
	s20 =	simm.s32 $0x200  }
0xd: {  	s6 =	sshrl.u32 s6, $0x3;
	s7 =	smul.u32 $0x2800, s7;
	s12 =	smax.u32 s12, $0x1  }
0xe: {  	s17 =	sshrl.u32 s17, $0x3;
	s0 =	sadd.s32 s6, s0;
	s6 =	sor.u32 $0x1C04, s22  }
0xf: {  	s3 =	sadd.s32 s3, s21;
	s21 =	simm.s32 $0x300;
	s22 =	simm.s32 $0x7D  }
0x10: {  	s10 =	sshrl.u32 s7, $0x3;
	s13 =	sor.u32 $0x300, s3;
	s11 =	sadd.s32 $0x42800, s0  }
0x11: {  	s3 =	sor.u32 $0x200, s3;
	s0 =	simm.s32 $0x0;
	s23 =	sadd.s32 s16, s10  }
0x12: {  	s24 =	sadd.s32 s15, s10;
	s10 =	sor.u32 $0x20, s10;
	s26 =	sshrl.u32 s13, $0x3  }
.Ltmp0:
0x13: {  	s3 =	sshrl.u32 s3, $0x3;
	[dreg:$0x4] =	wrdreg s23;
	(pc) =	sbr.rel .LBB2_1-.Ltmp0, $4  }
0x14: {  	[dreg:$0x5] =	wrdreg s24;
	s25 =	sadd.s32 s16, s10;
	s10 =	sadd.s32 s15, s10  }
0x15: {  	s13 =	sadd.s32 s26, s15;
	s14 =	sadd.s32 s26, s16;
	s15 =	sadd.s32 s3, s15  }
0x16: {  	s16 =	sadd.s32 s3, s16;
	s23 =	simm.s32 $0x400;
	s24 =	simm.s32 $0x80  }
0x17: {  	s26 =	simm.s32 $0x1;
	[dreg:$0x6] =	wrdreg s25;
	s25 =	simm.s32 $0x4400  }
.LBB2_4:
0x18: {  	s0 =	sadd.s32 $0x1, s0  }
0x19: {  	p0 =	sne.s32 s0, s12  }
.Ltmp1:
0x1a: {  	[bflag:$0x0] =	sbarrier.arrive $0xFFFF;
	(pc) =	sbr.rel @!p0 .LBB2_5-.Ltmp1, $4  }
0x1b: {  	[hbm:s11], [sflag:s6] =	dma.local [spmem:s17], $0x2800  }
0x1c: {  	_ =	swait.ge [sflag:s18], $0x2800  }
0x1d: {  	[sflag:s18] =	ssyncset.done $0x0  }
0x1e: {  	[sflag:s18] =	ssyncadd.s32 $0xFFFFD800  }
.LBB2_1:
0x1f: {  	s1 =	rddreg [dreg:$0x1]  }
0x20: {  	[spmem:s17], [sflag:s6] =	dma.local [hbm:s1], $0x2800  }
0x21: {  	_ =	swait.ge [sflag:s18], $0x2800  }
0x22: {  	[sflag:s18] =	ssyncset.done $0x0  }
0x23: {  	s7 =	rddreg [dreg:$0x4];
	[sflag:s18] =	ssyncadd.s32 $0xFFFFD800  }
0x24: {  	[tilespmem:s4], [sflag:$0x4] =	stream.linear.gather [hbm4b:s7+s4], $0x100, $0x38;
	[tilespmem:$0x1C400] =	vst v63  }
0x25: {  	_ =	swait.ge [sflag:s18], $0x100  }
0x26: {  	[sflag:s18] =	ssyncset.done $0x0  }
0x27: {  	s8 =	rddreg [dreg:$0x5];
	[sflag:s18] =	ssyncadd.s32 $0xFFFFFF00  }
0x28: {  	[tilespmem:s19], [sflag:$0x4] =	stream.linear.gather [hbm4b:s8+s4], $0x100, $0x38;
	[tilespmem:$0x1C400] =	vst v63  }
0x29: {  	_ =	swait.ge [sflag:s18], $0x100  }
0x2a: {  	[sflag:s18] =	ssyncset.done $0x0  }
0x2b: {  	s9 =	rddreg [dreg:$0x6];
	[sflag:s18] =	ssyncadd.s32 $0xFFFFFF00  }
0x2c: {  	[tilespmem:s20], [sflag:$0x3] =	stream.linear.gather [hbm4b:s9+s4], $0x100, $0x38;
	[tilespmem:$0x1C400] =	vst v63  }
0x2d: {  	_ = 	snop  }
0x2e: {  	[tilespmem:s21], [sflag:$0x3] =	stream.linear.gather [hbm4b:s10+s4], $0x100, $0x38;
	[tilespmem:$0x1C400] =	vst v63  }
0x2f: {  	_ = 	snop  }
0x30: {  	[tilespmem:s23], [sflag:$0x1] =	stream.indirect.gather [hbm4b:s5+s22], $0x80, s4, s22, $0xb8;
	[tilespmem:$0x1C400] =	vst v63  }
0x31: {  	s3 =	simm.s32 $0x0;
	[bflag:$0x0] =	sbarrier.arrive $0xFFFF  }
.LBB2_2:
0x32: {  	[tilespmem:s25], [sflag:$0x2] =	stream.indirect.gather [hbm4b:s5+s22], $0x80, s24, s22, $0xb8;
	[tilespmem:$0x1C400] =	vst v63  }
0x33: {  	_ =	swait.ge [sflag:s26], $0x3E80  }
0x34: {  	[sflag:s26] =	ssyncset.done $0x0  }
0x35: {  	[sflag:s26] =	ssyncadd.s32 $0xFFFFC180  }
0x36: {  	[spmem:s2] =	stream.indirect.scatter.add.f32 [tilespmem:s23], [sflag:$0x4], $0x80, s19, s22, $0xb8;
	[tilespmem:$0x1C400] =	vst v63  }
0x37: {  	_ =	swait.ge [sflag:s18], $0x3E80  }
0x38: {  	[sflag:s18] =	ssyncset.done $0x0  }
0x39: {  	[sflag:s18] =	ssyncadd.s32 $0xFFFFC180  }
0x3a: {  	_ =	swait.ge [sflag:s28], $0x100  }
0x3b: {  	[sflag:s28] =	ssyncset.done $0x0  }
0x3c: {  	[sflag:s28] =	ssyncadd.s32 $0xFFFFFF00  }
0x3d: {  	_ =	swait.ge [sflag:s28], $0x100  }
0x3e: {  	[sflag:s28] =	ssyncset.done $0x0  }
0x3f: {  	[sflag:s28] =	ssyncadd.s32 $0xFFFFFF00  }
0x40: {  	[tilespmem:s23], [sflag:$0x1] =	stream.indirect.gather [hbm4b:s5+s22], $0x80, s20, s22, $0xb8;
	[tilespmem:$0x1C400] =	vst v63  }
0x41: {  	_ =	swait.ge [sflag:s29], $0x3E80  }
0x42: {  	[sflag:s29] =	ssyncset.done $0x0  }
0x43: {  	[sflag:s29] =	ssyncadd.s32 $0xFFFFC180  }
0x44: {  	[spmem:s2] =	stream.indirect.scatter.add.f32 [tilespmem:s25], [sflag:$0x4], $0x80, s30, s22, $0xb8;
	[tilespmem:$0x1C400] =	vst v63  }
0x45: {  	p0 =	seq.s32 s3, $0x4C0;
	_ =	swait.ge [sflag:s18], $0x3E80  }
0x46: {  	s1 =	simm.s32 @p0 $0x7D;
	[sflag:s18] =	ssyncset.done $0x0  }
0x47: {  	s7 =	simm.s32 @p0 $0x280;
	s8 =	simm.s32 @p0 $0x4400;
	[sflag:s18] =	ssyncadd.s32 $0xFFFFC180  }
0x48: {  	[tilespmem:s8], [sflag:$0x2] =	stream.indirect.gather @p0 [hbm4b:s5+s1], $0x80, s7, s1, $0xb8;
	[tilespmem:$0x1C400] =	vst v63  }
0x49: {  	s7 =	simm.s32 @p0 $0x1  }
0x4a: {  	_ =	swait.ge @p0 [sflag:s7], $0x3E80  }
0x4b: {  	[sflag:s7] =	ssyncset.done @p0 $0x0  }
0x4c: {  	s8 =	simm.s32 @p0 $0x400;
	[sflag:s7] =	ssyncadd.s32 @p0 $0xFFFFC180;
	s7 =	simm.s32 @p0 $0x300  }
0x4d: {  	[spmem:s2] =	stream.indirect.scatter.add.f32 @p0 [tilespmem:s8], [sflag:$0x4], $0x80, s7, s1, $0xb8;
	[tilespmem:$0x1C400] =	vst v63  }
0x4e: {  	s1 =	simm.s32 @p0 $0x4  }
0x4f: {  	_ =	swait.ge @p0 [sflag:s1], $0x3E80  }
0x50: {  	[sflag:s1] =	ssyncset.done @p0 $0x0  }
0x51: {  	s7 =	simm.s32 @!p0 $0x0;
	[sflag:s1] =	ssyncadd.s32 @p0 $0xFFFFC180;
	s1 =	sadd.s32 @!p0 s3, s16  }
0x52: {  	[tilespmem:s7], [sflag:$0x3] =	stream.linear.gather @!p0 [hbm4b:s1+s7], $0x100, $0x38;
	[tilespmem:$0x1C400] =	vst v63  }
0x53: {  	s8 =	simm.s32 @!p0 $0x100;
	s1 =	sadd.s32 @!p0 s3, s15  }
0x54: {  	[tilespmem:s8], [sflag:$0x3] =	stream.linear.gather @!p0 [hbm4b:s1+s7], $0x100, $0x38;
	[tilespmem:$0x1C400] =	vst v63  }
0x55: {  	s9 =	simm.s32 @!p0 $0x4400;
	s1 =	simm.s32 @!p0 $0x7D;
	s8 =	simm.s32 @!p0 $0x280  }
0x56: {  	[tilespmem:s9], [sflag:$0x2] =	stream.indirect.gather @!p0 [hbm4b:s5+s1], $0x80, s8, s1, $0xb8;
	[tilespmem:$0x1C400] =	vst v63  }
0x57: {  	s8 =	simm.s32 @!p0 $0x1  }
0x58: {  	_ =	swait.ge @!p0 [sflag:s8], $0x3E80  }
0x59: {  	[sflag:s8] =	ssyncset.done @!p0 $0x0  }
0x5a: {  	s9 =	simm.s32 @!p0 $0x400;
	[sflag:s8] =	ssyncadd.s32 @!p0 $0xFFFFC180;
	s8 =	simm.s32 @!p0 $0x300  }
0x5b: {  	[spmem:s2] =	stream.indirect.scatter.add.f32 @!p0 [tilespmem:s9], [sflag:$0x4], $0x80, s8, s1, $0xb8;
	[tilespmem:$0x1C400] =	vst v63  }
0x5c: {  	s8 =	simm.s32 @!p0 $0x4  }
0x5d: {  	_ =	swait.ge @!p0 [sflag:s8], $0x3E80  }
0x5e: {  	[sflag:s8] =	ssyncset.done @!p0 $0x0  }
0x5f: {  	[sflag:s8] =	ssyncadd.s32 @!p0 $0xFFFFC180;
	s8 =	simm.s32 @!p0 $0x3  }
0x60: {  	_ =	swait.ge @!p0 [sflag:s8], $0x100  }
0x61: {  	[sflag:s8] =	ssyncset.done @!p0 $0x0  }
0x62: {  	[sflag:s8] =	ssyncadd.s32 @!p0 $0xFFFFFF00  }
0x63: {  	_ =	swait.ge @!p0 [sflag:s8], $0x100  }
0x64: {  	[sflag:s8] =	ssyncset.done @!p0 $0x0  }
0x65: {  	[sflag:s8] =	ssyncadd.s32 @!p0 $0xFFFFFF00  }
0x66: {  	[tilespmem:s9], [sflag:$0x1] =	stream.indirect.gather @!p0 [hbm4b:s5+s1], $0x80, s7, s1, $0xb8;
	[tilespmem:$0x1C400] =	vst v63  }
0x67: {  	_ =	swait.ge [sflag:s29], $0x3E80  }
0x68: {  	[sflag:s29] =	ssyncset.done $0x0  }
.Ltmp2:
0x69: {  	[sflag:s29] =	ssyncadd.s32 $0xFFFFC180;
	(pc) =	sbr.rel @p0 .LBB2_4-.Ltmp2, $4  }
0x6a: {  	[spmem:s2] =	stream.indirect.scatter.add.f32 [tilespmem:s25], [sflag:$0x4], $0x80, s31, s22, $0xb8;
	[tilespmem:$0x1C400] =	vst v63  }
0x6b: {  	_ =	swait.ge [sflag:s18], $0x3E80  }
0x6c: {  	[sflag:s18] =	ssyncset.done $0x0  }
0x6d: {  	[sflag:s18] =	ssyncadd.s32 $0xFFFFC180  }
.Ltmp3:
0x6e: {  	(pc) =	sbr.rel .LBB2_2-.Ltmp3, $4  }
0x6f: {  	s1 =	sadd.s32 s3, s14  }
0x70: {  	[tilespmem:s20], [sflag:$0x3] =	stream.linear.gather [hbm4b:s1+s4], $0x100, $0x38;
	[tilespmem:$0x1C400] =	vst v63  }
0x71: {  	s9 =	sadd.s32 s3, s13;
	s3 =	sadd.s32 $0x40, s3  }
0x72: {  	[tilespmem:s21], [sflag:$0x3] =	stream.linear.gather [hbm4b:s9+s4], $0x100, $0x38;
	[tilespmem:$0x1C400] =	vst v63  }
.LBB2_5:
0x73: {  	_ =	sfence.sel $0x180000  }
0x74: {  	[bflag:$0x0] =	sbarrier.arrive $0xFFFF  }
0x75: {  	_ =	strace $0x90000050  }
0x76: {  	s0 =	stileid.u32;
	[bflag:$0x2] =	sbarrier.arrive $0xFFFF  }
0x77: {  	p0 =	sne.s32 s0, $0x0;
	s0 =	rddreg [dreg:$0x3]  }
0x78: {  	s0 =	sadd.s32 @!p0 $0x100000, s0  }
0x79: {  	[sflag:s0] =	ssyncadd.tile.s32 @!p0 $0x1;
	_ =	shalt  }
.Lfunc_end2:
_tile_overlayer_lowered:
.L_overlay_start_2:
0x7a: {  	(tag) =	ssettag $0x2  }
0x7b: {  	s0 =	rddreg [dreg:$0x0];
	s2 =	stileid.u32  }
0x7c: {  	s1 =	rddreg [dreg:$0x1];
	p0 =	sne.s32 s2, $0x0  }
0x7d: {  	s3 =	rddreg [dreg:$0x2];
	[bflag:$0x3] =	sbarrier.arrive $0xFFFF;
	s2 =	simm.s32 @!p0 $0x1C04  }
0x7e: {  	[timem:s3], [sflag:s2] =	dma.local @!p0 [hbm:s0], s1  }
0x7f: {  	s0 =	simm.s32 @!p0 $0x4  }
0x80: {  	_ =	swait.ge @!p0 [sflag:s0], s1  }
0x81: {  	s1 =	ssub.s32 @!p0 $0x0, s1;
	[sflag:s0] =	ssyncset.done @!p0 $0x0  }
0x82: {  	[sflag:s0] =	ssyncadd.s32 @!p0 s1  }
0x83: {  	[bflag:$0x3] =	sbarrier.arrive $0xFFFF  }
0x84: {  	_ =	shalt  }

// kernel: kernel.26.cloned.1.call-start
scs
__scs_entry_jumppad:
0x0: {  	(pc) =	sbr.rel $0x88, $3  }
0x1: {  	(tag) =	ssettag $0x0;
	lr =	simm.s32 $0x1  }
0x2: {  	[smem:$0x3F85] =	sst lr;
	_ =	strace $0xD0000000  }
0x3: {  	_ = 	snop  }
0x4: {  	_ = 	snop  }
0x5: {  	_ = 	snop  }
0x6: {  	_ = 	snop  }
0x7: {  	_ = 	snop  }
__scs_overlays_trampoline_lowered:
0x8: {  	[smem:$0x3F94] =	sst s0  }
0x9: {  	[smem:$0x3F95] =	sst s1  }
0xa: {  	[smem:$0x3F96] =	sst s2  }
0xb: {  	[smem:$0x3F97] =	sst s3  }
0xc: {  	[smem:$0x3F98] =	sst s4  }
0xd: {  	[smem:$0x3F99] =	sst s5  }
0xe: {  	[smem:$0x3F9A] =	sst s6  }
0xf: {  	[smem:$0x3F9B] =	sst s7  }
0x10: {  	[smem:$0x3F9C] =	sst s8  }
0x11: {  	[smem:$0x3F9D] =	sst s9;
	s0 =	simm.s32 @!p0 $0x0  }
0x12: {  	s1 =	sld [smem:$0x3F83];
	s0 =	simm.s32 @p0 $0x1  }
0x13: {  	[smem:$0x3F9E] =	sst s0;
	s0 =	simm.s32 @!p1 $0x0  }
0x14: {  	s2 =	sld [smem:$0x3F82];
	s0 =	simm.s32 @p1 $0x1  }
0x15: {  	[smem:$0x3F9F] =	sst s0;
	s0 =	simm.s32 @!p2 $0x0  }
0x16: {  	s3 =	sld [smem:$0x3FDB];
	s0 =	simm.s32 @p2 $0x1  }
0x17: {  	s4 =	simm.s32 $0x1BF5;
	[smem:$0x3FA1] =	sst s0  }
0x18: {  	s0 =	sld [smem:$0x3F84];
	_ =	swait.ge [sflag:s4], $0x0  }
0x19: {  	s7 =	sld [smem:$0x3F85]  }
0x1a: {  	s8 =	sadd.s32 $0xFFFFE003, lr  }
0x1b: {  	s9 =	sadd.s32 $0xFFFFFEF7, lr;
	s5 =	simm.s32 $0xFFFFFFFF;
	p2 =	slt.u32 s8, $0xFFFFF086  }
0x1c: {  	p1 =	slt.u32 s9, $0xF7A;
	s5 =	simm.s32 @!p2 $0x0  }
0x1d: {  	s5 =	simm.s32 @p1 $0x1;
	p0 =	seq.s32 s7, s2  }
0x1e: {  	s7 =	smul.u32 @!p0 $0xF7A, s2;
	p2 =	seq.s32 @!p0 s5, $0x0  }
0x1f: {  	s9 =	smul.u32 $0xF7A, s1;
	s8 =	simm.s32 @!p0 $0x1BF5;
	p2 =	por !p2, p0  }
0x20: {  	[sflag:s8] =	ssyncset.s32 @!p0 $0xFFFFF086;
	s6 =	sadd.s32 @!p0 s3, s7;
	s7 =	simm.s32 @!p0 $0x108  }
0x21: {  	s3 =	sadd.s32 s3, s9;
	s6 =	sadd.s32 @!p0 $0x88, s6;
	s7 =	simm.s32 @p2 $0x1082  }
0x22: {  	[simem:s7], [sflag:s8] =	dma.local @!p0 [hbm:s6], $0xF7A  }
0x23: {  	s9 =	sor.u32 $0xD0000000, s2;
	s6 =	simm.s32 $0x108;
	_ =	swait.ge @!p0 [sflag:s8], $0x0  }
0x24: {  	s3 =	sadd.s32 $0x88, s3;
	s6 =	simm.s32 @!p1 $0x1082;
	[sflag:s4] =	ssyncset.s32 $0xFFFFF086  }
0x25: {  	[simem:s6], [sflag:s4] =	dma.local [hbm:s3], $0xF7A  }
0x26: {  	[smem:$0x3F85] =	sst s1;
	(tag) =	ssettag s2;
	_ =	strace s9  }
0x27: {  	s1 =	sld [smem:$0x3F95]  }
0x28: {  	s2 =	sld [smem:$0x3F96]  }
0x29: {  	s4 =	sld [smem:$0x3F98]  }
0x2a: {  	p0 =	seq.s32 s5, $0x0;
	s5 =	sld [smem:$0x3F99]  }
0x2b: {  	s6 =	sld [smem:$0x3F9A]  }
0x2c: {  	s7 =	sld [smem:$0x3F9B]  }
0x2d: {  	s3 =	simm.s32 $0x108;
	s8 =	sld [smem:$0x3F9C]  }
0x2e: {  	s3 =	simm.s32 @!p0 $0x1082;
	s9 =	sld [smem:$0x3F9D]  }
0x2f: {  	lr =	sadd.s32 s0, s3;
	s0 =	sld [smem:$0x3F94]  }
0x30: {  	s3 =	sld [smem:$0x3F97]  }
0x31: {  	[smem:$0x3FA0] =	sst s10  }
0x32: {  	s10 =	sld [smem:$0x3F9E];
	_ =	sdelay $0x3  }
0x33: {  	p0 =	seq.s32 s10, $0x1;
	s10 =	sld [smem:$0x3FA0];
	_ =	sdelay $0x3  }
0x34: {  	[smem:$0x3FA0] =	sst s10  }
0x35: {  	s10 =	sld [smem:$0x3F9F];
	_ =	sdelay $0x3  }
0x36: {  	p1 =	seq.s32 s10, $0x1;
	s10 =	sld [smem:$0x3FA0];
	_ =	sdelay $0x3  }
0x37: {  	[smem:$0x3FA0] =	sst s10  }
0x38: {  	s10 =	sld [smem:$0x3FA1]  }
0x39: {  	_ = 	snop;
	(pc) =	sbr.ind lr, $3  }
0x3a: {  	_ = 	snop  }
0x3b: {  	_ = 	snop  }
0x3c: {  	p2 =	seq.s32 s10, $0x1;
	s10 =	sld [smem:$0x3FA0]  }
0x3d: {  	_ =	shalt  }
0x3e: {  	_ =	shalt  }
0x3f: {  	_ =	shalt  }
0x40: {  	_ =	shalt  }
0x41: {  	_ =	shalt  }
0x42: {  	_ =	shalt  }
0x43: {  	_ =	shalt  }
0x44: {  	_ =	shalt  }
0x45: {  	_ =	shalt  }
0x46: {  	_ =	shalt  }
0x47: {  	_ =	shalt  }
0x48: {  	_ =	shalt  }
0x49: {  	_ =	shalt  }
0x4a: {  	_ =	shalt  }
0x4b: {  	_ =	shalt  }
0x4c: {  	_ =	shalt  }
0x4d: {  	_ =	shalt  }
0x4e: {  	_ =	shalt  }
0x4f: {  	_ =	shalt  }
0x50: {  	_ =	shalt  }
0x51: {  	_ =	shalt  }
0x52: {  	_ =	shalt  }
0x53: {  	_ =	shalt  }
0x54: {  	_ =	shalt  }
0x55: {  	_ =	shalt  }
0x56: {  	_ =	shalt  }
0x57: {  	_ =	shalt  }
0x58: {  	_ =	shalt  }
0x59: {  	_ =	shalt  }
0x5a: {  	_ =	shalt  }
0x5b: {  	_ =	shalt  }
0x5c: {  	_ =	shalt  }
0x5d: {  	_ =	shalt  }
0x5e: {  	_ =	shalt  }
0x5f: {  	_ =	shalt  }
0x60: {  	_ =	shalt  }
0x61: {  	_ =	shalt  }
0x62: {  	_ =	shalt  }
0x63: {  	_ =	shalt  }
0x64: {  	_ =	shalt  }
0x65: {  	_ =	shalt  }
0x66: {  	_ =	shalt  }
0x67: {  	_ =	shalt  }
0x68: {  	_ =	shalt  }
0x69: {  	_ =	shalt  }
0x6a: {  	_ =	shalt  }
0x6b: {  	_ =	shalt  }
0x6c: {  	_ =	shalt  }
0x6d: {  	_ =	shalt  }
0x6e: {  	_ =	shalt  }
0x6f: {  	_ =	shalt  }
0x70: {  	_ =	shalt  }
0x71: {  	_ =	shalt  }
0x72: {  	_ =	shalt  }
0x73: {  	_ =	shalt  }
0x74: {  	_ =	shalt  }
0x75: {  	_ =	shalt  }
0x76: {  	_ =	shalt  }
0x77: {  	_ =	shalt  }
0x78: {  	_ =	shalt  }
0x79: {  	_ =	shalt  }
0x7a: {  	_ =	shalt  }
0x7b: {  	_ =	shalt  }
0x7c: {  	_ =	shalt  }
0x7d: {  	_ =	shalt  }
0x7e: {  	_ =	shalt  }
0x7f: {  	_ =	shalt  }
0x80: {  	_ =	shalt  }
0x81: {  	_ =	shalt  }
0x82: {  	_ =	shalt  }
0x83: {  	_ =	shalt  }
0x84: {  	_ =	shalt  }
0x85: {  	_ =	shalt  }
0x86: {  	_ =	shalt  }
0x87: {  	_ =	shalt  }
.Lfunc_end0:
.L_simem_size_0:
called_computation.4_lowered:
.L_overlay_start_0:
0x88: {  	s2 =	sld [smem:$0x3FD9]  }
0x89: {  	s3 =	sld [smem:$0x3FFE];
	_ =	sdelay $0x1  }
0x8a: {  	s1 =	srdreg.scid  }
0x8b: {  	s0 =	sand.u32 $0x1, s1  }
0x8c: {  	s17 =	sshll.u32 s0, $0xA;
	s2 =	sadd.s32 s3, s2  }
0x8d: {  	s2 =	sadd.s32 s2, s17  }
0x8e: {  	[smem:$0x3FAC] =	sst s2  }
0x8f: {  	_ = 	snop  }
0x90: {  	s2 =	sld [smem:$0x3FD0];
	(tm) =	ssettm $0x1  }
0x91: {  	s18 =	sld [smem:$0x3FFB];
	_ =	sdelay $0x3  }
0x92: {  	_ =	strace s18  }
0x93: {  	s3 =	sld [smem:$0x3FFC];
	_ =	sdelay $0x3  }
0x94: {  	_ =	strace s3  }
0x95: {  	s3 =	sld [smem:$0x3FFD];
	_ =	sdelay $0x3  }
0x96: {  	_ =	strace s3  }
0x97: {  	_ =	strace $0x8FFFFFFF  }
0x98: {  	s19 =	sld [smem:$0x3FDB];
	_ =	sdelay $0x1  }
0x99: {  	s4 =	simm.s32 $_scs_section_size  }
0x9a: {  	s5 =	simm.s32 $_size__tile_overlayer_lowered;
	s6 =	simm.s32 $_tile_overlayer_lowered  }
0x9b: {  	s22 =	simm.s32 $0x1BFF;
	s21 =	sshll.u32 s6, $0x1;
	s3 =	sadd.s32 s4, s19  }
0x9c: {  	s7 =	simm.s32 $0x0;
	s20 =	sshll.u32 s5, $0x1;
	s5 =	sadd.s32 s21, s3  }
0x9d: {  	[timem:s7], [sflag:s22] =	dma.local [hbm:s5], s20  }
0x9e: {  	_ =	swait.ge [sflag:s22], s20  }
0x9f: {  	s4 =	ssub.s32 $0x0, s20;
	[sflag:s22] =	ssyncset.done $0x0  }
0xa0: {  	[sflag:s22] =	ssyncadd.s32 s4;
	_ =	sdelay $0x1  }
0xa1: {  	s23 =	simm.s32 $0x1B8B  }
0xa2: {  	_ =	swait.ge [sflag:s23], $0x1  }
0xa3: {  	[sflag:s23] =	ssyncset.done $0x0  }
0xa4: {  	s25 =	simm.s32 $0x1B8E;
	s24 =	sld [smem:$0x3FFE];
	[sflag:s23] =	ssyncadd.s32 $0xFFFFFFFF  }
0xa5: {  	s26 =	simm.s32 $execute0_lowered;
	[smem:$0x3FD2] =	sst s25  }
0xa6: {  	s5 =	sshll.u32 s26, $0x1;
	_ =	strace $0x80000052;
	[dreg:$0x1] =	wrdreg $0xFFFFFFFF  }
0xa7: {  	s28 =	simm.s32 $_size_execute0_lowered;
	s3 =	sadd.s32 s3, s5;
	[dreg:$0x0] =	wrdreg $0x0  }
0xa8: {  	s5 =	sshll.u32 s28, $0x1;
	[dreg:$0x2] =	wrdreg s3  }
0xa9: {  	[dreg:$0x3] =	wrdreg s5  }
0xaa: {  	[dreg:$0x4] =	wrdreg $0xC0  }
0xab: {  	_ =	task [dreg:s7], $0x5FFFF  }
0xac: {  	[dreg:$0x1] =	wrdreg $0xFFFFFFFF  }
0xad: {  	[dreg:$0x0] =	wrdreg $0x60  }
0xae: {  	[dreg:$0x2] =	wrdreg s24  }
0xaf: {  	[dreg:$0x3] =	wrdreg s2  }
0xb0: {  	[dreg:$0x4] =	wrdreg $0x84000  }
0xb1: {  	[dreg:$0x5] =	wrdreg $0x9  }
0xb2: {  	_ =	task.clear_ibuf [dreg:s7], $0x6FFFF;
	_ =	strace $0x90000052  }
0xb3: {  	s29 =	simm.s32 $0x9;
	_ =	strace $0x80000054  }
0xb4: {  	_ =	swait.ge [sflag:s29], $0x1  }
0xb5: {  	[sflag:s29] =	ssyncadd.s32 $0xFFFFFFFF  }
0xb6: {  	_ =	strace $0x90000054  }
0xb7: {  	_ =	sfence  }
0xb8: {  	s30 =	sld [smem:$0x0];
	_ =	sdelay $0x2  }
0xb9: {  	s31 =	sshll.u32 s1, $0xD;
	s1 =	sshrl.u32 s1, $0x2  }
0xba: {  	s3 =	sand.u32 $0x4000, s31;
	s1 =	sadd.s32 s1, s30  }
0xbb: {  	s0 =	sor.u32 s3, s0;
	s1 =	sshll.u32 s1, $0x11  }
0xbc: {  	s0 =	sor.u32 s1, s0  }
0xbd: {  	s0 =	sadd.s32 $0x8F2B, s0  }
0xbe: {  	[sflag:s0] =	ssyncadd.remote.s32 $0x1  }
0xbf: {  	_ =	sfence.sel $0xFFFF  }
0xc0: {  	[dreg:$0x0] =	wrdreg $0xFFFFFFFF;
	(pc) =	sbr.abs _section_cstart, $3  }
0xc1: {  	[dreg:$0x1] =	wrdreg $0xFFFFFFFF  }
0xc2: {  	_ =	task.clear_ibuf [dreg:s7], $0x2FFFF;
	_ =	strace $0x9FFFFFFF  }
0xc3: {  	(tm) =	ssettm $0x7FFFFFFF  }
tec
execute0_lowered:
.L_overlay_start_1:
0x0: {  	(tag) =	ssettag $0x1  }
0x1: {  	s0 =	rddreg [dreg:$0x0]  }
0x2: {  	s2 =	rddreg [dreg:$0x2]  }
0x3: {  	s3 =	srdreg.scid;
	s4 =	simm.s32 $0x0;
	s1 =	stileid.u32  }
0x4: {  	s28 =	simm.s32 $0x3;
	s29 =	simm.s32 $0x2;
	s30 =	simm.s32 $0x180  }
0x5: {  	s31 =	simm.s32 $0x380;
	s3 =	sand.u32 $0x1, s3;
	s7 =	smul.u32 $0x14000, s1  }
0x6: {  	[smem:$0x7FF] =	sst s4;
	s5 =	sadd.s32 $0x1B600, s0;
	s9 =	smul.u32 $0x50000, s1  }
0x7: {  	s16 =	sadd.s32 $0x7600, s0;
	s15 =	sadd.s32 $0x11600, s0;
	s21 =	smul.u32 $0x5000, s1  }
0x8: {  	s18 =	sshll.u32 s1, $0x1;
	s6 =	smul.u32 $0x140000, s3;
	s8 =	ssub.s32 $0x2, s3  }
0x9: {  	s22 =	sshll.u32 s1, $0x6;
	_ =	strace $0x80000053;
	s19 =	sshrl.u32 s8, $0x1  }
0xa: {  	s20 =	sshrl.u32 s9, $0x2;
	s6 =	sadd.s32 s7, s6;
	s7 =	sor.u32 s3, s18  }
0xb: {  	s12 =	ssub.s32 s8, s19;
	s3 =	smul.u32 $0x2800, s3;
	s17 =	sadd.s32 s20, s2  }
0xc: {  	s18 =	simm.s32 $0x4;
	s19 =	simm.s32 $0x100;
	s20 =	simm.s32 $0x200  }
0xd: {  	s6 =	sshrl.u32 s6, $0x3;
	s7 =	smul.u32 $0x2800, s7;
	s12 =	smax.u32 s12, $0x1  }
0xe: {  	s17 =	sshrl.u32 s17, $0x3;
	s0 =	sadd.s32 s6, s0;
	s6 =	sor.u32 $0x1C04, s22  }
0xf: {  	s3 =	sadd.s32 s3, s21;
	s21 =	simm.s32 $0x300;
	s22 =	simm.s32 $0x7D  }
0x10: {  	s10 =	sshrl.u32 s7, $0x3;
	s13 =	sor.u32 $0x300, s3;
	s11 =	sadd.s32 $0x42800, s0  }
0x11: {  	s3 =	sor.u32 $0x200, s3;
	s0 =	simm.s32 $0x0;
	s23 =	sadd.s32 s16, s10  }
0x12: {  	s24 =	sadd.s32 s15, s10;
	s10 =	sor.u32 $0x20, s10;
	s26 =	sshrl.u32 s13, $0x3  }
.Ltmp0:
0x13: {  	s3 =	sshrl.u32 s3, $0x3;
	[dreg:$0x4] =	wrdreg s23;
	(pc) =	sbr.rel .LBB2_1-.Ltmp0, $4  }
0x14: {  	[dreg:$0x5] =	wrdreg s24;
	s25 =	sadd.s32 s16, s10;
	s10 =	sadd.s32 s15, s10  }
0x15: {  	s13 =	sadd.s32 s26, s15;
	s14 =	sadd.s32 s26, s16;
	s15 =	sadd.s32 s3, s15  }
0x16: {  	s16 =	sadd.s32 s3, s16;
	s23 =	simm.s32 $0x400;
	s24 =	simm.s32 $0x80  }
0x17: {  	s26 =	simm.s32 $0x1;
	[dreg:$0x6] =	wrdreg s25;
	s25 =	simm.s32 $0x4400  }
.LBB2_4:
0x18: {  	s0 =	sadd.s32 $0x1, s0  }
0x19: {  	p0 =	sne.s32 s0, s12  }
.Ltmp1:
0x1a: {  	[bflag:$0x0] =	sbarrier.arrive $0xFFFF;
	(pc) =	sbr.rel @!p0 .LBB2_5-.Ltmp1, $4  }
0x1b: {  	[hbm:s11], [sflag:s6] =	dma.local [spmem:s17], $0x2800  }
0x1c: {  	_ =	swait.ge [sflag:s18], $0x2800  }
0x1d: {  	[sflag:s18] =	ssyncset.done $0x0  }
0x1e: {  	[sflag:s18] =	ssyncadd.s32 $0xFFFFD800  }
.LBB2_1:
0x1f: {  	s1 =	rddreg [dreg:$0x1]  }
0x20: {  	[spmem:s17], [sflag:s6] =	dma.local [hbm:s1], $0x2800  }
0x21: {  	_ =	swait.ge [sflag:s18], $0x2800  }
0x22: {  	[sflag:s18] =	ssyncset.done $0x0  }
0x23: {  	s7 =	rddreg [dreg:$0x4];
	[sflag:s18] =	ssyncadd.s32 $0xFFFFD800  }
0x24: {  	[tilespmem:s4], [sflag:$0x4] =	stream.linear.gather [hbm4b:s7+s4], $0x100, $0x38;
	[tilespmem:$0x1C400] =	vst v63  }
0x25: {  	_ =	swait.ge [sflag:s18], $0x100  }
0x26: {  	[sflag:s18] =	ssyncset.done $0x0  }
0x27: {  	s8 =	rddreg [dreg:$0x5];
	[sflag:s18] =	ssyncadd.s32 $0xFFFFFF00  }
0x28: {  	[tilespmem:s19], [sflag:$0x4] =	stream.linear.gather [hbm4b:s8+s4], $0x100, $0x38;
	[tilespmem:$0x1C400] =	vst v63  }
0x29: {  	_ =	swait.ge [sflag:s18], $0x100  }
0x2a: {  	[sflag:s18] =	ssyncset.done $0x0  }
0x2b: {  	s9 =	rddreg [dreg:$0x6];
	[sflag:s18] =	ssyncadd.s32 $0xFFFFFF00  }
0x2c: {  	[tilespmem:s20], [sflag:$0x3] =	stream.linear.gather [hbm4b:s9+s4], $0x100, $0x38;
	[tilespmem:$0x1C400] =	vst v63  }
0x2d: {  	_ = 	snop  }
0x2e: {  	[tilespmem:s21], [sflag:$0x3] =	stream.linear.gather [hbm4b:s10+s4], $0x100, $0x38;
	[tilespmem:$0x1C400] =	vst v63  }
0x2f: {  	_ = 	snop  }
0x30: {  	[tilespmem:s23], [sflag:$0x1] =	stream.indirect.gather [hbm4b:s5+s22], $0x80, s4, s22, $0xb8;
	[tilespmem:$0x1C400] =	vst v63  }
0x31: {  	s3 =	simm.s32 $0x0;
	[bflag:$0x0] =	sbarrier.arrive $0xFFFF  }
.LBB2_2:
0x32: {  	[tilespmem:s25], [sflag:$0x2] =	stream.indirect.gather [hbm4b:s5+s22], $0x80, s24, s22, $0xb8;
	[tilespmem:$0x1C400] =	vst v63  }
0x33: {  	_ =	swait.ge [sflag:s26], $0x3E80  }
0x34: {  	[sflag:s26] =	ssyncset.done $0x0  }
0x35: {  	[sflag:s26] =	ssyncadd.s32 $0xFFFFC180  }
0x36: {  	[spmem:s2] =	stream.indirect.scatter.add.f32 [tilespmem:s23], [sflag:$0x4], $0x80, s19, s22, $0xb8;
	[tilespmem:$0x1C400] =	vst v63  }
0x37: {  	_ =	swait.ge [sflag:s18], $0x3E80  }
0x38: {  	[sflag:s18] =	ssyncset.done $0x0  }
0x39: {  	[sflag:s18] =	ssyncadd.s32 $0xFFFFC180  }
0x3a: {  	_ =	swait.ge [sflag:s28], $0x100  }
0x3b: {  	[sflag:s28] =	ssyncset.done $0x0  }
0x3c: {  	[sflag:s28] =	ssyncadd.s32 $0xFFFFFF00  }
0x3d: {  	_ =	swait.ge [sflag:s28], $0x100  }
0x3e: {  	[sflag:s28] =	ssyncset.done $0x0  }
0x3f: {  	[sflag:s28] =	ssyncadd.s32 $0xFFFFFF00  }
0x40: {  	[tilespmem:s23], [sflag:$0x1] =	stream.indirect.gather [hbm4b:s5+s22], $0x80, s20, s22, $0xb8;
	[tilespmem:$0x1C400] =	vst v63  }
0x41: {  	_ =	swait.ge [sflag:s29], $0x3E80  }
0x42: {  	[sflag:s29] =	ssyncset.done $0x0  }
0x43: {  	[sflag:s29] =	ssyncadd.s32 $0xFFFFC180  }
0x44: {  	[spmem:s2] =	stream.indirect.scatter.add.f32 [tilespmem:s25], [sflag:$0x4], $0x80, s30, s22, $0xb8;
	[tilespmem:$0x1C400] =	vst v63  }
0x45: {  	p0 =	seq.s32 s3, $0x4C0;
	_ =	swait.ge [sflag:s18], $0x3E80  }
0x46: {  	s1 =	simm.s32 @p0 $0x7D;
	[sflag:s18] =	ssyncset.done $0x0  }
0x47: {  	s7 =	simm.s32 @p0 $0x280;
	s8 =	simm.s32 @p0 $0x4400;
	[sflag:s18] =	ssyncadd.s32 $0xFFFFC180  }
0x48: {  	[tilespmem:s8], [sflag:$0x2] =	stream.indirect.gather @p0 [hbm4b:s5+s1], $0x80, s7, s1, $0xb8;
	[tilespmem:$0x1C400] =	vst v63  }
0x49: {  	s7 =	simm.s32 @p0 $0x1  }
0x4a: {  	_ =	swait.ge @p0 [sflag:s7], $0x3E80  }
0x4b: {  	[sflag:s7] =	ssyncset.done @p0 $0x0  }
0x4c: {  	s8 =	simm.s32 @p0 $0x400;
	[sflag:s7] =	ssyncadd.s32 @p0 $0xFFFFC180;
	s7 =	simm.s32 @p0 $0x300  }
0x4d: {  	[spmem:s2] =	stream.indirect.scatter.add.f32 @p0 [tilespmem:s8], [sflag:$0x4], $0x80, s7, s1, $0xb8;
	[tilespmem:$0x1C400] =	vst v63  }
0x4e: {  	s1 =	simm.s32 @p0 $0x4  }
0x4f: {  	_ =	swait.ge @p0 [sflag:s1], $0x3E80  }
0x50: {  	[sflag:s1] =	ssyncset.done @p0 $0x0  }
0x51: {  	s7 =	simm.s32 @!p0 $0x0;
	[sflag:s1] =	ssyncadd.s32 @p0 $0xFFFFC180;
	s1 =	sadd.s32 @!p0 s3, s16  }
0x52: {  	[tilespmem:s7], [sflag:$0x3] =	stream.linear.gather @!p0 [hbm4b:s1+s7], $0x100, $0x38;
	[tilespmem:$0x1C400] =	vst v63  }
0x53: {  	s8 =	simm.s32 @!p0 $0x100;
	s1 =	sadd.s32 @!p0 s3, s15  }
0x54: {  	[tilespmem:s8], [sflag:$0x3] =	stream.linear.gather @!p0 [hbm4b:s1+s7], $0x100, $0x38;
	[tilespmem:$0x1C400] =	vst v63  }
0x55: {  	s9 =	simm.s32 @!p0 $0x4400;
	s1 =	simm.s32 @!p0 $0x7D;
	s8 =	simm.s32 @!p0 $0x280  }
0x56: {  	[tilespmem:s9], [sflag:$0x2] =	stream.indirect.gather @!p0 [hbm4b:s5+s1], $0x80, s8, s1, $0xb8;
	[tilespmem:$0x1C400] =	vst v63  }
0x57: {  	s8 =	simm.s32 @!p0 $0x1  }
0x58: {  	_ =	swait.ge @!p0 [sflag:s8], $0x3E80  }
0x59: {  	[sflag:s8] =	ssyncset.done @!p0 $0x0  }
0x5a: {  	s9 =	simm.s32 @!p0 $0x400;
	[sflag:s8] =	ssyncadd.s32 @!p0 $0xFFFFC180;
	s8 =	simm.s32 @!p0 $0x300  }
0x5b: {  	[spmem:s2] =	stream.indirect.scatter.add.f32 @!p0 [tilespmem:s9], [sflag:$0x4], $0x80, s8, s1, $0xb8;
	[tilespmem:$0x1C400] =	vst v63  }
0x5c: {  	s8 =	simm.s32 @!p0 $0x4  }
0x5d: {  	_ =	swait.ge @!p0 [sflag:s8], $0x3E80  }
0x5e: {  	[sflag:s8] =	ssyncset.done @!p0 $0x0  }
0x5f: {  	[sflag:s8] =	ssyncadd.s32 @!p0 $0xFFFFC180;
	s8 =	simm.s32 @!p0 $0x3  }
0x60: {  	_ =	swait.ge @!p0 [sflag:s8], $0x100  }
0x61: {  	[sflag:s8] =	ssyncset.done @!p0 $0x0  }
0x62: {  	[sflag:s8] =	ssyncadd.s32 @!p0 $0xFFFFFF00  }
0x63: {  	_ =	swait.ge @!p0 [sflag:s8], $0x100  }
0x64: {  	[sflag:s8] =	ssyncset.done @!p0 $0x0  }
0x65: {  	[sflag:s8] =	ssyncadd.s32 @!p0 $0xFFFFFF00  }
0x66: {  	[tilespmem:s9], [sflag:$0x1] =	stream.indirect.gather @!p0 [hbm4b:s5+s1], $0x80, s7, s1, $0xb8;
	[tilespmem:$0x1C400] =	vst v63  }
0x67: {  	_ =	swait.ge [sflag:s29], $0x3E80  }
0x68: {  	[sflag:s29] =	ssyncset.done $0x0  }
.Ltmp2:
0x69: {  	[sflag:s29] =	ssyncadd.s32 $0xFFFFC180;
	(pc) =	sbr.rel @p0 .LBB2_4-.Ltmp2, $4  }
0x6a: {  	[spmem:s2] =	stream.indirect.scatter.add.f32 [tilespmem:s25], [sflag:$0x4], $0x80, s31, s22, $0xb8;
	[tilespmem:$0x1C400] =	vst v63  }
0x6b: {  	_ =	swait.ge [sflag:s18], $0x3E80  }
0x6c: {  	[sflag:s18] =	ssyncset.done $0x0  }
0x6d: {  	[sflag:s18] =	ssyncadd.s32 $0xFFFFC180  }
.Ltmp3:
0x6e: {  	(pc) =	sbr.rel .LBB2_2-.Ltmp3, $4  }
0x6f: {  	s1 =	sadd.s32 s3, s14  }
0x70: {  	[tilespmem:s20], [sflag:$0x3] =	stream.linear.gather [hbm4b:s1+s4], $0x100, $0x38;
	[tilespmem:$0x1C400] =	vst v63  }
0x71: {  	s9 =	sadd.s32 s3, s13;
	s3 =	sadd.s32 $0x40, s3  }
0x72: {  	[tilespmem:s21], [sflag:$0x3] =	stream.linear.gather [hbm4b:s9+s4], $0x100, $0x38;
	[tilespmem:$0x1C400] =	vst v63  }
.LBB2_5:
0x73: {  	_ =	sfence.sel $0x180000  }
0x74: {  	[bflag:$0x0] =	sbarrier.arrive $0xFFFF  }
0x75: {  	_ =	strace $0x90000053  }
0x76: {  	s0 =	stileid.u32;
	[bflag:$0x2] =	sbarrier.arrive $0xFFFF  }
0x77: {  	p0 =	sne.s32 s0, $0x0;
	s0 =	rddreg [dreg:$0x3]  }
0x78: {  	s0 =	sadd.s32 @!p0 $0x100000, s0  }
0x79: {  	[sflag:s0] =	ssyncadd.tile.s32 @!p0 $0x1;
	_ =	shalt  }
.Lfunc_end2:
_tile_overlayer_lowered:
.L_overlay_start_2:
0x7a: {  	(tag) =	ssettag $0x2  }
0x7b: {  	s0 =	rddreg [dreg:$0x0];
	s2 =	stileid.u32  }
0x7c: {  	s1 =	rddreg [dreg:$0x1];
	p0 =	sne.s32 s2, $0x0  }
0x7d: {  	s3 =	rddreg [dreg:$0x2];
	[bflag:$0x3] =	sbarrier.arrive $0xFFFF;
	s2 =	simm.s32 @!p0 $0x1C04  }
0x7e: {  	[timem:s3], [sflag:s2] =	dma.local @!p0 [hbm:s0], s1  }
0x7f: {  	s0 =	simm.s32 @!p0 $0x4  }
0x80: {  	_ =	swait.ge @!p0 [sflag:s0], s1  }
0x81: {  	s1 =	ssub.s32 @!p0 $0x0, s1;
	[sflag:s0] =	ssyncset.done @!p0 $0x0  }
0x82: {  	[sflag:s0] =	ssyncadd.s32 @!p0 s1  }
0x83: {  	[bflag:$0x3] =	sbarrier.arrive $0xFFFF  }
0x84: {  	_ =	shalt  }

// kernel: kernel.29.cloned.1.call-start
scs
__scs_entry_jumppad:
0x0: {  	(pc) =	sbr.rel $0x88, $3  }
0x1: {  	(tag) =	ssettag $0x0;
	lr =	simm.s32 $0x1  }
0x2: {  	[smem:$0x3F85] =	sst lr;
	_ =	strace $0xD0000000  }
0x3: {  	_ = 	snop  }
0x4: {  	_ = 	snop  }
0x5: {  	_ = 	snop  }
0x6: {  	_ = 	snop  }
0x7: {  	_ = 	snop  }
__scs_overlays_trampoline_lowered:
0x8: {  	[smem:$0x3F94] =	sst s0  }
0x9: {  	[smem:$0x3F95] =	sst s1  }
0xa: {  	[smem:$0x3F96] =	sst s2  }
0xb: {  	[smem:$0x3F97] =	sst s3  }
0xc: {  	[smem:$0x3F98] =	sst s4  }
0xd: {  	[smem:$0x3F99] =	sst s5  }
0xe: {  	[smem:$0x3F9A] =	sst s6  }
0xf: {  	[smem:$0x3F9B] =	sst s7  }
0x10: {  	[smem:$0x3F9C] =	sst s8  }
0x11: {  	[smem:$0x3F9D] =	sst s9;
	s0 =	simm.s32 @!p0 $0x0  }
0x12: {  	s1 =	sld [smem:$0x3F83];
	s0 =	simm.s32 @p0 $0x1  }
0x13: {  	[smem:$0x3F9E] =	sst s0;
	s0 =	simm.s32 @!p1 $0x0  }
0x14: {  	s2 =	sld [smem:$0x3F82];
	s0 =	simm.s32 @p1 $0x1  }
0x15: {  	[smem:$0x3F9F] =	sst s0;
	s0 =	simm.s32 @!p2 $0x0  }
0x16: {  	s3 =	sld [smem:$0x3FDB];
	s0 =	simm.s32 @p2 $0x1  }
0x17: {  	s4 =	simm.s32 $0x1BF5;
	[smem:$0x3FA1] =	sst s0  }
0x18: {  	s0 =	sld [smem:$0x3F84];
	_ =	swait.ge [sflag:s4], $0x0  }
0x19: {  	s7 =	sld [smem:$0x3F85]  }
0x1a: {  	s8 =	sadd.s32 $0xFFFFE003, lr  }
0x1b: {  	s9 =	sadd.s32 $0xFFFFFEF7, lr;
	s5 =	simm.s32 $0xFFFFFFFF;
	p2 =	slt.u32 s8, $0xFFFFF086  }
0x1c: {  	p1 =	slt.u32 s9, $0xF7A;
	s5 =	simm.s32 @!p2 $0x0  }
0x1d: {  	s5 =	simm.s32 @p1 $0x1;
	p0 =	seq.s32 s7, s2  }
0x1e: {  	s7 =	smul.u32 @!p0 $0xF7A, s2;
	p2 =	seq.s32 @!p0 s5, $0x0  }
0x1f: {  	s9 =	smul.u32 $0xF7A, s1;
	s8 =	simm.s32 @!p0 $0x1BF5;
	p2 =	por !p2, p0  }
0x20: {  	[sflag:s8] =	ssyncset.s32 @!p0 $0xFFFFF086;
	s6 =	sadd.s32 @!p0 s3, s7;
	s7 =	simm.s32 @!p0 $0x108  }
0x21: {  	s3 =	sadd.s32 s3, s9;
	s6 =	sadd.s32 @!p0 $0x88, s6;
	s7 =	simm.s32 @p2 $0x1082  }
0x22: {  	[simem:s7], [sflag:s8] =	dma.local @!p0 [hbm:s6], $0xF7A  }
0x23: {  	s9 =	sor.u32 $0xD0000000, s2;
	s6 =	simm.s32 $0x108;
	_ =	swait.ge @!p0 [sflag:s8], $0x0  }
0x24: {  	s3 =	sadd.s32 $0x88, s3;
	s6 =	simm.s32 @!p1 $0x1082;
	[sflag:s4] =	ssyncset.s32 $0xFFFFF086  }
0x25: {  	[simem:s6], [sflag:s4] =	dma.local [hbm:s3], $0xF7A  }
0x26: {  	[smem:$0x3F85] =	sst s1;
	(tag) =	ssettag s2;
	_ =	strace s9  }
0x27: {  	s1 =	sld [smem:$0x3F95]  }
0x28: {  	s2 =	sld [smem:$0x3F96]  }
0x29: {  	s4 =	sld [smem:$0x3F98]  }
0x2a: {  	p0 =	seq.s32 s5, $0x0;
	s5 =	sld [smem:$0x3F99]  }
0x2b: {  	s6 =	sld [smem:$0x3F9A]  }
0x2c: {  	s7 =	sld [smem:$0x3F9B]  }
0x2d: {  	s3 =	simm.s32 $0x108;
	s8 =	sld [smem:$0x3F9C]  }
0x2e: {  	s3 =	simm.s32 @!p0 $0x1082;
	s9 =	sld [smem:$0x3F9D]  }
0x2f: {  	lr =	sadd.s32 s0, s3;
	s0 =	sld [smem:$0x3F94]  }
0x30: {  	s3 =	sld [smem:$0x3F97]  }
0x31: {  	[smem:$0x3FA0] =	sst s10  }
0x32: {  	s10 =	sld [smem:$0x3F9E];
	_ =	sdelay $0x3  }
0x33: {  	p0 =	seq.s32 s10, $0x1;
	s10 =	sld [smem:$0x3FA0];
	_ =	sdelay $0x3  }
0x34: {  	[smem:$0x3FA0] =	sst s10  }
0x35: {  	s10 =	sld [smem:$0x3F9F];
	_ =	sdelay $0x3  }
0x36: {  	p1 =	seq.s32 s10, $0x1;
	s10 =	sld [smem:$0x3FA0];
	_ =	sdelay $0x3  }
0x37: {  	[smem:$0x3FA0] =	sst s10  }
0x38: {  	s10 =	sld [smem:$0x3FA1]  }
0x39: {  	_ = 	snop;
	(pc) =	sbr.ind lr, $3  }
0x3a: {  	_ = 	snop  }
0x3b: {  	_ = 	snop  }
0x3c: {  	p2 =	seq.s32 s10, $0x1;
	s10 =	sld [smem:$0x3FA0]  }
0x3d: {  	_ =	shalt  }
0x3e: {  	_ =	shalt  }
0x3f: {  	_ =	shalt  }
0x40: {  	_ =	shalt  }
0x41: {  	_ =	shalt  }
0x42: {  	_ =	shalt  }
0x43: {  	_ =	shalt  }
0x44: {  	_ =	shalt  }
0x45: {  	_ =	shalt  }
0x46: {  	_ =	shalt  }
0x47: {  	_ =	shalt  }
0x48: {  	_ =	shalt  }
0x49: {  	_ =	shalt  }
0x4a: {  	_ =	shalt  }
0x4b: {  	_ =	shalt  }
0x4c: {  	_ =	shalt  }
0x4d: {  	_ =	shalt  }
0x4e: {  	_ =	shalt  }
0x4f: {  	_ =	shalt  }
0x50: {  	_ =	shalt  }
0x51: {  	_ =	shalt  }
0x52: {  	_ =	shalt  }
0x53: {  	_ =	shalt  }
0x54: {  	_ =	shalt  }
0x55: {  	_ =	shalt  }
0x56: {  	_ =	shalt  }
0x57: {  	_ =	shalt  }
0x58: {  	_ =	shalt  }
0x59: {  	_ =	shalt  }
0x5a: {  	_ =	shalt  }
0x5b: {  	_ =	shalt  }
0x5c: {  	_ =	shalt  }
0x5d: {  	_ =	shalt  }
0x5e: {  	_ =	shalt  }
0x5f: {  	_ =	shalt  }
0x60: {  	_ =	shalt  }
0x61: {  	_ =	shalt  }
0x62: {  	_ =	shalt  }
0x63: {  	_ =	shalt  }
0x64: {  	_ =	shalt  }
0x65: {  	_ =	shalt  }
0x66: {  	_ =	shalt  }
0x67: {  	_ =	shalt  }
0x68: {  	_ =	shalt  }
0x69: {  	_ =	shalt  }
0x6a: {  	_ =	shalt  }
0x6b: {  	_ =	shalt  }
0x6c: {  	_ =	shalt  }
0x6d: {  	_ =	shalt  }
0x6e: {  	_ =	shalt  }
0x6f: {  	_ =	shalt  }
0x70: {  	_ =	shalt  }
0x71: {  	_ =	shalt  }
0x72: {  	_ =	shalt  }
0x73: {  	_ =	shalt  }
0x74: {  	_ =	shalt  }
0x75: {  	_ =	shalt  }
0x76: {  	_ =	shalt  }
0x77: {  	_ =	shalt  }
0x78: {  	_ =	shalt  }
0x79: {  	_ =	shalt  }
0x7a: {  	_ =	shalt  }
0x7b: {  	_ =	shalt  }
0x7c: {  	_ =	shalt  }
0x7d: {  	_ =	shalt  }
0x7e: {  	_ =	shalt  }
0x7f: {  	_ =	shalt  }
0x80: {  	_ =	shalt  }
0x81: {  	_ =	shalt  }
0x82: {  	_ =	shalt  }
0x83: {  	_ =	shalt  }
0x84: {  	_ =	shalt  }
0x85: {  	_ =	shalt  }
0x86: {  	_ =	shalt  }
0x87: {  	_ =	shalt  }
.Lfunc_end0:
.L_simem_size_0:
called_computation.5_lowered:
.L_overlay_start_0:
0x88: {  	s2 =	sld [smem:$0x3FD9]  }
0x89: {  	s3 =	sld [smem:$0x3FFE];
	_ =	sdelay $0x1  }
0x8a: {  	s1 =	srdreg.scid  }
0x8b: {  	s0 =	sand.u32 $0x1, s1  }
0x8c: {  	s16 =	sshll.u32 s0, $0xA;
	s2 =	sadd.s32 s3, s2  }
0x8d: {  	s2 =	sadd.s32 s2, s16  }
0x8e: {  	[smem:$0x3FAC] =	sst s2  }
0x8f: {  	_ = 	snop  }
0x90: {  	(tm) =	ssettm $0x1  }
0x91: {  	s17 =	sld [smem:$0x3FFB];
	_ =	sdelay $0x3  }
0x92: {  	_ =	strace s17  }
0x93: {  	s2 =	sld [smem:$0x3FFC];
	_ =	sdelay $0x3  }
0x94: {  	_ =	strace s2  }
0x95: {  	s2 =	sld [smem:$0x3FFD];
	_ =	sdelay $0x3  }
0x96: {  	_ =	strace s2  }
0x97: {  	_ =	strace $0x8FFFFFFF  }
0x98: {  	s18 =	sld [smem:$0x3FDB];
	_ =	sdelay $0x1  }
0x99: {  	s19 =	simm.s32 $_scs_section_size  }
0x9a: {  	s4 =	simm.s32 $_size__tile_overlayer_lowered;
	s5 =	simm.s32 $_tile_overlayer_lowered  }
0x9b: {  	s22 =	simm.s32 $0x1BFF;
	s21 =	sshll.u32 s5, $0x1;
	s2 =	sadd.s32 s19, s18  }
0x9c: {  	s6 =	simm.s32 $0x0;
	s20 =	sshll.u32 s4, $0x1;
	s4 =	sadd.s32 s21, s2  }
0x9d: {  	[timem:s6], [sflag:s22] =	dma.local [hbm:s4], s20  }
0x9e: {  	_ =	swait.ge [sflag:s22], s20  }
0x9f: {  	s3 =	ssub.s32 $0x0, s20;
	[sflag:s22] =	ssyncset.done $0x0  }
0xa0: {  	[sflag:s22] =	ssyncadd.s32 s3;
	_ =	sdelay $0x1  }
0xa1: {  	s23 =	simm.s32 $0x1B8B  }
0xa2: {  	_ =	swait.ge [sflag:s23], $0x1  }
0xa3: {  	[sflag:s23] =	ssyncset.done $0x0  }
0xa4: {  	s25 =	simm.s32 $0x1B8E;
	s24 =	sld [smem:$0x3FFE];
	[sflag:s23] =	ssyncadd.s32 $0xFFFFFFFF  }
0xa5: {  	s26 =	simm.s32 $execute0_lowered;
	[smem:$0x3FD2] =	sst s25  }
0xa6: {  	s4 =	sshll.u32 s26, $0x1;
	_ =	strace $0x80000055;
	[dreg:$0x1] =	wrdreg $0xFFFFFFFF  }
0xa7: {  	s28 =	simm.s32 $_size_execute0_lowered;
	s2 =	sadd.s32 s2, s4;
	[dreg:$0x0] =	wrdreg $0x0  }
0xa8: {  	s4 =	sshll.u32 s28, $0x1;
	[dreg:$0x2] =	wrdreg s2  }
0xa9: {  	[dreg:$0x3] =	wrdreg s4  }
0xaa: {  	[dreg:$0x4] =	wrdreg $0xC0  }
0xab: {  	_ =	task [dreg:s6], $0x5FFFF  }
0xac: {  	[dreg:$0x1] =	wrdreg $0xFFFFFFFF  }
0xad: {  	[dreg:$0x0] =	wrdreg $0x60  }
0xae: {  	[dreg:$0x2] =	wrdreg s24  }
0xaf: {  	[dreg:$0x3] =	wrdreg $0x9  }
0xb0: {  	_ =	task.clear_ibuf [dreg:s6], $0x4FFFF;
	_ =	strace $0x90000055  }
0xb1: {  	s29 =	simm.s32 $0x9;
	_ =	strace $0x80000057  }
0xb2: {  	_ =	swait.ge [sflag:s29], $0x1  }
0xb3: {  	[sflag:s29] =	ssyncadd.s32 $0xFFFFFFFF  }
0xb4: {  	_ =	strace $0x90000057  }
0xb5: {  	_ =	sfence  }
0xb6: {  	s30 =	sld [smem:$0x0];
	_ =	sdelay $0x2  }
0xb7: {  	s31 =	sshll.u32 s1, $0xD;
	s1 =	sshrl.u32 s1, $0x2  }
0xb8: {  	s3 =	sand.u32 $0x4000, s31;
	s1 =	sadd.s32 s1, s30  }
0xb9: {  	s0 =	sor.u32 s3, s0;
	s1 =	sshll.u32 s1, $0x11  }
0xba: {  	s0 =	sor.u32 s1, s0  }
0xbb: {  	s0 =	sadd.s32 $0x8F2B, s0  }
0xbc: {  	[sflag:s0] =	ssyncadd.remote.s32 $0x1  }
0xbd: {  	_ =	sfence.sel $0xFFFF  }
0xbe: {  	[dreg:$0x0] =	wrdreg $0xFFFFFFFF;
	(pc) =	sbr.abs _section_cstart, $3  }
0xbf: {  	[dreg:$0x1] =	wrdreg $0xFFFFFFFF  }
0xc0: {  	_ =	task.clear_ibuf [dreg:s6], $0x2FFFF;
	_ =	strace $0x9FFFFFFF  }
0xc1: {  	(tm) =	ssettm $0x7FFFFFFF  }
tec
execute0_lowered:
.L_overlay_start_1:
0x0: {  	(tag) =	ssettag $0x1  }
0x1: {  	s4 =	rddreg [dreg:$0x0]  }
0x2: {  	s0 =	rddreg [dreg:$0x1];
	s3 =	srdreg.scid  }
0x3: {  	s1 =	stileid.u32;
	s2 =	simm.s32 $0x0;
	s13 =	simm.s32 $0x8000  }
0x4: {  	s14 =	simm.s32 $0xD000;
	s15 =	simm.s32 $0xA800;
	s16 =	simm.s32 $0xF800  }
0x5: {  	s17 =	simm.s32 $0x1;
	s18 =	simm.s32 $0x3;
	s19 =	simm.s32 $0x2  }
0x6: {  	s20 =	simm.s32 $0x4;
	s21 =	simm.s32 $0x0;
	s5 =	sand.u32 $0x1, s3  }
0x7: {  	s30 =	sshll.u32 s1, $0x1;
	[smem:$0x7FF] =	sst s2;
	s3 =	sadd.s32 $0x6C00, s4  }
0x8: {  	s9 =	sadd.s32 $0xB2800, s4;
	s10 =	smul.u32 $0x4E200, s1;
	s6 =	sor.u32 s5, s30  }
0x9: {  	s8 =	ssub.s32 $0x2, s5;
	s7 =	sshll.u32 s6, $0xB;
	s6 =	smul.u32 $0x138800, s6  }
0xa: {  	_ =	strace $0x80000056;
	s11 =	smul.u32 $0x27100, s5;
	s31 =	sshrl.u32 s8, $0x1  }
0xb: {  	s7 =	sadd.s32 s7, s4;
	s8 =	ssub.s32 s8, s31;
	s6 =	sshrl.u32 s6, $0x3  }
0xc: {  	s4 =	sadd.s32 $0x92800, s7;
	s5 =	sadd.s32 $0xA2800, s7;
	s8 =	smax.u32 s8, $0x1  }
0xd: {  	s12 =	sadd.s32 s9, s6;
	s9 =	sadd.s32 s10, s9;
	s10 =	simm.s32 $0x5  }
0xe: {  	s6 =	sadd.s32 $0x26C00, s12;
	s9 =	sadd.s32 s11, s9;
	s7 =	sadd.s32 $0x508C00, s12  }
0xf: {  	s11 =	simm.s32 $0x4000;
	s12 =	simm.s32 $0x50;
	s9 =	sadd.s32 $0x4E2000, s9  }
.LBB2_1:
0x10: {  	[tilespmem:s2], [sflag:$0x5] =	stream.linear.gather [hbm4b:s4+s2], $0x3E80, $0x38;
	[tilespmem:$0x12000] =	vst v63  }
0x11: {  	_ =	swait.ge [sflag:s10], $0x3E80  }
0x12: {  	[sflag:s10] =	ssyncset.done $0x0  }
0x13: {  	[sflag:s10] =	ssyncadd.s32 $0xFFFFC180  }
0x14: {  	[tilespmem:s11], [sflag:$0x5] =	stream.linear.gather [hbm4b:s5+s2], $0x3E80, $0x38;
	[tilespmem:$0x12000] =	vst v63  }
0x15: {  	_ =	swait.ge [sflag:s10], $0x3E80  }
0x16: {  	[sflag:s10] =	ssyncset.done $0x0  }
0x17: {  	[sflag:s10] =	ssyncadd.s32 $0xFFFFC180  }
0x18: {  	[tilespmem:s13], [sflag:$0x1] =	stream.indirect.gather [hbm4b:s3+s12], $0x80, s2, s12, $0xb8;
	[tilespmem:$0x12000] =	vst v63  }
0x19: {  	_ = 	snop  }
0x1a: {  	[tilespmem:s14], [sflag:$0x3] =	stream.indirect.gather [hbm4b:s3+s12], $0x80, s11, s12, $0xb8;
	[tilespmem:$0x12000] =	vst v63  }
0x1b: {  	s22 =	simm.s32 $0x80  }
0x1c: {  	[tilespmem:s15], [sflag:$0x2] =	stream.indirect.gather [hbm4b:s3+s12], $0x80, s22, s12, $0xb8;
	[tilespmem:$0x12000] =	vst v63  }
0x1d: {  	s25 =	simm.s32 $0x4080  }
0x1e: {  	[tilespmem:s16], [sflag:$0x4] =	stream.indirect.gather [hbm4b:s3+s12], $0x80, s25, s12, $0xb8;
	[tilespmem:$0x12000] =	vst v63  }
0x1f: {  	_ =	swait.ge [sflag:s17], $0x2800  }
0x20: {  	[sflag:s17] =	ssyncset.done $0x0  }
0x21: {  	s26 =	sadd.s32 $0xFFB1E000, s9;
	[sflag:s17] =	ssyncadd.s32 $0xFFFFD800  }
0x22: {  	[hbm4b:s26+s2] =	stream.linear.scatter [tilespmem:s13], [sflag:$0x5], $0x2800, $0x38;
	[tilespmem:$0x12000] =	vst v63  }
0x23: {  	_ =	swait.ge [sflag:s10], $0x2800  }
0x24: {  	[sflag:s10] =	ssyncset.done $0x0  }
0x25: {  	[sflag:s10] =	ssyncadd.s32 $0xFFFFD800  }
0x26: {  	_ =	swait.ge [sflag:s18], $0x2800  }
0x27: {  	[sflag:s18] =	ssyncset.done $0x0  }
0x28: {  	[sflag:s18] =	ssyncadd.s32 $0xFFFFD800  }
0x29: {  	[hbm4b:s9+s2] =	stream.linear.scatter [tilespmem:s14], [sflag:$0x5], $0x2800, $0x38;
	[tilespmem:$0x12000] =	vst v63  }
0x2a: {  	_ =	swait.ge [sflag:s10], $0x2800  }
0x2b: {  	[sflag:s10] =	ssyncset.done $0x0  }
0x2c: {  	s28 =	simm.s32 $0x100;
	[sflag:s10] =	ssyncadd.s32 $0xFFFFD800  }
0x2d: {  	[tilespmem:s13], [sflag:$0x1] =	stream.indirect.gather [hbm4b:s3+s12], $0x80, s28, s12, $0xb8;
	[tilespmem:$0x12000] =	vst v63  }
0x2e: {  	s29 =	simm.s32 $0x4100  }
0x2f: {  	[tilespmem:s14], [sflag:$0x3] =	stream.indirect.gather [hbm4b:s3+s12], $0x80, s29, s12, $0xb8;
	[tilespmem:$0x12000] =	vst v63  }
0x30: {  	_ =	swait.ge [sflag:s19], $0x2800  }
0x31: {  	[sflag:s19] =	ssyncset.done $0x0  }
0x32: {  	s30 =	sadd.s32 $0xFFB1E500, s9;
	[sflag:s19] =	ssyncadd.s32 $0xFFFFD800  }
0x33: {  	[hbm4b:s30+s2] =	stream.linear.scatter [tilespmem:s15], [sflag:$0x5], $0x2800, $0x38;
	[tilespmem:$0x12000] =	vst v63  }
0x34: {  	_ =	swait.ge [sflag:s10], $0x2800  }
0x35: {  	[sflag:s10] =	ssyncset.done $0x0  }
0x36: {  	[sflag:s10] =	ssyncadd.s32 $0xFFFFD800  }
0x37: {  	_ =	swait.ge [sflag:s20], $0x2800  }
0x38: {  	[sflag:s20] =	ssyncset.done $0x0  }
0x39: {  	s31 =	sadd.s32 $0x500, s9;
	[sflag:s20] =	ssyncadd.s32 $0xFFFFD800  }
0x3a: {  	[hbm4b:s31+s2] =	stream.linear.scatter [tilespmem:s16], [sflag:$0x5], $0x2800, $0x38;
	[tilespmem:$0x12000] =	vst v63  }
0x3b: {  	s23 =	simm.s32 $0x100;
	_ =	swait.ge [sflag:s10], $0x2800  }
0x3c: {  	s22 =	sadd.s32 $0xA00, s9;
	s26 =	simm.s32 $0x800;
	[sflag:s10] =	ssyncset.done $0x0  }
.LBB2_2:
0x3d: {  	s28 =	sadd.s32 $0x80, s23  }
0x3e: {  	[sflag:s10] =	ssyncadd.s32 $0xFFFFD800;
	s25 =	smov.u32 s26;
	s24 =	sadd.s32 $0x400, s26  }
0x3f: {  	[tilespmem:s15], [sflag:$0x2] =	stream.indirect.gather [hbm4b:s3+s12], $0x80, s28, s12, $0xb8;
	[tilespmem:$0x12000] =	vst v63  }
0x40: {  	p0 =	sne.s32 s26, $0xF400;
	s26 =	sadd.s32 $0x4080, s23  }
0x41: {  	[tilespmem:s16], [sflag:$0x4] =	stream.indirect.gather [hbm4b:s3+s12], $0x80, s26, s12, $0xb8;
	[tilespmem:$0x12000] =	vst v63  }
0x42: {  	_ =	swait.ge [sflag:s17], $0x2800  }
0x43: {  	[sflag:s17] =	ssyncset.done $0x0  }
0x44: {  	s26 =	sadd.s32 $0xFFB1E000, s22;
	[sflag:s17] =	ssyncadd.s32 $0xFFFFD800  }
0x45: {  	[hbm4b:s26+s2] =	stream.linear.scatter [tilespmem:s13], [sflag:$0x5], $0x2800, $0x38;
	[tilespmem:$0x12000] =	vst v63  }
0x46: {  	_ =	swait.ge [sflag:s10], $0x2800  }
0x47: {  	[sflag:s10] =	ssyncset.done $0x0  }
0x48: {  	[sflag:s10] =	ssyncadd.s32 $0xFFFFD800  }
0x49: {  	_ =	swait.ge [sflag:s18], $0x2800  }
0x4a: {  	[sflag:s18] =	ssyncset.done $0x0  }
0x4b: {  	[sflag:s18] =	ssyncadd.s32 $0xFFFFD800  }
0x4c: {  	[hbm4b:s22+s2] =	stream.linear.scatter [tilespmem:s14], [sflag:$0x5], $0x2800, $0x38;
	[tilespmem:$0x12000] =	vst v63  }
0x4d: {  	_ =	swait.ge [sflag:s10], $0x2800  }
0x4e: {  	[sflag:s10] =	ssyncset.done $0x0  }
0x4f: {  	s26 =	sadd.s32 $0x100, s23;
	[sflag:s10] =	ssyncadd.s32 $0xFFFFD800  }
0x50: {  	[tilespmem:s13], [sflag:$0x1] =	stream.indirect.gather [hbm4b:s3+s12], $0x80, s26, s12, $0xb8;
	[tilespmem:$0x12000] =	vst v63  }
0x51: {  	s23 =	sadd.s32 $0x4100, s23  }
0x52: {  	[tilespmem:s14], [sflag:$0x3] =	stream.indirect.gather [hbm4b:s3+s12], $0x80, s23, s12, $0xb8;
	[tilespmem:$0x12000] =	vst v63  }
0x53: {  	_ =	swait.ge [sflag:s19], $0x2800  }
0x54: {  	[sflag:s19] =	ssyncset.done $0x0  }
0x55: {  	s23 =	sadd.s32 $0xFFB1E500, s22;
	[sflag:s19] =	ssyncadd.s32 $0xFFFFD800  }
0x56: {  	[hbm4b:s23+s2] =	stream.linear.scatter [tilespmem:s15], [sflag:$0x5], $0x2800, $0x38;
	[tilespmem:$0x12000] =	vst v63  }
0x57: {  	_ =	swait.ge [sflag:s10], $0x2800  }
0x58: {  	[sflag:s10] =	ssyncset.done $0x0  }
0x59: {  	[sflag:s10] =	ssyncadd.s32 $0xFFFFD800  }
0x5a: {  	_ =	swait.ge [sflag:s20], $0x2800  }
.Ltmp0:
0x5b: {  	[sflag:s20] =	ssyncset.done $0x0;
	(pc) =	sbr.rel @p0 .LBB2_2-.Ltmp0, $4  }
0x5c: {  	s23 =	sadd.s32 $0x500, s22;
	[sflag:s20] =	ssyncadd.s32 $0xFFFFD800  }
0x5d: {  	[hbm4b:s23+s2] =	stream.linear.scatter [tilespmem:s16], [sflag:$0x5], $0x2800, $0x38;
	[tilespmem:$0x12000] =	vst v63  }
0x5e: {  	s26 =	smov.u32 s24;
	_ =	swait.ge [sflag:s10], $0x2800  }
0x5f: {  	s22 =	sadd.s32 $0xA00, s22;
	s23 =	sshra.s32 s25, $0x2;
	[sflag:s10] =	ssyncset.done $0x0  }
0x60: {  	s24 =	sadd.s32 $0x80, s23;
	[sflag:s10] =	ssyncadd.s32 $0xFFFFD800  }
0x61: {  	[tilespmem:s15], [sflag:$0x2] =	stream.indirect.gather [hbm4b:s3+s12], $0x80, s24, s12, $0xb8;
	[tilespmem:$0x12000] =	vst v63  }
0x62: {  	s25 =	sadd.s32 $0x4080, s23  }
0x63: {  	[tilespmem:s16], [sflag:$0x4] =	stream.indirect.gather [hbm4b:s3+s12], $0x80, s25, s12, $0xb8;
	[tilespmem:$0x12000] =	vst v63  }
0x64: {  	_ =	swait.ge [sflag:s17], $0x2800  }
0x65: {  	[sflag:s17] =	ssyncset.done $0x0  }
0x66: {  	s26 =	sadd.s32 $0xFFB1E000, s22;
	[sflag:s17] =	ssyncadd.s32 $0xFFFFD800  }
0x67: {  	[hbm4b:s26+s2] =	stream.linear.scatter [tilespmem:s13], [sflag:$0x5], $0x2800, $0x38;
	[tilespmem:$0x12000] =	vst v63  }
0x68: {  	_ =	swait.ge [sflag:s10], $0x2800  }
0x69: {  	[sflag:s10] =	ssyncset.done $0x0  }
0x6a: {  	[sflag:s10] =	ssyncadd.s32 $0xFFFFD800  }
0x6b: {  	_ =	swait.ge [sflag:s18], $0x2800  }
0x6c: {  	[sflag:s18] =	ssyncset.done $0x0  }
0x6d: {  	[sflag:s18] =	ssyncadd.s32 $0xFFFFD800  }
0x6e: {  	[hbm4b:s22+s2] =	stream.linear.scatter [tilespmem:s14], [sflag:$0x5], $0x2800, $0x38;
	[tilespmem:$0x12000] =	vst v63  }
0x6f: {  	_ =	swait.ge [sflag:s10], $0x2800  }
0x70: {  	[sflag:s10] =	ssyncset.done $0x0  }
0x71: {  	s28 =	sadd.s32 $0x100, s23;
	[sflag:s10] =	ssyncadd.s32 $0xFFFFD800  }
0x72: {  	[tilespmem:s13], [sflag:$0x1] =	stream.indirect.gather [hbm4b:s3+s12], $0x80, s28, s12, $0xb8;
	[tilespmem:$0x12000] =	vst v63  }
0x73: {  	s29 =	sadd.s32 $0x4100, s23  }
0x74: {  	[tilespmem:s14], [sflag:$0x3] =	stream.indirect.gather [hbm4b:s3+s12], $0x80, s29, s12, $0xb8;
	[tilespmem:$0x12000] =	vst v63  }
0x75: {  	_ =	swait.ge [sflag:s19], $0x2800  }
0x76: {  	[sflag:s19] =	ssyncset.done $0x0  }
0x77: {  	s30 =	sadd.s32 $0xFFB1E500, s22;
	[sflag:s19] =	ssyncadd.s32 $0xFFFFD800  }
0x78: {  	[hbm4b:s30+s2] =	stream.linear.scatter [tilespmem:s15], [sflag:$0x5], $0x2800, $0x38;
	[tilespmem:$0x12000] =	vst v63  }
0x79: {  	_ =	swait.ge [sflag:s10], $0x2800  }
0x7a: {  	[sflag:s10] =	ssyncset.done $0x0  }
0x7b: {  	[sflag:s10] =	ssyncadd.s32 $0xFFFFD800  }
0x7c: {  	_ =	swait.ge [sflag:s20], $0x2800  }
0x7d: {  	[sflag:s20] =	ssyncset.done $0x0  }
0x7e: {  	s31 =	sadd.s32 $0x500, s22;
	[sflag:s20] =	ssyncadd.s32 $0xFFFFD800  }
0x7f: {  	[hbm4b:s31+s2] =	stream.linear.scatter [tilespmem:s16], [sflag:$0x5], $0x2800, $0x38;
	[tilespmem:$0x12000] =	vst v63  }
0x80: {  	_ =	swait.ge [sflag:s10], $0x2800  }
0x81: {  	[sflag:s10] =	ssyncset.done $0x0  }
0x82: {  	[sflag:s10] =	ssyncadd.s32 $0xFFFFD800  }
0x83: {  	_ =	swait.ge [sflag:s17], $0x2800  }
0x84: {  	[sflag:s17] =	ssyncset.done $0x0  }
0x85: {  	[sflag:s17] =	ssyncadd.s32 $0xFFFFD800  }
0x86: {  	[hbm4b:s6+s2] =	stream.linear.scatter [tilespmem:s13], [sflag:$0x5], $0x2800, $0x38;
	[tilespmem:$0x12000] =	vst v63  }
0x87: {  	_ =	swait.ge [sflag:s10], $0x2800  }
0x88: {  	[sflag:s10] =	ssyncset.done $0x0  }
0x89: {  	[sflag:s10] =	ssyncadd.s32 $0xFFFFD800  }
0x8a: {  	s21 =	sadd.s32 $0x1, s21;
	_ =	swait.ge [sflag:s18], $0x2800  }
0x8b: {  	p0 =	sne.s32 s21, s8;
	[sflag:s18] =	ssyncset.done $0x0  }
.Ltmp1:
0x8c: {  	[sflag:s18] =	ssyncadd.s32 $0xFFFFD800;
	(pc) =	sbr.rel @p0 .LBB2_1-.Ltmp1, $4  }
0x8d: {  	[hbm4b:s7+s2] =	stream.linear.scatter [tilespmem:s14], [sflag:$0x5], $0x2800, $0x38;
	[tilespmem:$0x12000] =	vst v63  }
0x8e: {  	_ =	swait.ge [sflag:s10], $0x2800  }
0x8f: {  	[sflag:s10] =	ssyncset.done $0x0  }
0x90: {  	[sflag:s10] =	ssyncadd.s32 $0xFFFFD800  }
0x91: {  	_ =	sfence.sel $0x180000  }
0x92: {  	[bflag:$0x0] =	sbarrier.arrive $0xFFFF  }
0x93: {  	p0 =	sne.s32 s1, $0x0;
	_ =	strace $0x90000056  }
0x94: {  	s0 =	sadd.s32 @!p0 $0x100000, s0;
	[bflag:$0x2] =	sbarrier.arrive $0xFFFF  }
0x95: {  	[sflag:s0] =	ssyncadd.tile.s32 @!p0 $0x1;
	_ =	shalt  }
.Lfunc_end2:
_tile_overlayer_lowered:
.L_overlay_start_2:
0x96: {  	(tag) =	ssettag $0x2  }
0x97: {  	s0 =	rddreg [dreg:$0x0];
	s2 =	stileid.u32  }
0x98: {  	s1 =	rddreg [dreg:$0x1];
	p0 =	sne.s32 s2, $0x0  }
0x99: {  	s3 =	rddreg [dreg:$0x2];
	[bflag:$0x3] =	sbarrier.arrive $0xFFFF;
	s2 =	simm.s32 @!p0 $0x1C05  }
0x9a: {  	[timem:s3], [sflag:s2] =	dma.local @!p0 [hbm:s0], s1  }
0x9b: {  	s0 =	simm.s32 @!p0 $0x5  }
0x9c: {  	_ =	swait.ge @!p0 [sflag:s0], s1  }
0x9d: {  	s1 =	ssub.s32 @!p0 $0x0, s1;
	[sflag:s0] =	ssyncset.done @!p0 $0x0  }
0x9e: {  	[sflag:s0] =	ssyncadd.s32 @!p0 s1  }
0x9f: {  	[bflag:$0x3] =	sbarrier.arrive $0xFFFF  }
0xa0: {  	_ =	shalt  }

</sc_bundles>
